<compile_context>
chip_gen: v7x
topology: tpu7x:2x2x1
jax: 0.10.2.dev20260603
libtpu: 0.0.44.dev20260713+nightly
codegen_flags: <defaults>
</compile_context>

<pallas_src>
import functools

import jax
import jax.numpy as jnp
from jax import lax
from jax.experimental import pallas as pl
from jax.experimental.pallas import tpu as pltpu
from jax.experimental.pallas import tpu_sc as plsc

_B = 16384
_D = 64
_NC = 2
_NS = 16
_NW = _NC * _NS
_BPW = _B // _NW
_CHUNK = 256
_NPASS = _BPW // _CHUNK
_NPRED = 201


def _sc_body(const_hbm, pred_hbm, hidx_hbm, tidx_hbm, pidx_hbm, out_hbm,
             hidx_v, tidx_v, pidx_v, pred_l, head_v, tail_v, out_v, sem):
    wid = lax.axis_index("s") * _NC + lax.axis_index("c")
    base = wid * _BPW

    pltpu.sync_copy(hidx_hbm.at[pl.ds(base, _BPW)], hidx_v)
    pltpu.sync_copy(tidx_hbm.at[pl.ds(base, _BPW)], tidx_v)
    pltpu.sync_copy(pidx_hbm.at[pl.ds(base, _BPW)], pidx_v)
    pltpu.sync_copy(pred_hbm, pred_l)

    for p in range(_NPASS):
        off = p * _CHUNK

        def issue(i, carry):
            r0 = i * 16
            hv = hidx_v[pl.ds(off + r0, 16)]
            tv = tidx_v[pl.ds(off + r0, 16)]
            for j in range(16):
                pltpu.async_copy(const_hbm.at[hv[j]], head_v.at[r0 + j], sem)
                pltpu.async_copy(const_hbm.at[tv[j]], tail_v.at[r0 + j], sem)
            return carry

        lax.fori_loop(0, _CHUNK // 16, issue, 0)
        pltpu.make_async_copy(const_hbm.at[pl.ds(0, _CHUNK)], head_v, sem).wait()
        pltpu.make_async_copy(const_hbm.at[pl.ds(0, _CHUNK)], tail_v, sem).wait()

        def combine(i, carry):
            rv = pidx_v[pl.ds(off + i * 16, 16)]
            for j in range(16):
                r = i * 16 + j
                pj = rv[j]
                for k in range(_D // 16):
                    cs = pl.ds(16 * k, 16)
                    out_v[r, cs] = (head_v[r, cs] + pred_l[pj, cs]
                                    - tail_v[r, cs])
            return carry

        lax.fori_loop(0, _CHUNK // 16, combine, 0)

        pltpu.sync_copy(out_v, out_hbm.at[pl.ds(base + off, _CHUNK)])


@jax.jit
def _run(hidx, tidx, pidx, const_table, pred_table):
    mesh = plsc.VectorSubcoreMesh(core_axis_name="c", subcore_axis_name="s")
    kfn = pl.kernel(
        _sc_body,
        out_type=jax.ShapeDtypeStruct((_B, _D), jnp.float32),
        mesh=mesh,
        scratch_types=[
            pltpu.VMEM((_BPW,), jnp.int32),
            pltpu.VMEM((_BPW,), jnp.int32),
            pltpu.VMEM((_BPW,), jnp.int32),
            pltpu.VMEM((_NPRED, _D), jnp.float32),
            pltpu.VMEM((_CHUNK, _D), jnp.float32),
            pltpu.VMEM((_CHUNK, _D), jnp.float32),
            pltpu.VMEM((_CHUNK, _D), jnp.float32),
            pltpu.SemaphoreType.DMA,
        ],
        compiler_params=pltpu.CompilerParams(needs_layout_passes=False),
    )
    return kfn(const_table, pred_table, hidx, tidx, pidx)


def kernel(predicate_indices, constant_indices, const_table, pred_table):
    hidx = constant_indices[:, 0]
    tidx = constant_indices[:, 1]
    pidx = predicate_indices[:, 0]
    return _run(hidx, tidx, pidx, const_table, pred_table)

# --- scband reference (transcript-rebuilt; emitter-appended) ---
"""Pipeline reference for scband-embedder-learnable-82094004896384 (READ-ONLY COPY).

The authoritative reference and input builder live on the scoring server;
editing this copy changes nothing except your own understanding.
"""

import jax, jax.numpy as jnp
import numpy as np

NUM_CONSTANTS = 1000000
NUM_PREDICATES = 200
EMBED_DIM = 64
BATCH = 16384


def setup_inputs(seed: int = 0) -> dict:
    key = jax.random.key(seed)
    k1, k2, k3, k4 = jax.random.split(key, 4)
    # ConstantEmbeddings: nn.Embedding(num_constants+1, d, padding_idx=0), xavier_uniform init
    limit_c = float(np.sqrt(6.0 / ((NUM_CONSTANTS + 1) + EMBED_DIM)))
    const_table = jax.random.uniform(k1, (NUM_CONSTANTS + 1, EMBED_DIM), minval=-limit_c, maxval=limit_c, dtype=jnp.float32)
    const_table = const_table.at[0].set(0.0)  # padding_idx=0
    # PredicateEmbeddings: nn.Embedding(num_predicates+1, d)
    pred_table = jax.random.normal(k2, (NUM_PREDICATES + 1, EMBED_DIM), dtype=jnp.float32)
    predicate_indices = jax.random.randint(k3, (BATCH, 1), 0, NUM_PREDICATES).astype(jnp.int32)
    constant_indices = jax.random.randint(k4, (BATCH, 2), 0, NUM_CONSTANTS).astype(jnp.int32)
    return {
        "predicate_indices": predicate_indices,
        "constant_indices": constant_indices,
        "const_table": const_table,
        "pred_table": pred_table,
    }


def reference(predicate_indices, constant_indices, const_table, pred_table):
    # Embedding lookups (gathers) — the memory-bound core of EmbedderLearnable
    predicate_emb = jnp.take(pred_table, predicate_indices, axis=0)   # [B, 1, d]
    constant_embs = jnp.take(const_table, constant_indices, axis=0)   # [B, 2, d]
    # TransE combiner: head + relation - tail
    predicate_emb = jnp.squeeze(predicate_emb, axis=-2)               # [B, d]
    head = constant_embs[..., 0, :]
    tail = constant_embs[..., 1, :]
    embeddings = head + predicate_emb - tail                          # [B, d]
    return embeddings

if __name__ == "__main__":
    import jax
    _d = setup_inputs()
    print(jax.jit(kernel)(*tuple(_d.values())))

</pallas_src>

<mosaic_0001>
#map = affine_map<(d0, d1) -> (0, 0)>
#map1 = affine_map<(d0, d1) -> (0)>
module attributes {stable_mosaic.version = 14 : i64} {
  func.func @_sc_body(%arg0: i32, %arg1: i32, %arg2: memref<1000001x64xf32, #tpu.memory_space<hbm>>, %arg3: memref<201x64xf32, #tpu.memory_space<hbm>>, %arg4: memref<16384xi32, #tpu.memory_space<hbm>>, %arg5: memref<16384xi32, #tpu.memory_space<hbm>>, %arg6: memref<16384xi32, #tpu.memory_space<hbm>>, %arg7: memref<16384x64xf32, #tpu.memory_space<hbm>>, %arg8: memref<512xi32, #tpu.memory_space<vmem>>, %arg9: memref<512xi32, #tpu.memory_space<vmem>>, %arg10: memref<512xi32, #tpu.memory_space<vmem>>, %arg11: memref<201x64xf32, #tpu.memory_space<vmem>>, %arg12: memref<256x64xf32, #tpu.memory_space<vmem>>, %arg13: memref<256x64xf32, #tpu.memory_space<vmem>>, %arg14: memref<256x64xf32, #tpu.memory_space<vmem>>, %arg15: memref<!tpu.dma_semaphore, #tpu.memory_space<semaphore_mem>>) attributes {dimension_semantics = [#tpu.dimension_semantics<core_parallel>, #tpu.dimension_semantics<subcore_parallel>], iteration_bounds = array<i64: 2, 16>, scalar_prefetch = 0 : i64, scratch_operands = 8 : i64, tpu.core_type = #tpu.core_type<sc_vector_subcore>, window_params = [{transform_indices = #map}, {transform_indices = #map}, {transform_indices = #map1}, {transform_indices = #map1}, {transform_indices = #map1}, {transform_indices = #map}]} {
    %mul3A = arith.constant 2 : i32
    %mul3A_0 = arith.muli %arg1, %mul3A : i32
    %add3A = arith.addi %mul3A_0, %arg0 : i32
    %mul3A_1 = arith.constant 512 : i32
    %mul3A_2 = arith.muli %add3A, %mul3A_1 : i32
    "tpu.region"() ({
      %run_scoped3A = tpu.sem_alloc : memref<!tpu.dma_semaphore, #tpu.memory_space<semaphore_mem>>
      %dma_start3A = tpu.memref_slice %arg4[%mul3A_2] : memref<16384xi32, #tpu.memory_space<hbm>> -> memref<512xi32, #tpu.memory_space<hbm>>
      %dma_start3A_53 = tpu.memref_slice %arg4[%mul3A_2] : memref<16384xi32, #tpu.memory_space<hbm>> -> memref<512xi32, #tpu.memory_space<hbm>>
      tpu.enqueue_dma source(%dma_start3A_53 : memref<512xi32, #tpu.memory_space<hbm>>) target(%arg8 : memref<512xi32, #tpu.memory_space<vmem>>) target_semaphore(%run_scoped3A : memref<!tpu.dma_semaphore, #tpu.memory_space<semaphore_mem>>)
      %dma_wait3A_54 = tpu.memref_slice %arg4[%mul3A_2] : memref<16384xi32, #tpu.memory_space<hbm>> -> memref<512xi32, #tpu.memory_space<hbm>>
      %dma_wait3A_55 = tpu.memref_slice %arg4[%mul3A_2] : memref<16384xi32, #tpu.memory_space<hbm>> -> memref<512xi32, #tpu.memory_space<hbm>>
      tpu.wait_dma2 semaphore(%run_scoped3A : memref<!tpu.dma_semaphore, #tpu.memory_space<semaphore_mem>>) src(%dma_wait3A_55 : memref<512xi32, #tpu.memory_space<hbm>>) dst(%arg8 : memref<512xi32, #tpu.memory_space<vmem>>)
      tpu.yield
    }) : () -> ()
    "tpu.region"() ({
      %run_scoped3A = tpu.sem_alloc : memref<!tpu.dma_semaphore, #tpu.memory_space<semaphore_mem>>
      %dma_start3A = tpu.memref_slice %arg5[%mul3A_2] : memref<16384xi32, #tpu.memory_space<hbm>> -> memref<512xi32, #tpu.memory_space<hbm>>
      %dma_start3A_53 = tpu.memref_slice %arg5[%mul3A_2] : memref<16384xi32, #tpu.memory_space<hbm>> -> memref<512xi32, #tpu.memory_space<hbm>>
      tpu.enqueue_dma source(%dma_start3A_53 : memref<512xi32, #tpu.memory_space<hbm>>) target(%arg9 : memref<512xi32, #tpu.memory_space<vmem>>) target_semaphore(%run_scoped3A : memref<!tpu.dma_semaphore, #tpu.memory_space<semaphore_mem>>)
      %dma_wait3A_54 = tpu.memref_slice %arg5[%mul3A_2] : memref<16384xi32, #tpu.memory_space<hbm>> -> memref<512xi32, #tpu.memory_space<hbm>>
      %dma_wait3A_55 = tpu.memref_slice %arg5[%mul3A_2] : memref<16384xi32, #tpu.memory_space<hbm>> -> memref<512xi32, #tpu.memory_space<hbm>>
      tpu.wait_dma2 semaphore(%run_scoped3A : memref<!tpu.dma_semaphore, #tpu.memory_space<semaphore_mem>>) src(%dma_wait3A_55 : memref<512xi32, #tpu.memory_space<hbm>>) dst(%arg9 : memref<512xi32, #tpu.memory_space<vmem>>)
      tpu.yield
    }) : () -> ()
    "tpu.region"() ({
      %run_scoped3A = tpu.sem_alloc : memref<!tpu.dma_semaphore, #tpu.memory_space<semaphore_mem>>
      %dma_start3A = tpu.memref_slice %arg6[%mul3A_2] : memref<16384xi32, #tpu.memory_space<hbm>> -> memref<512xi32, #tpu.memory_space<hbm>>
      %dma_start3A_53 = tpu.memref_slice %arg6[%mul3A_2] : memref<16384xi32, #tpu.memory_space<hbm>> -> memref<512xi32, #tpu.memory_space<hbm>>
      tpu.enqueue_dma source(%dma_start3A_53 : memref<512xi32, #tpu.memory_space<hbm>>) target(%arg10 : memref<512xi32, #tpu.memory_space<vmem>>) target_semaphore(%run_scoped3A : memref<!tpu.dma_semaphore, #tpu.memory_space<semaphore_mem>>)
      %dma_wait3A_54 = tpu.memref_slice %arg6[%mul3A_2] : memref<16384xi32, #tpu.memory_space<hbm>> -> memref<512xi32, #tpu.memory_space<hbm>>
      %dma_wait3A_55 = tpu.memref_slice %arg6[%mul3A_2] : memref<16384xi32, #tpu.memory_space<hbm>> -> memref<512xi32, #tpu.memory_space<hbm>>
      tpu.wait_dma2 semaphore(%run_scoped3A : memref<!tpu.dma_semaphore, #tpu.memory_space<semaphore_mem>>) src(%dma_wait3A_55 : memref<512xi32, #tpu.memory_space<hbm>>) dst(%arg10 : memref<512xi32, #tpu.memory_space<vmem>>)
      tpu.yield
    }) : () -> ()
    "tpu.region"() ({
      %run_scoped3A = tpu.sem_alloc : memref<!tpu.dma_semaphore, #tpu.memory_space<semaphore_mem>>
      tpu.enqueue_dma source(%arg3 : memref<201x64xf32, #tpu.memory_space<hbm>>) target(%arg11 : memref<201x64xf32, #tpu.memory_space<vmem>>) target_semaphore(%run_scoped3A : memref<!tpu.dma_semaphore, #tpu.memory_space<semaphore_mem>>)
      tpu.wait_dma2 semaphore(%run_scoped3A : memref<!tpu.dma_semaphore, #tpu.memory_space<semaphore_mem>>) src(%arg3 : memref<201x64xf32, #tpu.memory_space<hbm>>) dst(%arg11 : memref<201x64xf32, #tpu.memory_space<vmem>>)
      tpu.yield
    }) : () -> ()
    %scan3A = arith.constant 0 : i32
    %scan3A_3 = arith.constant 0 : i32
    %scan3A_4 = arith.constant 16 : i32
    %scan3A_5 = arith.addi %scan3A_3, %scan3A_4 : i32
    %scan3A_6 = arith.constant 1 : i32
    scf.for %scan3A_53 = %scan3A_3 to %scan3A_5 step %scan3A_6  : i32 {
      %mul3A_54 = arith.constant 16 : i32
      %mul3A_55 = arith.muli %scan3A_53, %mul3A_54 : i32
      %add3A_56 = arith.constant 0 : i32
      %add3A_57 = arith.addi %add3A_56, %mul3A_55 : i32
      %get3A = arith.index_cast %add3A_57 : i32 to index
      %get3A_58 = tpu.vector_load %arg8[%get3A] {strides = array<i32>} : memref<512xi32, #tpu.memory_space<vmem>>, vector<16xi32>,
      %add3A_59 = arith.constant 0 : i32
      %add3A_60 = arith.addi %add3A_59, %mul3A_55 : i32
      %get3A_61 = arith.index_cast %add3A_60 : i32 to index
      %get3A_62 = tpu.vector_load %arg9[%get3A_61] {strides = array<i32>} : memref<512xi32, #tpu.memory_space<vmem>>, vector<16xi32>,
      %slice3A = vector.extract_strided_slice %get3A_58 {offsets = [0], sizes = [1], strides = [1]} : vector<16xi32> to vector<1xi32>
      %squeeze3A = vector.extract %slice3A[0] : i32 from vector<1xi32>
      %add3A_63 = arith.constant 0 : i32
      %add3A_64 = arith.addi %mul3A_55, %add3A_63 : i32
      %dma_start3A = arith.constant 0 : i32
      %dma_start3A_65 = tpu.memref_slice %arg12[%add3A_64, %dma_start3A] : memref<256x64xf32, #tpu.memory_space<vmem>> -> memref<1x64xf32, #tpu.memory_space<vmem>>
      %dma_start3A_66 = tpu.memref_squeeze %dma_start3A_65 : memref<1x64xf32, #tpu.memory_space<vmem>> -> memref<64xf32, #tpu.memory_space<vmem>>
      %dma_start3A_67 = arith.constant 0 : i32
      %dma_start3A_68 = tpu.memref_slice %arg2[%squeeze3A, %dma_start3A_67] : memref<1000001x64xf32, #tpu.memory_space<hbm>> -> memref<1x64xf32, #tpu.memory_space<hbm>>
      %dma_start3A_69 = tpu.memref_squeeze %dma_start3A_68 : memref<1x64xf32, #tpu.memory_space<hbm>> -> memref<64xf32, #tpu.memory_space<hbm>>
      %dma_start3A_70 = arith.constant 0 : i32
      %dma_start3A_71 = tpu.memref_slice %arg12[%add3A_64, %dma_start3A_70] : memref<256x64xf32, #tpu.memory_space<vmem>> -> memref<1x64xf32, #tpu.memory_space<vmem>>
      %dma_start3A_72 = tpu.memref_squeeze %dma_start3A_71 : memref<1x64xf32, #tpu.memory_space<vmem>> -> memref<64xf32, #tpu.memory_space<vmem>>
      %dma_start3A_73 = arith.constant 0 : i32
      %dma_start3A_74 = tpu.memref_slice %arg2[%squeeze3A, %dma_start3A_73] : memref<1000001x64xf32, #tpu.memory_space<hbm>> -> memref<1x64xf32, #tpu.memory_space<hbm>>
      %dma_start3A_75 = tpu.memref_squeeze %dma_start3A_74 : memref<1x64xf32, #tpu.memory_space<hbm>> -> memref<64xf32, #tpu.memory_space<hbm>>
      tpu.enqueue_dma source(%dma_start3A_75 : memref<64xf32, #tpu.memory_space<hbm>>) target(%dma_start3A_72 : memref<64xf32, #tpu.memory_space<vmem>>) target_semaphore(%arg15 : memref<!tpu.dma_semaphore, #tpu.memory_space<semaphore_mem>>)
      %slice3A_76 = vector.extract_strided_slice %get3A_62 {offsets = [0], sizes = [1], strides = [1]} : vector<16xi32> to vector<1xi32>
      %squeeze3A_77 = vector.extract %slice3A_76[0] : i32 from vector<1xi32>
      %add3A_78 = arith.constant 0 : i32
      %add3A_79 = arith.addi %mul3A_55, %add3A_78 : i32
      %dma_start3A_80 = arith.constant 0 : i32
      %dma_start3A_81 = tpu.memref_slice %arg13[%add3A_79, %dma_start3A_80] : memref<256x64xf32, #tpu.memory_space<vmem>> -> memref<1x64xf32, #tpu.memory_space<vmem>>
      %dma_start3A_82 = tpu.memref_squeeze %dma_start3A_81 : memref<1x64xf32, #tpu.memory_space<vmem>> -> memref<64xf32, #tpu.memory_space<vmem>>
      %dma_start3A_83 = arith.constant 0 : i32
      %dma_start3A_84 = tpu.memref_slice %arg2[%squeeze3A_77, %dma_start3A_83] : memref<1000001x64xf32, #tpu.memory_space<hbm>> -> memref<1x64xf32, #tpu.memory_space<hbm>>
      %dma_start3A_85 = tpu.memref_squeeze %dma_start3A_84 : memref<1x64xf32, #tpu.memory_space<hbm>> -> memref<64xf32, #tpu.memory_space<hbm>>
      %dma_start3A_86 = arith.constant 0 : i32
      %dma_start3A_87 = tpu.memref_slice %arg13[%add3A_79, %dma_start3A_86] : memref<256x64xf32, #tpu.memory_space<vmem>> -> memref<1x64xf32, #tpu.memory_space<vmem>>
      %dma_start3A_88 = tpu.memref_squeeze %dma_start3A_87 : memref<1x64xf32, #tpu.memory_space<vmem>> -> memref<64xf32, #tpu.memory_space<vmem>>
      %dma_start3A_89 = arith.constant 0 : i32
      %dma_start3A_90 = tpu.memref_slice %arg2[%squeeze3A_77, %dma_start3A_89] : memref<1000001x64xf32, #tpu.memory_space<hbm>> -> memref<1x64xf32, #tpu.memory_space<hbm>>
      %dma_start3A_91 = tpu.memref_squeeze %dma_start3A_90 : memref<1x64xf32, #tpu.memory_space<hbm>> -> memref<64xf32, #tpu.memory_space<hbm>>
      tpu.enqueue_dma source(%dma_start3A_91 : memref<64xf32, #tpu.memory_space<hbm>>) target(%dma_start3A_88 : memref<64xf32, #tpu.memory_space<vmem>>) target_semaphore(%arg15 : memref<!tpu.dma_semaphore, #tpu.memory_space<semaphore_mem>>)
      %slice3A_92 = vector.extract_strided_slice %get3A_58 {offsets = [1], sizes = [1], strides = [1]} : vector<16xi32> to vector<1xi32>
      %squeeze3A_93 = vector.extract %slice3A_92[0] : i32 from vector<1xi32>
      %add3A_94 = arith.constant 1 : i32
      %add3A_95 = arith.addi %mul3A_55, %add3A_94 : i32
      %dma_start3A_96 = arith.constant 0 : i32
      %dma_start3A_97 = tpu.memref_slice %arg12[%add3A_95, %dma_start3A_96] : memref<256x64xf32, #tpu.memory_space<vmem>> -> memref<1x64xf32, #tpu.memory_space<vmem>>
      %dma_start3A_98 = tpu.memref_squeeze %dma_start3A_97 : memref<1x64xf32, #tpu.memory_space<vmem>> -> memref<64xf32, #tpu.memory_space<vmem>>
      %dma_start3A_99 = arith.constant 0 : i32
      %dma_start3A_100 = tpu.memref_slice %arg2[%squeeze3A_93, %dma_start3A_99] : memref<1000001x64xf32, #tpu.memory_space<hbm>> -> memref<1x64xf32, #tpu.memory_space<hbm>>
      %dma_start3A_101 = tpu.memref_squeeze %dma_start3A_100 : memref<1x64xf32, #tpu.memory_space<hbm>> -> memref<64xf32, #tpu.memory_space<hbm>>
      %dma_start3A_102 = arith.constant 0 : i32
      %dma_start3A_103 = tpu.memref_slice %arg12[%add3A_95, %dma_start3A_102] : memref<256x64xf32, #tpu.memory_space<vmem>> -> memref<1x64xf32, #tpu.memory_space<vmem>>
      %dma_start3A_104 = tpu.memref_squeeze %dma_start3A_103 : memref<1x64xf32, #tpu.memory_space<vmem>> -> memref<64xf32, #tpu.memory_space<vmem>>
      %dma_start3A_105 = arith.constant 0 : i32
      %dma_start3A_106 = tpu.memref_slice %arg2[%squeeze3A_93, %dma_start3A_105] : memref<1000001x64xf32, #tpu.memory_space<hbm>> -> memref<1x64xf32, #tpu.memory_space<hbm>>
      %dma_start3A_107 = tpu.memref_squeeze %dma_start3A_106 : memref<1x64xf32, #tpu.memory_space<hbm>> -> memref<64xf32, #tpu.memory_space<hbm>>
      tpu.enqueue_dma source(%dma_start3A_107 : memref<64xf32, #tpu.memory_space<hbm>>) target(%dma_start3A_104 : memref<64xf32, #tpu.memory_space<vmem>>) target_semaphore(%arg15 : memref<!tpu.dma_semaphore, #tpu.memory_space<semaphore_mem>>)
      %slice3A_108 = vector.extract_strided_slice %get3A_62 {offsets = [1], sizes = [1], strides = [1]} : vector<16xi32> to vector<1xi32>
      %squeeze3A_109 = vector.extract %slice3A_108[0] : i32 from vector<1xi32>
      %add3A_110 = arith.constant 1 : i32
      %add3A_111 = arith.addi %mul3A_55, %add3A_110 : i32
      %dma_start3A_112 = arith.constant 0 : i32
      %dma_start3A_113 = tpu.memref_slice %arg13[%add3A_111, %dma_start3A_112] : memref<256x64xf32, #tpu.memory_space<vmem>> -> memref<1x64xf32, #tpu.memory_space<vmem>>
      %dma_start3A_114 = tpu.memref_squeeze %dma_start3A_113 : memref<1x64xf32, #tpu.memory_space<vmem>> -> memref<64xf32, #tpu.memory_space<vmem>>
      %dma_start3A_115 = arith.constant 0 : i32
      %dma_start3A_116 = tpu.memref_slice %arg2[%squeeze3A_109, %dma_start3A_115] : memref<1000001x64xf32, #tpu.memory_space<hbm>> -> memref<1x64xf32, #tpu.memory_space<hbm>>
      %dma_start3A_117 = tpu.memref_squeeze %dma_start3A_116 : memref<1x64xf32, #tpu.memory_space<hbm>> -> memref<64xf32, #tpu.memory_space<hbm>>
      %dma_start3A_118 = arith.constant 0 : i32
      %dma_start3A_119 = tpu.memref_slice %arg13[%add3A_111, %dma_start3A_118] : memref<256x64xf32, #tpu.memory_space<vmem>> -> memref<1x64xf32, #tpu.memory_space<vmem>>
      %dma_start3A_120 = tpu.memref_squeeze %dma_start3A_119 : memref<1x64xf32, #tpu.memory_space<vmem>> -> memref<64xf32, #tpu.memory_space<vmem>>
      %dma_start3A_121 = arith.constant 0 : i32
      %dma_start3A_122 = tpu.memref_slice %arg2[%squeeze3A_109, %dma_start3A_121] : memref<1000001x64xf32, #tpu.memory_space<hbm>> -> memref<1x64xf32, #tpu.memory_space<hbm>>
      %dma_start3A_123 = tpu.memref_squeeze %dma_start3A_122 : memref<1x64xf32, #tpu.memory_space<hbm>> -> memref<64xf32, #tpu.memory_space<hbm>>
      tpu.enqueue_dma source(%dma_start3A_123 : memref<64xf32, #tpu.memory_space<hbm>>) target(%dma_start3A_120 : memref<64xf32, #tpu.memory_space<vmem>>) target_semaphore(%arg15 : memref<!tpu.dma_semaphore, #tpu.memory_space<semaphore_mem>>)
      %slice3A_124 = vector.extract_strided_slice %get3A_58 {offsets = [2], sizes = [1], strides = [1]} : vector<16xi32> to vector<1xi32>
      %squeeze3A_125 = vector.extract %slice3A_124[0] : i32 from vector<1xi32>
      %add3A_126 = arith.constant 2 : i32
      %add3A_127 = arith.addi %mul3A_55, %add3A_126 : i32
      %dma_start3A_128 = arith.constant 0 : i32
      %dma_start3A_129 = tpu.memref_slice %arg12[%add3A_127, %dma_start3A_128] : memref<256x64xf32, #tpu.memory_space<vmem>> -> memref<1x64xf32, #tpu.memory_space<vmem>>
      %dma_start3A_130 = tpu.memref_squeeze %dma_start3A_129 : memref<1x64xf32, #tpu.memory_space<vmem>> -> memref<64xf32, #tpu.memory_space<vmem>>
      %dma_start3A_131 = arith.constant 0 : i32
      %dma_start3A_132 = tpu.memref_slice %arg2[%squeeze3A_125, %dma_start3A_131] : memref<1000001x64xf32, #tpu.memory_space<hbm>> -> memref<1x64xf32, #tpu.memory_space<hbm>>
      %dma_start3A_133 = tpu.memref_squeeze %dma_start3A_132 : memref<1x64xf32, #tpu.memory_space<hbm>> -> memref<64xf32, #tpu.memory_space<hbm>>
      %dma_start3A_134 = arith.constant 0 : i32
      %dma_start3A_135 = tpu.memref_slice %arg12[%add3A_127, %dma_start3A_134] : memref<256x64xf32, #tpu.memory_space<vmem>> -> memref<1x64xf32, #tpu.memory_space<vmem>>
      %dma_start3A_136 = tpu.memref_squeeze %dma_start3A_135 : memref<1x64xf32, #tpu.memory_space<vmem>> -> memref<64xf32, #tpu.memory_space<vmem>>
      %dma_start3A_137 = arith.constant 0 : i32
      %dma_start3A_138 = tpu.memref_slice %arg2[%squeeze3A_125, %dma_start3A_137] : memref<1000001x64xf32, #tpu.memory_space<hbm>> -> memref<1x64xf32, #tpu.memory_space<hbm>>
      %dma_start3A_139 = tpu.memref_squeeze %dma_start3A_138 : memref<1x64xf32, #tpu.memory_space<hbm>> -> memref<64xf32, #tpu.memory_space<hbm>>
      tpu.enqueue_dma source(%dma_start3A_139 : memref<64xf32, #tpu.memory_space<hbm>>) target(%dma_start3A_136 : memref<64xf32, #tpu.memory_space<vmem>>) target_semaphore(%arg15 : memref<!tpu.dma_semaphore, #tpu.memory_space<semaphore_mem>>)
      %slice3A_140 = vector.extract_strided_slice %get3A_62 {offsets = [2], sizes = [1], strides = [1]} : vector<16xi32> to vector<1xi32>
      %squeeze3A_141 = vector.extract %slice3A_140[0] : i32 from vector<1xi32>
      %add3A_142 = arith.constant 2 : i32
      %add3A_143 = arith.addi %mul3A_55, %add3A_142 : i32
      %dma_start3A_144 = arith.constant 0 : i32
      %dma_start3A_145 = tpu.memref_slice %arg13[%add3A_143, %dma_start3A_144] : memref<256x64xf32, #tpu.memory_space<vmem>> -> memref<1x64xf32, #tpu.memory_space<vmem>>
      %dma_start3A_146 = tpu.memref_squeeze %dma_start3A_145 : memref<1x64xf32, #tpu.memory_space<vmem>> -> memref<64xf32, #tpu.memory_space<vmem>>
      %dma_start3A_147 = arith.constant 0 : i32
      %dma_start3A_148 = tpu.memref_slice %arg2[%squeeze3A_141, %dma_start3A_147] : memref<1000001x64xf32, #tpu.memory_space<hbm>> -> memref<1x64xf32, #tpu.memory_space<hbm>>
      %dma_start3A_149 = tpu.memref_squeeze %dma_start3A_148 : memref<1x64xf32, #tpu.memory_space<hbm>> -> memref<64xf32, #tpu.memory_space<hbm>>
      %dma_start3A_150 = arith.constant 0 : i32
      %dma_start3A_151 = tpu.memref_slice %arg13[%add3A_143, %dma_start3A_150] : memref<256x64xf32, #tpu.memory_space<vmem>> -> memref<1x64xf32, #tpu.memory_space<vmem>>
      %dma_start3A_152 = tpu.memref_squeeze %dma_start3A_151 : memref<1x64xf32, #tpu.memory_space<vmem>> -> memref<64xf32, #tpu.memory_space<vmem>>
      %dma_start3A_153 = arith.constant 0 : i32
      %dma_start3A_154 = tpu.memref_slice %arg2[%squeeze3A_141, %dma_start3A_153] : memref<1000001x64xf32, #tpu.memory_space<hbm>> -> memref<1x64xf32, #tpu.memory_space<hbm>>
      %dma_start3A_155 = tpu.memref_squeeze %dma_start3A_154 : memref<1x64xf32, #tpu.memory_space<hbm>> -> memref<64xf32, #tpu.memory_space<hbm>>
      tpu.enqueue_dma source(%dma_start3A_155 : memref<64xf32, #tpu.memory_space<hbm>>) target(%dma_start3A_152 : memref<64xf32, #tpu.memory_space<vmem>>) target_semaphore(%arg15 : memref<!tpu.dma_semaphore, #tpu.memory_space<semaphore_mem>>)
      %slice3A_156 = vector.extract_strided_slice %get3A_58 {offsets = [3], sizes = [1], strides = [1]} : vector<16xi32> to vector<1xi32>
      %squeeze3A_157 = vector.extract %slice3A_156[0] : i32 from vector<1xi32>
      %add3A_158 = arith.constant 3 : i32
      %add3A_159 = arith.addi %mul3A_55, %add3A_158 : i32
      %dma_start3A_160 = arith.constant 0 : i32
      %dma_start3A_161 = tpu.memref_slice %arg12[%add3A_159, %dma_start3A_160] : memref<256x64xf32, #tpu.memory_space<vmem>> -> memref<1x64xf32, #tpu.memory_space<vmem>>
      %dma_start3A_162 = tpu.memref_squeeze %dma_start3A_161 : memref<1x64xf32, #tpu.memory_space<vmem>> -> memref<64xf32, #tpu.memory_space<vmem>>
      %dma_start3A_163 = arith.constant 0 : i32
      %dma_start3A_164 = tpu.memref_slice %arg2[%squeeze3A_157, %dma_start3A_163] : memref<1000001x64xf32, #tpu.memory_space<hbm>> -> memref<1x64xf32, #tpu.memory_space<hbm>>
      %dma_start3A_165 = tpu.memref_squeeze %dma_start3A_164 : memref<1x64xf32, #tpu.memory_space<hbm>> -> memref<64xf32, #tpu.memory_space<hbm>>
      %dma_start3A_166 = arith.constant 0 : i32
      %dma_start3A_167 = tpu.memref_slice %arg12[%add3A_159, %dma_start3A_166] : memref<256x64xf32, #tpu.memory_space<vmem>> -> memref<1x64xf32, #tpu.memory_space<vmem>>
      %dma_start3A_168 = tpu.memref_squeeze %dma_start3A_167 : memref<1x64xf32, #tpu.memory_space<vmem>> -> memref<64xf32, #tpu.memory_space<vmem>>
      %dma_start3A_169 = arith.constant 0 : i32
      %dma_start3A_170 = tpu.memref_slice %arg2[%squeeze3A_157, %dma_start3A_169] : memref<1000001x64xf32, #tpu.memory_space<hbm>> -> memref<1x64xf32, #tpu.memory_space<hbm>>
      %dma_start3A_171 = tpu.memref_squeeze %dma_start3A_170 : memref<1x64xf32, #tpu.memory_space<hbm>> -> memref<64xf32, #tpu.memory_space<hbm>>
      tpu.enqueue_dma source(%dma_start3A_171 : memref<64xf32, #tpu.memory_space<hbm>>) target(%dma_start3A_168 : memref<64xf32, #tpu.memory_space<vmem>>) target_semaphore(%arg15 : memref<!tpu.dma_semaphore, #tpu.memory_space<semaphore_mem>>)
      %slice3A_172 = vector.extract_strided_slice %get3A_62 {offsets = [3], sizes = [1], strides = [1]} : vector<16xi32> to vector<1xi32>
      %squeeze3A_173 = vector.extract %slice3A_172[0] : i32 from vector<1xi32>
      %add3A_174 = arith.constant 3 : i32
      %add3A_175 = arith.addi %mul3A_55, %add3A_174 : i32
      %dma_start3A_176 = arith.constant 0 : i32
      %dma_start3A_177 = tpu.memref_slice %arg13[%add3A_175, %dma_start3A_176] : memref<256x64xf32, #tpu.memory_space<vmem>> -> memref<1x64xf32, #tpu.memory_space<vmem>>
      %dma_start3A_178 = tpu.memref_squeeze %dma_start3A_177 : memref<1x64xf32, #tpu.memory_space<vmem>> -> memref<64xf32, #tpu.memory_space<vmem>>
      %dma_start3A_179 = arith.constant 0 : i32
      %dma_start3A_180 = tpu.memref_slice %arg2[%squeeze3A_173, %dma_start3A_179] : memref<1000001x64xf32, #tpu.memory_space<hbm>> -> memref<1x64xf32, #tpu.memory_space<hbm>>
      %dma_start3A_181 = tpu.memref_squeeze %dma_start3A_180 : memref<1x64xf32, #tpu.memory_space<hbm>> -> memref<64xf32, #tpu.memory_space<hbm>>
      %dma_start3A_182 = arith.constant 0 : i32
      %dma_start3A_183 = tpu.memref_slice %arg13[%add3A_175, %dma_start3A_182] : memref<256x64xf32, #tpu.memory_space<vmem>> -> memref<1x64xf32, #tpu.memory_space<vmem>>
      %dma_start3A_184 = tpu.memref_squeeze %dma_start3A_183 : memref<1x64xf32, #tpu.memory_space<vmem>> -> memref<64xf32, #tpu.memory_space<vmem>>
      %dma_start3A_185 = arith.constant 0 : i32
      %dma_start3A_186 = tpu.memref_slice %arg2[%squeeze3A_173, %dma_start3A_185] : memref<1000001x64xf32, #tpu.memory_space<hbm>> -> memref<1x64xf32, #tpu.memory_space<hbm>>
      %dma_start3A_187 = tpu.memref_squeeze %dma_start3A_186 : memref<1x64xf32, #tpu.memory_space<hbm>> -> memref<64xf32, #tpu.memory_space<hbm>>
      tpu.enqueue_dma source(%dma_start3A_187 : memref<64xf32, #tpu.memory_space<hbm>>) target(%dma_start3A_184 : memref<64xf32, #tpu.memory_space<vmem>>) target_semaphore(%arg15 : memref<!tpu.dma_semaphore, #tpu.memory_space<semaphore_mem>>)
      %slice3A_188 = vector.extract_strided_slice %get3A_58 {offsets = [4], sizes = [1], strides = [1]} : vector<16xi32> to vector<1xi32>
      %squeeze3A_189 = vector.extract %slice3A_188[0] : i32 from vector<1xi32>
      %add3A_190 = arith.constant 4 : i32
      %add3A_191 = arith.addi %mul3A_55, %add3A_190 : i32
      %dma_start3A_192 = arith.constant 0 : i32
      %dma_start3A_193 = tpu.memref_slice %arg12[%add3A_191, %dma_start3A_192] : memref<256x64xf32, #tpu.memory_space<vmem>> -> memref<1x64xf32, #tpu.memory_space<vmem>>
      %dma_start3A_194 = tpu.memref_squeeze %dma_start3A_193 : memref<1x64xf32, #tpu.memory_space<vmem>> -> memref<64xf32, #tpu.memory_space<vmem>>
      %dma_start3A_195 = arith.constant 0 : i32
      %dma_start3A_196 = tpu.memref_slice %arg2[%squeeze3A_189, %dma_start3A_195] : memref<1000001x64xf32, #tpu.memory_space<hbm>> -> memref<1x64xf32, #tpu.memory_space<hbm>>
      %dma_start3A_197 = tpu.memref_squeeze %dma_start3A_196 : memref<1x64xf32, #tpu.memory_space<hbm>> -> memref<64xf32, #tpu.memory_space<hbm>>
      %dma_start3A_198 = arith.constant 0 : i32
      %dma_start3A_199 = tpu.memref_slice %arg12[%add3A_191, %dma_start3A_198] : memref<256x64xf32, #tpu.memory_space<vmem>> -> memref<1x64xf32, #tpu.memory_space<vmem>>
      %dma_start3A_200 = tpu.memref_squeeze %dma_start3A_199 : memref<1x64xf32, #tpu.memory_space<vmem>> -> memref<64xf32, #tpu.memory_space<vmem>>
      %dma_start3A_201 = arith.constant 0 : i32
      %dma_start3A_202 = tpu.memref_slice %arg2[%squeeze3A_189, %dma_start3A_201] : memref<1000001x64xf32, #tpu.memory_space<hbm>> -> memref<1x64xf32, #tpu.memory_space<hbm>>
      %dma_start3A_203 = tpu.memref_squeeze %dma_start3A_202 : memref<1x64xf32, #tpu.memory_space<hbm>> -> memref<64xf32, #tpu.memory_space<hbm>>
      tpu.enqueue_dma source(%dma_start3A_203 : memref<64xf32, #tpu.memory_space<hbm>>) target(%dma_start3A_200 : memref<64xf32, #tpu.memory_space<vmem>>) target_semaphore(%arg15 : memref<!tpu.dma_semaphore, #tpu.memory_space<semaphore_mem>>)
      %slice3A_204 = vector.extract_strided_slice %get3A_62 {offsets = [4], sizes = [1], strides = [1]} : vector<16xi32> to vector<1xi32>
      %squeeze3A_205 = vector.extract %slice3A_204[0] : i32 from vector<1xi32>
      %add3A_206 = arith.constant 4 : i32
      %add3A_207 = arith.addi %mul3A_55, %add3A_206 : i32
      %dma_start3A_208 = arith.constant 0 : i32
      %dma_start3A_209 = tpu.memref_slice %arg13[%add3A_207, %dma_start3A_208] : memref<256x64xf32, #tpu.memory_space<vmem>> -> memref<1x64xf32, #tpu.memory_space<vmem>>
      %dma_start3A_210 = tpu.memref_squeeze %dma_start3A_209 : memref<1x64xf32, #tpu.memory_space<vmem>> -> memref<64xf32, #tpu.memory_space<vmem>>
      %dma_start3A_211 = arith.constant 0 : i32
      %dma_start3A_212 = tpu.memref_slice %arg2[%squeeze3A_205, %dma_start3A_211] : memref<1000001x64xf32, #tpu.memory_space<hbm>> -> memref<1x64xf32, #tpu.memory_space<hbm>>
      %dma_start3A_213 = tpu.memref_squeeze %dma_start3A_212 : memref<1x64xf32, #tpu.memory_space<hbm>> -> memref<64xf32, #tpu.memory_space<hbm>>
      %dma_start3A_214 = arith.constant 0 : i32
      %dma_start3A_215 = tpu.memref_slice %arg13[%add3A_207, %dma_start3A_214] : memref<256x64xf32, #tpu.memory_space<vmem>> -> memref<1x64xf32, #tpu.memory_space<vmem>>
      %dma_start3A_216 = tpu.memref_squeeze %dma_start3A_215 : memref<1x64xf32, #tpu.memory_space<vmem>> -> memref<64xf32, #tpu.memory_space<vmem>>
      %dma_start3A_217 = arith.constant 0 : i32
      %dma_start3A_218 = tpu.memref_slice %arg2[%squeeze3A_205, %dma_start3A_217] : memref<1000001x64xf32, #tpu.memory_space<hbm>> -> memref<1x64xf32, #tpu.memory_space<hbm>>
      %dma_start3A_219 = tpu.memref_squeeze %dma_start3A_218 : memref<1x64xf32, #tpu.memory_space<hbm>> -> memref<64xf32, #tpu.memory_space<hbm>>
      tpu.enqueue_dma source(%dma_start3A_219 : memref<64xf32, #tpu.memory_space<hbm>>) target(%dma_start3A_216 : memref<64xf32, #tpu.memory_space<vmem>>) target_semaphore(%arg15 : memref<!tpu.dma_semaphore, #tpu.memory_space<semaphore_mem>>)
      %slice3A_220 = vector.extract_strided_slice %get3A_58 {offsets = [5], sizes = [1], strides = [1]} : vector<16xi32> to vector<1xi32>
      %squeeze3A_221 = vector.extract %slice3A_220[0] : i32 from vector<1xi32>
      %add3A_222 = arith.constant 5 : i32
      %add3A_223 = arith.addi %mul3A_55, %add3A_222 : i32
      %dma_start3A_224 = arith.constant 0 : i32
      %dma_start3A_225 = tpu.memref_slice %arg12[%add3A_223, %dma_start3A_224] : memref<256x64xf32, #tpu.memory_space<vmem>> -> memref<1x64xf32, #tpu.memory_space<vmem>>
      %dma_start3A_226 = tpu.memref_squeeze %dma_start3A_225 : memref<1x64xf32, #tpu.memory_space<vmem>> -> memref<64xf32, #tpu.memory_space<vmem>>
      %dma_start3A_227 = arith.constant 0 : i32
      %dma_start3A_228 = tpu.memref_slice %arg2[%squeeze3A_221, %dma_start3A_227] : memref<1000001x64xf32, #tpu.memory_space<hbm>> -> memref<1x64xf32, #tpu.memory_space<hbm>>
      %dma_start3A_229 = tpu.memref_squeeze %dma_start3A_228 : memref<1x64xf32, #tpu.memory_space<hbm>> -> memref<64xf32, #tpu.memory_space<hbm>>
      %dma_start3A_230 = arith.constant 0 : i32
      %dma_start3A_231 = tpu.memref_slice %arg12[%add3A_223, %dma_start3A_230] : memref<256x64xf32, #tpu.memory_space<vmem>> -> memref<1x64xf32, #tpu.memory_space<vmem>>
      %dma_start3A_232 = tpu.memref_squeeze %dma_start3A_231 : memref<1x64xf32, #tpu.memory_space<vmem>> -> memref<64xf32, #tpu.memory_space<vmem>>
      %dma_start3A_233 = arith.constant 0 : i32
      %dma_start3A_234 = tpu.memref_slice %arg2[%squeeze3A_221, %dma_start3A_233] : memref<1000001x64xf32, #tpu.memory_space<hbm>> -> memref<1x64xf32, #tpu.memory_space<hbm>>
      %dma_start3A_235 = tpu.memref_squeeze %dma_start3A_234 : memref<1x64xf32, #tpu.memory_space<hbm>> -> memref<64xf32, #tpu.memory_space<hbm>>
      tpu.enqueue_dma source(%dma_start3A_235 : memref<64xf32, #tpu.memory_space<hbm>>) target(%dma_start3A_232 : memref<64xf32, #tpu.memory_space<vmem>>) target_semaphore(%arg15 : memref<!tpu.dma_semaphore, #tpu.memory_space<semaphore_mem>>)
      %slice3A_236 = vector.extract_strided_slice %get3A_62 {offsets = [5], sizes = [1], strides = [1]} : vector<16xi32> to vector<1xi32>
      %squeeze3A_237 = vector.extract %slice3A_236[0] : i32 from vector<1xi32>
      %add3A_238 = arith.constant 5 : i32
      %add3A_239 = arith.addi %mul3A_55, %add3A_238 : i32
      %dma_start3A_240 = arith.constant 0 : i32
      %dma_start3A_241 = tpu.memref_slice %arg13[%add3A_239, %dma_start3A_240] : memref<256x64xf32, #tpu.memory_space<vmem>> -> memref<1x64xf32, #tpu.memory_space<vmem>>
      %dma_start3A_242 = tpu.memref_squeeze %dma_start3A_241 : memref<1x64xf32, #tpu.memory_space<vmem>> -> memref<64xf32, #tpu.memory_space<vmem>>
      %dma_start3A_243 = arith.constant 0 : i32
      %dma_start3A_244 = tpu.memref_slice %arg2[%squeeze3A_237, %dma_start3A_243] : memref<1000001x64xf32, #tpu.memory_space<hbm>> -> memref<1x64xf32, #tpu.memory_space<hbm>>
      %dma_start3A_245 = tpu.memref_squeeze %dma_start3A_244 : memref<1x64xf32, #tpu.memory_space<hbm>> -> memref<64xf32, #tpu.memory_space<hbm>>
      %dma_start3A_246 = arith.constant 0 : i32
      %dma_start3A_247 = tpu.memref_slice %arg13[%add3A_239, %dma_start3A_246] : memref<256x64xf32, #tpu.memory_space<vmem>> -> memref<1x64xf32, #tpu.memory_space<vmem>>
      %dma_start3A_248 = tpu.memref_squeeze %dma_start3A_247 : memref<1x64xf32, #tpu.memory_space<vmem>> -> memref<64xf32, #tpu.memory_space<vmem>>
      %dma_start3A_249 = arith.constant 0 : i32
      %dma_start3A_250 = tpu.memref_slice %arg2[%squeeze3A_237, %dma_start3A_249] : memref<1000001x64xf32, #tpu.memory_space<hbm>> -> memref<1x64xf32, #tpu.memory_space<hbm>>
      %dma_start3A_251 = tpu.memref_squeeze %dma_start3A_250 : memref<1x64xf32, #tpu.memory_space<hbm>> -> memref<64xf32, #tpu.memory_space<hbm>>
      tpu.enqueue_dma source(%dma_start3A_251 : memref<64xf32, #tpu.memory_space<hbm>>) target(%dma_start3A_248 : memref<64xf32, #tpu.memory_space<vmem>>) target_semaphore(%arg15 : memref<!tpu.dma_semaphore, #tpu.memory_space<semaphore_mem>>)
      %slice3A_252 = vector.extract_strided_slice %get3A_58 {offsets = [6], sizes = [1], strides = [1]} : vector<16xi32> to vector<1xi32>
      %squeeze3A_253 = vector.extract %slice3A_252[0] : i32 from vector<1xi32>
      %add3A_254 = arith.constant 6 : i32
      %add3A_255 = arith.addi %mul3A_55, %add3A_254 : i32
      %dma_start3A_256 = arith.constant 0 : i32
      %dma_start3A_257 = tpu.memref_slice %arg12[%add3A_255, %dma_start3A_256] : memref<256x64xf32, #tpu.memory_space<vmem>> -> memref<1x64xf32, #tpu.memory_space<vmem>>
      %dma_start3A_258 = tpu.memref_squeeze %dma_start3A_257 : memref<1x64xf32, #tpu.memory_space<vmem>> -> memref<64xf32, #tpu.memory_space<vmem>>
      %dma_start3A_259 = arith.constant 0 : i32
      %dma_start3A_260 = tpu.memref_slice %arg2[%squeeze3A_253, %dma_start3A_259] : memref<1000001x64xf32, #tpu.memory_space<hbm>> -> memref<1x64xf32, #tpu.memory_space<hbm>>
      %dma_start3A_261 = tpu.memref_squeeze %dma_start3A_260 : memref<1x64xf32, #tpu.memory_space<hbm>> -> memref<64xf32, #tpu.memory_space<hbm>>
      %dma_start3A_262 = arith.constant 0 : i32
      %dma_start3A_263 = tpu.memref_slice %arg12[%add3A_255, %dma_start3A_262] : memref<256x64xf32, #tpu.memory_space<vmem>> -> memref<1x64xf32, #tpu.memory_space<vmem>>
      %dma_start3A_264 = tpu.memref_squeeze %dma_start3A_263 : memref<1x64xf32, #tpu.memory_space<vmem>> -> memref<64xf32, #tpu.memory_space<vmem>>
      %dma_start3A_265 = arith.constant 0 : i32
      %dma_start3A_266 = tpu.memref_slice %arg2[%squeeze3A_253, %dma_start3A_265] : memref<1000001x64xf32, #tpu.memory_space<hbm>> -> memref<1x64xf32, #tpu.memory_space<hbm>>
      %dma_start3A_267 = tpu.memref_squeeze %dma_start3A_266 : memref<1x64xf32, #tpu.memory_space<hbm>> -> memref<64xf32, #tpu.memory_space<hbm>>
      tpu.enqueue_dma source(%dma_start3A_267 : memref<64xf32, #tpu.memory_space<hbm>>) target(%dma_start3A_264 : memref<64xf32, #tpu.memory_space<vmem>>) target_semaphore(%arg15 : memref<!tpu.dma_semaphore, #tpu.memory_space<semaphore_mem>>)
      %slice3A_268 = vector.extract_strided_slice %get3A_62 {offsets = [6], sizes = [1], strides = [1]} : vector<16xi32> to vector<1xi32>
      %squeeze3A_269 = vector.extract %slice3A_268[0] : i32 from vector<1xi32>
      %add3A_270 = arith.constant 6 : i32
      %add3A_271 = arith.addi %mul3A_55, %add3A_270 : i32
      %dma_start3A_272 = arith.constant 0 : i32
      %dma_start3A_273 = tpu.memref_slice %arg13[%add3A_271, %dma_start3A_272] : memref<256x64xf32, #tpu.memory_space<vmem>> -> memref<1x64xf32, #tpu.memory_space<vmem>>
      %dma_start3A_274 = tpu.memref_squeeze %dma_start3A_273 : memref<1x64xf32, #tpu.memory_space<vmem>> -> memref<64xf32, #tpu.memory_space<vmem>>
      %dma_start3A_275 = arith.constant 0 : i32
      %dma_start3A_276 = tpu.memref_slice %arg2[%squeeze3A_269, %dma_start3A_275] : memref<1000001x64xf32, #tpu.memory_space<hbm>> -> memref<1x64xf32, #tpu.memory_space<hbm>>
      %dma_start3A_277 = tpu.memref_squeeze %dma_start3A_276 : memref<1x64xf32, #tpu.memory_space<hbm>> -> memref<64xf32, #tpu.memory_space<hbm>>
      %dma_start3A_278 = arith.constant 0 : i32
      %dma_start3A_279 = tpu.memref_slice %arg13[%add3A_271, %dma_start3A_278] : memref<256x64xf32, #tpu.memory_space<vmem>> -> memref<1x64xf32, #tpu.memory_space<vmem>>
      %dma_start3A_280 = tpu.memref_squeeze %dma_start3A_279 : memref<1x64xf32, #tpu.memory_space<vmem>> -> memref<64xf32, #tpu.memory_space<vmem>>
      %dma_start3A_281 = arith.constant 0 : i32
      %dma_start3A_282 = tpu.memref_slice %arg2[%squeeze3A_269, %dma_start3A_281] : memref<1000001x64xf32, #tpu.memory_space<hbm>> -> memref<1x64xf32, #tpu.memory_space<hbm>>
      %dma_start3A_283 = tpu.memref_squeeze %dma_start3A_282 : memref<1x64xf32, #tpu.memory_space<hbm>> -> memref<64xf32, #tpu.memory_space<hbm>>
      tpu.enqueue_dma source(%dma_start3A_283 : memref<64xf32, #tpu.memory_space<hbm>>) target(%dma_start3A_280 : memref<64xf32, #tpu.memory_space<vmem>>) target_semaphore(%arg15 : memref<!tpu.dma_semaphore, #tpu.memory_space<semaphore_mem>>)
      %slice3A_284 = vector.extract_strided_slice %get3A_58 {offsets = [7], sizes = [1], strides = [1]} : vector<16xi32> to vector<1xi32>
      %squeeze3A_285 = vector.extract %slice3A_284[0] : i32 from vector<1xi32>
      %add3A_286 = arith.constant 7 : i32
      %add3A_287 = arith.addi %mul3A_55, %add3A_286 : i32
      %dma_start3A_288 = arith.constant 0 : i32
      %dma_start3A_289 = tpu.memref_slice %arg12[%add3A_287, %dma_start3A_288] : memref<256x64xf32, #tpu.memory_space<vmem>> -> memref<1x64xf32, #tpu.memory_space<vmem>>
      %dma_start3A_290 = tpu.memref_squeeze %dma_start3A_289 : memref<1x64xf32, #tpu.memory_space<vmem>> -> memref<64xf32, #tpu.memory_space<vmem>>
      %dma_start3A_291 = arith.constant 0 : i32
      %dma_start3A_292 = tpu.memref_slice %arg2[%squeeze3A_285, %dma_start3A_291] : memref<1000001x64xf32, #tpu.memory_space<hbm>> -> memref<1x64xf32, #tpu.memory_space<hbm>>
      %dma_start3A_293 = tpu.memref_squeeze %dma_start3A_292 : memref<1x64xf32, #tpu.memory_space<hbm>> -> memref<64xf32, #tpu.memory_space<hbm>>
      %dma_start3A_294 = arith.constant 0 : i32
      %dma_start3A_295 = tpu.memref_slice %arg12[%add3A_287, %dma_start3A_294] : memref<256x64xf32, #tpu.memory_space<vmem>> -> memref<1x64xf32, #tpu.memory_space<vmem>>
      %dma_start3A_296 = tpu.memref_squeeze %dma_start3A_295 : memref<1x64xf32, #tpu.memory_space<vmem>> -> memref<64xf32, #tpu.memory_space<vmem>>
      %dma_start3A_297 = arith.constant 0 : i32
      %dma_start3A_298 = tpu.memref_slice %arg2[%squeeze3A_285, %dma_start3A_297] : memref<1000001x64xf32, #tpu.memory_space<hbm>> -> memref<1x64xf32, #tpu.memory_space<hbm>>
      %dma_start3A_299 = tpu.memref_squeeze %dma_start3A_298 : memref<1x64xf32, #tpu.memory_space<hbm>> -> memref<64xf32, #tpu.memory_space<hbm>>
      tpu.enqueue_dma source(%dma_start3A_299 : memref<64xf32, #tpu.memory_space<hbm>>) target(%dma_start3A_296 : memref<64xf32, #tpu.memory_space<vmem>>) target_semaphore(%arg15 : memref<!tpu.dma_semaphore, #tpu.memory_space<semaphore_mem>>)
      %slice3A_300 = vector.extract_strided_slice %get3A_62 {offsets = [7], sizes = [1], strides = [1]} : vector<16xi32> to vector<1xi32>
      %squeeze3A_301 = vector.extract %slice3A_300[0] : i32 from vector<1xi32>
      %add3A_302 = arith.constant 7 : i32
      %add3A_303 = arith.addi %mul3A_55, %add3A_302 : i32
      %dma_start3A_304 = arith.constant 0 : i32
      %dma_start3A_305 = tpu.memref_slice %arg13[%add3A_303, %dma_start3A_304] : memref<256x64xf32, #tpu.memory_space<vmem>> -> memref<1x64xf32, #tpu.memory_space<vmem>>
      %dma_start3A_306 = tpu.memref_squeeze %dma_start3A_305 : memref<1x64xf32, #tpu.memory_space<vmem>> -> memref<64xf32, #tpu.memory_space<vmem>>
      %dma_start3A_307 = arith.constant 0 : i32
      %dma_start3A_308 = tpu.memref_slice %arg2[%squeeze3A_301, %dma_start3A_307] : memref<1000001x64xf32, #tpu.memory_space<hbm>> -> memref<1x64xf32, #tpu.memory_space<hbm>>
      %dma_start3A_309 = tpu.memref_squeeze %dma_start3A_308 : memref<1x64xf32, #tpu.memory_space<hbm>> -> memref<64xf32, #tpu.memory_space<hbm>>
      %dma_start3A_310 = arith.constant 0 : i32
      %dma_start3A_311 = tpu.memref_slice %arg13[%add3A_303, %dma_start3A_310] : memref<256x64xf32, #tpu.memory_space<vmem>> -> memref<1x64xf32, #tpu.memory_space<vmem>>
      %dma_start3A_312 = tpu.memref_squeeze %dma_start3A_311 : memref<1x64xf32, #tpu.memory_space<vmem>> -> memref<64xf32, #tpu.memory_space<vmem>>
      %dma_start3A_313 = arith.constant 0 : i32
      %dma_start3A_314 = tpu.memref_slice %arg2[%squeeze3A_301, %dma_start3A_313] : memref<1000001x64xf32, #tpu.memory_space<hbm>> -> memref<1x64xf32, #tpu.memory_space<hbm>>
      %dma_start3A_315 = tpu.memref_squeeze %dma_start3A_314 : memref<1x64xf32, #tpu.memory_space<hbm>> -> memref<64xf32, #tpu.memory_space<hbm>>
      tpu.enqueue_dma source(%dma_start3A_315 : memref<64xf32, #tpu.memory_space<hbm>>) target(%dma_start3A_312 : memref<64xf32, #tpu.memory_space<vmem>>) target_semaphore(%arg15 : memref<!tpu.dma_semaphore, #tpu.memory_space<semaphore_mem>>)
      %slice3A_316 = vector.extract_strided_slice %get3A_58 {offsets = [8], sizes = [1], strides = [1]} : vector<16xi32> to vector<1xi32>
      %squeeze3A_317 = vector.extract %slice3A_316[0] : i32 from vector<1xi32>
      %add3A_318 = arith.constant 8 : i32
      %add3A_319 = arith.addi %mul3A_55, %add3A_318 : i32
      %dma_start3A_320 = arith.constant 0 : i32
      %dma_start3A_321 = tpu.memref_slice %arg12[%add3A_319, %dma_start3A_320] : memref<256x64xf32, #tpu.memory_space<vmem>> -> memref<1x64xf32, #tpu.memory_space<vmem>>
      %dma_start3A_322 = tpu.memref_squeeze %dma_start3A_321 : memref<1x64xf32, #tpu.memory_space<vmem>> -> memref<64xf32, #tpu.memory_space<vmem>>
      %dma_start3A_323 = arith.constant 0 : i32
      %dma_start3A_324 = tpu.memref_slice %arg2[%squeeze3A_317, %dma_start3A_323] : memref<1000001x64xf32, #tpu.memory_space<hbm>> -> memref<1x64xf32, #tpu.memory_space<hbm>>
      %dma_start3A_325 = tpu.memref_squeeze %dma_start3A_324 : memref<1x64xf32, #tpu.memory_space<hbm>> -> memref<64xf32, #tpu.memory_space<hbm>>
      %dma_start3A_326 = arith.constant 0 : i32
      %dma_start3A_327 = tpu.memref_slice %arg12[%add3A_319, %dma_start3A_326] : memref<256x64xf32, #tpu.memory_space<vmem>> -> memref<1x64xf32, #tpu.memory_space<vmem>>
      %dma_start3A_328 = tpu.memref_squeeze %dma_start3A_327 : memref<1x64xf32, #tpu.memory_space<vmem>> -> memref<64xf32, #tpu.memory_space<vmem>>
      %dma_start3A_329 = arith.constant 0 : i32
      %dma_start3A_330 = tpu.memref_slice %arg2[%squeeze3A_317, %dma_start3A_329] : memref<1000001x64xf32, #tpu.memory_space<hbm>> -> memref<1x64xf32, #tpu.memory_space<hbm>>
      %dma_start3A_331 = tpu.memref_squeeze %dma_start3A_330 : memref<1x64xf32, #tpu.memory_space<hbm>> -> memref<64xf32, #tpu.memory_space<hbm>>
      tpu.enqueue_dma source(%dma_start3A_331 : memref<64xf32, #tpu.memory_space<hbm>>) target(%dma_start3A_328 : memref<64xf32, #tpu.memory_space<vmem>>) target_semaphore(%arg15 : memref<!tpu.dma_semaphore, #tpu.memory_space<semaphore_mem>>)
      %slice3A_332 = vector.extract_strided_slice %get3A_62 {offsets = [8], sizes = [1], strides = [1]} : vector<16xi32> to vector<1xi32>
      %squeeze3A_333 = vector.extract %slice3A_332[0] : i32 from vector<1xi32>
      %add3A_334 = arith.constant 8 : i32
      %add3A_335 = arith.addi %mul3A_55, %add3A_334 : i32
      %dma_start3A_336 = arith.constant 0 : i32
      %dma_start3A_337 = tpu.memref_slice %arg13[%add3A_335, %dma_start3A_336] : memref<256x64xf32, #tpu.memory_space<vmem>> -> memref<1x64xf32, #tpu.memory_space<vmem>>
      %dma_start3A_338 = tpu.memref_squeeze %dma_start3A_337 : memref<1x64xf32, #tpu.memory_space<vmem>> -> memref<64xf32, #tpu.memory_space<vmem>>
      %dma_start3A_339 = arith.constant 0 : i32
      %dma_start3A_340 = tpu.memref_slice %arg2[%squeeze3A_333, %dma_start3A_339] : memref<1000001x64xf32, #tpu.memory_space<hbm>> -> memref<1x64xf32, #tpu.memory_space<hbm>>
      %dma_start3A_341 = tpu.memref_squeeze %dma_start3A_340 : memref<1x64xf32, #tpu.memory_space<hbm>> -> memref<64xf32, #tpu.memory_space<hbm>>
      %dma_start3A_342 = arith.constant 0 : i32
      %dma_start3A_343 = tpu.memref_slice %arg13[%add3A_335, %dma_start3A_342] : memref<256x64xf32, #tpu.memory_space<vmem>> -> memref<1x64xf32, #tpu.memory_space<vmem>>
      %dma_start3A_344 = tpu.memref_squeeze %dma_start3A_343 : memref<1x64xf32, #tpu.memory_space<vmem>> -> memref<64xf32, #tpu.memory_space<vmem>>
      %dma_start3A_345 = arith.constant 0 : i32
      %dma_start3A_346 = tpu.memref_slice %arg2[%squeeze3A_333, %dma_start3A_345] : memref<1000001x64xf32, #tpu.memory_space<hbm>> -> memref<1x64xf32, #tpu.memory_space<hbm>>
      %dma_start3A_347 = tpu.memref_squeeze %dma_start3A_346 : memref<1x64xf32, #tpu.memory_space<hbm>> -> memref<64xf32, #tpu.memory_space<hbm>>
      tpu.enqueue_dma source(%dma_start3A_347 : memref<64xf32, #tpu.memory_space<hbm>>) target(%dma_start3A_344 : memref<64xf32, #tpu.memory_space<vmem>>) target_semaphore(%arg15 : memref<!tpu.dma_semaphore, #tpu.memory_space<semaphore_mem>>)
      %slice3A_348 = vector.extract_strided_slice %get3A_58 {offsets = [9], sizes = [1], strides = [1]} : vector<16xi32> to vector<1xi32>
      %squeeze3A_349 = vector.extract %slice3A_348[0] : i32 from vector<1xi32>
      %add3A_350 = arith.constant 9 : i32
      %add3A_351 = arith.addi %mul3A_55, %add3A_350 : i32
      %dma_start3A_352 = arith.constant 0 : i32
      %dma_start3A_353 = tpu.memref_slice %arg12[%add3A_351, %dma_start3A_352] : memref<256x64xf32, #tpu.memory_space<vmem>> -> memref<1x64xf32, #tpu.memory_space<vmem>>
      %dma_start3A_354 = tpu.memref_squeeze %dma_start3A_353 : memref<1x64xf32, #tpu.memory_space<vmem>> -> memref<64xf32, #tpu.memory_space<vmem>>
      %dma_start3A_355 = arith.constant 0 : i32
      %dma_start3A_356 = tpu.memref_slice %arg2[%squeeze3A_349, %dma_start3A_355] : memref<1000001x64xf32, #tpu.memory_space<hbm>> -> memref<1x64xf32, #tpu.memory_space<hbm>>
      %dma_start3A_357 = tpu.memref_squeeze %dma_start3A_356 : memref<1x64xf32, #tpu.memory_space<hbm>> -> memref<64xf32, #tpu.memory_space<hbm>>
      %dma_start3A_358 = arith.constant 0 : i32
      %dma_start3A_359 = tpu.memref_slice %arg12[%add3A_351, %dma_start3A_358] : memref<256x64xf32, #tpu.memory_space<vmem>> -> memref<1x64xf32, #tpu.memory_space<vmem>>
      %dma_start3A_360 = tpu.memref_squeeze %dma_start3A_359 : memref<1x64xf32, #tpu.memory_space<vmem>> -> memref<64xf32, #tpu.memory_space<vmem>>
      %dma_start3A_361 = arith.constant 0 : i32
      %dma_start3A_362 = tpu.memref_slice %arg2[%squeeze3A_349, %dma_start3A_361] : memref<1000001x64xf32, #tpu.memory_space<hbm>> -> memref<1x64xf32, #tpu.memory_space<hbm>>
      %dma_start3A_363 = tpu.memref_squeeze %dma_start3A_362 : memref<1x64xf32, #tpu.memory_space<hbm>> -> memref<64xf32, #tpu.memory_space<hbm>>
      tpu.enqueue_dma source(%dma_start3A_363 : memref<64xf32, #tpu.memory_space<hbm>>) target(%dma_start3A_360 : memref<64xf32, #tpu.memory_space<vmem>>) target_semaphore(%arg15 : memref<!tpu.dma_semaphore, #tpu.memory_space<semaphore_mem>>)
      %slice3A_364 = vector.extract_strided_slice %get3A_62 {offsets = [9], sizes = [1], strides = [1]} : vector<16xi32> to vector<1xi32>
      %squeeze3A_365 = vector.extract %slice3A_364[0] : i32 from vector<1xi32>
      %add3A_366 = arith.constant 9 : i32
      %add3A_367 = arith.addi %mul3A_55, %add3A_366 : i32
      %dma_start3A_368 = arith.constant 0 : i32
      %dma_start3A_369 = tpu.memref_slice %arg13[%add3A_367, %dma_start3A_368] : memref<256x64xf32, #tpu.memory_space<vmem>> -> memref<1x64xf32, #tpu.memory_space<vmem>>
      %dma_start3A_370 = tpu.memref_squeeze %dma_start3A_369 : memref<1x64xf32, #tpu.memory_space<vmem>> -> memref<64xf32, #tpu.memory_space<vmem>>
      %dma_start3A_371 = arith.constant 0 : i32
      %dma_start3A_372 = tpu.memref_slice %arg2[%squeeze3A_365, %dma_start3A_371] : memref<1000001x64xf32, #tpu.memory_space<hbm>> -> memref<1x64xf32, #tpu.memory_space<hbm>>
      %dma_start3A_373 = tpu.memref_squeeze %dma_start3A_372 : memref<1x64xf32, #tpu.memory_space<hbm>> -> memref<64xf32, #tpu.memory_space<hbm>>
      %dma_start3A_374 = arith.constant 0 : i32
      %dma_start3A_375 = tpu.memref_slice %arg13[%add3A_367, %dma_start3A_374] : memref<256x64xf32, #tpu.memory_space<vmem>> -> memref<1x64xf32, #tpu.memory_space<vmem>>
      %dma_start3A_376 = tpu.memref_squeeze %dma_start3A_375 : memref<1x64xf32, #tpu.memory_space<vmem>> -> memref<64xf32, #tpu.memory_space<vmem>>
      %dma_start3A_377 = arith.constant 0 : i32
      %dma_start3A_378 = tpu.memref_slice %arg2[%squeeze3A_365, %dma_start3A_377] : memref<1000001x64xf32, #tpu.memory_space<hbm>> -> memref<1x64xf32, #tpu.memory_space<hbm>>
      %dma_start3A_379 = tpu.memref_squeeze %dma_start3A_378 : memref<1x64xf32, #tpu.memory_space<hbm>> -> memref<64xf32, #tpu.memory_space<hbm>>
      tpu.enqueue_dma source(%dma_start3A_379 : memref<64xf32, #tpu.memory_space<hbm>>) target(%dma_start3A_376 : memref<64xf32, #tpu.memory_space<vmem>>) target_semaphore(%arg15 : memref<!tpu.dma_semaphore, #tpu.memory_space<semaphore_mem>>)
      %slice3A_380 = vector.extract_strided_slice %get3A_58 {offsets = [10], sizes = [1], strides = [1]} : vector<16xi32> to vector<1xi32>
      %squeeze3A_381 = vector.extract %slice3A_380[0] : i32 from vector<1xi32>
      %add3A_382 = arith.constant 10 : i32
      %add3A_383 = arith.addi %mul3A_55, %add3A_382 : i32
      %dma_start3A_384 = arith.constant 0 : i32
      %dma_start3A_385 = tpu.memref_slice %arg12[%add3A_383, %dma_start3A_384] : memref<256x64xf32, #tpu.memory_space<vmem>> -> memref<1x64xf32, #tpu.memory_space<vmem>>
      %dma_start3A_386 = tpu.memref_squeeze %dma_start3A_385 : memref<1x64xf32, #tpu.memory_space<vmem>> -> memref<64xf32, #tpu.memory_space<vmem>>
      %dma_start3A_387 = arith.constant 0 : i32
      %dma_start3A_388 = tpu.memref_slice %arg2[%squeeze3A_381, %dma_start3A_387] : memref<1000001x64xf32, #tpu.memory_space<hbm>> -> memref<1x64xf32, #tpu.memory_space<hbm>>
      %dma_start3A_389 = tpu.memref_squeeze %dma_start3A_388 : memref<1x64xf32, #tpu.memory_space<hbm>> -> memref<64xf32, #tpu.memory_space<hbm>>
      %dma_start3A_390 = arith.constant 0 : i32
      %dma_start3A_391 = tpu.memref_slice %arg12[%add3A_383, %dma_start3A_390] : memref<256x64xf32, #tpu.memory_space<vmem>> -> memref<1x64xf32, #tpu.memory_space<vmem>>
      %dma_start3A_392 = tpu.memref_squeeze %dma_start3A_391 : memref<1x64xf32, #tpu.memory_space<vmem>> -> memref<64xf32, #tpu.memory_space<vmem>>
      %dma_start3A_393 = arith.constant 0 : i32
      %dma_start3A_394 = tpu.memref_slice %arg2[%squeeze3A_381, %dma_start3A_393] : memref<1000001x64xf32, #tpu.memory_space<hbm>> -> memref<1x64xf32, #tpu.memory_space<hbm>>
      %dma_start3A_395 = tpu.memref_squeeze %dma_start3A_394 : memref<1x64xf32, #tpu.memory_space<hbm>> -> memref<64xf32, #tpu.memory_space<hbm>>
      tpu.enqueue_dma source(%dma_start3A_395 : memref<64xf32, #tpu.memory_space<hbm>>) target(%dma_start3A_392 : memref<64xf32, #tpu.memory_space<vmem>>) target_semaphore(%arg15 : memref<!tpu.dma_semaphore, #tpu.memory_space<semaphore_mem>>)
      %slice3A_396 = vector.extract_strided_slice %get3A_62 {offsets = [10], sizes = [1], strides = [1]} : vector<16xi32> to vector<1xi32>
      %squeeze3A_397 = vector.extract %slice3A_396[0] : i32 from vector<1xi32>
      %add3A_398 = arith.constant 10 : i32
      %add3A_399 = arith.addi %mul3A_55, %add3A_398 : i32
      %dma_start3A_400 = arith.constant 0 : i32
      %dma_start3A_401 = tpu.memref_slice %arg13[%add3A_399, %dma_start3A_400] : memref<256x64xf32, #tpu.memory_space<vmem>> -> memref<1x64xf32, #tpu.memory_space<vmem>>
      %dma_start3A_402 = tpu.memref_squeeze %dma_start3A_401 : memref<1x64xf32, #tpu.memory_space<vmem>> -> memref<64xf32, #tpu.memory_space<vmem>>
      %dma_start3A_403 = arith.constant 0 : i32
      %dma_start3A_404 = tpu.memref_slice %arg2[%squeeze3A_397, %dma_start3A_403] : memref<1000001x64xf32, #tpu.memory_space<hbm>> -> memref<1x64xf32, #tpu.memory_space<hbm>>
      %dma_start3A_405 = tpu.memref_squeeze %dma_start3A_404 : memref<1x64xf32, #tpu.memory_space<hbm>> -> memref<64xf32, #tpu.memory_space<hbm>>
      %dma_start3A_406 = arith.constant 0 : i32
      %dma_start3A_407 = tpu.memref_slice %arg13[%add3A_399, %dma_start3A_406] : memref<256x64xf32, #tpu.memory_space<vmem>> -> memref<1x64xf32, #tpu.memory_space<vmem>>
      %dma_start3A_408 = tpu.memref_squeeze %dma_start3A_407 : memref<1x64xf32, #tpu.memory_space<vmem>> -> memref<64xf32, #tpu.memory_space<vmem>>
      %dma_start3A_409 = arith.constant 0 : i32
      %dma_start3A_410 = tpu.memref_slice %arg2[%squeeze3A_397, %dma_start3A_409] : memref<1000001x64xf32, #tpu.memory_space<hbm>> -> memref<1x64xf32, #tpu.memory_space<hbm>>
      %dma_start3A_411 = tpu.memref_squeeze %dma_start3A_410 : memref<1x64xf32, #tpu.memory_space<hbm>> -> memref<64xf32, #tpu.memory_space<hbm>>
      tpu.enqueue_dma source(%dma_start3A_411 : memref<64xf32, #tpu.memory_space<hbm>>) target(%dma_start3A_408 : memref<64xf32, #tpu.memory_space<vmem>>) target_semaphore(%arg15 : memref<!tpu.dma_semaphore, #tpu.memory_space<semaphore_mem>>)
      %slice3A_412 = vector.extract_strided_slice %get3A_58 {offsets = [11], sizes = [1], strides = [1]} : vector<16xi32> to vector<1xi32>
      %squeeze3A_413 = vector.extract %slice3A_412[0] : i32 from vector<1xi32>
      %add3A_414 = arith.constant 11 : i32
      %add3A_415 = arith.addi %mul3A_55, %add3A_414 : i32
      %dma_start3A_416 = arith.constant 0 : i32
      %dma_start3A_417 = tpu.memref_slice %arg12[%add3A_415, %dma_start3A_416] : memref<256x64xf32, #tpu.memory_space<vmem>> -> memref<1x64xf32, #tpu.memory_space<vmem>>
      %dma_start3A_418 = tpu.memref_squeeze %dma_start3A_417 : memref<1x64xf32, #tpu.memory_space<vmem>> -> memref<64xf32, #tpu.memory_space<vmem>>
      %dma_start3A_419 = arith.constant 0 : i32
      %dma_start3A_420 = tpu.memref_slice %arg2[%squeeze3A_413, %dma_start3A_419] : memref<1000001x64xf32, #tpu.memory_space<hbm>> -> memref<1x64xf32, #tpu.memory_space<hbm>>
      %dma_start3A_421 = tpu.memref_squeeze %dma_start3A_420 : memref<1x64xf32, #tpu.memory_space<hbm>> -> memref<64xf32, #tpu.memory_space<hbm>>
      %dma_start3A_422 = arith.constant 0 : i32
      %dma_start3A_423 = tpu.memref_slice %arg12[%add3A_415, %dma_start3A_422] : memref<256x64xf32, #tpu.memory_space<vmem>> -> memref<1x64xf32, #tpu.memory_space<vmem>>
      %dma_start3A_424 = tpu.memref_squeeze %dma_start3A_423 : memref<1x64xf32, #tpu.memory_space<vmem>> -> memref<64xf32, #tpu.memory_space<vmem>>
      %dma_start3A_425 = arith.constant 0 : i32
      %dma_start3A_426 = tpu.memref_slice %arg2[%squeeze3A_413, %dma_start3A_425] : memref<1000001x64xf32, #tpu.memory_space<hbm>> -> memref<1x64xf32, #tpu.memory_space<hbm>>
      %dma_start3A_427 = tpu.memref_squeeze %dma_start3A_426 : memref<1x64xf32, #tpu.memory_space<hbm>> -> memref<64xf32, #tpu.memory_space<hbm>>
      tpu.enqueue_dma source(%dma_start3A_427 : memref<64xf32, #tpu.memory_space<hbm>>) target(%dma_start3A_424 : memref<64xf32, #tpu.memory_space<vmem>>) target_semaphore(%arg15 : memref<!tpu.dma_semaphore, #tpu.memory_space<semaphore_mem>>)
      %slice3A_428 = vector.extract_strided_slice %get3A_62 {offsets = [11], sizes = [1], strides = [1]} : vector<16xi32> to vector<1xi32>
      %squeeze3A_429 = vector.extract %slice3A_428[0] : i32 from vector<1xi32>
      %add3A_430 = arith.constant 11 : i32
      %add3A_431 = arith.addi %mul3A_55, %add3A_430 : i32
      %dma_start3A_432 = arith.constant 0 : i32
      %dma_start3A_433 = tpu.memref_slice %arg13[%add3A_431, %dma_start3A_432] : memref<256x64xf32, #tpu.memory_space<vmem>> -> memref<1x64xf32, #tpu.memory_space<vmem>>
      %dma_start3A_434 = tpu.memref_squeeze %dma_start3A_433 : memref<1x64xf32, #tpu.memory_space<vmem>> -> memref<64xf32, #tpu.memory_space<vmem>>
      %dma_start3A_435 = arith.constant 0 : i32
      %dma_start3A_436 = tpu.memref_slice %arg2[%squeeze3A_429, %dma_start3A_435] : memref<1000001x64xf32, #tpu.memory_space<hbm>> -> memref<1x64xf32, #tpu.memory_space<hbm>>
      %dma_start3A_437 = tpu.memref_squeeze %dma_start3A_436 : memref<1x64xf32, #tpu.memory_space<hbm>> -> memref<64xf32, #tpu.memory_space<hbm>>
      %dma_start3A_438 = arith.constant 0 : i32
      %dma_start3A_439 = tpu.memref_slice %arg13[%add3A_431, %dma_start3A_438] : memref<256x64xf32, #tpu.memory_space<vmem>> -> memref<1x64xf32, #tpu.memory_space<vmem>>
      %dma_start3A_440 = tpu.memref_squeeze %dma_start3A_439 : memref<1x64xf32, #tpu.memory_space<vmem>> -> memref<64xf32, #tpu.memory_space<vmem>>
      %dma_start3A_441 = arith.constant 0 : i32
      %dma_start3A_442 = tpu.memref_slice %arg2[%squeeze3A_429, %dma_start3A_441] : memref<1000001x64xf32, #tpu.memory_space<hbm>> -> memref<1x64xf32, #tpu.memory_space<hbm>>
      %dma_start3A_443 = tpu.memref_squeeze %dma_start3A_442 : memref<1x64xf32, #tpu.memory_space<hbm>> -> memref<64xf32, #tpu.memory_space<hbm>>
      tpu.enqueue_dma source(%dma_start3A_443 : memref<64xf32, #tpu.memory_space<hbm>>) target(%dma_start3A_440 : memref<64xf32, #tpu.memory_space<vmem>>) target_semaphore(%arg15 : memref<!tpu.dma_semaphore, #tpu.memory_space<semaphore_mem>>)
      %slice3A_444 = vector.extract_strided_slice %get3A_58 {offsets = [12], sizes = [1], strides = [1]} : vector<16xi32> to vector<1xi32>
      %squeeze3A_445 = vector.extract %slice3A_444[0] : i32 from vector<1xi32>
      %add3A_446 = arith.constant 12 : i32
      %add3A_447 = arith.addi %mul3A_55, %add3A_446 : i32
      %dma_start3A_448 = arith.constant 0 : i32
      %dma_start3A_449 = tpu.memref_slice %arg12[%add3A_447, %dma_start3A_448] : memref<256x64xf32, #tpu.memory_space<vmem>> -> memref<1x64xf32, #tpu.memory_space<vmem>>
      %dma_start3A_450 = tpu.memref_squeeze %dma_start3A_449 : memref<1x64xf32, #tpu.memory_space<vmem>> -> memref<64xf32, #tpu.memory_space<vmem>>
      %dma_start3A_451 = arith.constant 0 : i32
      %dma_start3A_452 = tpu.memref_slice %arg2[%squeeze3A_445, %dma_start3A_451] : memref<1000001x64xf32, #tpu.memory_space<hbm>> -> memref<1x64xf32, #tpu.memory_space<hbm>>
      %dma_start3A_453 = tpu.memref_squeeze %dma_start3A_452 : memref<1x64xf32, #tpu.memory_space<hbm>> -> memref<64xf32, #tpu.memory_space<hbm>>
      %dma_start3A_454 = arith.constant 0 : i32
      %dma_start3A_455 = tpu.memref_slice %arg12[%add3A_447, %dma_start3A_454] : memref<256x64xf32, #tpu.memory_space<vmem>> -> memref<1x64xf32, #tpu.memory_space<vmem>>
      %dma_start3A_456 = tpu.memref_squeeze %dma_start3A_455 : memref<1x64xf32, #tpu.memory_space<vmem>> -> memref<64xf32, #tpu.memory_space<vmem>>
      %dma_start3A_457 = arith.constant 0 : i32
      %dma_start3A_458 = tpu.memref_slice %arg2[%squeeze3A_445, %dma_start3A_457] : memref<1000001x64xf32, #tpu.memory_space<hbm>> -> memref<1x64xf32, #tpu.memory_space<hbm>>
      %dma_start3A_459 = tpu.memref_squeeze %dma_start3A_458 : memref<1x64xf32, #tpu.memory_space<hbm>> -> memref<64xf32, #tpu.memory_space<hbm>>
      tpu.enqueue_dma source(%dma_start3A_459 : memref<64xf32, #tpu.memory_space<hbm>>) target(%dma_start3A_456 : memref<64xf32, #tpu.memory_space<vmem>>) target_semaphore(%arg15 : memref<!tpu.dma_semaphore, #tpu.memory_space<semaphore_mem>>)
      %slice3A_460 = vector.extract_strided_slice %get3A_62 {offsets = [12], sizes = [1], strides = [1]} : vector<16xi32> to vector<1xi32>
      %squeeze3A_461 = vector.extract %slice3A_460[0] : i32 from vector<1xi32>
      %add3A_462 = arith.constant 12 : i32
      %add3A_463 = arith.addi %mul3A_55, %add3A_462 : i32
      %dma_start3A_464 = arith.constant 0 : i32
      %dma_start3A_465 = tpu.memref_slice %arg13[%add3A_463, %dma_start3A_464] : memref<256x64xf32, #tpu.memory_space<vmem>> -> memref<1x64xf32, #tpu.memory_space<vmem>>
      %dma_start3A_466 = tpu.memref_squeeze %dma_start3A_465 : memref<1x64xf32, #tpu.memory_space<vmem>> -> memref<64xf32, #tpu.memory_space<vmem>>
      %dma_start3A_467 = arith.constant 0 : i32
      %dma_start3A_468 = tpu.memref_slice %arg2[%squeeze3A_461, %dma_start3A_467] : memref<1000001x64xf32, #tpu.memory_space<hbm>> -> memref<1x64xf32, #tpu.memory_space<hbm>>
      %dma_start3A_469 = tpu.memref_squeeze %dma_start3A_468 : memref<1x64xf32, #tpu.memory_space<hbm>> -> memref<64xf32, #tpu.memory_space<hbm>>
      %dma_start3A_470 = arith.constant 0 : i32
      %dma_start3A_471 = tpu.memref_slice %arg13[%add3A_463, %dma_start3A_470] : memref<256x64xf32, #tpu.memory_space<vmem>> -> memref<1x64xf32, #tpu.memory_space<vmem>>
      %dma_start3A_472 = tpu.memref_squeeze %dma_start3A_471 : memref<1x64xf32, #tpu.memory_space<vmem>> -> memref<64xf32, #tpu.memory_space<vmem>>
      %dma_start3A_473 = arith.constant 0 : i32
      %dma_start3A_474 = tpu.memref_slice %arg2[%squeeze3A_461, %dma_start3A_473] : memref<1000001x64xf32, #tpu.memory_space<hbm>> -> memref<1x64xf32, #tpu.memory_space<hbm>>
      %dma_start3A_475 = tpu.memref_squeeze %dma_start3A_474 : memref<1x64xf32, #tpu.memory_space<hbm>> -> memref<64xf32, #tpu.memory_space<hbm>>
      tpu.enqueue_dma source(%dma_start3A_475 : memref<64xf32, #tpu.memory_space<hbm>>) target(%dma_start3A_472 : memref<64xf32, #tpu.memory_space<vmem>>) target_semaphore(%arg15 : memref<!tpu.dma_semaphore, #tpu.memory_space<semaphore_mem>>)
      %slice3A_476 = vector.extract_strided_slice %get3A_58 {offsets = [13], sizes = [1], strides = [1]} : vector<16xi32> to vector<1xi32>
      %squeeze3A_477 = vector.extract %slice3A_476[0] : i32 from vector<1xi32>
      %add3A_478 = arith.constant 13 : i32
      %add3A_479 = arith.addi %mul3A_55, %add3A_478 : i32
      %dma_start3A_480 = arith.constant 0 : i32
      %dma_start3A_481 = tpu.memref_slice %arg12[%add3A_479, %dma_start3A_480] : memref<256x64xf32, #tpu.memory_space<vmem>> -> memref<1x64xf32, #tpu.memory_space<vmem>>
      %dma_start3A_482 = tpu.memref_squeeze %dma_start3A_481 : memref<1x64xf32, #tpu.memory_space<vmem>> -> memref<64xf32, #tpu.memory_space<vmem>>
      %dma_start3A_483 = arith.constant 0 : i32
      %dma_start3A_484 = tpu.memref_slice %arg2[%squeeze3A_477, %dma_start3A_483] : memref<1000001x64xf32, #tpu.memory_space<hbm>> -> memref<1x64xf32, #tpu.memory_space<hbm>>
      %dma_start3A_485 = tpu.memref_squeeze %dma_start3A_484 : memref<1x64xf32, #tpu.memory_space<hbm>> -> memref<64xf32, #tpu.memory_space<hbm>>
      %dma_start3A_486 = arith.constant 0 : i32
      %dma_start3A_487 = tpu.memref_slice %arg12[%add3A_479, %dma_start3A_486] : memref<256x64xf32, #tpu.memory_space<vmem>> -> memref<1x64xf32, #tpu.memory_space<vmem>>
      %dma_start3A_488 = tpu.memref_squeeze %dma_start3A_487 : memref<1x64xf32, #tpu.memory_space<vmem>> -> memref<64xf32, #tpu.memory_space<vmem>>
      %dma_start3A_489 = arith.constant 0 : i32
      %dma_start3A_490 = tpu.memref_slice %arg2[%squeeze3A_477, %dma_start3A_489] : memref<1000001x64xf32, #tpu.memory_space<hbm>> -> memref<1x64xf32, #tpu.memory_space<hbm>>
      %dma_start3A_491 = tpu.memref_squeeze %dma_start3A_490 : memref<1x64xf32, #tpu.memory_space<hbm>> -> memref<64xf32, #tpu.memory_space<hbm>>
      tpu.enqueue_dma source(%dma_start3A_491 : memref<64xf32, #tpu.memory_space<hbm>>) target(%dma_start3A_488 : memref<64xf32, #tpu.memory_space<vmem>>) target_semaphore(%arg15 : memref<!tpu.dma_semaphore, #tpu.memory_space<semaphore_mem>>)
      %slice3A_492 = vector.extract_strided_slice %get3A_62 {offsets = [13], sizes = [1], strides = [1]} : vector<16xi32> to vector<1xi32>
      %squeeze3A_493 = vector.extract %slice3A_492[0] : i32 from vector<1xi32>
      %add3A_494 = arith.constant 13 : i32
      %add3A_495 = arith.addi %mul3A_55, %add3A_494 : i32
      %dma_start3A_496 = arith.constant 0 : i32
      %dma_start3A_497 = tpu.memref_slice %arg13[%add3A_495, %dma_start3A_496] : memref<256x64xf32, #tpu.memory_space<vmem>> -> memref<1x64xf32, #tpu.memory_space<vmem>>
      %dma_start3A_498 = tpu.memref_squeeze %dma_start3A_497 : memref<1x64xf32, #tpu.memory_space<vmem>> -> memref<64xf32, #tpu.memory_space<vmem>>
      %dma_start3A_499 = arith.constant 0 : i32
      %dma_start3A_500 = tpu.memref_slice %arg2[%squeeze3A_493, %dma_start3A_499] : memref<1000001x64xf32, #tpu.memory_space<hbm>> -> memref<1x64xf32, #tpu.memory_space<hbm>>
      %dma_start3A_501 = tpu.memref_squeeze %dma_start3A_500 : memref<1x64xf32, #tpu.memory_space<hbm>> -> memref<64xf32, #tpu.memory_space<hbm>>
      %dma_start3A_502 = arith.constant 0 : i32
      %dma_start3A_503 = tpu.memref_slice %arg13[%add3A_495, %dma_start3A_502] : memref<256x64xf32, #tpu.memory_space<vmem>> -> memref<1x64xf32, #tpu.memory_space<vmem>>
      %dma_start3A_504 = tpu.memref_squeeze %dma_start3A_503 : memref<1x64xf32, #tpu.memory_space<vmem>> -> memref<64xf32, #tpu.memory_space<vmem>>
      %dma_start3A_505 = arith.constant 0 : i32
      %dma_start3A_506 = tpu.memref_slice %arg2[%squeeze3A_493, %dma_start3A_505] : memref<1000001x64xf32, #tpu.memory_space<hbm>> -> memref<1x64xf32, #tpu.memory_space<hbm>>
      %dma_start3A_507 = tpu.memref_squeeze %dma_start3A_506 : memref<1x64xf32, #tpu.memory_space<hbm>> -> memref<64xf32, #tpu.memory_space<hbm>>
      tpu.enqueue_dma source(%dma_start3A_507 : memref<64xf32, #tpu.memory_space<hbm>>) target(%dma_start3A_504 : memref<64xf32, #tpu.memory_space<vmem>>) target_semaphore(%arg15 : memref<!tpu.dma_semaphore, #tpu.memory_space<semaphore_mem>>)
      %slice3A_508 = vector.extract_strided_slice %get3A_58 {offsets = [14], sizes = [1], strides = [1]} : vector<16xi32> to vector<1xi32>
      %squeeze3A_509 = vector.extract %slice3A_508[0] : i32 from vector<1xi32>
      %add3A_510 = arith.constant 14 : i32
      %add3A_511 = arith.addi %mul3A_55, %add3A_510 : i32
      %dma_start3A_512 = arith.constant 0 : i32
      %dma_start3A_513 = tpu.memref_slice %arg12[%add3A_511, %dma_start3A_512] : memref<256x64xf32, #tpu.memory_space<vmem>> -> memref<1x64xf32, #tpu.memory_space<vmem>>
      %dma_start3A_514 = tpu.memref_squeeze %dma_start3A_513 : memref<1x64xf32, #tpu.memory_space<vmem>> -> memref<64xf32, #tpu.memory_space<vmem>>
      %dma_start3A_515 = arith.constant 0 : i32
      %dma_start3A_516 = tpu.memref_slice %arg2[%squeeze3A_509, %dma_start3A_515] : memref<1000001x64xf32, #tpu.memory_space<hbm>> -> memref<1x64xf32, #tpu.memory_space<hbm>>
      %dma_start3A_517 = tpu.memref_squeeze %dma_start3A_516 : memref<1x64xf32, #tpu.memory_space<hbm>> -> memref<64xf32, #tpu.memory_space<hbm>>
      %dma_start3A_518 = arith.constant 0 : i32
      %dma_start3A_519 = tpu.memref_slice %arg12[%add3A_511, %dma_start3A_518] : memref<256x64xf32, #tpu.memory_space<vmem>> -> memref<1x64xf32, #tpu.memory_space<vmem>>
      %dma_start3A_520 = tpu.memref_squeeze %dma_start3A_519 : memref<1x64xf32, #tpu.memory_space<vmem>> -> memref<64xf32, #tpu.memory_space<vmem>>
      %dma_start3A_521 = arith.constant 0 : i32
      %dma_start3A_522 = tpu.memref_slice %arg2[%squeeze3A_509, %dma_start3A_521] : memref<1000001x64xf32, #tpu.memory_space<hbm>> -> memref<1x64xf32, #tpu.memory_space<hbm>>
      %dma_start3A_523 = tpu.memref_squeeze %dma_start3A_522 : memref<1x64xf32, #tpu.memory_space<hbm>> -> memref<64xf32, #tpu.memory_space<hbm>>
      tpu.enqueue_dma source(%dma_start3A_523 : memref<64xf32, #tpu.memory_space<hbm>>) target(%dma_start3A_520 : memref<64xf32, #tpu.memory_space<vmem>>) target_semaphore(%arg15 : memref<!tpu.dma_semaphore, #tpu.memory_space<semaphore_mem>>)
      %slice3A_524 = vector.extract_strided_slice %get3A_62 {offsets = [14], sizes = [1], strides = [1]} : vector<16xi32> to vector<1xi32>
      %squeeze3A_525 = vector.extract %slice3A_524[0] : i32 from vector<1xi32>
      %add3A_526 = arith.constant 14 : i32
      %add3A_527 = arith.addi %mul3A_55, %add3A_526 : i32
      %dma_start3A_528 = arith.constant 0 : i32
      %dma_start3A_529 = tpu.memref_slice %arg13[%add3A_527, %dma_start3A_528] : memref<256x64xf32, #tpu.memory_space<vmem>> -> memref<1x64xf32, #tpu.memory_space<vmem>>
      %dma_start3A_530 = tpu.memref_squeeze %dma_start3A_529 : memref<1x64xf32, #tpu.memory_space<vmem>> -> memref<64xf32, #tpu.memory_space<vmem>>
      %dma_start3A_531 = arith.constant 0 : i32
      %dma_start3A_532 = tpu.memref_slice %arg2[%squeeze3A_525, %dma_start3A_531] : memref<1000001x64xf32, #tpu.memory_space<hbm>> -> memref<1x64xf32, #tpu.memory_space<hbm>>
      %dma_start3A_533 = tpu.memref_squeeze %dma_start3A_532 : memref<1x64xf32, #tpu.memory_space<hbm>> -> memref<64xf32, #tpu.memory_space<hbm>>
      %dma_start3A_534 = arith.constant 0 : i32
      %dma_start3A_535 = tpu.memref_slice %arg13[%add3A_527, %dma_start3A_534] : memref<256x64xf32, #tpu.memory_space<vmem>> -> memref<1x64xf32, #tpu.memory_space<vmem>>
      %dma_start3A_536 = tpu.memref_squeeze %dma_start3A_535 : memref<1x64xf32, #tpu.memory_space<vmem>> -> memref<64xf32, #tpu.memory_space<vmem>>
      %dma_start3A_537 = arith.constant 0 : i32
      %dma_start3A_538 = tpu.memref_slice %arg2[%squeeze3A_525, %dma_start3A_537] : memref<1000001x64xf32, #tpu.memory_space<hbm>> -> memref<1x64xf32, #tpu.memory_space<hbm>>
      %dma_start3A_539 = tpu.memref_squeeze %dma_start3A_538 : memref<1x64xf32, #tpu.memory_space<hbm>> -> memref<64xf32, #tpu.memory_space<hbm>>
      tpu.enqueue_dma source(%dma_start3A_539 : memref<64xf32, #tpu.memory_space<hbm>>) target(%dma_start3A_536 : memref<64xf32, #tpu.memory_space<vmem>>) target_semaphore(%arg15 : memref<!tpu.dma_semaphore, #tpu.memory_space<semaphore_mem>>)
      %slice3A_540 = vector.extract_strided_slice %get3A_58 {offsets = [15], sizes = [1], strides = [1]} : vector<16xi32> to vector<1xi32>
      %squeeze3A_541 = vector.extract %slice3A_540[0] : i32 from vector<1xi32>
      %add3A_542 = arith.constant 15 : i32
      %add3A_543 = arith.addi %mul3A_55, %add3A_542 : i32
      %dma_start3A_544 = arith.constant 0 : i32
      %dma_start3A_545 = tpu.memref_slice %arg12[%add3A_543, %dma_start3A_544] : memref<256x64xf32, #tpu.memory_space<vmem>> -> memref<1x64xf32, #tpu.memory_space<vmem>>
      %dma_start3A_546 = tpu.memref_squeeze %dma_start3A_545 : memref<1x64xf32, #tpu.memory_space<vmem>> -> memref<64xf32, #tpu.memory_space<vmem>>
      %dma_start3A_547 = arith.constant 0 : i32
      %dma_start3A_548 = tpu.memref_slice %arg2[%squeeze3A_541, %dma_start3A_547] : memref<1000001x64xf32, #tpu.memory_space<hbm>> -> memref<1x64xf32, #tpu.memory_space<hbm>>
      %dma_start3A_549 = tpu.memref_squeeze %dma_start3A_548 : memref<1x64xf32, #tpu.memory_space<hbm>> -> memref<64xf32, #tpu.memory_space<hbm>>
      %dma_start3A_550 = arith.constant 0 : i32
      %dma_start3A_551 = tpu.memref_slice %arg12[%add3A_543, %dma_start3A_550] : memref<256x64xf32, #tpu.memory_space<vmem>> -> memref<1x64xf32, #tpu.memory_space<vmem>>
      %dma_start3A_552 = tpu.memref_squeeze %dma_start3A_551 : memref<1x64xf32, #tpu.memory_space<vmem>> -> memref<64xf32, #tpu.memory_space<vmem>>
      %dma_start3A_553 = arith.constant 0 : i32
      %dma_start3A_554 = tpu.memref_slice %arg2[%squeeze3A_541, %dma_start3A_553] : memref<1000001x64xf32, #tpu.memory_space<hbm>> -> memref<1x64xf32, #tpu.memory_space<hbm>>
      %dma_start3A_555 = tpu.memref_squeeze %dma_start3A_554 : memref<1x64xf32, #tpu.memory_space<hbm>> -> memref<64xf32, #tpu.memory_space<hbm>>
      tpu.enqueue_dma source(%dma_start3A_555 : memref<64xf32, #tpu.memory_space<hbm>>) target(%dma_start3A_552 : memref<64xf32, #tpu.memory_space<vmem>>) target_semaphore(%arg15 : memref<!tpu.dma_semaphore, #tpu.memory_space<semaphore_mem>>)
      %slice3A_556 = vector.extract_strided_slice %get3A_62 {offsets = [15], sizes = [1], strides = [1]} : vector<16xi32> to vector<1xi32>
      %squeeze3A_557 = vector.extract %slice3A_556[0] : i32 from vector<1xi32>
      %add3A_558 = arith.constant 15 : i32
      %add3A_559 = arith.addi %mul3A_55, %add3A_558 : i32
      %dma_start3A_560 = arith.constant 0 : i32
      %dma_start3A_561 = tpu.memref_slice %arg13[%add3A_559, %dma_start3A_560] : memref<256x64xf32, #tpu.memory_space<vmem>> -> memref<1x64xf32, #tpu.memory_space<vmem>>
      %dma_start3A_562 = tpu.memref_squeeze %dma_start3A_561 : memref<1x64xf32, #tpu.memory_space<vmem>> -> memref<64xf32, #tpu.memory_space<vmem>>
      %dma_start3A_563 = arith.constant 0 : i32
      %dma_start3A_564 = tpu.memref_slice %arg2[%squeeze3A_557, %dma_start3A_563] : memref<1000001x64xf32, #tpu.memory_space<hbm>> -> memref<1x64xf32, #tpu.memory_space<hbm>>
      %dma_start3A_565 = tpu.memref_squeeze %dma_start3A_564 : memref<1x64xf32, #tpu.memory_space<hbm>> -> memref<64xf32, #tpu.memory_space<hbm>>
      %dma_start3A_566 = arith.constant 0 : i32
      %dma_start3A_567 = tpu.memref_slice %arg13[%add3A_559, %dma_start3A_566] : memref<256x64xf32, #tpu.memory_space<vmem>> -> memref<1x64xf32, #tpu.memory_space<vmem>>
      %dma_start3A_568 = tpu.memref_squeeze %dma_start3A_567 : memref<1x64xf32, #tpu.memory_space<vmem>> -> memref<64xf32, #tpu.memory_space<vmem>>
      %dma_start3A_569 = arith.constant 0 : i32
      %dma_start3A_570 = tpu.memref_slice %arg2[%squeeze3A_557, %dma_start3A_569] : memref<1000001x64xf32, #tpu.memory_space<hbm>> -> memref<1x64xf32, #tpu.memory_space<hbm>>
      %dma_start3A_571 = tpu.memref_squeeze %dma_start3A_570 : memref<1x64xf32, #tpu.memory_space<hbm>> -> memref<64xf32, #tpu.memory_space<hbm>>
      tpu.enqueue_dma source(%dma_start3A_571 : memref<64xf32, #tpu.memory_space<hbm>>) target(%dma_start3A_568 : memref<64xf32, #tpu.memory_space<vmem>>) target_semaphore(%arg15 : memref<!tpu.dma_semaphore, #tpu.memory_space<semaphore_mem>>)
    }
    %scan3A_7 = arith.constant 16 : i32
    %dma_wait3A = arith.constant 0 : i32
    %dma_wait3A_8 = arith.constant 0 : i32
    %dma_wait3A_9 = tpu.memref_slice %arg2[%dma_wait3A, %dma_wait3A_8] : memref<1000001x64xf32, #tpu.memory_space<hbm>> -> memref<256x64xf32, #tpu.memory_space<hbm>>
    %dma_wait3A_10 = arith.constant 0 : i32
    %dma_wait3A_11 = arith.constant 0 : i32
    %dma_wait3A_12 = tpu.memref_slice %arg2[%dma_wait3A_10, %dma_wait3A_11] : memref<1000001x64xf32, #tpu.memory_space<hbm>> -> memref<256x64xf32, #tpu.memory_space<hbm>>
    tpu.wait_dma2 semaphore(%arg15 : memref<!tpu.dma_semaphore, #tpu.memory_space<semaphore_mem>>) src(%dma_wait3A_12 : memref<256x64xf32, #tpu.memory_space<hbm>>) dst(%arg12 : memref<256x64xf32, #tpu.memory_space<vmem>>)
    %dma_wait3A_13 = arith.constant 0 : i32
    %dma_wait3A_14 = arith.constant 0 : i32
    %dma_wait3A_15 = tpu.memref_slice %arg2[%dma_wait3A_13, %dma_wait3A_14] : memref<1000001x64xf32, #tpu.memory_space<hbm>> -> memref<256x64xf32, #tpu.memory_space<hbm>>
    %dma_wait3A_16 = arith.constant 0 : i32
    %dma_wait3A_17 = arith.constant 0 : i32
    %dma_wait3A_18 = tpu.memref_slice %arg2[%dma_wait3A_16, %dma_wait3A_17] : memref<1000001x64xf32, #tpu.memory_space<hbm>> -> memref<256x64xf32, #tpu.memory_space<hbm>>
    tpu.wait_dma2 semaphore(%arg15 : memref<!tpu.dma_semaphore, #tpu.memory_space<semaphore_mem>>) src(%dma_wait3A_18 : memref<256x64xf32, #tpu.memory_space<hbm>>) dst(%arg13 : memref<256x64xf32, #tpu.memory_space<vmem>>)
    %scan3A_19 = arith.constant 0 : i32
    %scan3A_20 = arith.constant 0 : i32
    %scan3A_21 = arith.constant 16 : i32
    %scan3A_22 = arith.addi %scan3A_20, %scan3A_21 : i32
    %scan3A_23 = arith.constant 1 : i32
    scf.for %scan3A_53 = %scan3A_20 to %scan3A_22 step %scan3A_23  : i32 {
      %mul3A_54 = arith.constant 16 : i32
      %mul3A_55 = arith.muli %scan3A_53, %mul3A_54 : i32
      %add3A_56 = arith.constant 0 : i32
      %add3A_57 = arith.addi %add3A_56, %mul3A_55 : i32
      %get3A = arith.index_cast %add3A_57 : i32 to index
      %get3A_58 = tpu.vector_load %arg10[%get3A] {strides = array<i32>} : memref<512xi32, #tpu.memory_space<vmem>>, vector<16xi32>,
      %mul3A_59 = arith.constant 16 : i32
      %mul3A_60 = arith.muli %scan3A_53, %mul3A_59 : i32
      %add3A_61 = arith.constant 0 : i32
      %add3A_62 = arith.addi %mul3A_60, %add3A_61 : i32
      %slice3A = vector.extract_strided_slice %get3A_58 {offsets = [0], sizes = [1], strides = [1]} : vector<16xi32> to vector<1xi32>
      %squeeze3A = vector.extract %slice3A[0] : i32 from vector<1xi32>
      %get3A_63 = arith.index_cast %add3A_62 : i32 to index
      %get3A_64 = arith.constant 0 : index
      %get3A_65 = tpu.vector_load %arg12[%get3A_63, %get3A_64] {strides = array<i32>} : memref<256x64xf32, #tpu.memory_space<vmem>>, vector<16xf32>,
      %get3A_66 = arith.index_cast %squeeze3A : i32 to index
      %get3A_67 = arith.constant 0 : index
      %get3A_68 = tpu.vector_load %arg11[%get3A_66, %get3A_67] {strides = array<i32>} : memref<201x64xf32, #tpu.memory_space<vmem>>, vector<16xf32>,
      %add3A_69 = arith.addf %get3A_65, %get3A_68 : vector<16xf32>
      %get3A_70 = arith.index_cast %add3A_62 : i32 to index
      %get3A_71 = arith.constant 0 : index
      %get3A_72 = tpu.vector_load %arg13[%get3A_70, %get3A_71] {strides = array<i32>} : memref<256x64xf32, #tpu.memory_space<vmem>>, vector<16xf32>,
      %sub3A = arith.subf %add3A_69, %get3A_72 : vector<16xf32>
      %swap3A = arith.index_cast %add3A_62 : i32 to index
      %swap3A_73 = arith.constant 0 : index
      %swap3A_74 = tpu.vector_load %arg14[%swap3A, %swap3A_73] {strides = array<i32>} : memref<256x64xf32, #tpu.memory_space<vmem>>, vector<16xf32>,
      tpu.vector_store %arg14[%swap3A, %swap3A_73], %sub3A {strides = array<i32>} : memref<256x64xf32, #tpu.memory_space<vmem>>, vector<16xf32>,
      %get3A_75 = arith.index_cast %add3A_62 : i32 to index
      %get3A_76 = arith.constant 16 : index
      %get3A_77 = tpu.vector_load %arg12[%get3A_75, %get3A_76] {strides = array<i32>} : memref<256x64xf32, #tpu.memory_space<vmem>>, vector<16xf32>,
      %get3A_78 = arith.index_cast %squeeze3A : i32 to index
      %get3A_79 = arith.constant 16 : index
      %get3A_80 = tpu.vector_load %arg11[%get3A_78, %get3A_79] {strides = array<i32>} : memref<201x64xf32, #tpu.memory_space<vmem>>, vector<16xf32>,
      %add3A_81 = arith.addf %get3A_77, %get3A_80 : vector<16xf32>
      %get3A_82 = arith.index_cast %add3A_62 : i32 to index
      %get3A_83 = arith.constant 16 : index
      %get3A_84 = tpu.vector_load %arg13[%get3A_82, %get3A_83] {strides = array<i32>} : memref<256x64xf32, #tpu.memory_space<vmem>>, vector<16xf32>,
      %sub3A_85 = arith.subf %add3A_81, %get3A_84 : vector<16xf32>
      %swap3A_86 = arith.index_cast %add3A_62 : i32 to index
      %swap3A_87 = arith.constant 16 : index
      %swap3A_88 = tpu.vector_load %arg14[%swap3A_86, %swap3A_87] {strides = array<i32>} : memref<256x64xf32, #tpu.memory_space<vmem>>, vector<16xf32>,
      tpu.vector_store %arg14[%swap3A_86, %swap3A_87], %sub3A_85 {strides = array<i32>} : memref<256x64xf32, #tpu.memory_space<vmem>>, vector<16xf32>,
      %get3A_89 = arith.index_cast %add3A_62 : i32 to index
      %get3A_90 = arith.constant 32 : index
      %get3A_91 = tpu.vector_load %arg12[%get3A_89, %get3A_90] {strides = array<i32>} : memref<256x64xf32, #tpu.memory_space<vmem>>, vector<16xf32>,
      %get3A_92 = arith.index_cast %squeeze3A : i32 to index
      %get3A_93 = arith.constant 32 : index
      %get3A_94 = tpu.vector_load %arg11[%get3A_92, %get3A_93] {strides = array<i32>} : memref<201x64xf32, #tpu.memory_space<vmem>>, vector<16xf32>,
      %add3A_95 = arith.addf %get3A_91, %get3A_94 : vector<16xf32>
      %get3A_96 = arith.index_cast %add3A_62 : i32 to index
      %get3A_97 = arith.constant 32 : index
      %get3A_98 = tpu.vector_load %arg13[%get3A_96, %get3A_97] {strides = array<i32>} : memref<256x64xf32, #tpu.memory_space<vmem>>, vector<16xf32>,
      %sub3A_99 = arith.subf %add3A_95, %get3A_98 : vector<16xf32>
      %swap3A_100 = arith.index_cast %add3A_62 : i32 to index
      %swap3A_101 = arith.constant 32 : index
      %swap3A_102 = tpu.vector_load %arg14[%swap3A_100, %swap3A_101] {strides = array<i32>} : memref<256x64xf32, #tpu.memory_space<vmem>>, vector<16xf32>,
      tpu.vector_store %arg14[%swap3A_100, %swap3A_101], %sub3A_99 {strides = array<i32>} : memref<256x64xf32, #tpu.memory_space<vmem>>, vector<16xf32>,
      %get3A_103 = arith.index_cast %add3A_62 : i32 to index
      %get3A_104 = arith.constant 48 : index
      %get3A_105 = tpu.vector_load %arg12[%get3A_103, %get3A_104] {strides = array<i32>} : memref<256x64xf32, #tpu.memory_space<vmem>>, vector<16xf32>,
      %get3A_106 = arith.index_cast %squeeze3A : i32 to index
      %get3A_107 = arith.constant 48 : index
      %get3A_108 = tpu.vector_load %arg11[%get3A_106, %get3A_107] {strides = array<i32>} : memref<201x64xf32, #tpu.memory_space<vmem>>, vector<16xf32>,
      %add3A_109 = arith.addf %get3A_105, %get3A_108 : vector<16xf32>
      %get3A_110 = arith.index_cast %add3A_62 : i32 to index
      %get3A_111 = arith.constant 48 : index
      %get3A_112 = tpu.vector_load %arg13[%get3A_110, %get3A_111] {strides = array<i32>} : memref<256x64xf32, #tpu.memory_space<vmem>>, vector<16xf32>,
      %sub3A_113 = arith.subf %add3A_109, %get3A_112 : vector<16xf32>
      %swap3A_114 = arith.index_cast %add3A_62 : i32 to index
      %swap3A_115 = arith.constant 48 : index
      %swap3A_116 = tpu.vector_load %arg14[%swap3A_114, %swap3A_115] {strides = array<i32>} : memref<256x64xf32, #tpu.memory_space<vmem>>, vector<16xf32>,
      tpu.vector_store %arg14[%swap3A_114, %swap3A_115], %sub3A_113 {strides = array<i32>} : memref<256x64xf32, #tpu.memory_space<vmem>>, vector<16xf32>,
      %mul3A_117 = arith.constant 16 : i32
      %mul3A_118 = arith.muli %scan3A_53, %mul3A_117 : i32
      %add3A_119 = arith.constant 1 : i32
      %add3A_120 = arith.addi %mul3A_118, %add3A_119 : i32
      %slice3A_121 = vector.extract_strided_slice %get3A_58 {offsets = [1], sizes = [1], strides = [1]} : vector<16xi32> to vector<1xi32>
      %squeeze3A_122 = vector.extract %slice3A_121[0] : i32 from vector<1xi32>
      %get3A_123 = arith.index_cast %add3A_120 : i32 to index
      %get3A_124 = arith.constant 0 : index
      %get3A_125 = tpu.vector_load %arg12[%get3A_123, %get3A_124] {strides = array<i32>} : memref<256x64xf32, #tpu.memory_space<vmem>>, vector<16xf32>,
      %get3A_126 = arith.index_cast %squeeze3A_122 : i32 to index
      %get3A_127 = arith.constant 0 : index
      %get3A_128 = tpu.vector_load %arg11[%get3A_126, %get3A_127] {strides = array<i32>} : memref<201x64xf32, #tpu.memory_space<vmem>>, vector<16xf32>,
      %add3A_129 = arith.addf %get3A_125, %get3A_128 : vector<16xf32>
      %get3A_130 = arith.index_cast %add3A_120 : i32 to index
      %get3A_131 = arith.constant 0 : index
      %get3A_132 = tpu.vector_load %arg13[%get3A_130, %get3A_131] {strides = array<i32>} : memref<256x64xf32, #tpu.memory_space<vmem>>, vector<16xf32>,
      %sub3A_133 = arith.subf %add3A_129, %get3A_132 : vector<16xf32>
      %swap3A_134 = arith.index_cast %add3A_120 : i32 to index
      %swap3A_135 = arith.constant 0 : index
      %swap3A_136 = tpu.vector_load %arg14[%swap3A_134, %swap3A_135] {strides = array<i32>} : memref<256x64xf32, #tpu.memory_space<vmem>>, vector<16xf32>,
      tpu.vector_store %arg14[%swap3A_134, %swap3A_135], %sub3A_133 {strides = array<i32>} : memref<256x64xf32, #tpu.memory_space<vmem>>, vector<16xf32>,
      %get3A_137 = arith.index_cast %add3A_120 : i32 to index
      %get3A_138 = arith.constant 16 : index
      %get3A_139 = tpu.vector_load %arg12[%get3A_137, %get3A_138] {strides = array<i32>} : memref<256x64xf32, #tpu.memory_space<vmem>>, vector<16xf32>,
      %get3A_140 = arith.index_cast %squeeze3A_122 : i32 to index
      %get3A_141 = arith.constant 16 : index
      %get3A_142 = tpu.vector_load %arg11[%get3A_140, %get3A_141] {strides = array<i32>} : memref<201x64xf32, #tpu.memory_space<vmem>>, vector<16xf32>,
      %add3A_143 = arith.addf %get3A_139, %get3A_142 : vector<16xf32>
      %get3A_144 = arith.index_cast %add3A_120 : i32 to index
      %get3A_145 = arith.constant 16 : index
      %get3A_146 = tpu.vector_load %arg13[%get3A_144, %get3A_145] {strides = array<i32>} : memref<256x64xf32, #tpu.memory_space<vmem>>, vector<16xf32>,
      %sub3A_147 = arith.subf %add3A_143, %get3A_146 : vector<16xf32>
      %swap3A_148 = arith.index_cast %add3A_120 : i32 to index
      %swap3A_149 = arith.constant 16 : index
      %swap3A_150 = tpu.vector_load %arg14[%swap3A_148, %swap3A_149] {strides = array<i32>} : memref<256x64xf32, #tpu.memory_space<vmem>>, vector<16xf32>,
      tpu.vector_store %arg14[%swap3A_148, %swap3A_149], %sub3A_147 {strides = array<i32>} : memref<256x64xf32, #tpu.memory_space<vmem>>, vector<16xf32>,
      %get3A_151 = arith.index_cast %add3A_120 : i32 to index
      %get3A_152 = arith.constant 32 : index
      %get3A_153 = tpu.vector_load %arg12[%get3A_151, %get3A_152] {strides = array<i32>} : memref<256x64xf32, #tpu.memory_space<vmem>>, vector<16xf32>,
      %get3A_154 = arith.index_cast %squeeze3A_122 : i32 to index
      %get3A_155 = arith.constant 32 : index
      %get3A_156 = tpu.vector_load %arg11[%get3A_154, %get3A_155] {strides = array<i32>} : memref<201x64xf32, #tpu.memory_space<vmem>>, vector<16xf32>,
      %add3A_157 = arith.addf %get3A_153, %get3A_156 : vector<16xf32>
      %get3A_158 = arith.index_cast %add3A_120 : i32 to index
      %get3A_159 = arith.constant 32 : index
      %get3A_160 = tpu.vector_load %arg13[%get3A_158, %get3A_159] {strides = array<i32>} : memref<256x64xf32, #tpu.memory_space<vmem>>, vector<16xf32>,
      %sub3A_161 = arith.subf %add3A_157, %get3A_160 : vector<16xf32>
      %swap3A_162 = arith.index_cast %add3A_120 : i32 to index
      %swap3A_163 = arith.constant 32 : index
      %swap3A_164 = tpu.vector_load %arg14[%swap3A_162, %swap3A_163] {strides = array<i32>} : memref<256x64xf32, #tpu.memory_space<vmem>>, vector<16xf32>,
      tpu.vector_store %arg14[%swap3A_162, %swap3A_163], %sub3A_161 {strides = array<i32>} : memref<256x64xf32, #tpu.memory_space<vmem>>, vector<16xf32>,
      %get3A_165 = arith.index_cast %add3A_120 : i32 to index
      %get3A_166 = arith.constant 48 : index
      %get3A_167 = tpu.vector_load %arg12[%get3A_165, %get3A_166] {strides = array<i32>} : memref<256x64xf32, #tpu.memory_space<vmem>>, vector<16xf32>,
      %get3A_168 = arith.index_cast %squeeze3A_122 : i32 to index
      %get3A_169 = arith.constant 48 : index
      %get3A_170 = tpu.vector_load %arg11[%get3A_168, %get3A_169] {strides = array<i32>} : memref<201x64xf32, #tpu.memory_space<vmem>>, vector<16xf32>,
      %add3A_171 = arith.addf %get3A_167, %get3A_170 : vector<16xf32>
      %get3A_172 = arith.index_cast %add3A_120 : i32 to index
      %get3A_173 = arith.constant 48 : index
      %get3A_174 = tpu.vector_load %arg13[%get3A_172, %get3A_173] {strides = array<i32>} : memref<256x64xf32, #tpu.memory_space<vmem>>, vector<16xf32>,
      %sub3A_175 = arith.subf %add3A_171, %get3A_174 : vector<16xf32>
      %swap3A_176 = arith.index_cast %add3A_120 : i32 to index
      %swap3A_177 = arith.constant 48 : index
      %swap3A_178 = tpu.vector_load %arg14[%swap3A_176, %swap3A_177] {strides = array<i32>} : memref<256x64xf32, #tpu.memory_space<vmem>>, vector<16xf32>,
      tpu.vector_store %arg14[%swap3A_176, %swap3A_177], %sub3A_175 {strides = array<i32>} : memref<256x64xf32, #tpu.memory_space<vmem>>, vector<16xf32>,
      %mul3A_179 = arith.constant 16 : i32
      %mul3A_180 = arith.muli %scan3A_53, %mul3A_179 : i32
      %add3A_181 = arith.constant 2 : i32
      %add3A_182 = arith.addi %mul3A_180, %add3A_181 : i32
      %slice3A_183 = vector.extract_strided_slice %get3A_58 {offsets = [2], sizes = [1], strides = [1]} : vector<16xi32> to vector<1xi32>
      %squeeze3A_184 = vector.extract %slice3A_183[0] : i32 from vector<1xi32>
      %get3A_185 = arith.index_cast %add3A_182 : i32 to index
      %get3A_186 = arith.constant 0 : index
      %get3A_187 = tpu.vector_load %arg12[%get3A_185, %get3A_186] {strides = array<i32>} : memref<256x64xf32, #tpu.memory_space<vmem>>, vector<16xf32>,
      %get3A_188 = arith.index_cast %squeeze3A_184 : i32 to index
      %get3A_189 = arith.constant 0 : index
      %get3A_190 = tpu.vector_load %arg11[%get3A_188, %get3A_189] {strides = array<i32>} : memref<201x64xf32, #tpu.memory_space<vmem>>, vector<16xf32>,
      %add3A_191 = arith.addf %get3A_187, %get3A_190 : vector<16xf32>
      %get3A_192 = arith.index_cast %add3A_182 : i32 to index
      %get3A_193 = arith.constant 0 : index
      %get3A_194 = tpu.vector_load %arg13[%get3A_192, %get3A_193] {strides = array<i32>} : memref<256x64xf32, #tpu.memory_space<vmem>>, vector<16xf32>,
      %sub3A_195 = arith.subf %add3A_191, %get3A_194 : vector<16xf32>
      %swap3A_196 = arith.index_cast %add3A_182 : i32 to index
      %swap3A_197 = arith.constant 0 : index
      %swap3A_198 = tpu.vector_load %arg14[%swap3A_196, %swap3A_197] {strides = array<i32>} : memref<256x64xf32, #tpu.memory_space<vmem>>, vector<16xf32>,
      tpu.vector_store %arg14[%swap3A_196, %swap3A_197], %sub3A_195 {strides = array<i32>} : memref<256x64xf32, #tpu.memory_space<vmem>>, vector<16xf32>,
      %get3A_199 = arith.index_cast %add3A_182 : i32 to index
      %get3A_200 = arith.constant 16 : index
      %get3A_201 = tpu.vector_load %arg12[%get3A_199, %get3A_200] {strides = array<i32>} : memref<256x64xf32, #tpu.memory_space<vmem>>, vector<16xf32>,
      %get3A_202 = arith.index_cast %squeeze3A_184 : i32 to index
      %get3A_203 = arith.constant 16 : index
      %get3A_204 = tpu.vector_load %arg11[%get3A_202, %get3A_203] {strides = array<i32>} : memref<201x64xf32, #tpu.memory_space<vmem>>, vector<16xf32>,
      %add3A_205 = arith.addf %get3A_201, %get3A_204 : vector<16xf32>
      %get3A_206 = arith.index_cast %add3A_182 : i32 to index
      %get3A_207 = arith.constant 16 : index
      %get3A_208 = tpu.vector_load %arg13[%get3A_206, %get3A_207] {strides = array<i32>} : memref<256x64xf32, #tpu.memory_space<vmem>>, vector<16xf32>,
      %sub3A_209 = arith.subf %add3A_205, %get3A_208 : vector<16xf32>
      %swap3A_210 = arith.index_cast %add3A_182 : i32 to index
      %swap3A_211 = arith.constant 16 : index
      %swap3A_212 = tpu.vector_load %arg14[%swap3A_210, %swap3A_211] {strides = array<i32>} : memref<256x64xf32, #tpu.memory_space<vmem>>, vector<16xf32>,
      tpu.vector_store %arg14[%swap3A_210, %swap3A_211], %sub3A_209 {strides = array<i32>} : memref<256x64xf32, #tpu.memory_space<vmem>>, vector<16xf32>,
      %get3A_213 = arith.index_cast %add3A_182 : i32 to index
      %get3A_214 = arith.constant 32 : index
      %get3A_215 = tpu.vector_load %arg12[%get3A_213, %get3A_214] {strides = array<i32>} : memref<256x64xf32, #tpu.memory_space<vmem>>, vector<16xf32>,
      %get3A_216 = arith.index_cast %squeeze3A_184 : i32 to index
      %get3A_217 = arith.constant 32 : index
      %get3A_218 = tpu.vector_load %arg11[%get3A_216, %get3A_217] {strides = array<i32>} : memref<201x64xf32, #tpu.memory_space<vmem>>, vector<16xf32>,
      %add3A_219 = arith.addf %get3A_215, %get3A_218 : vector<16xf32>
      %get3A_220 = arith.index_cast %add3A_182 : i32 to index
      %get3A_221 = arith.constant 32 : index
      %get3A_222 = tpu.vector_load %arg13[%get3A_220, %get3A_221] {strides = array<i32>} : memref<256x64xf32, #tpu.memory_space<vmem>>, vector<16xf32>,
      %sub3A_223 = arith.subf %add3A_219, %get3A_222 : vector<16xf32>
      %swap3A_224 = arith.index_cast %add3A_182 : i32 to index
      %swap3A_225 = arith.constant 32 : index
      %swap3A_226 = tpu.vector_load %arg14[%swap3A_224, %swap3A_225] {strides = array<i32>} : memref<256x64xf32, #tpu.memory_space<vmem>>, vector<16xf32>,
      tpu.vector_store %arg14[%swap3A_224, %swap3A_225], %sub3A_223 {strides = array<i32>} : memref<256x64xf32, #tpu.memory_space<vmem>>, vector<16xf32>,
      %get3A_227 = arith.index_cast %add3A_182 : i32 to index
      %get3A_228 = arith.constant 48 : index
      %get3A_229 = tpu.vector_load %arg12[%get3A_227, %get3A_228] {strides = array<i32>} : memref<256x64xf32, #tpu.memory_space<vmem>>, vector<16xf32>,
      %get3A_230 = arith.index_cast %squeeze3A_184 : i32 to index
      %get3A_231 = arith.constant 48 : index
      %get3A_232 = tpu.vector_load %arg11[%get3A_230, %get3A_231] {strides = array<i32>} : memref<201x64xf32, #tpu.memory_space<vmem>>, vector<16xf32>,
      %add3A_233 = arith.addf %get3A_229, %get3A_232 : vector<16xf32>
      %get3A_234 = arith.index_cast %add3A_182 : i32 to index
      %get3A_235 = arith.constant 48 : index
      %get3A_236 = tpu.vector_load %arg13[%get3A_234, %get3A_235] {strides = array<i32>} : memref<256x64xf32, #tpu.memory_space<vmem>>, vector<16xf32>,
      %sub3A_237 = arith.subf %add3A_233, %get3A_236 : vector<16xf32>
      %swap3A_238 = arith.index_cast %add3A_182 : i32 to index
      %swap3A_239 = arith.constant 48 : index
      %swap3A_240 = tpu.vector_load %arg14[%swap3A_238, %swap3A_239] {strides = array<i32>} : memref<256x64xf32, #tpu.memory_space<vmem>>, vector<16xf32>,
      tpu.vector_store %arg14[%swap3A_238, %swap3A_239], %sub3A_237 {strides = array<i32>} : memref<256x64xf32, #tpu.memory_space<vmem>>, vector<16xf32>,
      %mul3A_241 = arith.constant 16 : i32
      %mul3A_242 = arith.muli %scan3A_53, %mul3A_241 : i32
      %add3A_243 = arith.constant 3 : i32
      %add3A_244 = arith.addi %mul3A_242, %add3A_243 : i32
      %slice3A_245 = vector.extract_strided_slice %get3A_58 {offsets = [3], sizes = [1], strides = [1]} : vector<16xi32> to vector<1xi32>
      %squeeze3A_246 = vector.extract %slice3A_245[0] : i32 from vector<1xi32>
      %get3A_247 = arith.index_cast %add3A_244 : i32 to index
      %get3A_248 = arith.constant 0 : index
      %get3A_249 = tpu.vector_load %arg12[%get3A_247, %get3A_248] {strides = array<i32>} : memref<256x64xf32, #tpu.memory_space<vmem>>, vector<16xf32>,
      %get3A_250 = arith.index_cast %squeeze3A_246 : i32 to index
      %get3A_251 = arith.constant 0 : index
      %get3A_252 = tpu.vector_load %arg11[%get3A_250, %get3A_251] {strides = array<i32>} : memref<201x64xf32, #tpu.memory_space<vmem>>, vector<16xf32>,
      %add3A_253 = arith.addf %get3A_249, %get3A_252 : vector<16xf32>
      %get3A_254 = arith.index_cast %add3A_244 : i32 to index
      %get3A_255 = arith.constant 0 : index
      %get3A_256 = tpu.vector_load %arg13[%get3A_254, %get3A_255] {strides = array<i32>} : memref<256x64xf32, #tpu.memory_space<vmem>>, vector<16xf32>,
      %sub3A_257 = arith.subf %add3A_253, %get3A_256 : vector<16xf32>
      %swap3A_258 = arith.index_cast %add3A_244 : i32 to index
      %swap3A_259 = arith.constant 0 : index
      %swap3A_260 = tpu.vector_load %arg14[%swap3A_258, %swap3A_259] {strides = array<i32>} : memref<256x64xf32, #tpu.memory_space<vmem>>, vector<16xf32>,
      tpu.vector_store %arg14[%swap3A_258, %swap3A_259], %sub3A_257 {strides = array<i32>} : memref<256x64xf32, #tpu.memory_space<vmem>>, vector<16xf32>,
      %get3A_261 = arith.index_cast %add3A_244 : i32 to index
      %get3A_262 = arith.constant 16 : index
      %get3A_263 = tpu.vector_load %arg12[%get3A_261, %get3A_262] {strides = array<i32>} : memref<256x64xf32, #tpu.memory_space<vmem>>, vector<16xf32>,
      %get3A_264 = arith.index_cast %squeeze3A_246 : i32 to index
      %get3A_265 = arith.constant 16 : index
      %get3A_266 = tpu.vector_load %arg11[%get3A_264, %get3A_265] {strides = array<i32>} : memref<201x64xf32, #tpu.memory_space<vmem>>, vector<16xf32>,
      %add3A_267 = arith.addf %get3A_263, %get3A_266 : vector<16xf32>
      %get3A_268 = arith.index_cast %add3A_244 : i32 to index
      %get3A_269 = arith.constant 16 : index
      %get3A_270 = tpu.vector_load %arg13[%get3A_268, %get3A_269] {strides = array<i32>} : memref<256x64xf32, #tpu.memory_space<vmem>>, vector<16xf32>,
      %sub3A_271 = arith.subf %add3A_267, %get3A_270 : vector<16xf32>
      %swap3A_272 = arith.index_cast %add3A_244 : i32 to index
      %swap3A_273 = arith.constant 16 : index
      %swap3A_274 = tpu.vector_load %arg14[%swap3A_272, %swap3A_273] {strides = array<i32>} : memref<256x64xf32, #tpu.memory_space<vmem>>, vector<16xf32>,
      tpu.vector_store %arg14[%swap3A_272, %swap3A_273], %sub3A_271 {strides = array<i32>} : memref<256x64xf32, #tpu.memory_space<vmem>>, vector<16xf32>,
      %get3A_275 = arith.index_cast %add3A_244 : i32 to index
      %get3A_276 = arith.constant 32 : index
      %get3A_277 = tpu.vector_load %arg12[%get3A_275, %get3A_276] {strides = array<i32>} : memref<256x64xf32, #tpu.memory_space<vmem>>, vector<16xf32>,
      %get3A_278 = arith.index_cast %squeeze3A_246 : i32 to index
      %get3A_279 = arith.constant 32 : index
      %get3A_280 = tpu.vector_load %arg11[%get3A_278, %get3A_279] {strides = array<i32>} : memref<201x64xf32, #tpu.memory_space<vmem>>, vector<16xf32>,
      %add3A_281 = arith.addf %get3A_277, %get3A_280 : vector<16xf32>
      %get3A_282 = arith.index_cast %add3A_244 : i32 to index
      %get3A_283 = arith.constant 32 : index
      %get3A_284 = tpu.vector_load %arg13[%get3A_282, %get3A_283] {strides = array<i32>} : memref<256x64xf32, #tpu.memory_space<vmem>>, vector<16xf32>,
      %sub3A_285 = arith.subf %add3A_281, %get3A_284 : vector<16xf32>
      %swap3A_286 = arith.index_cast %add3A_244 : i32 to index
      %swap3A_287 = arith.constant 32 : index
      %swap3A_288 = tpu.vector_load %arg14[%swap3A_286, %swap3A_287] {strides = array<i32>} : memref<256x64xf32, #tpu.memory_space<vmem>>, vector<16xf32>,
      tpu.vector_store %arg14[%swap3A_286, %swap3A_287], %sub3A_285 {strides = array<i32>} : memref<256x64xf32, #tpu.memory_space<vmem>>, vector<16xf32>,
      %get3A_289 = arith.index_cast %add3A_244 : i32 to index
      %get3A_290 = arith.constant 48 : index
      %get3A_291 = tpu.vector_load %arg12[%get3A_289, %get3A_290] {strides = array<i32>} : memref<256x64xf32, #tpu.memory_space<vmem>>, vector<16xf32>,
      %get3A_292 = arith.index_cast %squeeze3A_246 : i32 to index
      %get3A_293 = arith.constant 48 : index
      %get3A_294 = tpu.vector_load %arg11[%get3A_292, %get3A_293] {strides = array<i32>} : memref<201x64xf32, #tpu.memory_space<vmem>>, vector<16xf32>,
      %add3A_295 = arith.addf %get3A_291, %get3A_294 : vector<16xf32>
      %get3A_296 = arith.index_cast %add3A_244 : i32 to index
      %get3A_297 = arith.constant 48 : index
      %get3A_298 = tpu.vector_load %arg13[%get3A_296, %get3A_297] {strides = array<i32>} : memref<256x64xf32, #tpu.memory_space<vmem>>, vector<16xf32>,
      %sub3A_299 = arith.subf %add3A_295, %get3A_298 : vector<16xf32>
      %swap3A_300 = arith.index_cast %add3A_244 : i32 to index
      %swap3A_301 = arith.constant 48 : index
      %swap3A_302 = tpu.vector_load %arg14[%swap3A_300, %swap3A_301] {strides = array<i32>} : memref<256x64xf32, #tpu.memory_space<vmem>>, vector<16xf32>,
      tpu.vector_store %arg14[%swap3A_300, %swap3A_301], %sub3A_299 {strides = array<i32>} : memref<256x64xf32, #tpu.memory_space<vmem>>, vector<16xf32>,
      %mul3A_303 = arith.constant 16 : i32
      %mul3A_304 = arith.muli %scan3A_53, %mul3A_303 : i32
      %add3A_305 = arith.constant 4 : i32
      %add3A_306 = arith.addi %mul3A_304, %add3A_305 : i32
      %slice3A_307 = vector.extract_strided_slice %get3A_58 {offsets = [4], sizes = [1], strides = [1]} : vector<16xi32> to vector<1xi32>
      %squeeze3A_308 = vector.extract %slice3A_307[0] : i32 from vector<1xi32>
      %get3A_309 = arith.index_cast %add3A_306 : i32 to index
      %get3A_310 = arith.constant 0 : index
      %get3A_311 = tpu.vector_load %arg12[%get3A_309, %get3A_310] {strides = array<i32>} : memref<256x64xf32, #tpu.memory_space<vmem>>, vector<16xf32>,
      %get3A_312 = arith.index_cast %squeeze3A_308 : i32 to index
      %get3A_313 = arith.constant 0 : index
      %get3A_314 = tpu.vector_load %arg11[%get3A_312, %get3A_313] {strides = array<i32>} : memref<201x64xf32, #tpu.memory_space<vmem>>, vector<16xf32>,
      %add3A_315 = arith.addf %get3A_311, %get3A_314 : vector<16xf32>
      %get3A_316 = arith.index_cast %add3A_306 : i32 to index
      %get3A_317 = arith.constant 0 : index
      %get3A_318 = tpu.vector_load %arg13[%get3A_316, %get3A_317] {strides = array<i32>} : memref<256x64xf32, #tpu.memory_space<vmem>>, vector<16xf32>,
      %sub3A_319 = arith.subf %add3A_315, %get3A_318 : vector<16xf32>
      %swap3A_320 = arith.index_cast %add3A_306 : i32 to index
      %swap3A_321 = arith.constant 0 : index
      %swap3A_322 = tpu.vector_load %arg14[%swap3A_320, %swap3A_321] {strides = array<i32>} : memref<256x64xf32, #tpu.memory_space<vmem>>, vector<16xf32>,
      tpu.vector_store %arg14[%swap3A_320, %swap3A_321], %sub3A_319 {strides = array<i32>} : memref<256x64xf32, #tpu.memory_space<vmem>>, vector<16xf32>,
      %get3A_323 = arith.index_cast %add3A_306 : i32 to index
      %get3A_324 = arith.constant 16 : index
      %get3A_325 = tpu.vector_load %arg12[%get3A_323, %get3A_324] {strides = array<i32>} : memref<256x64xf32, #tpu.memory_space<vmem>>, vector<16xf32>,
      %get3A_326 = arith.index_cast %squeeze3A_308 : i32 to index
      %get3A_327 = arith.constant 16 : index
      %get3A_328 = tpu.vector_load %arg11[%get3A_326, %get3A_327] {strides = array<i32>} : memref<201x64xf32, #tpu.memory_space<vmem>>, vector<16xf32>,
      %add3A_329 = arith.addf %get3A_325, %get3A_328 : vector<16xf32>
      %get3A_330 = arith.index_cast %add3A_306 : i32 to index
      %get3A_331 = arith.constant 16 : index
      %get3A_332 = tpu.vector_load %arg13[%get3A_330, %get3A_331] {strides = array<i32>} : memref<256x64xf32, #tpu.memory_space<vmem>>, vector<16xf32>,
      %sub3A_333 = arith.subf %add3A_329, %get3A_332 : vector<16xf32>
      %swap3A_334 = arith.index_cast %add3A_306 : i32 to index
      %swap3A_335 = arith.constant 16 : index
      %swap3A_336 = tpu.vector_load %arg14[%swap3A_334, %swap3A_335] {strides = array<i32>} : memref<256x64xf32, #tpu.memory_space<vmem>>, vector<16xf32>,
      tpu.vector_store %arg14[%swap3A_334, %swap3A_335], %sub3A_333 {strides = array<i32>} : memref<256x64xf32, #tpu.memory_space<vmem>>, vector<16xf32>,
      %get3A_337 = arith.index_cast %add3A_306 : i32 to index
      %get3A_338 = arith.constant 32 : index
      %get3A_339 = tpu.vector_load %arg12[%get3A_337, %get3A_338] {strides = array<i32>} : memref<256x64xf32, #tpu.memory_space<vmem>>, vector<16xf32>,
      %get3A_340 = arith.index_cast %squeeze3A_308 : i32 to index
      %get3A_341 = arith.constant 32 : index
      %get3A_342 = tpu.vector_load %arg11[%get3A_340, %get3A_341] {strides = array<i32>} : memref<201x64xf32, #tpu.memory_space<vmem>>, vector<16xf32>,
      %add3A_343 = arith.addf %get3A_339, %get3A_342 : vector<16xf32>
      %get3A_344 = arith.index_cast %add3A_306 : i32 to index
      %get3A_345 = arith.constant 32 : index
      %get3A_346 = tpu.vector_load %arg13[%get3A_344, %get3A_345] {strides = array<i32>} : memref<256x64xf32, #tpu.memory_space<vmem>>, vector<16xf32>,
      %sub3A_347 = arith.subf %add3A_343, %get3A_346 : vector<16xf32>
      %swap3A_348 = arith.index_cast %add3A_306 : i32 to index
      %swap3A_349 = arith.constant 32 : index
      %swap3A_350 = tpu.vector_load %arg14[%swap3A_348, %swap3A_349] {strides = array<i32>} : memref<256x64xf32, #tpu.memory_space<vmem>>, vector<16xf32>,
      tpu.vector_store %arg14[%swap3A_348, %swap3A_349], %sub3A_347 {strides = array<i32>} : memref<256x64xf32, #tpu.memory_space<vmem>>, vector<16xf32>,
      %get3A_351 = arith.index_cast %add3A_306 : i32 to index
      %get3A_352 = arith.constant 48 : index
      %get3A_353 = tpu.vector_load %arg12[%get3A_351, %get3A_352] {strides = array<i32>} : memref<256x64xf32, #tpu.memory_space<vmem>>, vector<16xf32>,
      %get3A_354 = arith.index_cast %squeeze3A_308 : i32 to index
      %get3A_355 = arith.constant 48 : index
      %get3A_356 = tpu.vector_load %arg11[%get3A_354, %get3A_355] {strides = array<i32>} : memref<201x64xf32, #tpu.memory_space<vmem>>, vector<16xf32>,
      %add3A_357 = arith.addf %get3A_353, %get3A_356 : vector<16xf32>
      %get3A_358 = arith.index_cast %add3A_306 : i32 to index
      %get3A_359 = arith.constant 48 : index
      %get3A_360 = tpu.vector_load %arg13[%get3A_358, %get3A_359] {strides = array<i32>} : memref<256x64xf32, #tpu.memory_space<vmem>>, vector<16xf32>,
      %sub3A_361 = arith.subf %add3A_357, %get3A_360 : vector<16xf32>
      %swap3A_362 = arith.index_cast %add3A_306 : i32 to index
      %swap3A_363 = arith.constant 48 : index
      %swap3A_364 = tpu.vector_load %arg14[%swap3A_362, %swap3A_363] {strides = array<i32>} : memref<256x64xf32, #tpu.memory_space<vmem>>, vector<16xf32>,
      tpu.vector_store %arg14[%swap3A_362, %swap3A_363], %sub3A_361 {strides = array<i32>} : memref<256x64xf32, #tpu.memory_space<vmem>>, vector<16xf32>,
      %mul3A_365 = arith.constant 16 : i32
      %mul3A_366 = arith.muli %scan3A_53, %mul3A_365 : i32
      %add3A_367 = arith.constant 5 : i32
      %add3A_368 = arith.addi %mul3A_366, %add3A_367 : i32
      %slice3A_369 = vector.extract_strided_slice %get3A_58 {offsets = [5], sizes = [1], strides = [1]} : vector<16xi32> to vector<1xi32>
      %squeeze3A_370 = vector.extract %slice3A_369[0] : i32 from vector<1xi32>
      %get3A_371 = arith.index_cast %add3A_368 : i32 to index
      %get3A_372 = arith.constant 0 : index
      %get3A_373 = tpu.vector_load %arg12[%get3A_371, %get3A_372] {strides = array<i32>} : memref<256x64xf32, #tpu.memory_space<vmem>>, vector<16xf32>,
      %get3A_374 = arith.index_cast %squeeze3A_370 : i32 to index
      %get3A_375 = arith.constant 0 : index
      %get3A_376 = tpu.vector_load %arg11[%get3A_374, %get3A_375] {strides = array<i32>} : memref<201x64xf32, #tpu.memory_space<vmem>>, vector<16xf32>,
      %add3A_377 = arith.addf %get3A_373, %get3A_376 : vector<16xf32>
      %get3A_378 = arith.index_cast %add3A_368 : i32 to index
      %get3A_379 = arith.constant 0 : index
      %get3A_380 = tpu.vector_load %arg13[%get3A_378, %get3A_379] {strides = array<i32>} : memref<256x64xf32, #tpu.memory_space<vmem>>, vector<16xf32>,
      %sub3A_381 = arith.subf %add3A_377, %get3A_380 : vector<16xf32>
      %swap3A_382 = arith.index_cast %add3A_368 : i32 to index
      %swap3A_383 = arith.constant 0 : index
      %swap3A_384 = tpu.vector_load %arg14[%swap3A_382, %swap3A_383] {strides = array<i32>} : memref<256x64xf32, #tpu.memory_space<vmem>>, vector<16xf32>,
      tpu.vector_store %arg14[%swap3A_382, %swap3A_383], %sub3A_381 {strides = array<i32>} : memref<256x64xf32, #tpu.memory_space<vmem>>, vector<16xf32>,
      %get3A_385 = arith.index_cast %add3A_368 : i32 to index
      %get3A_386 = arith.constant 16 : index
      %get3A_387 = tpu.vector_load %arg12[%get3A_385, %get3A_386] {strides = array<i32>} : memref<256x64xf32, #tpu.memory_space<vmem>>, vector<16xf32>,
      %get3A_388 = arith.index_cast %squeeze3A_370 : i32 to index
      %get3A_389 = arith.constant 16 : index
      %get3A_390 = tpu.vector_load %arg11[%get3A_388, %get3A_389] {strides = array<i32>} : memref<201x64xf32, #tpu.memory_space<vmem>>, vector<16xf32>,
      %add3A_391 = arith.addf %get3A_387, %get3A_390 : vector<16xf32>
      %get3A_392 = arith.index_cast %add3A_368 : i32 to index
      %get3A_393 = arith.constant 16 : index
      %get3A_394 = tpu.vector_load %arg13[%get3A_392, %get3A_393] {strides = array<i32>} : memref<256x64xf32, #tpu.memory_space<vmem>>, vector<16xf32>,
      %sub3A_395 = arith.subf %add3A_391, %get3A_394 : vector<16xf32>
      %swap3A_396 = arith.index_cast %add3A_368 : i32 to index
      %swap3A_397 = arith.constant 16 : index
      %swap3A_398 = tpu.vector_load %arg14[%swap3A_396, %swap3A_397] {strides = array<i32>} : memref<256x64xf32, #tpu.memory_space<vmem>>, vector<16xf32>,
      tpu.vector_store %arg14[%swap3A_396, %swap3A_397], %sub3A_395 {strides = array<i32>} : memref<256x64xf32, #tpu.memory_space<vmem>>, vector<16xf32>,
      %get3A_399 = arith.index_cast %add3A_368 : i32 to index
      %get3A_400 = arith.constant 32 : index
      %get3A_401 = tpu.vector_load %arg12[%get3A_399, %get3A_400] {strides = array<i32>} : memref<256x64xf32, #tpu.memory_space<vmem>>, vector<16xf32>,
      %get3A_402 = arith.index_cast %squeeze3A_370 : i32 to index
      %get3A_403 = arith.constant 32 : index
      %get3A_404 = tpu.vector_load %arg11[%get3A_402, %get3A_403] {strides = array<i32>} : memref<201x64xf32, #tpu.memory_space<vmem>>, vector<16xf32>,
      %add3A_405 = arith.addf %get3A_401, %get3A_404 : vector<16xf32>
      %get3A_406 = arith.index_cast %add3A_368 : i32 to index
      %get3A_407 = arith.constant 32 : index
      %get3A_408 = tpu.vector_load %arg13[%get3A_406, %get3A_407] {strides = array<i32>} : memref<256x64xf32, #tpu.memory_space<vmem>>, vector<16xf32>,
      %sub3A_409 = arith.subf %add3A_405, %get3A_408 : vector<16xf32>
      %swap3A_410 = arith.index_cast %add3A_368 : i32 to index
      %swap3A_411 = arith.constant 32 : index
      %swap3A_412 = tpu.vector_load %arg14[%swap3A_410, %swap3A_411] {strides = array<i32>} : memref<256x64xf32, #tpu.memory_space<vmem>>, vector<16xf32>,
      tpu.vector_store %arg14[%swap3A_410, %swap3A_411], %sub3A_409 {strides = array<i32>} : memref<256x64xf32, #tpu.memory_space<vmem>>, vector<16xf32>,
      %get3A_413 = arith.index_cast %add3A_368 : i32 to index
      %get3A_414 = arith.constant 48 : index
      %get3A_415 = tpu.vector_load %arg12[%get3A_413, %get3A_414] {strides = array<i32>} : memref<256x64xf32, #tpu.memory_space<vmem>>, vector<16xf32>,
      %get3A_416 = arith.index_cast %squeeze3A_370 : i32 to index
      %get3A_417 = arith.constant 48 : index
      %get3A_418 = tpu.vector_load %arg11[%get3A_416, %get3A_417] {strides = array<i32>} : memref<201x64xf32, #tpu.memory_space<vmem>>, vector<16xf32>,
      %add3A_419 = arith.addf %get3A_415, %get3A_418 : vector<16xf32>
      %get3A_420 = arith.index_cast %add3A_368 : i32 to index
      %get3A_421 = arith.constant 48 : index
      %get3A_422 = tpu.vector_load %arg13[%get3A_420, %get3A_421] {strides = array<i32>} : memref<256x64xf32, #tpu.memory_space<vmem>>, vector<16xf32>,
      %sub3A_423 = arith.subf %add3A_419, %get3A_422 : vector<16xf32>
      %swap3A_424 = arith.index_cast %add3A_368 : i32 to index
      %swap3A_425 = arith.constant 48 : index
      %swap3A_426 = tpu.vector_load %arg14[%swap3A_424, %swap3A_425] {strides = array<i32>} : memref<256x64xf32, #tpu.memory_space<vmem>>, vector<16xf32>,
      tpu.vector_store %arg14[%swap3A_424, %swap3A_425], %sub3A_423 {strides = array<i32>} : memref<256x64xf32, #tpu.memory_space<vmem>>, vector<16xf32>,
      %mul3A_427 = arith.constant 16 : i32
      %mul3A_428 = arith.muli %scan3A_53, %mul3A_427 : i32
      %add3A_429 = arith.constant 6 : i32
      %add3A_430 = arith.addi %mul3A_428, %add3A_429 : i32
      %slice3A_431 = vector.extract_strided_slice %get3A_58 {offsets = [6], sizes = [1], strides = [1]} : vector<16xi32> to vector<1xi32>
      %squeeze3A_432 = vector.extract %slice3A_431[0] : i32 from vector<1xi32>
      %get3A_433 = arith.index_cast %add3A_430 : i32 to index
      %get3A_434 = arith.constant 0 : index
      %get3A_435 = tpu.vector_load %arg12[%get3A_433, %get3A_434] {strides = array<i32>} : memref<256x64xf32, #tpu.memory_space<vmem>>, vector<16xf32>,
      %get3A_436 = arith.index_cast %squeeze3A_432 : i32 to index
      %get3A_437 = arith.constant 0 : index
      %get3A_438 = tpu.vector_load %arg11[%get3A_436, %get3A_437] {strides = array<i32>} : memref<201x64xf32, #tpu.memory_space<vmem>>, vector<16xf32>,
      %add3A_439 = arith.addf %get3A_435, %get3A_438 : vector<16xf32>
      %get3A_440 = arith.index_cast %add3A_430 : i32 to index
      %get3A_441 = arith.constant 0 : index
      %get3A_442 = tpu.vector_load %arg13[%get3A_440, %get3A_441] {strides = array<i32>} : memref<256x64xf32, #tpu.memory_space<vmem>>, vector<16xf32>,
      %sub3A_443 = arith.subf %add3A_439, %get3A_442 : vector<16xf32>
      %swap3A_444 = arith.index_cast %add3A_430 : i32 to index
      %swap3A_445 = arith.constant 0 : index
      %swap3A_446 = tpu.vector_load %arg14[%swap3A_444, %swap3A_445] {strides = array<i32>} : memref<256x64xf32, #tpu.memory_space<vmem>>, vector<16xf32>,
      tpu.vector_store %arg14[%swap3A_444, %swap3A_445], %sub3A_443 {strides = array<i32>} : memref<256x64xf32, #tpu.memory_space<vmem>>, vector<16xf32>,
      %get3A_447 = arith.index_cast %add3A_430 : i32 to index
      %get3A_448 = arith.constant 16 : index
      %get3A_449 = tpu.vector_load %arg12[%get3A_447, %get3A_448] {strides = array<i32>} : memref<256x64xf32, #tpu.memory_space<vmem>>, vector<16xf32>,
      %get3A_450 = arith.index_cast %squeeze3A_432 : i32 to index
      %get3A_451 = arith.constant 16 : index
      %get3A_452 = tpu.vector_load %arg11[%get3A_450, %get3A_451] {strides = array<i32>} : memref<201x64xf32, #tpu.memory_space<vmem>>, vector<16xf32>,
      %add3A_453 = arith.addf %get3A_449, %get3A_452 : vector<16xf32>
      %get3A_454 = arith.index_cast %add3A_430 : i32 to index
      %get3A_455 = arith.constant 16 : index
      %get3A_456 = tpu.vector_load %arg13[%get3A_454, %get3A_455] {strides = array<i32>} : memref<256x64xf32, #tpu.memory_space<vmem>>, vector<16xf32>,
      %sub3A_457 = arith.subf %add3A_453, %get3A_456 : vector<16xf32>
      %swap3A_458 = arith.index_cast %add3A_430 : i32 to index
      %swap3A_459 = arith.constant 16 : index
      %swap3A_460 = tpu.vector_load %arg14[%swap3A_458, %swap3A_459] {strides = array<i32>} : memref<256x64xf32, #tpu.memory_space<vmem>>, vector<16xf32>,
      tpu.vector_store %arg14[%swap3A_458, %swap3A_459], %sub3A_457 {strides = array<i32>} : memref<256x64xf32, #tpu.memory_space<vmem>>, vector<16xf32>,
      %get3A_461 = arith.index_cast %add3A_430 : i32 to index
      %get3A_462 = arith.constant 32 : index
      %get3A_463 = tpu.vector_load %arg12[%get3A_461, %get3A_462] {strides = array<i32>} : memref<256x64xf32, #tpu.memory_space<vmem>>, vector<16xf32>,
      %get3A_464 = arith.index_cast %squeeze3A_432 : i32 to index
      %get3A_465 = arith.constant 32 : index
      %get3A_466 = tpu.vector_load %arg11[%get3A_464, %get3A_465] {strides = array<i32>} : memref<201x64xf32, #tpu.memory_space<vmem>>, vector<16xf32>,
      %add3A_467 = arith.addf %get3A_463, %get3A_466 : vector<16xf32>
      %get3A_468 = arith.index_cast %add3A_430 : i32 to index
      %get3A_469 = arith.constant 32 : index
      %get3A_470 = tpu.vector_load %arg13[%get3A_468, %get3A_469] {strides = array<i32>} : memref<256x64xf32, #tpu.memory_space<vmem>>, vector<16xf32>,
      %sub3A_471 = arith.subf %add3A_467, %get3A_470 : vector<16xf32>
      %swap3A_472 = arith.index_cast %add3A_430 : i32 to index
      %swap3A_473 = arith.constant 32 : index
      %swap3A_474 = tpu.vector_load %arg14[%swap3A_472, %swap3A_473] {strides = array<i32>} : memref<256x64xf32, #tpu.memory_space<vmem>>, vector<16xf32>,
      tpu.vector_store %arg14[%swap3A_472, %swap3A_473], %sub3A_471 {strides = array<i32>} : memref<256x64xf32, #tpu.memory_space<vmem>>, vector<16xf32>,
      %get3A_475 = arith.index_cast %add3A_430 : i32 to index
      %get3A_476 = arith.constant 48 : index
      %get3A_477 = tpu.vector_load %arg12[%get3A_475, %get3A_476] {strides = array<i32>} : memref<256x64xf32, #tpu.memory_space<vmem>>, vector<16xf32>,
      %get3A_478 = arith.index_cast %squeeze3A_432 : i32 to index
      %get3A_479 = arith.constant 48 : index
      %get3A_480 = tpu.vector_load %arg11[%get3A_478, %get3A_479] {strides = array<i32>} : memref<201x64xf32, #tpu.memory_space<vmem>>, vector<16xf32>,
      %add3A_481 = arith.addf %get3A_477, %get3A_480 : vector<16xf32>
      %get3A_482 = arith.index_cast %add3A_430 : i32 to index
      %get3A_483 = arith.constant 48 : index
      %get3A_484 = tpu.vector_load %arg13[%get3A_482, %get3A_483] {strides = array<i32>} : memref<256x64xf32, #tpu.memory_space<vmem>>, vector<16xf32>,
      %sub3A_485 = arith.subf %add3A_481, %get3A_484 : vector<16xf32>
      %swap3A_486 = arith.index_cast %add3A_430 : i32 to index
      %swap3A_487 = arith.constant 48 : index
      %swap3A_488 = tpu.vector_load %arg14[%swap3A_486, %swap3A_487] {strides = array<i32>} : memref<256x64xf32, #tpu.memory_space<vmem>>, vector<16xf32>,
      tpu.vector_store %arg14[%swap3A_486, %swap3A_487], %sub3A_485 {strides = array<i32>} : memref<256x64xf32, #tpu.memory_space<vmem>>, vector<16xf32>,
      %mul3A_489 = arith.constant 16 : i32
      %mul3A_490 = arith.muli %scan3A_53, %mul3A_489 : i32
      %add3A_491 = arith.constant 7 : i32
      %add3A_492 = arith.addi %mul3A_490, %add3A_491 : i32
      %slice3A_493 = vector.extract_strided_slice %get3A_58 {offsets = [7], sizes = [1], strides = [1]} : vector<16xi32> to vector<1xi32>
      %squeeze3A_494 = vector.extract %slice3A_493[0] : i32 from vector<1xi32>
      %get3A_495 = arith.index_cast %add3A_492 : i32 to index
      %get3A_496 = arith.constant 0 : index
      %get3A_497 = tpu.vector_load %arg12[%get3A_495, %get3A_496] {strides = array<i32>} : memref<256x64xf32, #tpu.memory_space<vmem>>, vector<16xf32>,
      %get3A_498 = arith.index_cast %squeeze3A_494 : i32 to index
      %get3A_499 = arith.constant 0 : index
      %get3A_500 = tpu.vector_load %arg11[%get3A_498, %get3A_499] {strides = array<i32>} : memref<201x64xf32, #tpu.memory_space<vmem>>, vector<16xf32>,
      %add3A_501 = arith.addf %get3A_497, %get3A_500 : vector<16xf32>
      %get3A_502 = arith.index_cast %add3A_492 : i32 to index
      %get3A_503 = arith.constant 0 : index
      %get3A_504 = tpu.vector_load %arg13[%get3A_502, %get3A_503] {strides = array<i32>} : memref<256x64xf32, #tpu.memory_space<vmem>>, vector<16xf32>,
      %sub3A_505 = arith.subf %add3A_501, %get3A_504 : vector<16xf32>
      %swap3A_506 = arith.index_cast %add3A_492 : i32 to index
      %swap3A_507 = arith.constant 0 : index
      %swap3A_508 = tpu.vector_load %arg14[%swap3A_506, %swap3A_507] {strides = array<i32>} : memref<256x64xf32, #tpu.memory_space<vmem>>, vector<16xf32>,
      tpu.vector_store %arg14[%swap3A_506, %swap3A_507], %sub3A_505 {strides = array<i32>} : memref<256x64xf32, #tpu.memory_space<vmem>>, vector<16xf32>,
      %get3A_509 = arith.index_cast %add3A_492 : i32 to index
      %get3A_510 = arith.constant 16 : index
      %get3A_511 = tpu.vector_load %arg12[%get3A_509, %get3A_510] {strides = array<i32>} : memref<256x64xf32, #tpu.memory_space<vmem>>, vector<16xf32>,
      %get3A_512 = arith.index_cast %squeeze3A_494 : i32 to index
      %get3A_513 = arith.constant 16 : index
      %get3A_514 = tpu.vector_load %arg11[%get3A_512, %get3A_513] {strides = array<i32>} : memref<201x64xf32, #tpu.memory_space<vmem>>, vector<16xf32>,
      %add3A_515 = arith.addf %get3A_511, %get3A_514 : vector<16xf32>
      %get3A_516 = arith.index_cast %add3A_492 : i32 to index
      %get3A_517 = arith.constant 16 : index
      %get3A_518 = tpu.vector_load %arg13[%get3A_516, %get3A_517] {strides = array<i32>} : memref<256x64xf32, #tpu.memory_space<vmem>>, vector<16xf32>,
      %sub3A_519 = arith.subf %add3A_515, %get3A_518 : vector<16xf32>
      %swap3A_520 = arith.index_cast %add3A_492 : i32 to index
      %swap3A_521 = arith.constant 16 : index
      %swap3A_522 = tpu.vector_load %arg14[%swap3A_520, %swap3A_521] {strides = array<i32>} : memref<256x64xf32, #tpu.memory_space<vmem>>, vector<16xf32>,
      tpu.vector_store %arg14[%swap3A_520, %swap3A_521], %sub3A_519 {strides = array<i32>} : memref<256x64xf32, #tpu.memory_space<vmem>>, vector<16xf32>,
      %get3A_523 = arith.index_cast %add3A_492 : i32 to index
      %get3A_524 = arith.constant 32 : index
      %get3A_525 = tpu.vector_load %arg12[%get3A_523, %get3A_524] {strides = array<i32>} : memref<256x64xf32, #tpu.memory_space<vmem>>, vector<16xf32>,
      %get3A_526 = arith.index_cast %squeeze3A_494 : i32 to index
      %get3A_527 = arith.constant 32 : index
      %get3A_528 = tpu.vector_load %arg11[%get3A_526, %get3A_527] {strides = array<i32>} : memref<201x64xf32, #tpu.memory_space<vmem>>, vector<16xf32>,
      %add3A_529 = arith.addf %get3A_525, %get3A_528 : vector<16xf32>
      %get3A_530 = arith.index_cast %add3A_492 : i32 to index
      %get3A_531 = arith.constant 32 : index
      %get3A_532 = tpu.vector_load %arg13[%get3A_530, %get3A_531] {strides = array<i32>} : memref<256x64xf32, #tpu.memory_space<vmem>>, vector<16xf32>,
      %sub3A_533 = arith.subf %add3A_529, %get3A_532 : vector<16xf32>
      %swap3A_534 = arith.index_cast %add3A_492 : i32 to index
      %swap3A_535 = arith.constant 32 : index
      %swap3A_536 = tpu.vector_load %arg14[%swap3A_534, %swap3A_535] {strides = array<i32>} : memref<256x64xf32, #tpu.memory_space<vmem>>, vector<16xf32>,
      tpu.vector_store %arg14[%swap3A_534, %swap3A_535], %sub3A_533 {strides = array<i32>} : memref<256x64xf32, #tpu.memory_space<vmem>>, vector<16xf32>,
      %get3A_537 = arith.index_cast %add3A_492 : i32 to index
      %get3A_538 = arith.constant 48 : index
      %get3A_539 = tpu.vector_load %arg12[%get3A_537, %get3A_538] {strides = array<i32>} : memref<256x64xf32, #tpu.memory_space<vmem>>, vector<16xf32>,
      %get3A_540 = arith.index_cast %squeeze3A_494 : i32 to index
      %get3A_541 = arith.constant 48 : index
      %get3A_542 = tpu.vector_load %arg11[%get3A_540, %get3A_541] {strides = array<i32>} : memref<201x64xf32, #tpu.memory_space<vmem>>, vector<16xf32>,
      %add3A_543 = arith.addf %get3A_539, %get3A_542 : vector<16xf32>
      %get3A_544 = arith.index_cast %add3A_492 : i32 to index
      %get3A_545 = arith.constant 48 : index
      %get3A_546 = tpu.vector_load %arg13[%get3A_544, %get3A_545] {strides = array<i32>} : memref<256x64xf32, #tpu.memory_space<vmem>>, vector<16xf32>,
      %sub3A_547 = arith.subf %add3A_543, %get3A_546 : vector<16xf32>
      %swap3A_548 = arith.index_cast %add3A_492 : i32 to index
      %swap3A_549 = arith.constant 48 : index
      %swap3A_550 = tpu.vector_load %arg14[%swap3A_548, %swap3A_549] {strides = array<i32>} : memref<256x64xf32, #tpu.memory_space<vmem>>, vector<16xf32>,
      tpu.vector_store %arg14[%swap3A_548, %swap3A_549], %sub3A_547 {strides = array<i32>} : memref<256x64xf32, #tpu.memory_space<vmem>>, vector<16xf32>,
      %mul3A_551 = arith.constant 16 : i32
      %mul3A_552 = arith.muli %scan3A_53, %mul3A_551 : i32
      %add3A_553 = arith.constant 8 : i32
      %add3A_554 = arith.addi %mul3A_552, %add3A_553 : i32
      %slice3A_555 = vector.extract_strided_slice %get3A_58 {offsets = [8], sizes = [1], strides = [1]} : vector<16xi32> to vector<1xi32>
      %squeeze3A_556 = vector.extract %slice3A_555[0] : i32 from vector<1xi32>
      %get3A_557 = arith.index_cast %add3A_554 : i32 to index
      %get3A_558 = arith.constant 0 : index
      %get3A_559 = tpu.vector_load %arg12[%get3A_557, %get3A_558] {strides = array<i32>} : memref<256x64xf32, #tpu.memory_space<vmem>>, vector<16xf32>,
      %get3A_560 = arith.index_cast %squeeze3A_556 : i32 to index
      %get3A_561 = arith.constant 0 : index
      %get3A_562 = tpu.vector_load %arg11[%get3A_560, %get3A_561] {strides = array<i32>} : memref<201x64xf32, #tpu.memory_space<vmem>>, vector<16xf32>,
      %add3A_563 = arith.addf %get3A_559, %get3A_562 : vector<16xf32>
      %get3A_564 = arith.index_cast %add3A_554 : i32 to index
      %get3A_565 = arith.constant 0 : index
      %get3A_566 = tpu.vector_load %arg13[%get3A_564, %get3A_565] {strides = array<i32>} : memref<256x64xf32, #tpu.memory_space<vmem>>, vector<16xf32>,
      %sub3A_567 = arith.subf %add3A_563, %get3A_566 : vector<16xf32>
      %swap3A_568 = arith.index_cast %add3A_554 : i32 to index
      %swap3A_569 = arith.constant 0 : index
      %swap3A_570 = tpu.vector_load %arg14[%swap3A_568, %swap3A_569] {strides = array<i32>} : memref<256x64xf32, #tpu.memory_space<vmem>>, vector<16xf32>,
      tpu.vector_store %arg14[%swap3A_568, %swap3A_569], %sub3A_567 {strides = array<i32>} : memref<256x64xf32, #tpu.memory_space<vmem>>, vector<16xf32>,
      %get3A_571 = arith.index_cast %add3A_554 : i32 to index
      %get3A_572 = arith.constant 16 : index
      %get3A_573 = tpu.vector_load %arg12[%get3A_571, %get3A_572] {strides = array<i32>} : memref<256x64xf32, #tpu.memory_space<vmem>>, vector<16xf32>,
      %get3A_574 = arith.index_cast %squeeze3A_556 : i32 to index
      %get3A_575 = arith.constant 16 : index
      %get3A_576 = tpu.vector_load %arg11[%get3A_574, %get3A_575] {strides = array<i32>} : memref<201x64xf32, #tpu.memory_space<vmem>>, vector<16xf32>,
      %add3A_577 = arith.addf %get3A_573, %get3A_576 : vector<16xf32>
      %get3A_578 = arith.index_cast %add3A_554 : i32 to index
      %get3A_579 = arith.constant 16 : index
      %get3A_580 = tpu.vector_load %arg13[%get3A_578, %get3A_579] {strides = array<i32>} : memref<256x64xf32, #tpu.memory_space<vmem>>, vector<16xf32>,
      %sub3A_581 = arith.subf %add3A_577, %get3A_580 : vector<16xf32>
      %swap3A_582 = arith.index_cast %add3A_554 : i32 to index
      %swap3A_583 = arith.constant 16 : index
      %swap3A_584 = tpu.vector_load %arg14[%swap3A_582, %swap3A_583] {strides = array<i32>} : memref<256x64xf32, #tpu.memory_space<vmem>>, vector<16xf32>,
      tpu.vector_store %arg14[%swap3A_582, %swap3A_583], %sub3A_581 {strides = array<i32>} : memref<256x64xf32, #tpu.memory_space<vmem>>, vector<16xf32>,
      %get3A_585 = arith.index_cast %add3A_554 : i32 to index
      %get3A_586 = arith.constant 32 : index
      %get3A_587 = tpu.vector_load %arg12[%get3A_585, %get3A_586] {strides = array<i32>} : memref<256x64xf32, #tpu.memory_space<vmem>>, vector<16xf32>,
      %get3A_588 = arith.index_cast %squeeze3A_556 : i32 to index
      %get3A_589 = arith.constant 32 : index
      %get3A_590 = tpu.vector_load %arg11[%get3A_588, %get3A_589] {strides = array<i32>} : memref<201x64xf32, #tpu.memory_space<vmem>>, vector<16xf32>,
      %add3A_591 = arith.addf %get3A_587, %get3A_590 : vector<16xf32>
      %get3A_592 = arith.index_cast %add3A_554 : i32 to index
      %get3A_593 = arith.constant 32 : index
      %get3A_594 = tpu.vector_load %arg13[%get3A_592, %get3A_593] {strides = array<i32>} : memref<256x64xf32, #tpu.memory_space<vmem>>, vector<16xf32>,
      %sub3A_595 = arith.subf %add3A_591, %get3A_594 : vector<16xf32>
      %swap3A_596 = arith.index_cast %add3A_554 : i32 to index
      %swap3A_597 = arith.constant 32 : index
      %swap3A_598 = tpu.vector_load %arg14[%swap3A_596, %swap3A_597] {strides = array<i32>} : memref<256x64xf32, #tpu.memory_space<vmem>>, vector<16xf32>,
      tpu.vector_store %arg14[%swap3A_596, %swap3A_597], %sub3A_595 {strides = array<i32>} : memref<256x64xf32, #tpu.memory_space<vmem>>, vector<16xf32>,
      %get3A_599 = arith.index_cast %add3A_554 : i32 to index
      %get3A_600 = arith.constant 48 : index
      %get3A_601 = tpu.vector_load %arg12[%get3A_599, %get3A_600] {strides = array<i32>} : memref<256x64xf32, #tpu.memory_space<vmem>>, vector<16xf32>,
      %get3A_602 = arith.index_cast %squeeze3A_556 : i32 to index
      %get3A_603 = arith.constant 48 : index
      %get3A_604 = tpu.vector_load %arg11[%get3A_602, %get3A_603] {strides = array<i32>} : memref<201x64xf32, #tpu.memory_space<vmem>>, vector<16xf32>,
      %add3A_605 = arith.addf %get3A_601, %get3A_604 : vector<16xf32>
      %get3A_606 = arith.index_cast %add3A_554 : i32 to index
      %get3A_607 = arith.constant 48 : index
      %get3A_608 = tpu.vector_load %arg13[%get3A_606, %get3A_607] {strides = array<i32>} : memref<256x64xf32, #tpu.memory_space<vmem>>, vector<16xf32>,
      %sub3A_609 = arith.subf %add3A_605, %get3A_608 : vector<16xf32>
      %swap3A_610 = arith.index_cast %add3A_554 : i32 to index
      %swap3A_611 = arith.constant 48 : index
      %swap3A_612 = tpu.vector_load %arg14[%swap3A_610, %swap3A_611] {strides = array<i32>} : memref<256x64xf32, #tpu.memory_space<vmem>>, vector<16xf32>,
      tpu.vector_store %arg14[%swap3A_610, %swap3A_611], %sub3A_609 {strides = array<i32>} : memref<256x64xf32, #tpu.memory_space<vmem>>, vector<16xf32>,
      %mul3A_613 = arith.constant 16 : i32
      %mul3A_614 = arith.muli %scan3A_53, %mul3A_613 : i32
      %add3A_615 = arith.constant 9 : i32
      %add3A_616 = arith.addi %mul3A_614, %add3A_615 : i32
      %slice3A_617 = vector.extract_strided_slice %get3A_58 {offsets = [9], sizes = [1], strides = [1]} : vector<16xi32> to vector<1xi32>
      %squeeze3A_618 = vector.extract %slice3A_617[0] : i32 from vector<1xi32>
      %get3A_619 = arith.index_cast %add3A_616 : i32 to index
      %get3A_620 = arith.constant 0 : index
      %get3A_621 = tpu.vector_load %arg12[%get3A_619, %get3A_620] {strides = array<i32>} : memref<256x64xf32, #tpu.memory_space<vmem>>, vector<16xf32>,
      %get3A_622 = arith.index_cast %squeeze3A_618 : i32 to index
      %get3A_623 = arith.constant 0 : index
      %get3A_624 = tpu.vector_load %arg11[%get3A_622, %get3A_623] {strides = array<i32>} : memref<201x64xf32, #tpu.memory_space<vmem>>, vector<16xf32>,
      %add3A_625 = arith.addf %get3A_621, %get3A_624 : vector<16xf32>
      %get3A_626 = arith.index_cast %add3A_616 : i32 to index
      %get3A_627 = arith.constant 0 : index
      %get3A_628 = tpu.vector_load %arg13[%get3A_626, %get3A_627] {strides = array<i32>} : memref<256x64xf32, #tpu.memory_space<vmem>>, vector<16xf32>,
      %sub3A_629 = arith.subf %add3A_625, %get3A_628 : vector<16xf32>
      %swap3A_630 = arith.index_cast %add3A_616 : i32 to index
      %swap3A_631 = arith.constant 0 : index
      %swap3A_632 = tpu.vector_load %arg14[%swap3A_630, %swap3A_631] {strides = array<i32>} : memref<256x64xf32, #tpu.memory_space<vmem>>, vector<16xf32>,
      tpu.vector_store %arg14[%swap3A_630, %swap3A_631], %sub3A_629 {strides = array<i32>} : memref<256x64xf32, #tpu.memory_space<vmem>>, vector<16xf32>,
      %get3A_633 = arith.index_cast %add3A_616 : i32 to index
      %get3A_634 = arith.constant 16 : index
      %get3A_635 = tpu.vector_load %arg12[%get3A_633, %get3A_634] {strides = array<i32>} : memref<256x64xf32, #tpu.memory_space<vmem>>, vector<16xf32>,
      %get3A_636 = arith.index_cast %squeeze3A_618 : i32 to index
      %get3A_637 = arith.constant 16 : index
      %get3A_638 = tpu.vector_load %arg11[%get3A_636, %get3A_637] {strides = array<i32>} : memref<201x64xf32, #tpu.memory_space<vmem>>, vector<16xf32>,
      %add3A_639 = arith.addf %get3A_635, %get3A_638 : vector<16xf32>
      %get3A_640 = arith.index_cast %add3A_616 : i32 to index
      %get3A_641 = arith.constant 16 : index
      %get3A_642 = tpu.vector_load %arg13[%get3A_640, %get3A_641] {strides = array<i32>} : memref<256x64xf32, #tpu.memory_space<vmem>>, vector<16xf32>,
      %sub3A_643 = arith.subf %add3A_639, %get3A_642 : vector<16xf32>
      %swap3A_644 = arith.index_cast %add3A_616 : i32 to index
      %swap3A_645 = arith.constant 16 : index
      %swap3A_646 = tpu.vector_load %arg14[%swap3A_644, %swap3A_645] {strides = array<i32>} : memref<256x64xf32, #tpu.memory_space<vmem>>, vector<16xf32>,
      tpu.vector_store %arg14[%swap3A_644, %swap3A_645], %sub3A_643 {strides = array<i32>} : memref<256x64xf32, #tpu.memory_space<vmem>>, vector<16xf32>,
      %get3A_647 = arith.index_cast %add3A_616 : i32 to index
      %get3A_648 = arith.constant 32 : index
      %get3A_649 = tpu.vector_load %arg12[%get3A_647, %get3A_648] {strides = array<i32>} : memref<256x64xf32, #tpu.memory_space<vmem>>, vector<16xf32>,
      %get3A_650 = arith.index_cast %squeeze3A_618 : i32 to index
      %get3A_651 = arith.constant 32 : index
      %get3A_652 = tpu.vector_load %arg11[%get3A_650, %get3A_651] {strides = array<i32>} : memref<201x64xf32, #tpu.memory_space<vmem>>, vector<16xf32>,
      %add3A_653 = arith.addf %get3A_649, %get3A_652 : vector<16xf32>
      %get3A_654 = arith.index_cast %add3A_616 : i32 to index
      %get3A_655 = arith.constant 32 : index
      %get3A_656 = tpu.vector_load %arg13[%get3A_654, %get3A_655] {strides = array<i32>} : memref<256x64xf32, #tpu.memory_space<vmem>>, vector<16xf32>,
      %sub3A_657 = arith.subf %add3A_653, %get3A_656 : vector<16xf32>
      %swap3A_658 = arith.index_cast %add3A_616 : i32 to index
      %swap3A_659 = arith.constant 32 : index
      %swap3A_660 = tpu.vector_load %arg14[%swap3A_658, %swap3A_659] {strides = array<i32>} : memref<256x64xf32, #tpu.memory_space<vmem>>, vector<16xf32>,
      tpu.vector_store %arg14[%swap3A_658, %swap3A_659], %sub3A_657 {strides = array<i32>} : memref<256x64xf32, #tpu.memory_space<vmem>>, vector<16xf32>,
      %get3A_661 = arith.index_cast %add3A_616 : i32 to index
      %get3A_662 = arith.constant 48 : index
      %get3A_663 = tpu.vector_load %arg12[%get3A_661, %get3A_662] {strides = array<i32>} : memref<256x64xf32, #tpu.memory_space<vmem>>, vector<16xf32>,
      %get3A_664 = arith.index_cast %squeeze3A_618 : i32 to index
      %get3A_665 = arith.constant 48 : index
      %get3A_666 = tpu.vector_load %arg11[%get3A_664, %get3A_665] {strides = array<i32>} : memref<201x64xf32, #tpu.memory_space<vmem>>, vector<16xf32>,
      %add3A_667 = arith.addf %get3A_663, %get3A_666 : vector<16xf32>
      %get3A_668 = arith.index_cast %add3A_616 : i32 to index
      %get3A_669 = arith.constant 48 : index
      %get3A_670 = tpu.vector_load %arg13[%get3A_668, %get3A_669] {strides = array<i32>} : memref<256x64xf32, #tpu.memory_space<vmem>>, vector<16xf32>,
      %sub3A_671 = arith.subf %add3A_667, %get3A_670 : vector<16xf32>
      %swap3A_672 = arith.index_cast %add3A_616 : i32 to index
      %swap3A_673 = arith.constant 48 : index
      %swap3A_674 = tpu.vector_load %arg14[%swap3A_672, %swap3A_673] {strides = array<i32>} : memref<256x64xf32, #tpu.memory_space<vmem>>, vector<16xf32>,
      tpu.vector_store %arg14[%swap3A_672, %swap3A_673], %sub3A_671 {strides = array<i32>} : memref<256x64xf32, #tpu.memory_space<vmem>>, vector<16xf32>,
      %mul3A_675 = arith.constant 16 : i32
      %mul3A_676 = arith.muli %scan3A_53, %mul3A_675 : i32
      %add3A_677 = arith.constant 10 : i32
      %add3A_678 = arith.addi %mul3A_676, %add3A_677 : i32
      %slice3A_679 = vector.extract_strided_slice %get3A_58 {offsets = [10], sizes = [1], strides = [1]} : vector<16xi32> to vector<1xi32>
      %squeeze3A_680 = vector.extract %slice3A_679[0] : i32 from vector<1xi32>
      %get3A_681 = arith.index_cast %add3A_678 : i32 to index
      %get3A_682 = arith.constant 0 : index
      %get3A_683 = tpu.vector_load %arg12[%get3A_681, %get3A_682] {strides = array<i32>} : memref<256x64xf32, #tpu.memory_space<vmem>>, vector<16xf32>,
      %get3A_684 = arith.index_cast %squeeze3A_680 : i32 to index
      %get3A_685 = arith.constant 0 : index
      %get3A_686 = tpu.vector_load %arg11[%get3A_684, %get3A_685] {strides = array<i32>} : memref<201x64xf32, #tpu.memory_space<vmem>>, vector<16xf32>,
      %add3A_687 = arith.addf %get3A_683, %get3A_686 : vector<16xf32>
      %get3A_688 = arith.index_cast %add3A_678 : i32 to index
      %get3A_689 = arith.constant 0 : index
      %get3A_690 = tpu.vector_load %arg13[%get3A_688, %get3A_689] {strides = array<i32>} : memref<256x64xf32, #tpu.memory_space<vmem>>, vector<16xf32>,
      %sub3A_691 = arith.subf %add3A_687, %get3A_690 : vector<16xf32>
      %swap3A_692 = arith.index_cast %add3A_678 : i32 to index
      %swap3A_693 = arith.constant 0 : index
      %swap3A_694 = tpu.vector_load %arg14[%swap3A_692, %swap3A_693] {strides = array<i32>} : memref<256x64xf32, #tpu.memory_space<vmem>>, vector<16xf32>,
      tpu.vector_store %arg14[%swap3A_692, %swap3A_693], %sub3A_691 {strides = array<i32>} : memref<256x64xf32, #tpu.memory_space<vmem>>, vector<16xf32>,
      %get3A_695 = arith.index_cast %add3A_678 : i32 to index
      %get3A_696 = arith.constant 16 : index
      %get3A_697 = tpu.vector_load %arg12[%get3A_695, %get3A_696] {strides = array<i32>} : memref<256x64xf32, #tpu.memory_space<vmem>>, vector<16xf32>,
      %get3A_698 = arith.index_cast %squeeze3A_680 : i32 to index
      %get3A_699 = arith.constant 16 : index
      %get3A_700 = tpu.vector_load %arg11[%get3A_698, %get3A_699] {strides = array<i32>} : memref<201x64xf32, #tpu.memory_space<vmem>>, vector<16xf32>,
      %add3A_701 = arith.addf %get3A_697, %get3A_700 : vector<16xf32>
      %get3A_702 = arith.index_cast %add3A_678 : i32 to index
      %get3A_703 = arith.constant 16 : index
      %get3A_704 = tpu.vector_load %arg13[%get3A_702, %get3A_703] {strides = array<i32>} : memref<256x64xf32, #tpu.memory_space<vmem>>, vector<16xf32>,
      %sub3A_705 = arith.subf %add3A_701, %get3A_704 : vector<16xf32>
      %swap3A_706 = arith.index_cast %add3A_678 : i32 to index
      %swap3A_707 = arith.constant 16 : index
      %swap3A_708 = tpu.vector_load %arg14[%swap3A_706, %swap3A_707] {strides = array<i32>} : memref<256x64xf32, #tpu.memory_space<vmem>>, vector<16xf32>,
      tpu.vector_store %arg14[%swap3A_706, %swap3A_707], %sub3A_705 {strides = array<i32>} : memref<256x64xf32, #tpu.memory_space<vmem>>, vector<16xf32>,
      %get3A_709 = arith.index_cast %add3A_678 : i32 to index
      %get3A_710 = arith.constant 32 : index
      %get3A_711 = tpu.vector_load %arg12[%get3A_709, %get3A_710] {strides = array<i32>} : memref<256x64xf32, #tpu.memory_space<vmem>>, vector<16xf32>,
      %get3A_712 = arith.index_cast %squeeze3A_680 : i32 to index
      %get3A_713 = arith.constant 32 : index
      %get3A_714 = tpu.vector_load %arg11[%get3A_712, %get3A_713] {strides = array<i32>} : memref<201x64xf32, #tpu.memory_space<vmem>>, vector<16xf32>,
      %add3A_715 = arith.addf %get3A_711, %get3A_714 : vector<16xf32>
      %get3A_716 = arith.index_cast %add3A_678 : i32 to index
      %get3A_717 = arith.constant 32 : index
      %get3A_718 = tpu.vector_load %arg13[%get3A_716, %get3A_717] {strides = array<i32>} : memref<256x64xf32, #tpu.memory_space<vmem>>, vector<16xf32>,
      %sub3A_719 = arith.subf %add3A_715, %get3A_718 : vector<16xf32>
      %swap3A_720 = arith.index_cast %add3A_678 : i32 to index
      %swap3A_721 = arith.constant 32 : index
      %swap3A_722 = tpu.vector_load %arg14[%swap3A_720, %swap3A_721] {strides = array<i32>} : memref<256x64xf32, #tpu.memory_space<vmem>>, vector<16xf32>,
      tpu.vector_store %arg14[%swap3A_720, %swap3A_721], %sub3A_719 {strides = array<i32>} : memref<256x64xf32, #tpu.memory_space<vmem>>, vector<16xf32>,
      %get3A_723 = arith.index_cast %add3A_678 : i32 to index
      %get3A_724 = arith.constant 48 : index
      %get3A_725 = tpu.vector_load %arg12[%get3A_723, %get3A_724] {strides = array<i32>} : memref<256x64xf32, #tpu.memory_space<vmem>>, vector<16xf32>,
      %get3A_726 = arith.index_cast %squeeze3A_680 : i32 to index
      %get3A_727 = arith.constant 48 : index
      %get3A_728 = tpu.vector_load %arg11[%get3A_726, %get3A_727] {strides = array<i32>} : memref<201x64xf32, #tpu.memory_space<vmem>>, vector<16xf32>,
      %add3A_729 = arith.addf %get3A_725, %get3A_728 : vector<16xf32>
      %get3A_730 = arith.index_cast %add3A_678 : i32 to index
      %get3A_731 = arith.constant 48 : index
      %get3A_732 = tpu.vector_load %arg13[%get3A_730, %get3A_731] {strides = array<i32>} : memref<256x64xf32, #tpu.memory_space<vmem>>, vector<16xf32>,
      %sub3A_733 = arith.subf %add3A_729, %get3A_732 : vector<16xf32>
      %swap3A_734 = arith.index_cast %add3A_678 : i32 to index
      %swap3A_735 = arith.constant 48 : index
      %swap3A_736 = tpu.vector_load %arg14[%swap3A_734, %swap3A_735] {strides = array<i32>} : memref<256x64xf32, #tpu.memory_space<vmem>>, vector<16xf32>,
      tpu.vector_store %arg14[%swap3A_734, %swap3A_735], %sub3A_733 {strides = array<i32>} : memref<256x64xf32, #tpu.memory_space<vmem>>, vector<16xf32>,
      %mul3A_737 = arith.constant 16 : i32
      %mul3A_738 = arith.muli %scan3A_53, %mul3A_737 : i32
      %add3A_739 = arith.constant 11 : i32
      %add3A_740 = arith.addi %mul3A_738, %add3A_739 : i32
      %slice3A_741 = vector.extract_strided_slice %get3A_58 {offsets = [11], sizes = [1], strides = [1]} : vector<16xi32> to vector<1xi32>
      %squeeze3A_742 = vector.extract %slice3A_741[0] : i32 from vector<1xi32>
      %get3A_743 = arith.index_cast %add3A_740 : i32 to index
      %get3A_744 = arith.constant 0 : index
      %get3A_745 = tpu.vector_load %arg12[%get3A_743, %get3A_744] {strides = array<i32>} : memref<256x64xf32, #tpu.memory_space<vmem>>, vector<16xf32>,
      %get3A_746 = arith.index_cast %squeeze3A_742 : i32 to index
      %get3A_747 = arith.constant 0 : index
      %get3A_748 = tpu.vector_load %arg11[%get3A_746, %get3A_747] {strides = array<i32>} : memref<201x64xf32, #tpu.memory_space<vmem>>, vector<16xf32>,
      %add3A_749 = arith.addf %get3A_745, %get3A_748 : vector<16xf32>
      %get3A_750 = arith.index_cast %add3A_740 : i32 to index
      %get3A_751 = arith.constant 0 : index
      %get3A_752 = tpu.vector_load %arg13[%get3A_750, %get3A_751] {strides = array<i32>} : memref<256x64xf32, #tpu.memory_space<vmem>>, vector<16xf32>,
      %sub3A_753 = arith.subf %add3A_749, %get3A_752 : vector<16xf32>
      %swap3A_754 = arith.index_cast %add3A_740 : i32 to index
      %swap3A_755 = arith.constant 0 : index
      %swap3A_756 = tpu.vector_load %arg14[%swap3A_754, %swap3A_755] {strides = array<i32>} : memref<256x64xf32, #tpu.memory_space<vmem>>, vector<16xf32>,
      tpu.vector_store %arg14[%swap3A_754, %swap3A_755], %sub3A_753 {strides = array<i32>} : memref<256x64xf32, #tpu.memory_space<vmem>>, vector<16xf32>,
      %get3A_757 = arith.index_cast %add3A_740 : i32 to index
      %get3A_758 = arith.constant 16 : index
      %get3A_759 = tpu.vector_load %arg12[%get3A_757, %get3A_758] {strides = array<i32>} : memref<256x64xf32, #tpu.memory_space<vmem>>, vector<16xf32>,
      %get3A_760 = arith.index_cast %squeeze3A_742 : i32 to index
      %get3A_761 = arith.constant 16 : index
      %get3A_762 = tpu.vector_load %arg11[%get3A_760, %get3A_761] {strides = array<i32>} : memref<201x64xf32, #tpu.memory_space<vmem>>, vector<16xf32>,
      %add3A_763 = arith.addf %get3A_759, %get3A_762 : vector<16xf32>
      %get3A_764 = arith.index_cast %add3A_740 : i32 to index
      %get3A_765 = arith.constant 16 : index
      %get3A_766 = tpu.vector_load %arg13[%get3A_764, %get3A_765] {strides = array<i32>} : memref<256x64xf32, #tpu.memory_space<vmem>>, vector<16xf32>,
      %sub3A_767 = arith.subf %add3A_763, %get3A_766 : vector<16xf32>
      %swap3A_768 = arith.index_cast %add3A_740 : i32 to index
      %swap3A_769 = arith.constant 16 : index
      %swap3A_770 = tpu.vector_load %arg14[%swap3A_768, %swap3A_769] {strides = array<i32>} : memref<256x64xf32, #tpu.memory_space<vmem>>, vector<16xf32>,
      tpu.vector_store %arg14[%swap3A_768, %swap3A_769], %sub3A_767 {strides = array<i32>} : memref<256x64xf32, #tpu.memory_space<vmem>>, vector<16xf32>,
      %get3A_771 = arith.index_cast %add3A_740 : i32 to index
      %get3A_772 = arith.constant 32 : index
      %get3A_773 = tpu.vector_load %arg12[%get3A_771, %get3A_772] {strides = array<i32>} : memref<256x64xf32, #tpu.memory_space<vmem>>, vector<16xf32>,
      %get3A_774 = arith.index_cast %squeeze3A_742 : i32 to index
      %get3A_775 = arith.constant 32 : index
      %get3A_776 = tpu.vector_load %arg11[%get3A_774, %get3A_775] {strides = array<i32>} : memref<201x64xf32, #tpu.memory_space<vmem>>, vector<16xf32>,
      %add3A_777 = arith.addf %get3A_773, %get3A_776 : vector<16xf32>
      %get3A_778 = arith.index_cast %add3A_740 : i32 to index
      %get3A_779 = arith.constant 32 : index
      %get3A_780 = tpu.vector_load %arg13[%get3A_778, %get3A_779] {strides = array<i32>} : memref<256x64xf32, #tpu.memory_space<vmem>>, vector<16xf32>,
      %sub3A_781 = arith.subf %add3A_777, %get3A_780 : vector<16xf32>
      %swap3A_782 = arith.index_cast %add3A_740 : i32 to index
      %swap3A_783 = arith.constant 32 : index
      %swap3A_784 = tpu.vector_load %arg14[%swap3A_782, %swap3A_783] {strides = array<i32>} : memref<256x64xf32, #tpu.memory_space<vmem>>, vector<16xf32>,
      tpu.vector_store %arg14[%swap3A_782, %swap3A_783], %sub3A_781 {strides = array<i32>} : memref<256x64xf32, #tpu.memory_space<vmem>>, vector<16xf32>,
      %get3A_785 = arith.index_cast %add3A_740 : i32 to index
      %get3A_786 = arith.constant 48 : index
      %get3A_787 = tpu.vector_load %arg12[%get3A_785, %get3A_786] {strides = array<i32>} : memref<256x64xf32, #tpu.memory_space<vmem>>, vector<16xf32>,
      %get3A_788 = arith.index_cast %squeeze3A_742 : i32 to index
      %get3A_789 = arith.constant 48 : index
      %get3A_790 = tpu.vector_load %arg11[%get3A_788, %get3A_789] {strides = array<i32>} : memref<201x64xf32, #tpu.memory_space<vmem>>, vector<16xf32>,
      %add3A_791 = arith.addf %get3A_787, %get3A_790 : vector<16xf32>
      %get3A_792 = arith.index_cast %add3A_740 : i32 to index
      %get3A_793 = arith.constant 48 : index
      %get3A_794 = tpu.vector_load %arg13[%get3A_792, %get3A_793] {strides = array<i32>} : memref<256x64xf32, #tpu.memory_space<vmem>>, vector<16xf32>,
      %sub3A_795 = arith.subf %add3A_791, %get3A_794 : vector<16xf32>
      %swap3A_796 = arith.index_cast %add3A_740 : i32 to index
      %swap3A_797 = arith.constant 48 : index
      %swap3A_798 = tpu.vector_load %arg14[%swap3A_796, %swap3A_797] {strides = array<i32>} : memref<256x64xf32, #tpu.memory_space<vmem>>, vector<16xf32>,
      tpu.vector_store %arg14[%swap3A_796, %swap3A_797], %sub3A_795 {strides = array<i32>} : memref<256x64xf32, #tpu.memory_space<vmem>>, vector<16xf32>,
      %mul3A_799 = arith.constant 16 : i32
      %mul3A_800 = arith.muli %scan3A_53, %mul3A_799 : i32
      %add3A_801 = arith.constant 12 : i32
      %add3A_802 = arith.addi %mul3A_800, %add3A_801 : i32
      %slice3A_803 = vector.extract_strided_slice %get3A_58 {offsets = [12], sizes = [1], strides = [1]} : vector<16xi32> to vector<1xi32>
      %squeeze3A_804 = vector.extract %slice3A_803[0] : i32 from vector<1xi32>
      %get3A_805 = arith.index_cast %add3A_802 : i32 to index
      %get3A_806 = arith.constant 0 : index
      %get3A_807 = tpu.vector_load %arg12[%get3A_805, %get3A_806] {strides = array<i32>} : memref<256x64xf32, #tpu.memory_space<vmem>>, vector<16xf32>,
      %get3A_808 = arith.index_cast %squeeze3A_804 : i32 to index
      %get3A_809 = arith.constant 0 : index
      %get3A_810 = tpu.vector_load %arg11[%get3A_808, %get3A_809] {strides = array<i32>} : memref<201x64xf32, #tpu.memory_space<vmem>>, vector<16xf32>,
      %add3A_811 = arith.addf %get3A_807, %get3A_810 : vector<16xf32>
      %get3A_812 = arith.index_cast %add3A_802 : i32 to index
      %get3A_813 = arith.constant 0 : index
      %get3A_814 = tpu.vector_load %arg13[%get3A_812, %get3A_813] {strides = array<i32>} : memref<256x64xf32, #tpu.memory_space<vmem>>, vector<16xf32>,
      %sub3A_815 = arith.subf %add3A_811, %get3A_814 : vector<16xf32>
      %swap3A_816 = arith.index_cast %add3A_802 : i32 to index
      %swap3A_817 = arith.constant 0 : index
      %swap3A_818 = tpu.vector_load %arg14[%swap3A_816, %swap3A_817] {strides = array<i32>} : memref<256x64xf32, #tpu.memory_space<vmem>>, vector<16xf32>,
      tpu.vector_store %arg14[%swap3A_816, %swap3A_817], %sub3A_815 {strides = array<i32>} : memref<256x64xf32, #tpu.memory_space<vmem>>, vector<16xf32>,
      %get3A_819 = arith.index_cast %add3A_802 : i32 to index
      %get3A_820 = arith.constant 16 : index
      %get3A_821 = tpu.vector_load %arg12[%get3A_819, %get3A_820] {strides = array<i32>} : memref<256x64xf32, #tpu.memory_space<vmem>>, vector<16xf32>,
      %get3A_822 = arith.index_cast %squeeze3A_804 : i32 to index
      %get3A_823 = arith.constant 16 : index
      %get3A_824 = tpu.vector_load %arg11[%get3A_822, %get3A_823] {strides = array<i32>} : memref<201x64xf32, #tpu.memory_space<vmem>>, vector<16xf32>,
      %add3A_825 = arith.addf %get3A_821, %get3A_824 : vector<16xf32>
      %get3A_826 = arith.index_cast %add3A_802 : i32 to index
      %get3A_827 = arith.constant 16 : index
      %get3A_828 = tpu.vector_load %arg13[%get3A_826, %get3A_827] {strides = array<i32>} : memref<256x64xf32, #tpu.memory_space<vmem>>, vector<16xf32>,
      %sub3A_829 = arith.subf %add3A_825, %get3A_828 : vector<16xf32>
      %swap3A_830 = arith.index_cast %add3A_802 : i32 to index
      %swap3A_831 = arith.constant 16 : index
      %swap3A_832 = tpu.vector_load %arg14[%swap3A_830, %swap3A_831] {strides = array<i32>} : memref<256x64xf32, #tpu.memory_space<vmem>>, vector<16xf32>,
      tpu.vector_store %arg14[%swap3A_830, %swap3A_831], %sub3A_829 {strides = array<i32>} : memref<256x64xf32, #tpu.memory_space<vmem>>, vector<16xf32>,
      %get3A_833 = arith.index_cast %add3A_802 : i32 to index
      %get3A_834 = arith.constant 32 : index
      %get3A_835 = tpu.vector_load %arg12[%get3A_833, %get3A_834] {strides = array<i32>} : memref<256x64xf32, #tpu.memory_space<vmem>>, vector<16xf32>,
      %get3A_836 = arith.index_cast %squeeze3A_804 : i32 to index
      %get3A_837 = arith.constant 32 : index
      %get3A_838 = tpu.vector_load %arg11[%get3A_836, %get3A_837] {strides = array<i32>} : memref<201x64xf32, #tpu.memory_space<vmem>>, vector<16xf32>,
      %add3A_839 = arith.addf %get3A_835, %get3A_838 : vector<16xf32>
      %get3A_840 = arith.index_cast %add3A_802 : i32 to index
      %get3A_841 = arith.constant 32 : index
      %get3A_842 = tpu.vector_load %arg13[%get3A_840, %get3A_841] {strides = array<i32>} : memref<256x64xf32, #tpu.memory_space<vmem>>, vector<16xf32>,
      %sub3A_843 = arith.subf %add3A_839, %get3A_842 : vector<16xf32>
      %swap3A_844 = arith.index_cast %add3A_802 : i32 to index
      %swap3A_845 = arith.constant 32 : index
      %swap3A_846 = tpu.vector_load %arg14[%swap3A_844, %swap3A_845] {strides = array<i32>} : memref<256x64xf32, #tpu.memory_space<vmem>>, vector<16xf32>,
      tpu.vector_store %arg14[%swap3A_844, %swap3A_845], %sub3A_843 {strides = array<i32>} : memref<256x64xf32, #tpu.memory_space<vmem>>, vector<16xf32>,
      %get3A_847 = arith.index_cast %add3A_802 : i32 to index
      %get3A_848 = arith.constant 48 : index
      %get3A_849 = tpu.vector_load %arg12[%get3A_847, %get3A_848] {strides = array<i32>} : memref<256x64xf32, #tpu.memory_space<vmem>>, vector<16xf32>,
      %get3A_850 = arith.index_cast %squeeze3A_804 : i32 to index
      %get3A_851 = arith.constant 48 : index
      %get3A_852 = tpu.vector_load %arg11[%get3A_850, %get3A_851] {strides = array<i32>} : memref<201x64xf32, #tpu.memory_space<vmem>>, vector<16xf32>,
      %add3A_853 = arith.addf %get3A_849, %get3A_852 : vector<16xf32>
      %get3A_854 = arith.index_cast %add3A_802 : i32 to index
      %get3A_855 = arith.constant 48 : index
      %get3A_856 = tpu.vector_load %arg13[%get3A_854, %get3A_855] {strides = array<i32>} : memref<256x64xf32, #tpu.memory_space<vmem>>, vector<16xf32>,
      %sub3A_857 = arith.subf %add3A_853, %get3A_856 : vector<16xf32>
      %swap3A_858 = arith.index_cast %add3A_802 : i32 to index
      %swap3A_859 = arith.constant 48 : index
      %swap3A_860 = tpu.vector_load %arg14[%swap3A_858, %swap3A_859] {strides = array<i32>} : memref<256x64xf32, #tpu.memory_space<vmem>>, vector<16xf32>,
      tpu.vector_store %arg14[%swap3A_858, %swap3A_859], %sub3A_857 {strides = array<i32>} : memref<256x64xf32, #tpu.memory_space<vmem>>, vector<16xf32>,
      %mul3A_861 = arith.constant 16 : i32
      %mul3A_862 = arith.muli %scan3A_53, %mul3A_861 : i32
      %add3A_863 = arith.constant 13 : i32
      %add3A_864 = arith.addi %mul3A_862, %add3A_863 : i32
      %slice3A_865 = vector.extract_strided_slice %get3A_58 {offsets = [13], sizes = [1], strides = [1]} : vector<16xi32> to vector<1xi32>
      %squeeze3A_866 = vector.extract %slice3A_865[0] : i32 from vector<1xi32>
      %get3A_867 = arith.index_cast %add3A_864 : i32 to index
      %get3A_868 = arith.constant 0 : index
      %get3A_869 = tpu.vector_load %arg12[%get3A_867, %get3A_868] {strides = array<i32>} : memref<256x64xf32, #tpu.memory_space<vmem>>, vector<16xf32>,
      %get3A_870 = arith.index_cast %squeeze3A_866 : i32 to index
      %get3A_871 = arith.constant 0 : index
      %get3A_872 = tpu.vector_load %arg11[%get3A_870, %get3A_871] {strides = array<i32>} : memref<201x64xf32, #tpu.memory_space<vmem>>, vector<16xf32>,
      %add3A_873 = arith.addf %get3A_869, %get3A_872 : vector<16xf32>
      %get3A_874 = arith.index_cast %add3A_864 : i32 to index
      %get3A_875 = arith.constant 0 : index
      %get3A_876 = tpu.vector_load %arg13[%get3A_874, %get3A_875] {strides = array<i32>} : memref<256x64xf32, #tpu.memory_space<vmem>>, vector<16xf32>,
      %sub3A_877 = arith.subf %add3A_873, %get3A_876 : vector<16xf32>
      %swap3A_878 = arith.index_cast %add3A_864 : i32 to index
      %swap3A_879 = arith.constant 0 : index
      %swap3A_880 = tpu.vector_load %arg14[%swap3A_878, %swap3A_879] {strides = array<i32>} : memref<256x64xf32, #tpu.memory_space<vmem>>, vector<16xf32>,
      tpu.vector_store %arg14[%swap3A_878, %swap3A_879], %sub3A_877 {strides = array<i32>} : memref<256x64xf32, #tpu.memory_space<vmem>>, vector<16xf32>,
      %get3A_881 = arith.index_cast %add3A_864 : i32 to index
      %get3A_882 = arith.constant 16 : index
      %get3A_883 = tpu.vector_load %arg12[%get3A_881, %get3A_882] {strides = array<i32>} : memref<256x64xf32, #tpu.memory_space<vmem>>, vector<16xf32>,
      %get3A_884 = arith.index_cast %squeeze3A_866 : i32 to index
      %get3A_885 = arith.constant 16 : index
      %get3A_886 = tpu.vector_load %arg11[%get3A_884, %get3A_885] {strides = array<i32>} : memref<201x64xf32, #tpu.memory_space<vmem>>, vector<16xf32>,
      %add3A_887 = arith.addf %get3A_883, %get3A_886 : vector<16xf32>
      %get3A_888 = arith.index_cast %add3A_864 : i32 to index
      %get3A_889 = arith.constant 16 : index
      %get3A_890 = tpu.vector_load %arg13[%get3A_888, %get3A_889] {strides = array<i32>} : memref<256x64xf32, #tpu.memory_space<vmem>>, vector<16xf32>,
      %sub3A_891 = arith.subf %add3A_887, %get3A_890 : vector<16xf32>
      %swap3A_892 = arith.index_cast %add3A_864 : i32 to index
      %swap3A_893 = arith.constant 16 : index
      %swap3A_894 = tpu.vector_load %arg14[%swap3A_892, %swap3A_893] {strides = array<i32>} : memref<256x64xf32, #tpu.memory_space<vmem>>, vector<16xf32>,
      tpu.vector_store %arg14[%swap3A_892, %swap3A_893], %sub3A_891 {strides = array<i32>} : memref<256x64xf32, #tpu.memory_space<vmem>>, vector<16xf32>,
      %get3A_895 = arith.index_cast %add3A_864 : i32 to index
      %get3A_896 = arith.constant 32 : index
      %get3A_897 = tpu.vector_load %arg12[%get3A_895, %get3A_896] {strides = array<i32>} : memref<256x64xf32, #tpu.memory_space<vmem>>, vector<16xf32>,
      %get3A_898 = arith.index_cast %squeeze3A_866 : i32 to index
      %get3A_899 = arith.constant 32 : index
      %get3A_900 = tpu.vector_load %arg11[%get3A_898, %get3A_899] {strides = array<i32>} : memref<201x64xf32, #tpu.memory_space<vmem>>, vector<16xf32>,
      %add3A_901 = arith.addf %get3A_897, %get3A_900 : vector<16xf32>
      %get3A_902 = arith.index_cast %add3A_864 : i32 to index
      %get3A_903 = arith.constant 32 : index
      %get3A_904 = tpu.vector_load %arg13[%get3A_902, %get3A_903] {strides = array<i32>} : memref<256x64xf32, #tpu.memory_space<vmem>>, vector<16xf32>,
      %sub3A_905 = arith.subf %add3A_901, %get3A_904 : vector<16xf32>
      %swap3A_906 = arith.index_cast %add3A_864 : i32 to index
      %swap3A_907 = arith.constant 32 : index
      %swap3A_908 = tpu.vector_load %arg14[%swap3A_906, %swap3A_907] {strides = array<i32>} : memref<256x64xf32, #tpu.memory_space<vmem>>, vector<16xf32>,
      tpu.vector_store %arg14[%swap3A_906, %swap3A_907], %sub3A_905 {strides = array<i32>} : memref<256x64xf32, #tpu.memory_space<vmem>>, vector<16xf32>,
      %get3A_909 = arith.index_cast %add3A_864 : i32 to index
      %get3A_910 = arith.constant 48 : index
      %get3A_911 = tpu.vector_load %arg12[%get3A_909, %get3A_910] {strides = array<i32>} : memref<256x64xf32, #tpu.memory_space<vmem>>, vector<16xf32>,
      %get3A_912 = arith.index_cast %squeeze3A_866 : i32 to index
      %get3A_913 = arith.constant 48 : index
      %get3A_914 = tpu.vector_load %arg11[%get3A_912, %get3A_913] {strides = array<i32>} : memref<201x64xf32, #tpu.memory_space<vmem>>, vector<16xf32>,
      %add3A_915 = arith.addf %get3A_911, %get3A_914 : vector<16xf32>
      %get3A_916 = arith.index_cast %add3A_864 : i32 to index
      %get3A_917 = arith.constant 48 : index
      %get3A_918 = tpu.vector_load %arg13[%get3A_916, %get3A_917] {strides = array<i32>} : memref<256x64xf32, #tpu.memory_space<vmem>>, vector<16xf32>,
      %sub3A_919 = arith.subf %add3A_915, %get3A_918 : vector<16xf32>
      %swap3A_920 = arith.index_cast %add3A_864 : i32 to index
      %swap3A_921 = arith.constant 48 : index
      %swap3A_922 = tpu.vector_load %arg14[%swap3A_920, %swap3A_921] {strides = array<i32>} : memref<256x64xf32, #tpu.memory_space<vmem>>, vector<16xf32>,
      tpu.vector_store %arg14[%swap3A_920, %swap3A_921], %sub3A_919 {strides = array<i32>} : memref<256x64xf32, #tpu.memory_space<vmem>>, vector<16xf32>,
      %mul3A_923 = arith.constant 16 : i32
      %mul3A_924 = arith.muli %scan3A_53, %mul3A_923 : i32
      %add3A_925 = arith.constant 14 : i32
      %add3A_926 = arith.addi %mul3A_924, %add3A_925 : i32
      %slice3A_927 = vector.extract_strided_slice %get3A_58 {offsets = [14], sizes = [1], strides = [1]} : vector<16xi32> to vector<1xi32>
      %squeeze3A_928 = vector.extract %slice3A_927[0] : i32 from vector<1xi32>
      %get3A_929 = arith.index_cast %add3A_926 : i32 to index
      %get3A_930 = arith.constant 0 : index
      %get3A_931 = tpu.vector_load %arg12[%get3A_929, %get3A_930] {strides = array<i32>} : memref<256x64xf32, #tpu.memory_space<vmem>>, vector<16xf32>,
      %get3A_932 = arith.index_cast %squeeze3A_928 : i32 to index
      %get3A_933 = arith.constant 0 : index
      %get3A_934 = tpu.vector_load %arg11[%get3A_932, %get3A_933] {strides = array<i32>} : memref<201x64xf32, #tpu.memory_space<vmem>>, vector<16xf32>,
      %add3A_935 = arith.addf %get3A_931, %get3A_934 : vector<16xf32>
      %get3A_936 = arith.index_cast %add3A_926 : i32 to index
      %get3A_937 = arith.constant 0 : index
      %get3A_938 = tpu.vector_load %arg13[%get3A_936, %get3A_937] {strides = array<i32>} : memref<256x64xf32, #tpu.memory_space<vmem>>, vector<16xf32>,
      %sub3A_939 = arith.subf %add3A_935, %get3A_938 : vector<16xf32>
      %swap3A_940 = arith.index_cast %add3A_926 : i32 to index
      %swap3A_941 = arith.constant 0 : index
      %swap3A_942 = tpu.vector_load %arg14[%swap3A_940, %swap3A_941] {strides = array<i32>} : memref<256x64xf32, #tpu.memory_space<vmem>>, vector<16xf32>,
      tpu.vector_store %arg14[%swap3A_940, %swap3A_941], %sub3A_939 {strides = array<i32>} : memref<256x64xf32, #tpu.memory_space<vmem>>, vector<16xf32>,
      %get3A_943 = arith.index_cast %add3A_926 : i32 to index
      %get3A_944 = arith.constant 16 : index
      %get3A_945 = tpu.vector_load %arg12[%get3A_943, %get3A_944] {strides = array<i32>} : memref<256x64xf32, #tpu.memory_space<vmem>>, vector<16xf32>,
      %get3A_946 = arith.index_cast %squeeze3A_928 : i32 to index
      %get3A_947 = arith.constant 16 : index
      %get3A_948 = tpu.vector_load %arg11[%get3A_946, %get3A_947] {strides = array<i32>} : memref<201x64xf32, #tpu.memory_space<vmem>>, vector<16xf32>,
      %add3A_949 = arith.addf %get3A_945, %get3A_948 : vector<16xf32>
      %get3A_950 = arith.index_cast %add3A_926 : i32 to index
      %get3A_951 = arith.constant 16 : index
      %get3A_952 = tpu.vector_load %arg13[%get3A_950, %get3A_951] {strides = array<i32>} : memref<256x64xf32, #tpu.memory_space<vmem>>, vector<16xf32>,
      %sub3A_953 = arith.subf %add3A_949, %get3A_952 : vector<16xf32>
      %swap3A_954 = arith.index_cast %add3A_926 : i32 to index
      %swap3A_955 = arith.constant 16 : index
      %swap3A_956 = tpu.vector_load %arg14[%swap3A_954, %swap3A_955] {strides = array<i32>} : memref<256x64xf32, #tpu.memory_space<vmem>>, vector<16xf32>,
      tpu.vector_store %arg14[%swap3A_954, %swap3A_955], %sub3A_953 {strides = array<i32>} : memref<256x64xf32, #tpu.memory_space<vmem>>, vector<16xf32>,
      %get3A_957 = arith.index_cast %add3A_926 : i32 to index
      %get3A_958 = arith.constant 32 : index
      %get3A_959 = tpu.vector_load %arg12[%get3A_957, %get3A_958] {strides = array<i32>} : memref<256x64xf32, #tpu.memory_space<vmem>>, vector<16xf32>,
      %get3A_960 = arith.index_cast %squeeze3A_928 : i32 to index
      %get3A_961 = arith.constant 32 : index
      %get3A_962 = tpu.vector_load %arg11[%get3A_960, %get3A_961] {strides = array<i32>} : memref<201x64xf32, #tpu.memory_space<vmem>>, vector<16xf32>,
      %add3A_963 = arith.addf %get3A_959, %get3A_962 : vector<16xf32>
      %get3A_964 = arith.index_cast %add3A_926 : i32 to index
      %get3A_965 = arith.constant 32 : index
      %get3A_966 = tpu.vector_load %arg13[%get3A_964, %get3A_965] {strides = array<i32>} : memref<256x64xf32, #tpu.memory_space<vmem>>, vector<16xf32>,
      %sub3A_967 = arith.subf %add3A_963, %get3A_966 : vector<16xf32>
      %swap3A_968 = arith.index_cast %add3A_926 : i32 to index
      %swap3A_969 = arith.constant 32 : index
      %swap3A_970 = tpu.vector_load %arg14[%swap3A_968, %swap3A_969] {strides = array<i32>} : memref<256x64xf32, #tpu.memory_space<vmem>>, vector<16xf32>,
      tpu.vector_store %arg14[%swap3A_968, %swap3A_969], %sub3A_967 {strides = array<i32>} : memref<256x64xf32, #tpu.memory_space<vmem>>, vector<16xf32>,
      %get3A_971 = arith.index_cast %add3A_926 : i32 to index
      %get3A_972 = arith.constant 48 : index
      %get3A_973 = tpu.vector_load %arg12[%get3A_971, %get3A_972] {strides = array<i32>} : memref<256x64xf32, #tpu.memory_space<vmem>>, vector<16xf32>,
      %get3A_974 = arith.index_cast %squeeze3A_928 : i32 to index
      %get3A_975 = arith.constant 48 : index
      %get3A_976 = tpu.vector_load %arg11[%get3A_974, %get3A_975] {strides = array<i32>} : memref<201x64xf32, #tpu.memory_space<vmem>>, vector<16xf32>,
      %add3A_977 = arith.addf %get3A_973, %get3A_976 : vector<16xf32>
      %get3A_978 = arith.index_cast %add3A_926 : i32 to index
      %get3A_979 = arith.constant 48 : index
      %get3A_980 = tpu.vector_load %arg13[%get3A_978, %get3A_979] {strides = array<i32>} : memref<256x64xf32, #tpu.memory_space<vmem>>, vector<16xf32>,
      %sub3A_981 = arith.subf %add3A_977, %get3A_980 : vector<16xf32>
      %swap3A_982 = arith.index_cast %add3A_926 : i32 to index
      %swap3A_983 = arith.constant 48 : index
      %swap3A_984 = tpu.vector_load %arg14[%swap3A_982, %swap3A_983] {strides = array<i32>} : memref<256x64xf32, #tpu.memory_space<vmem>>, vector<16xf32>,
      tpu.vector_store %arg14[%swap3A_982, %swap3A_983], %sub3A_981 {strides = array<i32>} : memref<256x64xf32, #tpu.memory_space<vmem>>, vector<16xf32>,
      %mul3A_985 = arith.constant 16 : i32
      %mul3A_986 = arith.muli %scan3A_53, %mul3A_985 : i32
      %add3A_987 = arith.constant 15 : i32
      %add3A_988 = arith.addi %mul3A_986, %add3A_987 : i32
      %slice3A_989 = vector.extract_strided_slice %get3A_58 {offsets = [15], sizes = [1], strides = [1]} : vector<16xi32> to vector<1xi32>
      %squeeze3A_990 = vector.extract %slice3A_989[0] : i32 from vector<1xi32>
      %get3A_991 = arith.index_cast %add3A_988 : i32 to index
      %get3A_992 = arith.constant 0 : index
      %get3A_993 = tpu.vector_load %arg12[%get3A_991, %get3A_992] {strides = array<i32>} : memref<256x64xf32, #tpu.memory_space<vmem>>, vector<16xf32>,
      %get3A_994 = arith.index_cast %squeeze3A_990 : i32 to index
      %get3A_995 = arith.constant 0 : index
      %get3A_996 = tpu.vector_load %arg11[%get3A_994, %get3A_995] {strides = array<i32>} : memref<201x64xf32, #tpu.memory_space<vmem>>, vector<16xf32>,
      %add3A_997 = arith.addf %get3A_993, %get3A_996 : vector<16xf32>
      %get3A_998 = arith.index_cast %add3A_988 : i32 to index
      %get3A_999 = arith.constant 0 : index
      %get3A_1000 = tpu.vector_load %arg13[%get3A_998, %get3A_999] {strides = array<i32>} : memref<256x64xf32, #tpu.memory_space<vmem>>, vector<16xf32>,
      %sub3A_1001 = arith.subf %add3A_997, %get3A_1000 : vector<16xf32>
      %swap3A_1002 = arith.index_cast %add3A_988 : i32 to index
      %swap3A_1003 = arith.constant 0 : index
      %swap3A_1004 = tpu.vector_load %arg14[%swap3A_1002, %swap3A_1003] {strides = array<i32>} : memref<256x64xf32, #tpu.memory_space<vmem>>, vector<16xf32>,
      tpu.vector_store %arg14[%swap3A_1002, %swap3A_1003], %sub3A_1001 {strides = array<i32>} : memref<256x64xf32, #tpu.memory_space<vmem>>, vector<16xf32>,
      %get3A_1005 = arith.index_cast %add3A_988 : i32 to index
      %get3A_1006 = arith.constant 16 : index
      %get3A_1007 = tpu.vector_load %arg12[%get3A_1005, %get3A_1006] {strides = array<i32>} : memref<256x64xf32, #tpu.memory_space<vmem>>, vector<16xf32>,
      %get3A_1008 = arith.index_cast %squeeze3A_990 : i32 to index
      %get3A_1009 = arith.constant 16 : index
      %get3A_1010 = tpu.vector_load %arg11[%get3A_1008, %get3A_1009] {strides = array<i32>} : memref<201x64xf32, #tpu.memory_space<vmem>>, vector<16xf32>,
      %add3A_1011 = arith.addf %get3A_1007, %get3A_1010 : vector<16xf32>
      %get3A_1012 = arith.index_cast %add3A_988 : i32 to index
      %get3A_1013 = arith.constant 16 : index
      %get3A_1014 = tpu.vector_load %arg13[%get3A_1012, %get3A_1013] {strides = array<i32>} : memref<256x64xf32, #tpu.memory_space<vmem>>, vector<16xf32>,
      %sub3A_1015 = arith.subf %add3A_1011, %get3A_1014 : vector<16xf32>
      %swap3A_1016 = arith.index_cast %add3A_988 : i32 to index
      %swap3A_1017 = arith.constant 16 : index
      %swap3A_1018 = tpu.vector_load %arg14[%swap3A_1016, %swap3A_1017] {strides = array<i32>} : memref<256x64xf32, #tpu.memory_space<vmem>>, vector<16xf32>,
      tpu.vector_store %arg14[%swap3A_1016, %swap3A_1017], %sub3A_1015 {strides = array<i32>} : memref<256x64xf32, #tpu.memory_space<vmem>>, vector<16xf32>,
      %get3A_1019 = arith.index_cast %add3A_988 : i32 to index
      %get3A_1020 = arith.constant 32 : index
      %get3A_1021 = tpu.vector_load %arg12[%get3A_1019, %get3A_1020] {strides = array<i32>} : memref<256x64xf32, #tpu.memory_space<vmem>>, vector<16xf32>,
      %get3A_1022 = arith.index_cast %squeeze3A_990 : i32 to index
      %get3A_1023 = arith.constant 32 : index
      %get3A_1024 = tpu.vector_load %arg11[%get3A_1022, %get3A_1023] {strides = array<i32>} : memref<201x64xf32, #tpu.memory_space<vmem>>, vector<16xf32>,
      %add3A_1025 = arith.addf %get3A_1021, %get3A_1024 : vector<16xf32>
      %get3A_1026 = arith.index_cast %add3A_988 : i32 to index
      %get3A_1027 = arith.constant 32 : index
      %get3A_1028 = tpu.vector_load %arg13[%get3A_1026, %get3A_1027] {strides = array<i32>} : memref<256x64xf32, #tpu.memory_space<vmem>>, vector<16xf32>,
      %sub3A_1029 = arith.subf %add3A_1025, %get3A_1028 : vector<16xf32>
      %swap3A_1030 = arith.index_cast %add3A_988 : i32 to index
      %swap3A_1031 = arith.constant 32 : index
      %swap3A_1032 = tpu.vector_load %arg14[%swap3A_1030, %swap3A_1031] {strides = array<i32>} : memref<256x64xf32, #tpu.memory_space<vmem>>, vector<16xf32>,
      tpu.vector_store %arg14[%swap3A_1030, %swap3A_1031], %sub3A_1029 {strides = array<i32>} : memref<256x64xf32, #tpu.memory_space<vmem>>, vector<16xf32>,
      %get3A_1033 = arith.index_cast %add3A_988 : i32 to index
      %get3A_1034 = arith.constant 48 : index
      %get3A_1035 = tpu.vector_load %arg12[%get3A_1033, %get3A_1034] {strides = array<i32>} : memref<256x64xf32, #tpu.memory_space<vmem>>, vector<16xf32>,
      %get3A_1036 = arith.index_cast %squeeze3A_990 : i32 to index
      %get3A_1037 = arith.constant 48 : index
      %get3A_1038 = tpu.vector_load %arg11[%get3A_1036, %get3A_1037] {strides = array<i32>} : memref<201x64xf32, #tpu.memory_space<vmem>>, vector<16xf32>,
      %add3A_1039 = arith.addf %get3A_1035, %get3A_1038 : vector<16xf32>
      %get3A_1040 = arith.index_cast %add3A_988 : i32 to index
      %get3A_1041 = arith.constant 48 : index
      %get3A_1042 = tpu.vector_load %arg13[%get3A_1040, %get3A_1041] {strides = array<i32>} : memref<256x64xf32, #tpu.memory_space<vmem>>, vector<16xf32>,
      %sub3A_1043 = arith.subf %add3A_1039, %get3A_1042 : vector<16xf32>
      %swap3A_1044 = arith.index_cast %add3A_988 : i32 to index
      %swap3A_1045 = arith.constant 48 : index
      %swap3A_1046 = tpu.vector_load %arg14[%swap3A_1044, %swap3A_1045] {strides = array<i32>} : memref<256x64xf32, #tpu.memory_space<vmem>>, vector<16xf32>,
      tpu.vector_store %arg14[%swap3A_1044, %swap3A_1045], %sub3A_1043 {strides = array<i32>} : memref<256x64xf32, #tpu.memory_space<vmem>>, vector<16xf32>,
    }
    %scan3A_24 = arith.constant 16 : i32
    %add3A_25 = arith.constant 0 : i32
    %add3A_26 = arith.addi %mul3A_2, %add3A_25 : i32
    "tpu.region"() ({
      %run_scoped3A = tpu.sem_alloc : memref<!tpu.dma_semaphore, #tpu.memory_space<semaphore_mem>>
      %dma_start3A = arith.constant 0 : i32
      %dma_start3A_53 = tpu.memref_slice %arg7[%add3A_26, %dma_start3A] : memref<16384x64xf32, #tpu.memory_space<hbm>> -> memref<256x64xf32, #tpu.memory_space<hbm>>
      %dma_start3A_54 = arith.constant 0 : i32
      %dma_start3A_55 = tpu.memref_slice %arg7[%add3A_26, %dma_start3A_54] : memref<16384x64xf32, #tpu.memory_space<hbm>> -> memref<256x64xf32, #tpu.memory_space<hbm>>
      tpu.enqueue_dma source(%arg14 : memref<256x64xf32, #tpu.memory_space<vmem>>) target(%dma_start3A_55 : memref<256x64xf32, #tpu.memory_space<hbm>>) target_semaphore(%run_scoped3A : memref<!tpu.dma_semaphore, #tpu.memory_space<semaphore_mem>>)
      %dma_wait3A_56 = arith.constant 0 : i32
      %dma_wait3A_57 = tpu.memref_slice %arg7[%add3A_26, %dma_wait3A_56] : memref<16384x64xf32, #tpu.memory_space<hbm>> -> memref<256x64xf32, #tpu.memory_space<hbm>>
      %dma_wait3A_58 = arith.constant 0 : i32
      %dma_wait3A_59 = tpu.memref_slice %arg7[%add3A_26, %dma_wait3A_58] : memref<16384x64xf32, #tpu.memory_space<hbm>> -> memref<256x64xf32, #tpu.memory_space<hbm>>
      tpu.wait_dma2 semaphore(%run_scoped3A : memref<!tpu.dma_semaphore, #tpu.memory_space<semaphore_mem>>) src(%arg14 : memref<256x64xf32, #tpu.memory_space<vmem>>) dst(%dma_wait3A_59 : memref<256x64xf32, #tpu.memory_space<hbm>>)
      tpu.yield
    }) : () -> ()
    %scan3A_27 = arith.constant 0 : i32
    %scan3A_28 = arith.constant 0 : i32
    %scan3A_29 = arith.constant 16 : i32
    %scan3A_30 = arith.addi %scan3A_28, %scan3A_29 : i32
    %scan3A_31 = arith.constant 1 : i32
    scf.for %scan3A_53 = %scan3A_28 to %scan3A_30 step %scan3A_31  : i32 {
      %mul3A_54 = arith.constant 16 : i32
      %mul3A_55 = arith.muli %scan3A_53, %mul3A_54 : i32
      %add3A_56 = arith.constant 256 : i32
      %add3A_57 = arith.addi %add3A_56, %mul3A_55 : i32
      %get3A = arith.index_cast %add3A_57 : i32 to index
      %get3A_58 = tpu.vector_load %arg8[%get3A] {strides = array<i32>} : memref<512xi32, #tpu.memory_space<vmem>>, vector<16xi32>,
      %add3A_59 = arith.constant 256 : i32
      %add3A_60 = arith.addi %add3A_59, %mul3A_55 : i32
      %get3A_61 = arith.index_cast %add3A_60 : i32 to index
      %get3A_62 = tpu.vector_load %arg9[%get3A_61] {strides = array<i32>} : memref<512xi32, #tpu.memory_space<vmem>>, vector<16xi32>,
      %slice3A = vector.extract_strided_slice %get3A_58 {offsets = [0], sizes = [1], strides = [1]} : vector<16xi32> to vector<1xi32>
      %squeeze3A = vector.extract %slice3A[0] : i32 from vector<1xi32>
      %add3A_63 = arith.constant 0 : i32
      %add3A_64 = arith.addi %mul3A_55, %add3A_63 : i32
      %dma_start3A = arith.constant 0 : i32
      %dma_start3A_65 = tpu.memref_slice %arg12[%add3A_64, %dma_start3A] : memref<256x64xf32, #tpu.memory_space<vmem>> -> memref<1x64xf32, #tpu.memory_space<vmem>>
      %dma_start3A_66 = tpu.memref_squeeze %dma_start3A_65 : memref<1x64xf32, #tpu.memory_space<vmem>> -> memref<64xf32, #tpu.memory_space<vmem>>
      %dma_start3A_67 = arith.constant 0 : i32
      %dma_start3A_68 = tpu.memref_slice %arg2[%squeeze3A, %dma_start3A_67] : memref<1000001x64xf32, #tpu.memory_space<hbm>> -> memref<1x64xf32, #tpu.memory_space<hbm>>
      %dma_start3A_69 = tpu.memref_squeeze %dma_start3A_68 : memref<1x64xf32, #tpu.memory_space<hbm>> -> memref<64xf32, #tpu.memory_space<hbm>>
      %dma_start3A_70 = arith.constant 0 : i32
      %dma_start3A_71 = tpu.memref_slice %arg12[%add3A_64, %dma_start3A_70] : memref<256x64xf32, #tpu.memory_space<vmem>> -> memref<1x64xf32, #tpu.memory_space<vmem>>
      %dma_start3A_72 = tpu.memref_squeeze %dma_start3A_71 : memref<1x64xf32, #tpu.memory_space<vmem>> -> memref<64xf32, #tpu.memory_space<vmem>>
      %dma_start3A_73 = arith.constant 0 : i32
      %dma_start3A_74 = tpu.memref_slice %arg2[%squeeze3A, %dma_start3A_73] : memref<1000001x64xf32, #tpu.memory_space<hbm>> -> memref<1x64xf32, #tpu.memory_space<hbm>>
      %dma_start3A_75 = tpu.memref_squeeze %dma_start3A_74 : memref<1x64xf32, #tpu.memory_space<hbm>> -> memref<64xf32, #tpu.memory_space<hbm>>
      tpu.enqueue_dma source(%dma_start3A_75 : memref<64xf32, #tpu.memory_space<hbm>>) target(%dma_start3A_72 : memref<64xf32, #tpu.memory_space<vmem>>) target_semaphore(%arg15 : memref<!tpu.dma_semaphore, #tpu.memory_space<semaphore_mem>>)
      %slice3A_76 = vector.extract_strided_slice %get3A_62 {offsets = [0], sizes = [1], strides = [1]} : vector<16xi32> to vector<1xi32>
      %squeeze3A_77 = vector.extract %slice3A_76[0] : i32 from vector<1xi32>
      %add3A_78 = arith.constant 0 : i32
      %add3A_79 = arith.addi %mul3A_55, %add3A_78 : i32
      %dma_start3A_80 = arith.constant 0 : i32
      %dma_start3A_81 = tpu.memref_slice %arg13[%add3A_79, %dma_start3A_80] : memref<256x64xf32, #tpu.memory_space<vmem>> -> memref<1x64xf32, #tpu.memory_space<vmem>>
      %dma_start3A_82 = tpu.memref_squeeze %dma_start3A_81 : memref<1x64xf32, #tpu.memory_space<vmem>> -> memref<64xf32, #tpu.memory_space<vmem>>
      %dma_start3A_83 = arith.constant 0 : i32
      %dma_start3A_84 = tpu.memref_slice %arg2[%squeeze3A_77, %dma_start3A_83] : memref<1000001x64xf32, #tpu.memory_space<hbm>> -> memref<1x64xf32, #tpu.memory_space<hbm>>
      %dma_start3A_85 = tpu.memref_squeeze %dma_start3A_84 : memref<1x64xf32, #tpu.memory_space<hbm>> -> memref<64xf32, #tpu.memory_space<hbm>>
      %dma_start3A_86 = arith.constant 0 : i32
      %dma_start3A_87 = tpu.memref_slice %arg13[%add3A_79, %dma_start3A_86] : memref<256x64xf32, #tpu.memory_space<vmem>> -> memref<1x64xf32, #tpu.memory_space<vmem>>
      %dma_start3A_88 = tpu.memref_squeeze %dma_start3A_87 : memref<1x64xf32, #tpu.memory_space<vmem>> -> memref<64xf32, #tpu.memory_space<vmem>>
      %dma_start3A_89 = arith.constant 0 : i32
      %dma_start3A_90 = tpu.memref_slice %arg2[%squeeze3A_77, %dma_start3A_89] : memref<1000001x64xf32, #tpu.memory_space<hbm>> -> memref<1x64xf32, #tpu.memory_space<hbm>>
      %dma_start3A_91 = tpu.memref_squeeze %dma_start3A_90 : memref<1x64xf32, #tpu.memory_space<hbm>> -> memref<64xf32, #tpu.memory_space<hbm>>
      tpu.enqueue_dma source(%dma_start3A_91 : memref<64xf32, #tpu.memory_space<hbm>>) target(%dma_start3A_88 : memref<64xf32, #tpu.memory_space<vmem>>) target_semaphore(%arg15 : memref<!tpu.dma_semaphore, #tpu.memory_space<semaphore_mem>>)
      %slice3A_92 = vector.extract_strided_slice %get3A_58 {offsets = [1], sizes = [1], strides = [1]} : vector<16xi32> to vector<1xi32>
      %squeeze3A_93 = vector.extract %slice3A_92[0] : i32 from vector<1xi32>
      %add3A_94 = arith.constant 1 : i32
      %add3A_95 = arith.addi %mul3A_55, %add3A_94 : i32
      %dma_start3A_96 = arith.constant 0 : i32
      %dma_start3A_97 = tpu.memref_slice %arg12[%add3A_95, %dma_start3A_96] : memref<256x64xf32, #tpu.memory_space<vmem>> -> memref<1x64xf32, #tpu.memory_space<vmem>>
      %dma_start3A_98 = tpu.memref_squeeze %dma_start3A_97 : memref<1x64xf32, #tpu.memory_space<vmem>> -> memref<64xf32, #tpu.memory_space<vmem>>
      %dma_start3A_99 = arith.constant 0 : i32
      %dma_start3A_100 = tpu.memref_slice %arg2[%squeeze3A_93, %dma_start3A_99] : memref<1000001x64xf32, #tpu.memory_space<hbm>> -> memref<1x64xf32, #tpu.memory_space<hbm>>
      %dma_start3A_101 = tpu.memref_squeeze %dma_start3A_100 : memref<1x64xf32, #tpu.memory_space<hbm>> -> memref<64xf32, #tpu.memory_space<hbm>>
      %dma_start3A_102 = arith.constant 0 : i32
      %dma_start3A_103 = tpu.memref_slice %arg12[%add3A_95, %dma_start3A_102] : memref<256x64xf32, #tpu.memory_space<vmem>> -> memref<1x64xf32, #tpu.memory_space<vmem>>
      %dma_start3A_104 = tpu.memref_squeeze %dma_start3A_103 : memref<1x64xf32, #tpu.memory_space<vmem>> -> memref<64xf32, #tpu.memory_space<vmem>>
      %dma_start3A_105 = arith.constant 0 : i32
      %dma_start3A_106 = tpu.memref_slice %arg2[%squeeze3A_93, %dma_start3A_105] : memref<1000001x64xf32, #tpu.memory_space<hbm>> -> memref<1x64xf32, #tpu.memory_space<hbm>>
      %dma_start3A_107 = tpu.memref_squeeze %dma_start3A_106 : memref<1x64xf32, #tpu.memory_space<hbm>> -> memref<64xf32, #tpu.memory_space<hbm>>
      tpu.enqueue_dma source(%dma_start3A_107 : memref<64xf32, #tpu.memory_space<hbm>>) target(%dma_start3A_104 : memref<64xf32, #tpu.memory_space<vmem>>) target_semaphore(%arg15 : memref<!tpu.dma_semaphore, #tpu.memory_space<semaphore_mem>>)
      %slice3A_108 = vector.extract_strided_slice %get3A_62 {offsets = [1], sizes = [1], strides = [1]} : vector<16xi32> to vector<1xi32>
      %squeeze3A_109 = vector.extract %slice3A_108[0] : i32 from vector<1xi32>
      %add3A_110 = arith.constant 1 : i32
      %add3A_111 = arith.addi %mul3A_55, %add3A_110 : i32
      %dma_start3A_112 = arith.constant 0 : i32
      %dma_start3A_113 = tpu.memref_slice %arg13[%add3A_111, %dma_start3A_112] : memref<256x64xf32, #tpu.memory_space<vmem>> -> memref<1x64xf32, #tpu.memory_space<vmem>>
      %dma_start3A_114 = tpu.memref_squeeze %dma_start3A_113 : memref<1x64xf32, #tpu.memory_space<vmem>> -> memref<64xf32, #tpu.memory_space<vmem>>
      %dma_start3A_115 = arith.constant 0 : i32
      %dma_start3A_116 = tpu.memref_slice %arg2[%squeeze3A_109, %dma_start3A_115] : memref<1000001x64xf32, #tpu.memory_space<hbm>> -> memref<1x64xf32, #tpu.memory_space<hbm>>
      %dma_start3A_117 = tpu.memref_squeeze %dma_start3A_116 : memref<1x64xf32, #tpu.memory_space<hbm>> -> memref<64xf32, #tpu.memory_space<hbm>>
      %dma_start3A_118 = arith.constant 0 : i32
      %dma_start3A_119 = tpu.memref_slice %arg13[%add3A_111, %dma_start3A_118] : memref<256x64xf32, #tpu.memory_space<vmem>> -> memref<1x64xf32, #tpu.memory_space<vmem>>
      %dma_start3A_120 = tpu.memref_squeeze %dma_start3A_119 : memref<1x64xf32, #tpu.memory_space<vmem>> -> memref<64xf32, #tpu.memory_space<vmem>>
      %dma_start3A_121 = arith.constant 0 : i32
      %dma_start3A_122 = tpu.memref_slice %arg2[%squeeze3A_109, %dma_start3A_121] : memref<1000001x64xf32, #tpu.memory_space<hbm>> -> memref<1x64xf32, #tpu.memory_space<hbm>>
      %dma_start3A_123 = tpu.memref_squeeze %dma_start3A_122 : memref<1x64xf32, #tpu.memory_space<hbm>> -> memref<64xf32, #tpu.memory_space<hbm>>
      tpu.enqueue_dma source(%dma_start3A_123 : memref<64xf32, #tpu.memory_space<hbm>>) target(%dma_start3A_120 : memref<64xf32, #tpu.memory_space<vmem>>) target_semaphore(%arg15 : memref<!tpu.dma_semaphore, #tpu.memory_space<semaphore_mem>>)
      %slice3A_124 = vector.extract_strided_slice %get3A_58 {offsets = [2], sizes = [1], strides = [1]} : vector<16xi32> to vector<1xi32>
      %squeeze3A_125 = vector.extract %slice3A_124[0] : i32 from vector<1xi32>
      %add3A_126 = arith.constant 2 : i32
      %add3A_127 = arith.addi %mul3A_55, %add3A_126 : i32
      %dma_start3A_128 = arith.constant 0 : i32
      %dma_start3A_129 = tpu.memref_slice %arg12[%add3A_127, %dma_start3A_128] : memref<256x64xf32, #tpu.memory_space<vmem>> -> memref<1x64xf32, #tpu.memory_space<vmem>>
      %dma_start3A_130 = tpu.memref_squeeze %dma_start3A_129 : memref<1x64xf32, #tpu.memory_space<vmem>> -> memref<64xf32, #tpu.memory_space<vmem>>
      %dma_start3A_131 = arith.constant 0 : i32
      %dma_start3A_132 = tpu.memref_slice %arg2[%squeeze3A_125, %dma_start3A_131] : memref<1000001x64xf32, #tpu.memory_space<hbm>> -> memref<1x64xf32, #tpu.memory_space<hbm>>
      %dma_start3A_133 = tpu.memref_squeeze %dma_start3A_132 : memref<1x64xf32, #tpu.memory_space<hbm>> -> memref<64xf32, #tpu.memory_space<hbm>>
      %dma_start3A_134 = arith.constant 0 : i32
      %dma_start3A_135 = tpu.memref_slice %arg12[%add3A_127, %dma_start3A_134] : memref<256x64xf32, #tpu.memory_space<vmem>> -> memref<1x64xf32, #tpu.memory_space<vmem>>
      %dma_start3A_136 = tpu.memref_squeeze %dma_start3A_135 : memref<1x64xf32, #tpu.memory_space<vmem>> -> memref<64xf32, #tpu.memory_space<vmem>>
      %dma_start3A_137 = arith.constant 0 : i32
      %dma_start3A_138 = tpu.memref_slice %arg2[%squeeze3A_125, %dma_start3A_137] : memref<1000001x64xf32, #tpu.memory_space<hbm>> -> memref<1x64xf32, #tpu.memory_space<hbm>>
      %dma_start3A_139 = tpu.memref_squeeze %dma_start3A_138 : memref<1x64xf32, #tpu.memory_space<hbm>> -> memref<64xf32, #tpu.memory_space<hbm>>
      tpu.enqueue_dma source(%dma_start3A_139 : memref<64xf32, #tpu.memory_space<hbm>>) target(%dma_start3A_136 : memref<64xf32, #tpu.memory_space<vmem>>) target_semaphore(%arg15 : memref<!tpu.dma_semaphore, #tpu.memory_space<semaphore_mem>>)
      %slice3A_140 = vector.extract_strided_slice %get3A_62 {offsets = [2], sizes = [1], strides = [1]} : vector<16xi32> to vector<1xi32>
      %squeeze3A_141 = vector.extract %slice3A_140[0] : i32 from vector<1xi32>
      %add3A_142 = arith.constant 2 : i32
      %add3A_143 = arith.addi %mul3A_55, %add3A_142 : i32
      %dma_start3A_144 = arith.constant 0 : i32
      %dma_start3A_145 = tpu.memref_slice %arg13[%add3A_143, %dma_start3A_144] : memref<256x64xf32, #tpu.memory_space<vmem>> -> memref<1x64xf32, #tpu.memory_space<vmem>>
      %dma_start3A_146 = tpu.memref_squeeze %dma_start3A_145 : memref<1x64xf32, #tpu.memory_space<vmem>> -> memref<64xf32, #tpu.memory_space<vmem>>
      %dma_start3A_147 = arith.constant 0 : i32
      %dma_start3A_148 = tpu.memref_slice %arg2[%squeeze3A_141, %dma_start3A_147] : memref<1000001x64xf32, #tpu.memory_space<hbm>> -> memref<1x64xf32, #tpu.memory_space<hbm>>
      %dma_start3A_149 = tpu.memref_squeeze %dma_start3A_148 : memref<1x64xf32, #tpu.memory_space<hbm>> -> memref<64xf32, #tpu.memory_space<hbm>>
      %dma_start3A_150 = arith.constant 0 : i32
      %dma_start3A_151 = tpu.memref_slice %arg13[%add3A_143, %dma_start3A_150] : memref<256x64xf32, #tpu.memory_space<vmem>> -> memref<1x64xf32, #tpu.memory_space<vmem>>
      %dma_start3A_152 = tpu.memref_squeeze %dma_start3A_151 : memref<1x64xf32, #tpu.memory_space<vmem>> -> memref<64xf32, #tpu.memory_space<vmem>>
      %dma_start3A_153 = arith.constant 0 : i32
      %dma_start3A_154 = tpu.memref_slice %arg2[%squeeze3A_141, %dma_start3A_153] : memref<1000001x64xf32, #tpu.memory_space<hbm>> -> memref<1x64xf32, #tpu.memory_space<hbm>>
      %dma_start3A_155 = tpu.memref_squeeze %dma_start3A_154 : memref<1x64xf32, #tpu.memory_space<hbm>> -> memref<64xf32, #tpu.memory_space<hbm>>
      tpu.enqueue_dma source(%dma_start3A_155 : memref<64xf32, #tpu.memory_space<hbm>>) target(%dma_start3A_152 : memref<64xf32, #tpu.memory_space<vmem>>) target_semaphore(%arg15 : memref<!tpu.dma_semaphore, #tpu.memory_space<semaphore_mem>>)
      %slice3A_156 = vector.extract_strided_slice %get3A_58 {offsets = [3], sizes = [1], strides = [1]} : vector<16xi32> to vector<1xi32>
      %squeeze3A_157 = vector.extract %slice3A_156[0] : i32 from vector<1xi32>
      %add3A_158 = arith.constant 3 : i32
      %add3A_159 = arith.addi %mul3A_55, %add3A_158 : i32
      %dma_start3A_160 = arith.constant 0 : i32
      %dma_start3A_161 = tpu.memref_slice %arg12[%add3A_159, %dma_start3A_160] : memref<256x64xf32, #tpu.memory_space<vmem>> -> memref<1x64xf32, #tpu.memory_space<vmem>>
      %dma_start3A_162 = tpu.memref_squeeze %dma_start3A_161 : memref<1x64xf32, #tpu.memory_space<vmem>> -> memref<64xf32, #tpu.memory_space<vmem>>
      %dma_start3A_163 = arith.constant 0 : i32
      %dma_start3A_164 = tpu.memref_slice %arg2[%squeeze3A_157, %dma_start3A_163] : memref<1000001x64xf32, #tpu.memory_space<hbm>> -> memref<1x64xf32, #tpu.memory_space<hbm>>
      %dma_start3A_165 = tpu.memref_squeeze %dma_start3A_164 : memref<1x64xf32, #tpu.memory_space<hbm>> -> memref<64xf32, #tpu.memory_space<hbm>>
      %dma_start3A_166 = arith.constant 0 : i32
      %dma_start3A_167 = tpu.memref_slice %arg12[%add3A_159, %dma_start3A_166] : memref<256x64xf32, #tpu.memory_space<vmem>> -> memref<1x64xf32, #tpu.memory_space<vmem>>
      %dma_start3A_168 = tpu.memref_squeeze %dma_start3A_167 : memref<1x64xf32, #tpu.memory_space<vmem>> -> memref<64xf32, #tpu.memory_space<vmem>>
      %dma_start3A_169 = arith.constant 0 : i32
      %dma_start3A_170 = tpu.memref_slice %arg2[%squeeze3A_157, %dma_start3A_169] : memref<1000001x64xf32, #tpu.memory_space<hbm>> -> memref<1x64xf32, #tpu.memory_space<hbm>>
      %dma_start3A_171 = tpu.memref_squeeze %dma_start3A_170 : memref<1x64xf32, #tpu.memory_space<hbm>> -> memref<64xf32, #tpu.memory_space<hbm>>
      tpu.enqueue_dma source(%dma_start3A_171 : memref<64xf32, #tpu.memory_space<hbm>>) target(%dma_start3A_168 : memref<64xf32, #tpu.memory_space<vmem>>) target_semaphore(%arg15 : memref<!tpu.dma_semaphore, #tpu.memory_space<semaphore_mem>>)
      %slice3A_172 = vector.extract_strided_slice %get3A_62 {offsets = [3], sizes = [1], strides = [1]} : vector<16xi32> to vector<1xi32>
      %squeeze3A_173 = vector.extract %slice3A_172[0] : i32 from vector<1xi32>
      %add3A_174 = arith.constant 3 : i32
      %add3A_175 = arith.addi %mul3A_55, %add3A_174 : i32
      %dma_start3A_176 = arith.constant 0 : i32
      %dma_start3A_177 = tpu.memref_slice %arg13[%add3A_175, %dma_start3A_176] : memref<256x64xf32, #tpu.memory_space<vmem>> -> memref<1x64xf32, #tpu.memory_space<vmem>>
      %dma_start3A_178 = tpu.memref_squeeze %dma_start3A_177 : memref<1x64xf32, #tpu.memory_space<vmem>> -> memref<64xf32, #tpu.memory_space<vmem>>
      %dma_start3A_179 = arith.constant 0 : i32
      %dma_start3A_180 = tpu.memref_slice %arg2[%squeeze3A_173, %dma_start3A_179] : memref<1000001x64xf32, #tpu.memory_space<hbm>> -> memref<1x64xf32, #tpu.memory_space<hbm>>
      %dma_start3A_181 = tpu.memref_squeeze %dma_start3A_180 : memref<1x64xf32, #tpu.memory_space<hbm>> -> memref<64xf32, #tpu.memory_space<hbm>>
      %dma_start3A_182 = arith.constant 0 : i32
      %dma_start3A_183 = tpu.memref_slice %arg13[%add3A_175, %dma_start3A_182] : memref<256x64xf32, #tpu.memory_space<vmem>> -> memref<1x64xf32, #tpu.memory_space<vmem>>
      %dma_start3A_184 = tpu.memref_squeeze %dma_start3A_183 : memref<1x64xf32, #tpu.memory_space<vmem>> -> memref<64xf32, #tpu.memory_space<vmem>>
      %dma_start3A_185 = arith.constant 0 : i32
      %dma_start3A_186 = tpu.memref_slice %arg2[%squeeze3A_173, %dma_start3A_185] : memref<1000001x64xf32, #tpu.memory_space<hbm>> -> memref<1x64xf32, #tpu.memory_space<hbm>>
      %dma_start3A_187 = tpu.memref_squeeze %dma_start3A_186 : memref<1x64xf32, #tpu.memory_space<hbm>> -> memref<64xf32, #tpu.memory_space<hbm>>
      tpu.enqueue_dma source(%dma_start3A_187 : memref<64xf32, #tpu.memory_space<hbm>>) target(%dma_start3A_184 : memref<64xf32, #tpu.memory_space<vmem>>) target_semaphore(%arg15 : memref<!tpu.dma_semaphore, #tpu.memory_space<semaphore_mem>>)
      %slice3A_188 = vector.extract_strided_slice %get3A_58 {offsets = [4], sizes = [1], strides = [1]} : vector<16xi32> to vector<1xi32>
      %squeeze3A_189 = vector.extract %slice3A_188[0] : i32 from vector<1xi32>
      %add3A_190 = arith.constant 4 : i32
      %add3A_191 = arith.addi %mul3A_55, %add3A_190 : i32
      %dma_start3A_192 = arith.constant 0 : i32
      %dma_start3A_193 = tpu.memref_slice %arg12[%add3A_191, %dma_start3A_192] : memref<256x64xf32, #tpu.memory_space<vmem>> -> memref<1x64xf32, #tpu.memory_space<vmem>>
      %dma_start3A_194 = tpu.memref_squeeze %dma_start3A_193 : memref<1x64xf32, #tpu.memory_space<vmem>> -> memref<64xf32, #tpu.memory_space<vmem>>
      %dma_start3A_195 = arith.constant 0 : i32
      %dma_start3A_196 = tpu.memref_slice %arg2[%squeeze3A_189, %dma_start3A_195] : memref<1000001x64xf32, #tpu.memory_space<hbm>> -> memref<1x64xf32, #tpu.memory_space<hbm>>
      %dma_start3A_197 = tpu.memref_squeeze %dma_start3A_196 : memref<1x64xf32, #tpu.memory_space<hbm>> -> memref<64xf32, #tpu.memory_space<hbm>>
      %dma_start3A_198 = arith.constant 0 : i32
      %dma_start3A_199 = tpu.memref_slice %arg12[%add3A_191, %dma_start3A_198] : memref<256x64xf32, #tpu.memory_space<vmem>> -> memref<1x64xf32, #tpu.memory_space<vmem>>
      %dma_start3A_200 = tpu.memref_squeeze %dma_start3A_199 : memref<1x64xf32, #tpu.memory_space<vmem>> -> memref<64xf32, #tpu.memory_space<vmem>>
      %dma_start3A_201 = arith.constant 0 : i32
      %dma_start3A_202 = tpu.memref_slice %arg2[%squeeze3A_189, %dma_start3A_201] : memref<1000001x64xf32, #tpu.memory_space<hbm>> -> memref<1x64xf32, #tpu.memory_space<hbm>>
      %dma_start3A_203 = tpu.memref_squeeze %dma_start3A_202 : memref<1x64xf32, #tpu.memory_space<hbm>> -> memref<64xf32, #tpu.memory_space<hbm>>
      tpu.enqueue_dma source(%dma_start3A_203 : memref<64xf32, #tpu.memory_space<hbm>>) target(%dma_start3A_200 : memref<64xf32, #tpu.memory_space<vmem>>) target_semaphore(%arg15 : memref<!tpu.dma_semaphore, #tpu.memory_space<semaphore_mem>>)
      %slice3A_204 = vector.extract_strided_slice %get3A_62 {offsets = [4], sizes = [1], strides = [1]} : vector<16xi32> to vector<1xi32>
      %squeeze3A_205 = vector.extract %slice3A_204[0] : i32 from vector<1xi32>
      %add3A_206 = arith.constant 4 : i32
      %add3A_207 = arith.addi %mul3A_55, %add3A_206 : i32
      %dma_start3A_208 = arith.constant 0 : i32
      %dma_start3A_209 = tpu.memref_slice %arg13[%add3A_207, %dma_start3A_208] : memref<256x64xf32, #tpu.memory_space<vmem>> -> memref<1x64xf32, #tpu.memory_space<vmem>>
      %dma_start3A_210 = tpu.memref_squeeze %dma_start3A_209 : memref<1x64xf32, #tpu.memory_space<vmem>> -> memref<64xf32, #tpu.memory_space<vmem>>
      %dma_start3A_211 = arith.constant 0 : i32
      %dma_start3A_212 = tpu.memref_slice %arg2[%squeeze3A_205, %dma_start3A_211] : memref<1000001x64xf32, #tpu.memory_space<hbm>> -> memref<1x64xf32, #tpu.memory_space<hbm>>
      %dma_start3A_213 = tpu.memref_squeeze %dma_start3A_212 : memref<1x64xf32, #tpu.memory_space<hbm>> -> memref<64xf32, #tpu.memory_space<hbm>>
      %dma_start3A_214 = arith.constant 0 : i32
      %dma_start3A_215 = tpu.memref_slice %arg13[%add3A_207, %dma_start3A_214] : memref<256x64xf32, #tpu.memory_space<vmem>> -> memref<1x64xf32, #tpu.memory_space<vmem>>
      %dma_start3A_216 = tpu.memref_squeeze %dma_start3A_215 : memref<1x64xf32, #tpu.memory_space<vmem>> -> memref<64xf32, #tpu.memory_space<vmem>>
      %dma_start3A_217 = arith.constant 0 : i32
      %dma_start3A_218 = tpu.memref_slice %arg2[%squeeze3A_205, %dma_start3A_217] : memref<1000001x64xf32, #tpu.memory_space<hbm>> -> memref<1x64xf32, #tpu.memory_space<hbm>>
      %dma_start3A_219 = tpu.memref_squeeze %dma_start3A_218 : memref<1x64xf32, #tpu.memory_space<hbm>> -> memref<64xf32, #tpu.memory_space<hbm>>
      tpu.enqueue_dma source(%dma_start3A_219 : memref<64xf32, #tpu.memory_space<hbm>>) target(%dma_start3A_216 : memref<64xf32, #tpu.memory_space<vmem>>) target_semaphore(%arg15 : memref<!tpu.dma_semaphore, #tpu.memory_space<semaphore_mem>>)
      %slice3A_220 = vector.extract_strided_slice %get3A_58 {offsets = [5], sizes = [1], strides = [1]} : vector<16xi32> to vector<1xi32>
      %squeeze3A_221 = vector.extract %slice3A_220[0] : i32 from vector<1xi32>
      %add3A_222 = arith.constant 5 : i32
      %add3A_223 = arith.addi %mul3A_55, %add3A_222 : i32
      %dma_start3A_224 = arith.constant 0 : i32
      %dma_start3A_225 = tpu.memref_slice %arg12[%add3A_223, %dma_start3A_224] : memref<256x64xf32, #tpu.memory_space<vmem>> -> memref<1x64xf32, #tpu.memory_space<vmem>>
      %dma_start3A_226 = tpu.memref_squeeze %dma_start3A_225 : memref<1x64xf32, #tpu.memory_space<vmem>> -> memref<64xf32, #tpu.memory_space<vmem>>
      %dma_start3A_227 = arith.constant 0 : i32
      %dma_start3A_228 = tpu.memref_slice %arg2[%squeeze3A_221, %dma_start3A_227] : memref<1000001x64xf32, #tpu.memory_space<hbm>> -> memref<1x64xf32, #tpu.memory_space<hbm>>
      %dma_start3A_229 = tpu.memref_squeeze %dma_start3A_228 : memref<1x64xf32, #tpu.memory_space<hbm>> -> memref<64xf32, #tpu.memory_space<hbm>>
      %dma_start3A_230 = arith.constant 0 : i32
      %dma_start3A_231 = tpu.memref_slice %arg12[%add3A_223, %dma_start3A_230] : memref<256x64xf32, #tpu.memory_space<vmem>> -> memref<1x64xf32, #tpu.memory_space<vmem>>
      %dma_start3A_232 = tpu.memref_squeeze %dma_start3A_231 : memref<1x64xf32, #tpu.memory_space<vmem>> -> memref<64xf32, #tpu.memory_space<vmem>>
      %dma_start3A_233 = arith.constant 0 : i32
      %dma_start3A_234 = tpu.memref_slice %arg2[%squeeze3A_221, %dma_start3A_233] : memref<1000001x64xf32, #tpu.memory_space<hbm>> -> memref<1x64xf32, #tpu.memory_space<hbm>>
      %dma_start3A_235 = tpu.memref_squeeze %dma_start3A_234 : memref<1x64xf32, #tpu.memory_space<hbm>> -> memref<64xf32, #tpu.memory_space<hbm>>
      tpu.enqueue_dma source(%dma_start3A_235 : memref<64xf32, #tpu.memory_space<hbm>>) target(%dma_start3A_232 : memref<64xf32, #tpu.memory_space<vmem>>) target_semaphore(%arg15 : memref<!tpu.dma_semaphore, #tpu.memory_space<semaphore_mem>>)
      %slice3A_236 = vector.extract_strided_slice %get3A_62 {offsets = [5], sizes = [1], strides = [1]} : vector<16xi32> to vector<1xi32>
      %squeeze3A_237 = vector.extract %slice3A_236[0] : i32 from vector<1xi32>
      %add3A_238 = arith.constant 5 : i32
      %add3A_239 = arith.addi %mul3A_55, %add3A_238 : i32
      %dma_start3A_240 = arith.constant 0 : i32
      %dma_start3A_241 = tpu.memref_slice %arg13[%add3A_239, %dma_start3A_240] : memref<256x64xf32, #tpu.memory_space<vmem>> -> memref<1x64xf32, #tpu.memory_space<vmem>>
      %dma_start3A_242 = tpu.memref_squeeze %dma_start3A_241 : memref<1x64xf32, #tpu.memory_space<vmem>> -> memref<64xf32, #tpu.memory_space<vmem>>
      %dma_start3A_243 = arith.constant 0 : i32
      %dma_start3A_244 = tpu.memref_slice %arg2[%squeeze3A_237, %dma_start3A_243] : memref<1000001x64xf32, #tpu.memory_space<hbm>> -> memref<1x64xf32, #tpu.memory_space<hbm>>
      %dma_start3A_245 = tpu.memref_squeeze %dma_start3A_244 : memref<1x64xf32, #tpu.memory_space<hbm>> -> memref<64xf32, #tpu.memory_space<hbm>>
      %dma_start3A_246 = arith.constant 0 : i32
      %dma_start3A_247 = tpu.memref_slice %arg13[%add3A_239, %dma_start3A_246] : memref<256x64xf32, #tpu.memory_space<vmem>> -> memref<1x64xf32, #tpu.memory_space<vmem>>
      %dma_start3A_248 = tpu.memref_squeeze %dma_start3A_247 : memref<1x64xf32, #tpu.memory_space<vmem>> -> memref<64xf32, #tpu.memory_space<vmem>>
      %dma_start3A_249 = arith.constant 0 : i32
      %dma_start3A_250 = tpu.memref_slice %arg2[%squeeze3A_237, %dma_start3A_249] : memref<1000001x64xf32, #tpu.memory_space<hbm>> -> memref<1x64xf32, #tpu.memory_space<hbm>>
      %dma_start3A_251 = tpu.memref_squeeze %dma_start3A_250 : memref<1x64xf32, #tpu.memory_space<hbm>> -> memref<64xf32, #tpu.memory_space<hbm>>
      tpu.enqueue_dma source(%dma_start3A_251 : memref<64xf32, #tpu.memory_space<hbm>>) target(%dma_start3A_248 : memref<64xf32, #tpu.memory_space<vmem>>) target_semaphore(%arg15 : memref<!tpu.dma_semaphore, #tpu.memory_space<semaphore_mem>>)
      %slice3A_252 = vector.extract_strided_slice %get3A_58 {offsets = [6], sizes = [1], strides = [1]} : vector<16xi32> to vector<1xi32>
      %squeeze3A_253 = vector.extract %slice3A_252[0] : i32 from vector<1xi32>
      %add3A_254 = arith.constant 6 : i32
      %add3A_255 = arith.addi %mul3A_55, %add3A_254 : i32
      %dma_start3A_256 = arith.constant 0 : i32
      %dma_start3A_257 = tpu.memref_slice %arg12[%add3A_255, %dma_start3A_256] : memref<256x64xf32, #tpu.memory_space<vmem>> -> memref<1x64xf32, #tpu.memory_space<vmem>>
      %dma_start3A_258 = tpu.memref_squeeze %dma_start3A_257 : memref<1x64xf32, #tpu.memory_space<vmem>> -> memref<64xf32, #tpu.memory_space<vmem>>
      %dma_start3A_259 = arith.constant 0 : i32
      %dma_start3A_260 = tpu.memref_slice %arg2[%squeeze3A_253, %dma_start3A_259] : memref<1000001x64xf32, #tpu.memory_space<hbm>> -> memref<1x64xf32, #tpu.memory_space<hbm>>
      %dma_start3A_261 = tpu.memref_squeeze %dma_start3A_260 : memref<1x64xf32, #tpu.memory_space<hbm>> -> memref<64xf32, #tpu.memory_space<hbm>>
      %dma_start3A_262 = arith.constant 0 : i32
      %dma_start3A_263 = tpu.memref_slice %arg12[%add3A_255, %dma_start3A_262] : memref<256x64xf32, #tpu.memory_space<vmem>> -> memref<1x64xf32, #tpu.memory_space<vmem>>
      %dma_start3A_264 = tpu.memref_squeeze %dma_start3A_263 : memref<1x64xf32, #tpu.memory_space<vmem>> -> memref<64xf32, #tpu.memory_space<vmem>>
      %dma_start3A_265 = arith.constant 0 : i32
      %dma_start3A_266 = tpu.memref_slice %arg2[%squeeze3A_253, %dma_start3A_265] : memref<1000001x64xf32, #tpu.memory_space<hbm>> -> memref<1x64xf32, #tpu.memory_space<hbm>>
      %dma_start3A_267 = tpu.memref_squeeze %dma_start3A_266 : memref<1x64xf32, #tpu.memory_space<hbm>> -> memref<64xf32, #tpu.memory_space<hbm>>
      tpu.enqueue_dma source(%dma_start3A_267 : memref<64xf32, #tpu.memory_space<hbm>>) target(%dma_start3A_264 : memref<64xf32, #tpu.memory_space<vmem>>) target_semaphore(%arg15 : memref<!tpu.dma_semaphore, #tpu.memory_space<semaphore_mem>>)
      %slice3A_268 = vector.extract_strided_slice %get3A_62 {offsets = [6], sizes = [1], strides = [1]} : vector<16xi32> to vector<1xi32>
      %squeeze3A_269 = vector.extract %slice3A_268[0] : i32 from vector<1xi32>
      %add3A_270 = arith.constant 6 : i32
      %add3A_271 = arith.addi %mul3A_55, %add3A_270 : i32
      %dma_start3A_272 = arith.constant 0 : i32
      %dma_start3A_273 = tpu.memref_slice %arg13[%add3A_271, %dma_start3A_272] : memref<256x64xf32, #tpu.memory_space<vmem>> -> memref<1x64xf32, #tpu.memory_space<vmem>>
      %dma_start3A_274 = tpu.memref_squeeze %dma_start3A_273 : memref<1x64xf32, #tpu.memory_space<vmem>> -> memref<64xf32, #tpu.memory_space<vmem>>
      %dma_start3A_275 = arith.constant 0 : i32
      %dma_start3A_276 = tpu.memref_slice %arg2[%squeeze3A_269, %dma_start3A_275] : memref<1000001x64xf32, #tpu.memory_space<hbm>> -> memref<1x64xf32, #tpu.memory_space<hbm>>
      %dma_start3A_277 = tpu.memref_squeeze %dma_start3A_276 : memref<1x64xf32, #tpu.memory_space<hbm>> -> memref<64xf32, #tpu.memory_space<hbm>>
      %dma_start3A_278 = arith.constant 0 : i32
      %dma_start3A_279 = tpu.memref_slice %arg13[%add3A_271, %dma_start3A_278] : memref<256x64xf32, #tpu.memory_space<vmem>> -> memref<1x64xf32, #tpu.memory_space<vmem>>
      %dma_start3A_280 = tpu.memref_squeeze %dma_start3A_279 : memref<1x64xf32, #tpu.memory_space<vmem>> -> memref<64xf32, #tpu.memory_space<vmem>>
      %dma_start3A_281 = arith.constant 0 : i32
      %dma_start3A_282 = tpu.memref_slice %arg2[%squeeze3A_269, %dma_start3A_281] : memref<1000001x64xf32, #tpu.memory_space<hbm>> -> memref<1x64xf32, #tpu.memory_space<hbm>>
      %dma_start3A_283 = tpu.memref_squeeze %dma_start3A_282 : memref<1x64xf32, #tpu.memory_space<hbm>> -> memref<64xf32, #tpu.memory_space<hbm>>
      tpu.enqueue_dma source(%dma_start3A_283 : memref<64xf32, #tpu.memory_space<hbm>>) target(%dma_start3A_280 : memref<64xf32, #tpu.memory_space<vmem>>) target_semaphore(%arg15 : memref<!tpu.dma_semaphore, #tpu.memory_space<semaphore_mem>>)
      %slice3A_284 = vector.extract_strided_slice %get3A_58 {offsets = [7], sizes = [1], strides = [1]} : vector<16xi32> to vector<1xi32>
      %squeeze3A_285 = vector.extract %slice3A_284[0] : i32 from vector<1xi32>
      %add3A_286 = arith.constant 7 : i32
      %add3A_287 = arith.addi %mul3A_55, %add3A_286 : i32
      %dma_start3A_288 = arith.constant 0 : i32
      %dma_start3A_289 = tpu.memref_slice %arg12[%add3A_287, %dma_start3A_288] : memref<256x64xf32, #tpu.memory_space<vmem>> -> memref<1x64xf32, #tpu.memory_space<vmem>>
      %dma_start3A_290 = tpu.memref_squeeze %dma_start3A_289 : memref<1x64xf32, #tpu.memory_space<vmem>> -> memref<64xf32, #tpu.memory_space<vmem>>
      %dma_start3A_291 = arith.constant 0 : i32
      %dma_start3A_292 = tpu.memref_slice %arg2[%squeeze3A_285, %dma_start3A_291] : memref<1000001x64xf32, #tpu.memory_space<hbm>> -> memref<1x64xf32, #tpu.memory_space<hbm>>
      %dma_start3A_293 = tpu.memref_squeeze %dma_start3A_292 : memref<1x64xf32, #tpu.memory_space<hbm>> -> memref<64xf32, #tpu.memory_space<hbm>>
      %dma_start3A_294 = arith.constant 0 : i32
      %dma_start3A_295 = tpu.memref_slice %arg12[%add3A_287, %dma_start3A_294] : memref<256x64xf32, #tpu.memory_space<vmem>> -> memref<1x64xf32, #tpu.memory_space<vmem>>
      %dma_start3A_296 = tpu.memref_squeeze %dma_start3A_295 : memref<1x64xf32, #tpu.memory_space<vmem>> -> memref<64xf32, #tpu.memory_space<vmem>>
      %dma_start3A_297 = arith.constant 0 : i32
      %dma_start3A_298 = tpu.memref_slice %arg2[%squeeze3A_285, %dma_start3A_297] : memref<1000001x64xf32, #tpu.memory_space<hbm>> -> memref<1x64xf32, #tpu.memory_space<hbm>>
      %dma_start3A_299 = tpu.memref_squeeze %dma_start3A_298 : memref<1x64xf32, #tpu.memory_space<hbm>> -> memref<64xf32, #tpu.memory_space<hbm>>
      tpu.enqueue_dma source(%dma_start3A_299 : memref<64xf32, #tpu.memory_space<hbm>>) target(%dma_start3A_296 : memref<64xf32, #tpu.memory_space<vmem>>) target_semaphore(%arg15 : memref<!tpu.dma_semaphore, #tpu.memory_space<semaphore_mem>>)
      %slice3A_300 = vector.extract_strided_slice %get3A_62 {offsets = [7], sizes = [1], strides = [1]} : vector<16xi32> to vector<1xi32>
      %squeeze3A_301 = vector.extract %slice3A_300[0] : i32 from vector<1xi32>
      %add3A_302 = arith.constant 7 : i32
      %add3A_303 = arith.addi %mul3A_55, %add3A_302 : i32
      %dma_start3A_304 = arith.constant 0 : i32
      %dma_start3A_305 = tpu.memref_slice %arg13[%add3A_303, %dma_start3A_304] : memref<256x64xf32, #tpu.memory_space<vmem>> -> memref<1x64xf32, #tpu.memory_space<vmem>>
      %dma_start3A_306 = tpu.memref_squeeze %dma_start3A_305 : memref<1x64xf32, #tpu.memory_space<vmem>> -> memref<64xf32, #tpu.memory_space<vmem>>
      %dma_start3A_307 = arith.constant 0 : i32
      %dma_start3A_308 = tpu.memref_slice %arg2[%squeeze3A_301, %dma_start3A_307] : memref<1000001x64xf32, #tpu.memory_space<hbm>> -> memref<1x64xf32, #tpu.memory_space<hbm>>
      %dma_start3A_309 = tpu.memref_squeeze %dma_start3A_308 : memref<1x64xf32, #tpu.memory_space<hbm>> -> memref<64xf32, #tpu.memory_space<hbm>>
      %dma_start3A_310 = arith.constant 0 : i32
      %dma_start3A_311 = tpu.memref_slice %arg13[%add3A_303, %dma_start3A_310] : memref<256x64xf32, #tpu.memory_space<vmem>> -> memref<1x64xf32, #tpu.memory_space<vmem>>
      %dma_start3A_312 = tpu.memref_squeeze %dma_start3A_311 : memref<1x64xf32, #tpu.memory_space<vmem>> -> memref<64xf32, #tpu.memory_space<vmem>>
      %dma_start3A_313 = arith.constant 0 : i32
      %dma_start3A_314 = tpu.memref_slice %arg2[%squeeze3A_301, %dma_start3A_313] : memref<1000001x64xf32, #tpu.memory_space<hbm>> -> memref<1x64xf32, #tpu.memory_space<hbm>>
      %dma_start3A_315 = tpu.memref_squeeze %dma_start3A_314 : memref<1x64xf32, #tpu.memory_space<hbm>> -> memref<64xf32, #tpu.memory_space<hbm>>
      tpu.enqueue_dma source(%dma_start3A_315 : memref<64xf32, #tpu.memory_space<hbm>>) target(%dma_start3A_312 : memref<64xf32, #tpu.memory_space<vmem>>) target_semaphore(%arg15 : memref<!tpu.dma_semaphore, #tpu.memory_space<semaphore_mem>>)
      %slice3A_316 = vector.extract_strided_slice %get3A_58 {offsets = [8], sizes = [1], strides = [1]} : vector<16xi32> to vector<1xi32>
      %squeeze3A_317 = vector.extract %slice3A_316[0] : i32 from vector<1xi32>
      %add3A_318 = arith.constant 8 : i32
      %add3A_319 = arith.addi %mul3A_55, %add3A_318 : i32
      %dma_start3A_320 = arith.constant 0 : i32
      %dma_start3A_321 = tpu.memref_slice %arg12[%add3A_319, %dma_start3A_320] : memref<256x64xf32, #tpu.memory_space<vmem>> -> memref<1x64xf32, #tpu.memory_space<vmem>>
      %dma_start3A_322 = tpu.memref_squeeze %dma_start3A_321 : memref<1x64xf32, #tpu.memory_space<vmem>> -> memref<64xf32, #tpu.memory_space<vmem>>
      %dma_start3A_323 = arith.constant 0 : i32
      %dma_start3A_324 = tpu.memref_slice %arg2[%squeeze3A_317, %dma_start3A_323] : memref<1000001x64xf32, #tpu.memory_space<hbm>> -> memref<1x64xf32, #tpu.memory_space<hbm>>
      %dma_start3A_325 = tpu.memref_squeeze %dma_start3A_324 : memref<1x64xf32, #tpu.memory_space<hbm>> -> memref<64xf32, #tpu.memory_space<hbm>>
      %dma_start3A_326 = arith.constant 0 : i32
      %dma_start3A_327 = tpu.memref_slice %arg12[%add3A_319, %dma_start3A_326] : memref<256x64xf32, #tpu.memory_space<vmem>> -> memref<1x64xf32, #tpu.memory_space<vmem>>
      %dma_start3A_328 = tpu.memref_squeeze %dma_start3A_327 : memref<1x64xf32, #tpu.memory_space<vmem>> -> memref<64xf32, #tpu.memory_space<vmem>>
      %dma_start3A_329 = arith.constant 0 : i32
      %dma_start3A_330 = tpu.memref_slice %arg2[%squeeze3A_317, %dma_start3A_329] : memref<1000001x64xf32, #tpu.memory_space<hbm>> -> memref<1x64xf32, #tpu.memory_space<hbm>>
      %dma_start3A_331 = tpu.memref_squeeze %dma_start3A_330 : memref<1x64xf32, #tpu.memory_space<hbm>> -> memref<64xf32, #tpu.memory_space<hbm>>
      tpu.enqueue_dma source(%dma_start3A_331 : memref<64xf32, #tpu.memory_space<hbm>>) target(%dma_start3A_328 : memref<64xf32, #tpu.memory_space<vmem>>) target_semaphore(%arg15 : memref<!tpu.dma_semaphore, #tpu.memory_space<semaphore_mem>>)
      %slice3A_332 = vector.extract_strided_slice %get3A_62 {offsets = [8], sizes = [1], strides = [1]} : vector<16xi32> to vector<1xi32>
      %squeeze3A_333 = vector.extract %slice3A_332[0] : i32 from vector<1xi32>
      %add3A_334 = arith.constant 8 : i32
      %add3A_335 = arith.addi %mul3A_55, %add3A_334 : i32
      %dma_start3A_336 = arith.constant 0 : i32
      %dma_start3A_337 = tpu.memref_slice %arg13[%add3A_335, %dma_start3A_336] : memref<256x64xf32, #tpu.memory_space<vmem>> -> memref<1x64xf32, #tpu.memory_space<vmem>>
      %dma_start3A_338 = tpu.memref_squeeze %dma_start3A_337 : memref<1x64xf32, #tpu.memory_space<vmem>> -> memref<64xf32, #tpu.memory_space<vmem>>
      %dma_start3A_339 = arith.constant 0 : i32
      %dma_start3A_340 = tpu.memref_slice %arg2[%squeeze3A_333, %dma_start3A_339] : memref<1000001x64xf32, #tpu.memory_space<hbm>> -> memref<1x64xf32, #tpu.memory_space<hbm>>
      %dma_start3A_341 = tpu.memref_squeeze %dma_start3A_340 : memref<1x64xf32, #tpu.memory_space<hbm>> -> memref<64xf32, #tpu.memory_space<hbm>>
      %dma_start3A_342 = arith.constant 0 : i32
      %dma_start3A_343 = tpu.memref_slice %arg13[%add3A_335, %dma_start3A_342] : memref<256x64xf32, #tpu.memory_space<vmem>> -> memref<1x64xf32, #tpu.memory_space<vmem>>
      %dma_start3A_344 = tpu.memref_squeeze %dma_start3A_343 : memref<1x64xf32, #tpu.memory_space<vmem>> -> memref<64xf32, #tpu.memory_space<vmem>>
      %dma_start3A_345 = arith.constant 0 : i32
      %dma_start3A_346 = tpu.memref_slice %arg2[%squeeze3A_333, %dma_start3A_345] : memref<1000001x64xf32, #tpu.memory_space<hbm>> -> memref<1x64xf32, #tpu.memory_space<hbm>>
      %dma_start3A_347 = tpu.memref_squeeze %dma_start3A_346 : memref<1x64xf32, #tpu.memory_space<hbm>> -> memref<64xf32, #tpu.memory_space<hbm>>
      tpu.enqueue_dma source(%dma_start3A_347 : memref<64xf32, #tpu.memory_space<hbm>>) target(%dma_start3A_344 : memref<64xf32, #tpu.memory_space<vmem>>) target_semaphore(%arg15 : memref<!tpu.dma_semaphore, #tpu.memory_space<semaphore_mem>>)
      %slice3A_348 = vector.extract_strided_slice %get3A_58 {offsets = [9], sizes = [1], strides = [1]} : vector<16xi32> to vector<1xi32>
      %squeeze3A_349 = vector.extract %slice3A_348[0] : i32 from vector<1xi32>
      %add3A_350 = arith.constant 9 : i32
      %add3A_351 = arith.addi %mul3A_55, %add3A_350 : i32
      %dma_start3A_352 = arith.constant 0 : i32
      %dma_start3A_353 = tpu.memref_slice %arg12[%add3A_351, %dma_start3A_352] : memref<256x64xf32, #tpu.memory_space<vmem>> -> memref<1x64xf32, #tpu.memory_space<vmem>>
      %dma_start3A_354 = tpu.memref_squeeze %dma_start3A_353 : memref<1x64xf32, #tpu.memory_space<vmem>> -> memref<64xf32, #tpu.memory_space<vmem>>
      %dma_start3A_355 = arith.constant 0 : i32
      %dma_start3A_356 = tpu.memref_slice %arg2[%squeeze3A_349, %dma_start3A_355] : memref<1000001x64xf32, #tpu.memory_space<hbm>> -> memref<1x64xf32, #tpu.memory_space<hbm>>
      %dma_start3A_357 = tpu.memref_squeeze %dma_start3A_356 : memref<1x64xf32, #tpu.memory_space<hbm>> -> memref<64xf32, #tpu.memory_space<hbm>>
      %dma_start3A_358 = arith.constant 0 : i32
      %dma_start3A_359 = tpu.memref_slice %arg12[%add3A_351, %dma_start3A_358] : memref<256x64xf32, #tpu.memory_space<vmem>> -> memref<1x64xf32, #tpu.memory_space<vmem>>
      %dma_start3A_360 = tpu.memref_squeeze %dma_start3A_359 : memref<1x64xf32, #tpu.memory_space<vmem>> -> memref<64xf32, #tpu.memory_space<vmem>>
      %dma_start3A_361 = arith.constant 0 : i32
      %dma_start3A_362 = tpu.memref_slice %arg2[%squeeze3A_349, %dma_start3A_361] : memref<1000001x64xf32, #tpu.memory_space<hbm>> -> memref<1x64xf32, #tpu.memory_space<hbm>>
      %dma_start3A_363 = tpu.memref_squeeze %dma_start3A_362 : memref<1x64xf32, #tpu.memory_space<hbm>> -> memref<64xf32, #tpu.memory_space<hbm>>
      tpu.enqueue_dma source(%dma_start3A_363 : memref<64xf32, #tpu.memory_space<hbm>>) target(%dma_start3A_360 : memref<64xf32, #tpu.memory_space<vmem>>) target_semaphore(%arg15 : memref<!tpu.dma_semaphore, #tpu.memory_space<semaphore_mem>>)
      %slice3A_364 = vector.extract_strided_slice %get3A_62 {offsets = [9], sizes = [1], strides = [1]} : vector<16xi32> to vector<1xi32>
      %squeeze3A_365 = vector.extract %slice3A_364[0] : i32 from vector<1xi32>
      %add3A_366 = arith.constant 9 : i32
      %add3A_367 = arith.addi %mul3A_55, %add3A_366 : i32
      %dma_start3A_368 = arith.constant 0 : i32
      %dma_start3A_369 = tpu.memref_slice %arg13[%add3A_367, %dma_start3A_368] : memref<256x64xf32, #tpu.memory_space<vmem>> -> memref<1x64xf32, #tpu.memory_space<vmem>>
      %dma_start3A_370 = tpu.memref_squeeze %dma_start3A_369 : memref<1x64xf32, #tpu.memory_space<vmem>> -> memref<64xf32, #tpu.memory_space<vmem>>
      %dma_start3A_371 = arith.constant 0 : i32
      %dma_start3A_372 = tpu.memref_slice %arg2[%squeeze3A_365, %dma_start3A_371] : memref<1000001x64xf32, #tpu.memory_space<hbm>> -> memref<1x64xf32, #tpu.memory_space<hbm>>
      %dma_start3A_373 = tpu.memref_squeeze %dma_start3A_372 : memref<1x64xf32, #tpu.memory_space<hbm>> -> memref<64xf32, #tpu.memory_space<hbm>>
      %dma_start3A_374 = arith.constant 0 : i32
      %dma_start3A_375 = tpu.memref_slice %arg13[%add3A_367, %dma_start3A_374] : memref<256x64xf32, #tpu.memory_space<vmem>> -> memref<1x64xf32, #tpu.memory_space<vmem>>
      %dma_start3A_376 = tpu.memref_squeeze %dma_start3A_375 : memref<1x64xf32, #tpu.memory_space<vmem>> -> memref<64xf32, #tpu.memory_space<vmem>>
      %dma_start3A_377 = arith.constant 0 : i32
      %dma_start3A_378 = tpu.memref_slice %arg2[%squeeze3A_365, %dma_start3A_377] : memref<1000001x64xf32, #tpu.memory_space<hbm>> -> memref<1x64xf32, #tpu.memory_space<hbm>>
      %dma_start3A_379 = tpu.memref_squeeze %dma_start3A_378 : memref<1x64xf32, #tpu.memory_space<hbm>> -> memref<64xf32, #tpu.memory_space<hbm>>
      tpu.enqueue_dma source(%dma_start3A_379 : memref<64xf32, #tpu.memory_space<hbm>>) target(%dma_start3A_376 : memref<64xf32, #tpu.memory_space<vmem>>) target_semaphore(%arg15 : memref<!tpu.dma_semaphore, #tpu.memory_space<semaphore_mem>>)
      %slice3A_380 = vector.extract_strided_slice %get3A_58 {offsets = [10], sizes = [1], strides = [1]} : vector<16xi32> to vector<1xi32>
      %squeeze3A_381 = vector.extract %slice3A_380[0] : i32 from vector<1xi32>
      %add3A_382 = arith.constant 10 : i32
      %add3A_383 = arith.addi %mul3A_55, %add3A_382 : i32
      %dma_start3A_384 = arith.constant 0 : i32
      %dma_start3A_385 = tpu.memref_slice %arg12[%add3A_383, %dma_start3A_384] : memref<256x64xf32, #tpu.memory_space<vmem>> -> memref<1x64xf32, #tpu.memory_space<vmem>>
      %dma_start3A_386 = tpu.memref_squeeze %dma_start3A_385 : memref<1x64xf32, #tpu.memory_space<vmem>> -> memref<64xf32, #tpu.memory_space<vmem>>
      %dma_start3A_387 = arith.constant 0 : i32
      %dma_start3A_388 = tpu.memref_slice %arg2[%squeeze3A_381, %dma_start3A_387] : memref<1000001x64xf32, #tpu.memory_space<hbm>> -> memref<1x64xf32, #tpu.memory_space<hbm>>
      %dma_start3A_389 = tpu.memref_squeeze %dma_start3A_388 : memref<1x64xf32, #tpu.memory_space<hbm>> -> memref<64xf32, #tpu.memory_space<hbm>>
      %dma_start3A_390 = arith.constant 0 : i32
      %dma_start3A_391 = tpu.memref_slice %arg12[%add3A_383, %dma_start3A_390] : memref<256x64xf32, #tpu.memory_space<vmem>> -> memref<1x64xf32, #tpu.memory_space<vmem>>
      %dma_start3A_392 = tpu.memref_squeeze %dma_start3A_391 : memref<1x64xf32, #tpu.memory_space<vmem>> -> memref<64xf32, #tpu.memory_space<vmem>>
      %dma_start3A_393 = arith.constant 0 : i32
      %dma_start3A_394 = tpu.memref_slice %arg2[%squeeze3A_381, %dma_start3A_393] : memref<1000001x64xf32, #tpu.memory_space<hbm>> -> memref<1x64xf32, #tpu.memory_space<hbm>>
      %dma_start3A_395 = tpu.memref_squeeze %dma_start3A_394 : memref<1x64xf32, #tpu.memory_space<hbm>> -> memref<64xf32, #tpu.memory_space<hbm>>
      tpu.enqueue_dma source(%dma_start3A_395 : memref<64xf32, #tpu.memory_space<hbm>>) target(%dma_start3A_392 : memref<64xf32, #tpu.memory_space<vmem>>) target_semaphore(%arg15 : memref<!tpu.dma_semaphore, #tpu.memory_space<semaphore_mem>>)
      %slice3A_396 = vector.extract_strided_slice %get3A_62 {offsets = [10], sizes = [1], strides = [1]} : vector<16xi32> to vector<1xi32>
      %squeeze3A_397 = vector.extract %slice3A_396[0] : i32 from vector<1xi32>
      %add3A_398 = arith.constant 10 : i32
      %add3A_399 = arith.addi %mul3A_55, %add3A_398 : i32
      %dma_start3A_400 = arith.constant 0 : i32
      %dma_start3A_401 = tpu.memref_slice %arg13[%add3A_399, %dma_start3A_400] : memref<256x64xf32, #tpu.memory_space<vmem>> -> memref<1x64xf32, #tpu.memory_space<vmem>>
      %dma_start3A_402 = tpu.memref_squeeze %dma_start3A_401 : memref<1x64xf32, #tpu.memory_space<vmem>> -> memref<64xf32, #tpu.memory_space<vmem>>
      %dma_start3A_403 = arith.constant 0 : i32
      %dma_start3A_404 = tpu.memref_slice %arg2[%squeeze3A_397, %dma_start3A_403] : memref<1000001x64xf32, #tpu.memory_space<hbm>> -> memref<1x64xf32, #tpu.memory_space<hbm>>
      %dma_start3A_405 = tpu.memref_squeeze %dma_start3A_404 : memref<1x64xf32, #tpu.memory_space<hbm>> -> memref<64xf32, #tpu.memory_space<hbm>>
      %dma_start3A_406 = arith.constant 0 : i32
      %dma_start3A_407 = tpu.memref_slice %arg13[%add3A_399, %dma_start3A_406] : memref<256x64xf32, #tpu.memory_space<vmem>> -> memref<1x64xf32, #tpu.memory_space<vmem>>
      %dma_start3A_408 = tpu.memref_squeeze %dma_start3A_407 : memref<1x64xf32, #tpu.memory_space<vmem>> -> memref<64xf32, #tpu.memory_space<vmem>>
      %dma_start3A_409 = arith.constant 0 : i32
      %dma_start3A_410 = tpu.memref_slice %arg2[%squeeze3A_397, %dma_start3A_409] : memref<1000001x64xf32, #tpu.memory_space<hbm>> -> memref<1x64xf32, #tpu.memory_space<hbm>>
      %dma_start3A_411 = tpu.memref_squeeze %dma_start3A_410 : memref<1x64xf32, #tpu.memory_space<hbm>> -> memref<64xf32, #tpu.memory_space<hbm>>
      tpu.enqueue_dma source(%dma_start3A_411 : memref<64xf32, #tpu.memory_space<hbm>>) target(%dma_start3A_408 : memref<64xf32, #tpu.memory_space<vmem>>) target_semaphore(%arg15 : memref<!tpu.dma_semaphore, #tpu.memory_space<semaphore_mem>>)
      %slice3A_412 = vector.extract_strided_slice %get3A_58 {offsets = [11], sizes = [1], strides = [1]} : vector<16xi32> to vector<1xi32>
      %squeeze3A_413 = vector.extract %slice3A_412[0] : i32 from vector<1xi32>
      %add3A_414 = arith.constant 11 : i32
      %add3A_415 = arith.addi %mul3A_55, %add3A_414 : i32
      %dma_start3A_416 = arith.constant 0 : i32
      %dma_start3A_417 = tpu.memref_slice %arg12[%add3A_415, %dma_start3A_416] : memref<256x64xf32, #tpu.memory_space<vmem>> -> memref<1x64xf32, #tpu.memory_space<vmem>>
      %dma_start3A_418 = tpu.memref_squeeze %dma_start3A_417 : memref<1x64xf32, #tpu.memory_space<vmem>> -> memref<64xf32, #tpu.memory_space<vmem>>
      %dma_start3A_419 = arith.constant 0 : i32
      %dma_start3A_420 = tpu.memref_slice %arg2[%squeeze3A_413, %dma_start3A_419] : memref<1000001x64xf32, #tpu.memory_space<hbm>> -> memref<1x64xf32, #tpu.memory_space<hbm>>
      %dma_start3A_421 = tpu.memref_squeeze %dma_start3A_420 : memref<1x64xf32, #tpu.memory_space<hbm>> -> memref<64xf32, #tpu.memory_space<hbm>>
      %dma_start3A_422 = arith.constant 0 : i32
      %dma_start3A_423 = tpu.memref_slice %arg12[%add3A_415, %dma_start3A_422] : memref<256x64xf32, #tpu.memory_space<vmem>> -> memref<1x64xf32, #tpu.memory_space<vmem>>
      %dma_start3A_424 = tpu.memref_squeeze %dma_start3A_423 : memref<1x64xf32, #tpu.memory_space<vmem>> -> memref<64xf32, #tpu.memory_space<vmem>>
      %dma_start3A_425 = arith.constant 0 : i32
      %dma_start3A_426 = tpu.memref_slice %arg2[%squeeze3A_413, %dma_start3A_425] : memref<1000001x64xf32, #tpu.memory_space<hbm>> -> memref<1x64xf32, #tpu.memory_space<hbm>>
      %dma_start3A_427 = tpu.memref_squeeze %dma_start3A_426 : memref<1x64xf32, #tpu.memory_space<hbm>> -> memref<64xf32, #tpu.memory_space<hbm>>
      tpu.enqueue_dma source(%dma_start3A_427 : memref<64xf32, #tpu.memory_space<hbm>>) target(%dma_start3A_424 : memref<64xf32, #tpu.memory_space<vmem>>) target_semaphore(%arg15 : memref<!tpu.dma_semaphore, #tpu.memory_space<semaphore_mem>>)
      %slice3A_428 = vector.extract_strided_slice %get3A_62 {offsets = [11], sizes = [1], strides = [1]} : vector<16xi32> to vector<1xi32>
      %squeeze3A_429 = vector.extract %slice3A_428[0] : i32 from vector<1xi32>
      %add3A_430 = arith.constant 11 : i32
      %add3A_431 = arith.addi %mul3A_55, %add3A_430 : i32
      %dma_start3A_432 = arith.constant 0 : i32
      %dma_start3A_433 = tpu.memref_slice %arg13[%add3A_431, %dma_start3A_432] : memref<256x64xf32, #tpu.memory_space<vmem>> -> memref<1x64xf32, #tpu.memory_space<vmem>>
      %dma_start3A_434 = tpu.memref_squeeze %dma_start3A_433 : memref<1x64xf32, #tpu.memory_space<vmem>> -> memref<64xf32, #tpu.memory_space<vmem>>
      %dma_start3A_435 = arith.constant 0 : i32
      %dma_start3A_436 = tpu.memref_slice %arg2[%squeeze3A_429, %dma_start3A_435] : memref<1000001x64xf32, #tpu.memory_space<hbm>> -> memref<1x64xf32, #tpu.memory_space<hbm>>
      %dma_start3A_437 = tpu.memref_squeeze %dma_start3A_436 : memref<1x64xf32, #tpu.memory_space<hbm>> -> memref<64xf32, #tpu.memory_space<hbm>>
      %dma_start3A_438 = arith.constant 0 : i32
      %dma_start3A_439 = tpu.memref_slice %arg13[%add3A_431, %dma_start3A_438] : memref<256x64xf32, #tpu.memory_space<vmem>> -> memref<1x64xf32, #tpu.memory_space<vmem>>
      %dma_start3A_440 = tpu.memref_squeeze %dma_start3A_439 : memref<1x64xf32, #tpu.memory_space<vmem>> -> memref<64xf32, #tpu.memory_space<vmem>>
      %dma_start3A_441 = arith.constant 0 : i32
      %dma_start3A_442 = tpu.memref_slice %arg2[%squeeze3A_429, %dma_start3A_441] : memref<1000001x64xf32, #tpu.memory_space<hbm>> -> memref<1x64xf32, #tpu.memory_space<hbm>>
      %dma_start3A_443 = tpu.memref_squeeze %dma_start3A_442 : memref<1x64xf32, #tpu.memory_space<hbm>> -> memref<64xf32, #tpu.memory_space<hbm>>
      tpu.enqueue_dma source(%dma_start3A_443 : memref<64xf32, #tpu.memory_space<hbm>>) target(%dma_start3A_440 : memref<64xf32, #tpu.memory_space<vmem>>) target_semaphore(%arg15 : memref<!tpu.dma_semaphore, #tpu.memory_space<semaphore_mem>>)
      %slice3A_444 = vector.extract_strided_slice %get3A_58 {offsets = [12], sizes = [1], strides = [1]} : vector<16xi32> to vector<1xi32>
      %squeeze3A_445 = vector.extract %slice3A_444[0] : i32 from vector<1xi32>
      %add3A_446 = arith.constant 12 : i32
      %add3A_447 = arith.addi %mul3A_55, %add3A_446 : i32
      %dma_start3A_448 = arith.constant 0 : i32
      %dma_start3A_449 = tpu.memref_slice %arg12[%add3A_447, %dma_start3A_448] : memref<256x64xf32, #tpu.memory_space<vmem>> -> memref<1x64xf32, #tpu.memory_space<vmem>>
      %dma_start3A_450 = tpu.memref_squeeze %dma_start3A_449 : memref<1x64xf32, #tpu.memory_space<vmem>> -> memref<64xf32, #tpu.memory_space<vmem>>
      %dma_start3A_451 = arith.constant 0 : i32
      %dma_start3A_452 = tpu.memref_slice %arg2[%squeeze3A_445, %dma_start3A_451] : memref<1000001x64xf32, #tpu.memory_space<hbm>> -> memref<1x64xf32, #tpu.memory_space<hbm>>
      %dma_start3A_453 = tpu.memref_squeeze %dma_start3A_452 : memref<1x64xf32, #tpu.memory_space<hbm>> -> memref<64xf32, #tpu.memory_space<hbm>>
      %dma_start3A_454 = arith.constant 0 : i32
      %dma_start3A_455 = tpu.memref_slice %arg12[%add3A_447, %dma_start3A_454] : memref<256x64xf32, #tpu.memory_space<vmem>> -> memref<1x64xf32, #tpu.memory_space<vmem>>
      %dma_start3A_456 = tpu.memref_squeeze %dma_start3A_455 : memref<1x64xf32, #tpu.memory_space<vmem>> -> memref<64xf32, #tpu.memory_space<vmem>>
      %dma_start3A_457 = arith.constant 0 : i32
      %dma_start3A_458 = tpu.memref_slice %arg2[%squeeze3A_445, %dma_start3A_457] : memref<1000001x64xf32, #tpu.memory_space<hbm>> -> memref<1x64xf32, #tpu.memory_space<hbm>>
      %dma_start3A_459 = tpu.memref_squeeze %dma_start3A_458 : memref<1x64xf32, #tpu.memory_space<hbm>> -> memref<64xf32, #tpu.memory_space<hbm>>
      tpu.enqueue_dma source(%dma_start3A_459 : memref<64xf32, #tpu.memory_space<hbm>>) target(%dma_start3A_456 : memref<64xf32, #tpu.memory_space<vmem>>) target_semaphore(%arg15 : memref<!tpu.dma_semaphore, #tpu.memory_space<semaphore_mem>>)
      %slice3A_460 = vector.extract_strided_slice %get3A_62 {offsets = [12], sizes = [1], strides = [1]} : vector<16xi32> to vector<1xi32>
      %squeeze3A_461 = vector.extract %slice3A_460[0] : i32 from vector<1xi32>
      %add3A_462 = arith.constant 12 : i32
      %add3A_463 = arith.addi %mul3A_55, %add3A_462 : i32
      %dma_start3A_464 = arith.constant 0 : i32
      %dma_start3A_465 = tpu.memref_slice %arg13[%add3A_463, %dma_start3A_464] : memref<256x64xf32, #tpu.memory_space<vmem>> -> memref<1x64xf32, #tpu.memory_space<vmem>>
      %dma_start3A_466 = tpu.memref_squeeze %dma_start3A_465 : memref<1x64xf32, #tpu.memory_space<vmem>> -> memref<64xf32, #tpu.memory_space<vmem>>
      %dma_start3A_467 = arith.constant 0 : i32
      %dma_start3A_468 = tpu.memref_slice %arg2[%squeeze3A_461, %dma_start3A_467] : memref<1000001x64xf32, #tpu.memory_space<hbm>> -> memref<1x64xf32, #tpu.memory_space<hbm>>
      %dma_start3A_469 = tpu.memref_squeeze %dma_start3A_468 : memref<1x64xf32, #tpu.memory_space<hbm>> -> memref<64xf32, #tpu.memory_space<hbm>>
      %dma_start3A_470 = arith.constant 0 : i32
      %dma_start3A_471 = tpu.memref_slice %arg13[%add3A_463, %dma_start3A_470] : memref<256x64xf32, #tpu.memory_space<vmem>> -> memref<1x64xf32, #tpu.memory_space<vmem>>
      %dma_start3A_472 = tpu.memref_squeeze %dma_start3A_471 : memref<1x64xf32, #tpu.memory_space<vmem>> -> memref<64xf32, #tpu.memory_space<vmem>>
      %dma_start3A_473 = arith.constant 0 : i32
      %dma_start3A_474 = tpu.memref_slice %arg2[%squeeze3A_461, %dma_start3A_473] : memref<1000001x64xf32, #tpu.memory_space<hbm>> -> memref<1x64xf32, #tpu.memory_space<hbm>>
      %dma_start3A_475 = tpu.memref_squeeze %dma_start3A_474 : memref<1x64xf32, #tpu.memory_space<hbm>> -> memref<64xf32, #tpu.memory_space<hbm>>
      tpu.enqueue_dma source(%dma_start3A_475 : memref<64xf32, #tpu.memory_space<hbm>>) target(%dma_start3A_472 : memref<64xf32, #tpu.memory_space<vmem>>) target_semaphore(%arg15 : memref<!tpu.dma_semaphore, #tpu.memory_space<semaphore_mem>>)
      %slice3A_476 = vector.extract_strided_slice %get3A_58 {offsets = [13], sizes = [1], strides = [1]} : vector<16xi32> to vector<1xi32>
      %squeeze3A_477 = vector.extract %slice3A_476[0] : i32 from vector<1xi32>
      %add3A_478 = arith.constant 13 : i32
      %add3A_479 = arith.addi %mul3A_55, %add3A_478 : i32
      %dma_start3A_480 = arith.constant 0 : i32
      %dma_start3A_481 = tpu.memref_slice %arg12[%add3A_479, %dma_start3A_480] : memref<256x64xf32, #tpu.memory_space<vmem>> -> memref<1x64xf32, #tpu.memory_space<vmem>>
      %dma_start3A_482 = tpu.memref_squeeze %dma_start3A_481 : memref<1x64xf32, #tpu.memory_space<vmem>> -> memref<64xf32, #tpu.memory_space<vmem>>
      %dma_start3A_483 = arith.constant 0 : i32
      %dma_start3A_484 = tpu.memref_slice %arg2[%squeeze3A_477, %dma_start3A_483] : memref<1000001x64xf32, #tpu.memory_space<hbm>> -> memref<1x64xf32, #tpu.memory_space<hbm>>
      %dma_start3A_485 = tpu.memref_squeeze %dma_start3A_484 : memref<1x64xf32, #tpu.memory_space<hbm>> -> memref<64xf32, #tpu.memory_space<hbm>>
      %dma_start3A_486 = arith.constant 0 : i32
      %dma_start3A_487 = tpu.memref_slice %arg12[%add3A_479, %dma_start3A_486] : memref<256x64xf32, #tpu.memory_space<vmem>> -> memref<1x64xf32, #tpu.memory_space<vmem>>
      %dma_start3A_488 = tpu.memref_squeeze %dma_start3A_487 : memref<1x64xf32, #tpu.memory_space<vmem>> -> memref<64xf32, #tpu.memory_space<vmem>>
      %dma_start3A_489 = arith.constant 0 : i32
      %dma_start3A_490 = tpu.memref_slice %arg2[%squeeze3A_477, %dma_start3A_489] : memref<1000001x64xf32, #tpu.memory_space<hbm>> -> memref<1x64xf32, #tpu.memory_space<hbm>>
      %dma_start3A_491 = tpu.memref_squeeze %dma_start3A_490 : memref<1x64xf32, #tpu.memory_space<hbm>> -> memref<64xf32, #tpu.memory_space<hbm>>
      tpu.enqueue_dma source(%dma_start3A_491 : memref<64xf32, #tpu.memory_space<hbm>>) target(%dma_start3A_488 : memref<64xf32, #tpu.memory_space<vmem>>) target_semaphore(%arg15 : memref<!tpu.dma_semaphore, #tpu.memory_space<semaphore_mem>>)
      %slice3A_492 = vector.extract_strided_slice %get3A_62 {offsets = [13], sizes = [1], strides = [1]} : vector<16xi32> to vector<1xi32>
      %squeeze3A_493 = vector.extract %slice3A_492[0] : i32 from vector<1xi32>
      %add3A_494 = arith.constant 13 : i32
      %add3A_495 = arith.addi %mul3A_55, %add3A_494 : i32
      %dma_start3A_496 = arith.constant 0 : i32
      %dma_start3A_497 = tpu.memref_slice %arg13[%add3A_495, %dma_start3A_496] : memref<256x64xf32, #tpu.memory_space<vmem>> -> memref<1x64xf32, #tpu.memory_space<vmem>>
      %dma_start3A_498 = tpu.memref_squeeze %dma_start3A_497 : memref<1x64xf32, #tpu.memory_space<vmem>> -> memref<64xf32, #tpu.memory_space<vmem>>
      %dma_start3A_499 = arith.constant 0 : i32
      %dma_start3A_500 = tpu.memref_slice %arg2[%squeeze3A_493, %dma_start3A_499] : memref<1000001x64xf32, #tpu.memory_space<hbm>> -> memref<1x64xf32, #tpu.memory_space<hbm>>
      %dma_start3A_501 = tpu.memref_squeeze %dma_start3A_500 : memref<1x64xf32, #tpu.memory_space<hbm>> -> memref<64xf32, #tpu.memory_space<hbm>>
      %dma_start3A_502 = arith.constant 0 : i32
      %dma_start3A_503 = tpu.memref_slice %arg13[%add3A_495, %dma_start3A_502] : memref<256x64xf32, #tpu.memory_space<vmem>> -> memref<1x64xf32, #tpu.memory_space<vmem>>
      %dma_start3A_504 = tpu.memref_squeeze %dma_start3A_503 : memref<1x64xf32, #tpu.memory_space<vmem>> -> memref<64xf32, #tpu.memory_space<vmem>>
      %dma_start3A_505 = arith.constant 0 : i32
      %dma_start3A_506 = tpu.memref_slice %arg2[%squeeze3A_493, %dma_start3A_505] : memref<1000001x64xf32, #tpu.memory_space<hbm>> -> memref<1x64xf32, #tpu.memory_space<hbm>>
      %dma_start3A_507 = tpu.memref_squeeze %dma_start3A_506 : memref<1x64xf32, #tpu.memory_space<hbm>> -> memref<64xf32, #tpu.memory_space<hbm>>
      tpu.enqueue_dma source(%dma_start3A_507 : memref<64xf32, #tpu.memory_space<hbm>>) target(%dma_start3A_504 : memref<64xf32, #tpu.memory_space<vmem>>) target_semaphore(%arg15 : memref<!tpu.dma_semaphore, #tpu.memory_space<semaphore_mem>>)
      %slice3A_508 = vector.extract_strided_slice %get3A_58 {offsets = [14], sizes = [1], strides = [1]} : vector<16xi32> to vector<1xi32>
      %squeeze3A_509 = vector.extract %slice3A_508[0] : i32 from vector<1xi32>
      %add3A_510 = arith.constant 14 : i32
      %add3A_511 = arith.addi %mul3A_55, %add3A_510 : i32
      %dma_start3A_512 = arith.constant 0 : i32
      %dma_start3A_513 = tpu.memref_slice %arg12[%add3A_511, %dma_start3A_512] : memref<256x64xf32, #tpu.memory_space<vmem>> -> memref<1x64xf32, #tpu.memory_space<vmem>>
      %dma_start3A_514 = tpu.memref_squeeze %dma_start3A_513 : memref<1x64xf32, #tpu.memory_space<vmem>> -> memref<64xf32, #tpu.memory_space<vmem>>
      %dma_start3A_515 = arith.constant 0 : i32
      %dma_start3A_516 = tpu.memref_slice %arg2[%squeeze3A_509, %dma_start3A_515] : memref<1000001x64xf32, #tpu.memory_space<hbm>> -> memref<1x64xf32, #tpu.memory_space<hbm>>
      %dma_start3A_517 = tpu.memref_squeeze %dma_start3A_516 : memref<1x64xf32, #tpu.memory_space<hbm>> -> memref<64xf32, #tpu.memory_space<hbm>>
      %dma_start3A_518 = arith.constant 0 : i32
      %dma_start3A_519 = tpu.memref_slice %arg12[%add3A_511, %dma_start3A_518] : memref<256x64xf32, #tpu.memory_space<vmem>> -> memref<1x64xf32, #tpu.memory_space<vmem>>
      %dma_start3A_520 = tpu.memref_squeeze %dma_start3A_519 : memref<1x64xf32, #tpu.memory_space<vmem>> -> memref<64xf32, #tpu.memory_space<vmem>>
      %dma_start3A_521 = arith.constant 0 : i32
      %dma_start3A_522 = tpu.memref_slice %arg2[%squeeze3A_509, %dma_start3A_521] : memref<1000001x64xf32, #tpu.memory_space<hbm>> -> memref<1x64xf32, #tpu.memory_space<hbm>>
      %dma_start3A_523 = tpu.memref_squeeze %dma_start3A_522 : memref<1x64xf32, #tpu.memory_space<hbm>> -> memref<64xf32, #tpu.memory_space<hbm>>
      tpu.enqueue_dma source(%dma_start3A_523 : memref<64xf32, #tpu.memory_space<hbm>>) target(%dma_start3A_520 : memref<64xf32, #tpu.memory_space<vmem>>) target_semaphore(%arg15 : memref<!tpu.dma_semaphore, #tpu.memory_space<semaphore_mem>>)
      %slice3A_524 = vector.extract_strided_slice %get3A_62 {offsets = [14], sizes = [1], strides = [1]} : vector<16xi32> to vector<1xi32>
      %squeeze3A_525 = vector.extract %slice3A_524[0] : i32 from vector<1xi32>
      %add3A_526 = arith.constant 14 : i32
      %add3A_527 = arith.addi %mul3A_55, %add3A_526 : i32
      %dma_start3A_528 = arith.constant 0 : i32
      %dma_start3A_529 = tpu.memref_slice %arg13[%add3A_527, %dma_start3A_528] : memref<256x64xf32, #tpu.memory_space<vmem>> -> memref<1x64xf32, #tpu.memory_space<vmem>>
      %dma_start3A_530 = tpu.memref_squeeze %dma_start3A_529 : memref<1x64xf32, #tpu.memory_space<vmem>> -> memref<64xf32, #tpu.memory_space<vmem>>
      %dma_start3A_531 = arith.constant 0 : i32
      %dma_start3A_532 = tpu.memref_slice %arg2[%squeeze3A_525, %dma_start3A_531] : memref<1000001x64xf32, #tpu.memory_space<hbm>> -> memref<1x64xf32, #tpu.memory_space<hbm>>
      %dma_start3A_533 = tpu.memref_squeeze %dma_start3A_532 : memref<1x64xf32, #tpu.memory_space<hbm>> -> memref<64xf32, #tpu.memory_space<hbm>>
      %dma_start3A_534 = arith.constant 0 : i32
      %dma_start3A_535 = tpu.memref_slice %arg13[%add3A_527, %dma_start3A_534] : memref<256x64xf32, #tpu.memory_space<vmem>> -> memref<1x64xf32, #tpu.memory_space<vmem>>
      %dma_start3A_536 = tpu.memref_squeeze %dma_start3A_535 : memref<1x64xf32, #tpu.memory_space<vmem>> -> memref<64xf32, #tpu.memory_space<vmem>>
      %dma_start3A_537 = arith.constant 0 : i32
      %dma_start3A_538 = tpu.memref_slice %arg2[%squeeze3A_525, %dma_start3A_537] : memref<1000001x64xf32, #tpu.memory_space<hbm>> -> memref<1x64xf32, #tpu.memory_space<hbm>>
      %dma_start3A_539 = tpu.memref_squeeze %dma_start3A_538 : memref<1x64xf32, #tpu.memory_space<hbm>> -> memref<64xf32, #tpu.memory_space<hbm>>
      tpu.enqueue_dma source(%dma_start3A_539 : memref<64xf32, #tpu.memory_space<hbm>>) target(%dma_start3A_536 : memref<64xf32, #tpu.memory_space<vmem>>) target_semaphore(%arg15 : memref<!tpu.dma_semaphore, #tpu.memory_space<semaphore_mem>>)
      %slice3A_540 = vector.extract_strided_slice %get3A_58 {offsets = [15], sizes = [1], strides = [1]} : vector<16xi32> to vector<1xi32>
      %squeeze3A_541 = vector.extract %slice3A_540[0] : i32 from vector<1xi32>
      %add3A_542 = arith.constant 15 : i32
      %add3A_543 = arith.addi %mul3A_55, %add3A_542 : i32
      %dma_start3A_544 = arith.constant 0 : i32
      %dma_start3A_545 = tpu.memref_slice %arg12[%add3A_543, %dma_start3A_544] : memref<256x64xf32, #tpu.memory_space<vmem>> -> memref<1x64xf32, #tpu.memory_space<vmem>>
      %dma_start3A_546 = tpu.memref_squeeze %dma_start3A_545 : memref<1x64xf32, #tpu.memory_space<vmem>> -> memref<64xf32, #tpu.memory_space<vmem>>
      %dma_start3A_547 = arith.constant 0 : i32
      %dma_start3A_548 = tpu.memref_slice %arg2[%squeeze3A_541, %dma_start3A_547] : memref<1000001x64xf32, #tpu.memory_space<hbm>> -> memref<1x64xf32, #tpu.memory_space<hbm>>
      %dma_start3A_549 = tpu.memref_squeeze %dma_start3A_548 : memref<1x64xf32, #tpu.memory_space<hbm>> -> memref<64xf32, #tpu.memory_space<hbm>>
      %dma_start3A_550 = arith.constant 0 : i32
      %dma_start3A_551 = tpu.memref_slice %arg12[%add3A_543, %dma_start3A_550] : memref<256x64xf32, #tpu.memory_space<vmem>> -> memref<1x64xf32, #tpu.memory_space<vmem>>
      %dma_start3A_552 = tpu.memref_squeeze %dma_start3A_551 : memref<1x64xf32, #tpu.memory_space<vmem>> -> memref<64xf32, #tpu.memory_space<vmem>>
      %dma_start3A_553 = arith.constant 0 : i32
      %dma_start3A_554 = tpu.memref_slice %arg2[%squeeze3A_541, %dma_start3A_553] : memref<1000001x64xf32, #tpu.memory_space<hbm>> -> memref<1x64xf32, #tpu.memory_space<hbm>>
      %dma_start3A_555 = tpu.memref_squeeze %dma_start3A_554 : memref<1x64xf32, #tpu.memory_space<hbm>> -> memref<64xf32, #tpu.memory_space<hbm>>
      tpu.enqueue_dma source(%dma_start3A_555 : memref<64xf32, #tpu.memory_space<hbm>>) target(%dma_start3A_552 : memref<64xf32, #tpu.memory_space<vmem>>) target_semaphore(%arg15 : memref<!tpu.dma_semaphore, #tpu.memory_space<semaphore_mem>>)
      %slice3A_556 = vector.extract_strided_slice %get3A_62 {offsets = [15], sizes = [1], strides = [1]} : vector<16xi32> to vector<1xi32>
      %squeeze3A_557 = vector.extract %slice3A_556[0] : i32 from vector<1xi32>
      %add3A_558 = arith.constant 15 : i32
      %add3A_559 = arith.addi %mul3A_55, %add3A_558 : i32
      %dma_start3A_560 = arith.constant 0 : i32
      %dma_start3A_561 = tpu.memref_slice %arg13[%add3A_559, %dma_start3A_560] : memref<256x64xf32, #tpu.memory_space<vmem>> -> memref<1x64xf32, #tpu.memory_space<vmem>>
      %dma_start3A_562 = tpu.memref_squeeze %dma_start3A_561 : memref<1x64xf32, #tpu.memory_space<vmem>> -> memref<64xf32, #tpu.memory_space<vmem>>
      %dma_start3A_563 = arith.constant 0 : i32
      %dma_start3A_564 = tpu.memref_slice %arg2[%squeeze3A_557, %dma_start3A_563] : memref<1000001x64xf32, #tpu.memory_space<hbm>> -> memref<1x64xf32, #tpu.memory_space<hbm>>
      %dma_start3A_565 = tpu.memref_squeeze %dma_start3A_564 : memref<1x64xf32, #tpu.memory_space<hbm>> -> memref<64xf32, #tpu.memory_space<hbm>>
      %dma_start3A_566 = arith.constant 0 : i32
      %dma_start3A_567 = tpu.memref_slice %arg13[%add3A_559, %dma_start3A_566] : memref<256x64xf32, #tpu.memory_space<vmem>> -> memref<1x64xf32, #tpu.memory_space<vmem>>
      %dma_start3A_568 = tpu.memref_squeeze %dma_start3A_567 : memref<1x64xf32, #tpu.memory_space<vmem>> -> memref<64xf32, #tpu.memory_space<vmem>>
      %dma_start3A_569 = arith.constant 0 : i32
      %dma_start3A_570 = tpu.memref_slice %arg2[%squeeze3A_557, %dma_start3A_569] : memref<1000001x64xf32, #tpu.memory_space<hbm>> -> memref<1x64xf32, #tpu.memory_space<hbm>>
      %dma_start3A_571 = tpu.memref_squeeze %dma_start3A_570 : memref<1x64xf32, #tpu.memory_space<hbm>> -> memref<64xf32, #tpu.memory_space<hbm>>
      tpu.enqueue_dma source(%dma_start3A_571 : memref<64xf32, #tpu.memory_space<hbm>>) target(%dma_start3A_568 : memref<64xf32, #tpu.memory_space<vmem>>) target_semaphore(%arg15 : memref<!tpu.dma_semaphore, #tpu.memory_space<semaphore_mem>>)
    }
    %scan3A_32 = arith.constant 16 : i32
    %dma_wait3A_33 = arith.constant 0 : i32
    %dma_wait3A_34 = arith.constant 0 : i32
    %dma_wait3A_35 = tpu.memref_slice %arg2[%dma_wait3A_33, %dma_wait3A_34] : memref<1000001x64xf32, #tpu.memory_space<hbm>> -> memref<256x64xf32, #tpu.memory_space<hbm>>
    %dma_wait3A_36 = arith.constant 0 : i32
    %dma_wait3A_37 = arith.constant 0 : i32
    %dma_wait3A_38 = tpu.memref_slice %arg2[%dma_wait3A_36, %dma_wait3A_37] : memref<1000001x64xf32, #tpu.memory_space<hbm>> -> memref<256x64xf32, #tpu.memory_space<hbm>>
    tpu.wait_dma2 semaphore(%arg15 : memref<!tpu.dma_semaphore, #tpu.memory_space<semaphore_mem>>) src(%dma_wait3A_38 : memref<256x64xf32, #tpu.memory_space<hbm>>) dst(%arg12 : memref<256x64xf32, #tpu.memory_space<vmem>>)
    %dma_wait3A_39 = arith.constant 0 : i32
    %dma_wait3A_40 = arith.constant 0 : i32
    %dma_wait3A_41 = tpu.memref_slice %arg2[%dma_wait3A_39, %dma_wait3A_40] : memref<1000001x64xf32, #tpu.memory_space<hbm>> -> memref<256x64xf32, #tpu.memory_space<hbm>>
    %dma_wait3A_42 = arith.constant 0 : i32
    %dma_wait3A_43 = arith.constant 0 : i32
    %dma_wait3A_44 = tpu.memref_slice %arg2[%dma_wait3A_42, %dma_wait3A_43] : memref<1000001x64xf32, #tpu.memory_space<hbm>> -> memref<256x64xf32, #tpu.memory_space<hbm>>
    tpu.wait_dma2 semaphore(%arg15 : memref<!tpu.dma_semaphore, #tpu.memory_space<semaphore_mem>>) src(%dma_wait3A_44 : memref<256x64xf32, #tpu.memory_space<hbm>>) dst(%arg13 : memref<256x64xf32, #tpu.memory_space<vmem>>)
    %scan3A_45 = arith.constant 0 : i32
    %scan3A_46 = arith.constant 0 : i32
    %scan3A_47 = arith.constant 16 : i32
    %scan3A_48 = arith.addi %scan3A_46, %scan3A_47 : i32
    %scan3A_49 = arith.constant 1 : i32
    scf.for %scan3A_53 = %scan3A_46 to %scan3A_48 step %scan3A_49  : i32 {
      %mul3A_54 = arith.constant 16 : i32
      %mul3A_55 = arith.muli %scan3A_53, %mul3A_54 : i32
      %add3A_56 = arith.constant 256 : i32
      %add3A_57 = arith.addi %add3A_56, %mul3A_55 : i32
      %get3A = arith.index_cast %add3A_57 : i32 to index
      %get3A_58 = tpu.vector_load %arg10[%get3A] {strides = array<i32>} : memref<512xi32, #tpu.memory_space<vmem>>, vector<16xi32>,
      %mul3A_59 = arith.constant 16 : i32
      %mul3A_60 = arith.muli %scan3A_53, %mul3A_59 : i32
      %add3A_61 = arith.constant 0 : i32
      %add3A_62 = arith.addi %mul3A_60, %add3A_61 : i32
      %slice3A = vector.extract_strided_slice %get3A_58 {offsets = [0], sizes = [1], strides = [1]} : vector<16xi32> to vector<1xi32>
      %squeeze3A = vector.extract %slice3A[0] : i32 from vector<1xi32>
      %get3A_63 = arith.index_cast %add3A_62 : i32 to index
      %get3A_64 = arith.constant 0 : index
      %get3A_65 = tpu.vector_load %arg12[%get3A_63, %get3A_64] {strides = array<i32>} : memref<256x64xf32, #tpu.memory_space<vmem>>, vector<16xf32>,
      %get3A_66 = arith.index_cast %squeeze3A : i32 to index
      %get3A_67 = arith.constant 0 : index
      %get3A_68 = tpu.vector_load %arg11[%get3A_66, %get3A_67] {strides = array<i32>} : memref<201x64xf32, #tpu.memory_space<vmem>>, vector<16xf32>,
      %add3A_69 = arith.addf %get3A_65, %get3A_68 : vector<16xf32>
      %get3A_70 = arith.index_cast %add3A_62 : i32 to index
      %get3A_71 = arith.constant 0 : index
      %get3A_72 = tpu.vector_load %arg13[%get3A_70, %get3A_71] {strides = array<i32>} : memref<256x64xf32, #tpu.memory_space<vmem>>, vector<16xf32>,
      %sub3A = arith.subf %add3A_69, %get3A_72 : vector<16xf32>
      %swap3A = arith.index_cast %add3A_62 : i32 to index
      %swap3A_73 = arith.constant 0 : index
      %swap3A_74 = tpu.vector_load %arg14[%swap3A, %swap3A_73] {strides = array<i32>} : memref<256x64xf32, #tpu.memory_space<vmem>>, vector<16xf32>,
      tpu.vector_store %arg14[%swap3A, %swap3A_73], %sub3A {strides = array<i32>} : memref<256x64xf32, #tpu.memory_space<vmem>>, vector<16xf32>,
      %get3A_75 = arith.index_cast %add3A_62 : i32 to index
      %get3A_76 = arith.constant 16 : index
      %get3A_77 = tpu.vector_load %arg12[%get3A_75, %get3A_76] {strides = array<i32>} : memref<256x64xf32, #tpu.memory_space<vmem>>, vector<16xf32>,
      %get3A_78 = arith.index_cast %squeeze3A : i32 to index
      %get3A_79 = arith.constant 16 : index
      %get3A_80 = tpu.vector_load %arg11[%get3A_78, %get3A_79] {strides = array<i32>} : memref<201x64xf32, #tpu.memory_space<vmem>>, vector<16xf32>,
      %add3A_81 = arith.addf %get3A_77, %get3A_80 : vector<16xf32>
      %get3A_82 = arith.index_cast %add3A_62 : i32 to index
      %get3A_83 = arith.constant 16 : index
      %get3A_84 = tpu.vector_load %arg13[%get3A_82, %get3A_83] {strides = array<i32>} : memref<256x64xf32, #tpu.memory_space<vmem>>, vector<16xf32>,
      %sub3A_85 = arith.subf %add3A_81, %get3A_84 : vector<16xf32>
      %swap3A_86 = arith.index_cast %add3A_62 : i32 to index
      %swap3A_87 = arith.constant 16 : index
      %swap3A_88 = tpu.vector_load %arg14[%swap3A_86, %swap3A_87] {strides = array<i32>} : memref<256x64xf32, #tpu.memory_space<vmem>>, vector<16xf32>,
      tpu.vector_store %arg14[%swap3A_86, %swap3A_87], %sub3A_85 {strides = array<i32>} : memref<256x64xf32, #tpu.memory_space<vmem>>, vector<16xf32>,
      %get3A_89 = arith.index_cast %add3A_62 : i32 to index
      %get3A_90 = arith.constant 32 : index
      %get3A_91 = tpu.vector_load %arg12[%get3A_89, %get3A_90] {strides = array<i32>} : memref<256x64xf32, #tpu.memory_space<vmem>>, vector<16xf32>,
      %get3A_92 = arith.index_cast %squeeze3A : i32 to index
      %get3A_93 = arith.constant 32 : index
      %get3A_94 = tpu.vector_load %arg11[%get3A_92, %get3A_93] {strides = array<i32>} : memref<201x64xf32, #tpu.memory_space<vmem>>, vector<16xf32>,
      %add3A_95 = arith.addf %get3A_91, %get3A_94 : vector<16xf32>
      %get3A_96 = arith.index_cast %add3A_62 : i32 to index
      %get3A_97 = arith.constant 32 : index
      %get3A_98 = tpu.vector_load %arg13[%get3A_96, %get3A_97] {strides = array<i32>} : memref<256x64xf32, #tpu.memory_space<vmem>>, vector<16xf32>,
      %sub3A_99 = arith.subf %add3A_95, %get3A_98 : vector<16xf32>
      %swap3A_100 = arith.index_cast %add3A_62 : i32 to index
      %swap3A_101 = arith.constant 32 : index
      %swap3A_102 = tpu.vector_load %arg14[%swap3A_100, %swap3A_101] {strides = array<i32>} : memref<256x64xf32, #tpu.memory_space<vmem>>, vector<16xf32>,
      tpu.vector_store %arg14[%swap3A_100, %swap3A_101], %sub3A_99 {strides = array<i32>} : memref<256x64xf32, #tpu.memory_space<vmem>>, vector<16xf32>,
      %get3A_103 = arith.index_cast %add3A_62 : i32 to index
      %get3A_104 = arith.constant 48 : index
      %get3A_105 = tpu.vector_load %arg12[%get3A_103, %get3A_104] {strides = array<i32>} : memref<256x64xf32, #tpu.memory_space<vmem>>, vector<16xf32>,
      %get3A_106 = arith.index_cast %squeeze3A : i32 to index
      %get3A_107 = arith.constant 48 : index
      %get3A_108 = tpu.vector_load %arg11[%get3A_106, %get3A_107] {strides = array<i32>} : memref<201x64xf32, #tpu.memory_space<vmem>>, vector<16xf32>,
      %add3A_109 = arith.addf %get3A_105, %get3A_108 : vector<16xf32>
      %get3A_110 = arith.index_cast %add3A_62 : i32 to index
      %get3A_111 = arith.constant 48 : index
      %get3A_112 = tpu.vector_load %arg13[%get3A_110, %get3A_111] {strides = array<i32>} : memref<256x64xf32, #tpu.memory_space<vmem>>, vector<16xf32>,
      %sub3A_113 = arith.subf %add3A_109, %get3A_112 : vector<16xf32>
      %swap3A_114 = arith.index_cast %add3A_62 : i32 to index
      %swap3A_115 = arith.constant 48 : index
      %swap3A_116 = tpu.vector_load %arg14[%swap3A_114, %swap3A_115] {strides = array<i32>} : memref<256x64xf32, #tpu.memory_space<vmem>>, vector<16xf32>,
      tpu.vector_store %arg14[%swap3A_114, %swap3A_115], %sub3A_113 {strides = array<i32>} : memref<256x64xf32, #tpu.memory_space<vmem>>, vector<16xf32>,
      %mul3A_117 = arith.constant 16 : i32
      %mul3A_118 = arith.muli %scan3A_53, %mul3A_117 : i32
      %add3A_119 = arith.constant 1 : i32
      %add3A_120 = arith.addi %mul3A_118, %add3A_119 : i32
      %slice3A_121 = vector.extract_strided_slice %get3A_58 {offsets = [1], sizes = [1], strides = [1]} : vector<16xi32> to vector<1xi32>
      %squeeze3A_122 = vector.extract %slice3A_121[0] : i32 from vector<1xi32>
      %get3A_123 = arith.index_cast %add3A_120 : i32 to index
      %get3A_124 = arith.constant 0 : index
      %get3A_125 = tpu.vector_load %arg12[%get3A_123, %get3A_124] {strides = array<i32>} : memref<256x64xf32, #tpu.memory_space<vmem>>, vector<16xf32>,
      %get3A_126 = arith.index_cast %squeeze3A_122 : i32 to index
      %get3A_127 = arith.constant 0 : index
      %get3A_128 = tpu.vector_load %arg11[%get3A_126, %get3A_127] {strides = array<i32>} : memref<201x64xf32, #tpu.memory_space<vmem>>, vector<16xf32>,
      %add3A_129 = arith.addf %get3A_125, %get3A_128 : vector<16xf32>
      %get3A_130 = arith.index_cast %add3A_120 : i32 to index
      %get3A_131 = arith.constant 0 : index
      %get3A_132 = tpu.vector_load %arg13[%get3A_130, %get3A_131] {strides = array<i32>} : memref<256x64xf32, #tpu.memory_space<vmem>>, vector<16xf32>,
      %sub3A_133 = arith.subf %add3A_129, %get3A_132 : vector<16xf32>
      %swap3A_134 = arith.index_cast %add3A_120 : i32 to index
      %swap3A_135 = arith.constant 0 : index
      %swap3A_136 = tpu.vector_load %arg14[%swap3A_134, %swap3A_135] {strides = array<i32>} : memref<256x64xf32, #tpu.memory_space<vmem>>, vector<16xf32>,
      tpu.vector_store %arg14[%swap3A_134, %swap3A_135], %sub3A_133 {strides = array<i32>} : memref<256x64xf32, #tpu.memory_space<vmem>>, vector<16xf32>,
      %get3A_137 = arith.index_cast %add3A_120 : i32 to index
      %get3A_138 = arith.constant 16 : index
      %get3A_139 = tpu.vector_load %arg12[%get3A_137, %get3A_138] {strides = array<i32>} : memref<256x64xf32, #tpu.memory_space<vmem>>, vector<16xf32>,
      %get3A_140 = arith.index_cast %squeeze3A_122 : i32 to index
      %get3A_141 = arith.constant 16 : index
      %get3A_142 = tpu.vector_load %arg11[%get3A_140, %get3A_141] {strides = array<i32>} : memref<201x64xf32, #tpu.memory_space<vmem>>, vector<16xf32>,
      %add3A_143 = arith.addf %get3A_139, %get3A_142 : vector<16xf32>
      %get3A_144 = arith.index_cast %add3A_120 : i32 to index
      %get3A_145 = arith.constant 16 : index
      %get3A_146 = tpu.vector_load %arg13[%get3A_144, %get3A_145] {strides = array<i32>} : memref<256x64xf32, #tpu.memory_space<vmem>>, vector<16xf32>,
      %sub3A_147 = arith.subf %add3A_143, %get3A_146 : vector<16xf32>
      %swap3A_148 = arith.index_cast %add3A_120 : i32 to index
      %swap3A_149 = arith.constant 16 : index
      %swap3A_150 = tpu.vector_load %arg14[%swap3A_148, %swap3A_149] {strides = array<i32>} : memref<256x64xf32, #tpu.memory_space<vmem>>, vector<16xf32>,
      tpu.vector_store %arg14[%swap3A_148, %swap3A_149], %sub3A_147 {strides = array<i32>} : memref<256x64xf32, #tpu.memory_space<vmem>>, vector<16xf32>,
      %get3A_151 = arith.index_cast %add3A_120 : i32 to index
      %get3A_152 = arith.constant 32 : index
      %get3A_153 = tpu.vector_load %arg12[%get3A_151, %get3A_152] {strides = array<i32>} : memref<256x64xf32, #tpu.memory_space<vmem>>, vector<16xf32>,
      %get3A_154 = arith.index_cast %squeeze3A_122 : i32 to index
      %get3A_155 = arith.constant 32 : index
      %get3A_156 = tpu.vector_load %arg11[%get3A_154, %get3A_155] {strides = array<i32>} : memref<201x64xf32, #tpu.memory_space<vmem>>, vector<16xf32>,
      %add3A_157 = arith.addf %get3A_153, %get3A_156 : vector<16xf32>
      %get3A_158 = arith.index_cast %add3A_120 : i32 to index
      %get3A_159 = arith.constant 32 : index
      %get3A_160 = tpu.vector_load %arg13[%get3A_158, %get3A_159] {strides = array<i32>} : memref<256x64xf32, #tpu.memory_space<vmem>>, vector<16xf32>,
      %sub3A_161 = arith.subf %add3A_157, %get3A_160 : vector<16xf32>
      %swap3A_162 = arith.index_cast %add3A_120 : i32 to index
      %swap3A_163 = arith.constant 32 : index
      %swap3A_164 = tpu.vector_load %arg14[%swap3A_162, %swap3A_163] {strides = array<i32>} : memref<256x64xf32, #tpu.memory_space<vmem>>, vector<16xf32>,
      tpu.vector_store %arg14[%swap3A_162, %swap3A_163], %sub3A_161 {strides = array<i32>} : memref<256x64xf32, #tpu.memory_space<vmem>>, vector<16xf32>,
      %get3A_165 = arith.index_cast %add3A_120 : i32 to index
      %get3A_166 = arith.constant 48 : index
      %get3A_167 = tpu.vector_load %arg12[%get3A_165, %get3A_166] {strides = array<i32>} : memref<256x64xf32, #tpu.memory_space<vmem>>, vector<16xf32>,
      %get3A_168 = arith.index_cast %squeeze3A_122 : i32 to index
      %get3A_169 = arith.constant 48 : index
      %get3A_170 = tpu.vector_load %arg11[%get3A_168, %get3A_169] {strides = array<i32>} : memref<201x64xf32, #tpu.memory_space<vmem>>, vector<16xf32>,
      %add3A_171 = arith.addf %get3A_167, %get3A_170 : vector<16xf32>
      %get3A_172 = arith.index_cast %add3A_120 : i32 to index
      %get3A_173 = arith.constant 48 : index
      %get3A_174 = tpu.vector_load %arg13[%get3A_172, %get3A_173] {strides = array<i32>} : memref<256x64xf32, #tpu.memory_space<vmem>>, vector<16xf32>,
      %sub3A_175 = arith.subf %add3A_171, %get3A_174 : vector<16xf32>
      %swap3A_176 = arith.index_cast %add3A_120 : i32 to index
      %swap3A_177 = arith.constant 48 : index
      %swap3A_178 = tpu.vector_load %arg14[%swap3A_176, %swap3A_177] {strides = array<i32>} : memref<256x64xf32, #tpu.memory_space<vmem>>, vector<16xf32>,
      tpu.vector_store %arg14[%swap3A_176, %swap3A_177], %sub3A_175 {strides = array<i32>} : memref<256x64xf32, #tpu.memory_space<vmem>>, vector<16xf32>,
      %mul3A_179 = arith.constant 16 : i32
      %mul3A_180 = arith.muli %scan3A_53, %mul3A_179 : i32
      %add3A_181 = arith.constant 2 : i32
      %add3A_182 = arith.addi %mul3A_180, %add3A_181 : i32
      %slice3A_183 = vector.extract_strided_slice %get3A_58 {offsets = [2], sizes = [1], strides = [1]} : vector<16xi32> to vector<1xi32>
      %squeeze3A_184 = vector.extract %slice3A_183[0] : i32 from vector<1xi32>
      %get3A_185 = arith.index_cast %add3A_182 : i32 to index
      %get3A_186 = arith.constant 0 : index
      %get3A_187 = tpu.vector_load %arg12[%get3A_185, %get3A_186] {strides = array<i32>} : memref<256x64xf32, #tpu.memory_space<vmem>>, vector<16xf32>,
      %get3A_188 = arith.index_cast %squeeze3A_184 : i32 to index
      %get3A_189 = arith.constant 0 : index
      %get3A_190 = tpu.vector_load %arg11[%get3A_188, %get3A_189] {strides = array<i32>} : memref<201x64xf32, #tpu.memory_space<vmem>>, vector<16xf32>,
      %add3A_191 = arith.addf %get3A_187, %get3A_190 : vector<16xf32>
      %get3A_192 = arith.index_cast %add3A_182 : i32 to index
      %get3A_193 = arith.constant 0 : index
      %get3A_194 = tpu.vector_load %arg13[%get3A_192, %get3A_193] {strides = array<i32>} : memref<256x64xf32, #tpu.memory_space<vmem>>, vector<16xf32>,
      %sub3A_195 = arith.subf %add3A_191, %get3A_194 : vector<16xf32>
      %swap3A_196 = arith.index_cast %add3A_182 : i32 to index
      %swap3A_197 = arith.constant 0 : index
      %swap3A_198 = tpu.vector_load %arg14[%swap3A_196, %swap3A_197] {strides = array<i32>} : memref<256x64xf32, #tpu.memory_space<vmem>>, vector<16xf32>,
      tpu.vector_store %arg14[%swap3A_196, %swap3A_197], %sub3A_195 {strides = array<i32>} : memref<256x64xf32, #tpu.memory_space<vmem>>, vector<16xf32>,
      %get3A_199 = arith.index_cast %add3A_182 : i32 to index
      %get3A_200 = arith.constant 16 : index
      %get3A_201 = tpu.vector_load %arg12[%get3A_199, %get3A_200] {strides = array<i32>} : memref<256x64xf32, #tpu.memory_space<vmem>>, vector<16xf32>,
      %get3A_202 = arith.index_cast %squeeze3A_184 : i32 to index
      %get3A_203 = arith.constant 16 : index
      %get3A_204 = tpu.vector_load %arg11[%get3A_202, %get3A_203] {strides = array<i32>} : memref<201x64xf32, #tpu.memory_space<vmem>>, vector<16xf32>,
      %add3A_205 = arith.addf %get3A_201, %get3A_204 : vector<16xf32>
      %get3A_206 = arith.index_cast %add3A_182 : i32 to index
      %get3A_207 = arith.constant 16 : index
      %get3A_208 = tpu.vector_load %arg13[%get3A_206, %get3A_207] {strides = array<i32>} : memref<256x64xf32, #tpu.memory_space<vmem>>, vector<16xf32>,
      %sub3A_209 = arith.subf %add3A_205, %get3A_208 : vector<16xf32>
      %swap3A_210 = arith.index_cast %add3A_182 : i32 to index
      %swap3A_211 = arith.constant 16 : index
      %swap3A_212 = tpu.vector_load %arg14[%swap3A_210, %swap3A_211] {strides = array<i32>} : memref<256x64xf32, #tpu.memory_space<vmem>>, vector<16xf32>,
      tpu.vector_store %arg14[%swap3A_210, %swap3A_211], %sub3A_209 {strides = array<i32>} : memref<256x64xf32, #tpu.memory_space<vmem>>, vector<16xf32>,
      %get3A_213 = arith.index_cast %add3A_182 : i32 to index
      %get3A_214 = arith.constant 32 : index
      %get3A_215 = tpu.vector_load %arg12[%get3A_213, %get3A_214] {strides = array<i32>} : memref<256x64xf32, #tpu.memory_space<vmem>>, vector<16xf32>,
      %get3A_216 = arith.index_cast %squeeze3A_184 : i32 to index
      %get3A_217 = arith.constant 32 : index
      %get3A_218 = tpu.vector_load %arg11[%get3A_216, %get3A_217] {strides = array<i32>} : memref<201x64xf32, #tpu.memory_space<vmem>>, vector<16xf32>,
      %add3A_219 = arith.addf %get3A_215, %get3A_218 : vector<16xf32>
      %get3A_220 = arith.index_cast %add3A_182 : i32 to index
      %get3A_221 = arith.constant 32 : index
      %get3A_222 = tpu.vector_load %arg13[%get3A_220, %get3A_221] {strides = array<i32>} : memref<256x64xf32, #tpu.memory_space<vmem>>, vector<16xf32>,
      %sub3A_223 = arith.subf %add3A_219, %get3A_222 : vector<16xf32>
      %swap3A_224 = arith.index_cast %add3A_182 : i32 to index
      %swap3A_225 = arith.constant 32 : index
      %swap3A_226 = tpu.vector_load %arg14[%swap3A_224, %swap3A_225] {strides = array<i32>} : memref<256x64xf32, #tpu.memory_space<vmem>>, vector<16xf32>,
      tpu.vector_store %arg14[%swap3A_224, %swap3A_225], %sub3A_223 {strides = array<i32>} : memref<256x64xf32, #tpu.memory_space<vmem>>, vector<16xf32>,
      %get3A_227 = arith.index_cast %add3A_182 : i32 to index
      %get3A_228 = arith.constant 48 : index
      %get3A_229 = tpu.vector_load %arg12[%get3A_227, %get3A_228] {strides = array<i32>} : memref<256x64xf32, #tpu.memory_space<vmem>>, vector<16xf32>,
      %get3A_230 = arith.index_cast %squeeze3A_184 : i32 to index
      %get3A_231 = arith.constant 48 : index
      %get3A_232 = tpu.vector_load %arg11[%get3A_230, %get3A_231] {strides = array<i32>} : memref<201x64xf32, #tpu.memory_space<vmem>>, vector<16xf32>,
      %add3A_233 = arith.addf %get3A_229, %get3A_232 : vector<16xf32>
      %get3A_234 = arith.index_cast %add3A_182 : i32 to index
      %get3A_235 = arith.constant 48 : index
      %get3A_236 = tpu.vector_load %arg13[%get3A_234, %get3A_235] {strides = array<i32>} : memref<256x64xf32, #tpu.memory_space<vmem>>, vector<16xf32>,
      %sub3A_237 = arith.subf %add3A_233, %get3A_236 : vector<16xf32>
      %swap3A_238 = arith.index_cast %add3A_182 : i32 to index
      %swap3A_239 = arith.constant 48 : index
      %swap3A_240 = tpu.vector_load %arg14[%swap3A_238, %swap3A_239] {strides = array<i32>} : memref<256x64xf32, #tpu.memory_space<vmem>>, vector<16xf32>,
      tpu.vector_store %arg14[%swap3A_238, %swap3A_239], %sub3A_237 {strides = array<i32>} : memref<256x64xf32, #tpu.memory_space<vmem>>, vector<16xf32>,
      %mul3A_241 = arith.constant 16 : i32
      %mul3A_242 = arith.muli %scan3A_53, %mul3A_241 : i32
      %add3A_243 = arith.constant 3 : i32
      %add3A_244 = arith.addi %mul3A_242, %add3A_243 : i32
      %slice3A_245 = vector.extract_strided_slice %get3A_58 {offsets = [3], sizes = [1], strides = [1]} : vector<16xi32> to vector<1xi32>
      %squeeze3A_246 = vector.extract %slice3A_245[0] : i32 from vector<1xi32>
      %get3A_247 = arith.index_cast %add3A_244 : i32 to index
      %get3A_248 = arith.constant 0 : index
      %get3A_249 = tpu.vector_load %arg12[%get3A_247, %get3A_248] {strides = array<i32>} : memref<256x64xf32, #tpu.memory_space<vmem>>, vector<16xf32>,
      %get3A_250 = arith.index_cast %squeeze3A_246 : i32 to index
      %get3A_251 = arith.constant 0 : index
      %get3A_252 = tpu.vector_load %arg11[%get3A_250, %get3A_251] {strides = array<i32>} : memref<201x64xf32, #tpu.memory_space<vmem>>, vector<16xf32>,
      %add3A_253 = arith.addf %get3A_249, %get3A_252 : vector<16xf32>
      %get3A_254 = arith.index_cast %add3A_244 : i32 to index
      %get3A_255 = arith.constant 0 : index
      %get3A_256 = tpu.vector_load %arg13[%get3A_254, %get3A_255] {strides = array<i32>} : memref<256x64xf32, #tpu.memory_space<vmem>>, vector<16xf32>,
      %sub3A_257 = arith.subf %add3A_253, %get3A_256 : vector<16xf32>
      %swap3A_258 = arith.index_cast %add3A_244 : i32 to index
      %swap3A_259 = arith.constant 0 : index
      %swap3A_260 = tpu.vector_load %arg14[%swap3A_258, %swap3A_259] {strides = array<i32>} : memref<256x64xf32, #tpu.memory_space<vmem>>, vector<16xf32>,
      tpu.vector_store %arg14[%swap3A_258, %swap3A_259], %sub3A_257 {strides = array<i32>} : memref<256x64xf32, #tpu.memory_space<vmem>>, vector<16xf32>,
      %get3A_261 = arith.index_cast %add3A_244 : i32 to index
      %get3A_262 = arith.constant 16 : index
      %get3A_263 = tpu.vector_load %arg12[%get3A_261, %get3A_262] {strides = array<i32>} : memref<256x64xf32, #tpu.memory_space<vmem>>, vector<16xf32>,
      %get3A_264 = arith.index_cast %squeeze3A_246 : i32 to index
      %get3A_265 = arith.constant 16 : index
      %get3A_266 = tpu.vector_load %arg11[%get3A_264, %get3A_265] {strides = array<i32>} : memref<201x64xf32, #tpu.memory_space<vmem>>, vector<16xf32>,
      %add3A_267 = arith.addf %get3A_263, %get3A_266 : vector<16xf32>
      %get3A_268 = arith.index_cast %add3A_244 : i32 to index
      %get3A_269 = arith.constant 16 : index
      %get3A_270 = tpu.vector_load %arg13[%get3A_268, %get3A_269] {strides = array<i32>} : memref<256x64xf32, #tpu.memory_space<vmem>>, vector<16xf32>,
      %sub3A_271 = arith.subf %add3A_267, %get3A_270 : vector<16xf32>
      %swap3A_272 = arith.index_cast %add3A_244 : i32 to index
      %swap3A_273 = arith.constant 16 : index
      %swap3A_274 = tpu.vector_load %arg14[%swap3A_272, %swap3A_273] {strides = array<i32>} : memref<256x64xf32, #tpu.memory_space<vmem>>, vector<16xf32>,
      tpu.vector_store %arg14[%swap3A_272, %swap3A_273], %sub3A_271 {strides = array<i32>} : memref<256x64xf32, #tpu.memory_space<vmem>>, vector<16xf32>,
      %get3A_275 = arith.index_cast %add3A_244 : i32 to index
      %get3A_276 = arith.constant 32 : index
      %get3A_277 = tpu.vector_load %arg12[%get3A_275, %get3A_276] {strides = array<i32>} : memref<256x64xf32, #tpu.memory_space<vmem>>, vector<16xf32>,
      %get3A_278 = arith.index_cast %squeeze3A_246 : i32 to index
      %get3A_279 = arith.constant 32 : index
      %get3A_280 = tpu.vector_load %arg11[%get3A_278, %get3A_279] {strides = array<i32>} : memref<201x64xf32, #tpu.memory_space<vmem>>, vector<16xf32>,
      %add3A_281 = arith.addf %get3A_277, %get3A_280 : vector<16xf32>
      %get3A_282 = arith.index_cast %add3A_244 : i32 to index
      %get3A_283 = arith.constant 32 : index
      %get3A_284 = tpu.vector_load %arg13[%get3A_282, %get3A_283] {strides = array<i32>} : memref<256x64xf32, #tpu.memory_space<vmem>>, vector<16xf32>,
      %sub3A_285 = arith.subf %add3A_281, %get3A_284 : vector<16xf32>
      %swap3A_286 = arith.index_cast %add3A_244 : i32 to index
      %swap3A_287 = arith.constant 32 : index
      %swap3A_288 = tpu.vector_load %arg14[%swap3A_286, %swap3A_287] {strides = array<i32>} : memref<256x64xf32, #tpu.memory_space<vmem>>, vector<16xf32>,
      tpu.vector_store %arg14[%swap3A_286, %swap3A_287], %sub3A_285 {strides = array<i32>} : memref<256x64xf32, #tpu.memory_space<vmem>>, vector<16xf32>,
      %get3A_289 = arith.index_cast %add3A_244 : i32 to index
      %get3A_290 = arith.constant 48 : index
      %get3A_291 = tpu.vector_load %arg12[%get3A_289, %get3A_290] {strides = array<i32>} : memref<256x64xf32, #tpu.memory_space<vmem>>, vector<16xf32>,
      %get3A_292 = arith.index_cast %squeeze3A_246 : i32 to index
      %get3A_293 = arith.constant 48 : index
      %get3A_294 = tpu.vector_load %arg11[%get3A_292, %get3A_293] {strides = array<i32>} : memref<201x64xf32, #tpu.memory_space<vmem>>, vector<16xf32>,
      %add3A_295 = arith.addf %get3A_291, %get3A_294 : vector<16xf32>
      %get3A_296 = arith.index_cast %add3A_244 : i32 to index
      %get3A_297 = arith.constant 48 : index
      %get3A_298 = tpu.vector_load %arg13[%get3A_296, %get3A_297] {strides = array<i32>} : memref<256x64xf32, #tpu.memory_space<vmem>>, vector<16xf32>,
      %sub3A_299 = arith.subf %add3A_295, %get3A_298 : vector<16xf32>
      %swap3A_300 = arith.index_cast %add3A_244 : i32 to index
      %swap3A_301 = arith.constant 48 : index
      %swap3A_302 = tpu.vector_load %arg14[%swap3A_300, %swap3A_301] {strides = array<i32>} : memref<256x64xf32, #tpu.memory_space<vmem>>, vector<16xf32>,
      tpu.vector_store %arg14[%swap3A_300, %swap3A_301], %sub3A_299 {strides = array<i32>} : memref<256x64xf32, #tpu.memory_space<vmem>>, vector<16xf32>,
      %mul3A_303 = arith.constant 16 : i32
      %mul3A_304 = arith.muli %scan3A_53, %mul3A_303 : i32
      %add3A_305 = arith.constant 4 : i32
      %add3A_306 = arith.addi %mul3A_304, %add3A_305 : i32
      %slice3A_307 = vector.extract_strided_slice %get3A_58 {offsets = [4], sizes = [1], strides = [1]} : vector<16xi32> to vector<1xi32>
      %squeeze3A_308 = vector.extract %slice3A_307[0] : i32 from vector<1xi32>
      %get3A_309 = arith.index_cast %add3A_306 : i32 to index
      %get3A_310 = arith.constant 0 : index
      %get3A_311 = tpu.vector_load %arg12[%get3A_309, %get3A_310] {strides = array<i32>} : memref<256x64xf32, #tpu.memory_space<vmem>>, vector<16xf32>,
      %get3A_312 = arith.index_cast %squeeze3A_308 : i32 to index
      %get3A_313 = arith.constant 0 : index
      %get3A_314 = tpu.vector_load %arg11[%get3A_312, %get3A_313] {strides = array<i32>} : memref<201x64xf32, #tpu.memory_space<vmem>>, vector<16xf32>,
      %add3A_315 = arith.addf %get3A_311, %get3A_314 : vector<16xf32>
      %get3A_316 = arith.index_cast %add3A_306 : i32 to index
      %get3A_317 = arith.constant 0 : index
      %get3A_318 = tpu.vector_load %arg13[%get3A_316, %get3A_317] {strides = array<i32>} : memref<256x64xf32, #tpu.memory_space<vmem>>, vector<16xf32>,
      %sub3A_319 = arith.subf %add3A_315, %get3A_318 : vector<16xf32>
      %swap3A_320 = arith.index_cast %add3A_306 : i32 to index
      %swap3A_321 = arith.constant 0 : index
      %swap3A_322 = tpu.vector_load %arg14[%swap3A_320, %swap3A_321] {strides = array<i32>} : memref<256x64xf32, #tpu.memory_space<vmem>>, vector<16xf32>,
      tpu.vector_store %arg14[%swap3A_320, %swap3A_321], %sub3A_319 {strides = array<i32>} : memref<256x64xf32, #tpu.memory_space<vmem>>, vector<16xf32>,
      %get3A_323 = arith.index_cast %add3A_306 : i32 to index
      %get3A_324 = arith.constant 16 : index
      %get3A_325 = tpu.vector_load %arg12[%get3A_323, %get3A_324] {strides = array<i32>} : memref<256x64xf32, #tpu.memory_space<vmem>>, vector<16xf32>,
      %get3A_326 = arith.index_cast %squeeze3A_308 : i32 to index
      %get3A_327 = arith.constant 16 : index
      %get3A_328 = tpu.vector_load %arg11[%get3A_326, %get3A_327] {strides = array<i32>} : memref<201x64xf32, #tpu.memory_space<vmem>>, vector<16xf32>,
      %add3A_329 = arith.addf %get3A_325, %get3A_328 : vector<16xf32>
      %get3A_330 = arith.index_cast %add3A_306 : i32 to index
      %get3A_331 = arith.constant 16 : index
      %get3A_332 = tpu.vector_load %arg13[%get3A_330, %get3A_331] {strides = array<i32>} : memref<256x64xf32, #tpu.memory_space<vmem>>, vector<16xf32>,
      %sub3A_333 = arith.subf %add3A_329, %get3A_332 : vector<16xf32>
      %swap3A_334 = arith.index_cast %add3A_306 : i32 to index
      %swap3A_335 = arith.constant 16 : index
      %swap3A_336 = tpu.vector_load %arg14[%swap3A_334, %swap3A_335] {strides = array<i32>} : memref<256x64xf32, #tpu.memory_space<vmem>>, vector<16xf32>,
      tpu.vector_store %arg14[%swap3A_334, %swap3A_335], %sub3A_333 {strides = array<i32>} : memref<256x64xf32, #tpu.memory_space<vmem>>, vector<16xf32>,
      %get3A_337 = arith.index_cast %add3A_306 : i32 to index
      %get3A_338 = arith.constant 32 : index
      %get3A_339 = tpu.vector_load %arg12[%get3A_337, %get3A_338] {strides = array<i32>} : memref<256x64xf32, #tpu.memory_space<vmem>>, vector<16xf32>,
      %get3A_340 = arith.index_cast %squeeze3A_308 : i32 to index
      %get3A_341 = arith.constant 32 : index
      %get3A_342 = tpu.vector_load %arg11[%get3A_340, %get3A_341] {strides = array<i32>} : memref<201x64xf32, #tpu.memory_space<vmem>>, vector<16xf32>,
      %add3A_343 = arith.addf %get3A_339, %get3A_342 : vector<16xf32>
      %get3A_344 = arith.index_cast %add3A_306 : i32 to index
      %get3A_345 = arith.constant 32 : index
      %get3A_346 = tpu.vector_load %arg13[%get3A_344, %get3A_345] {strides = array<i32>} : memref<256x64xf32, #tpu.memory_space<vmem>>, vector<16xf32>,
      %sub3A_347 = arith.subf %add3A_343, %get3A_346 : vector<16xf32>
      %swap3A_348 = arith.index_cast %add3A_306 : i32 to index
      %swap3A_349 = arith.constant 32 : index
      %swap3A_350 = tpu.vector_load %arg14[%swap3A_348, %swap3A_349] {strides = array<i32>} : memref<256x64xf32, #tpu.memory_space<vmem>>, vector<16xf32>,
      tpu.vector_store %arg14[%swap3A_348, %swap3A_349], %sub3A_347 {strides = array<i32>} : memref<256x64xf32, #tpu.memory_space<vmem>>, vector<16xf32>,
      %get3A_351 = arith.index_cast %add3A_306 : i32 to index
      %get3A_352 = arith.constant 48 : index
      %get3A_353 = tpu.vector_load %arg12[%get3A_351, %get3A_352] {strides = array<i32>} : memref<256x64xf32, #tpu.memory_space<vmem>>, vector<16xf32>,
      %get3A_354 = arith.index_cast %squeeze3A_308 : i32 to index
      %get3A_355 = arith.constant 48 : index
      %get3A_356 = tpu.vector_load %arg11[%get3A_354, %get3A_355] {strides = array<i32>} : memref<201x64xf32, #tpu.memory_space<vmem>>, vector<16xf32>,
      %add3A_357 = arith.addf %get3A_353, %get3A_356 : vector<16xf32>
      %get3A_358 = arith.index_cast %add3A_306 : i32 to index
      %get3A_359 = arith.constant 48 : index
      %get3A_360 = tpu.vector_load %arg13[%get3A_358, %get3A_359] {strides = array<i32>} : memref<256x64xf32, #tpu.memory_space<vmem>>, vector<16xf32>,
      %sub3A_361 = arith.subf %add3A_357, %get3A_360 : vector<16xf32>
      %swap3A_362 = arith.index_cast %add3A_306 : i32 to index
      %swap3A_363 = arith.constant 48 : index
      %swap3A_364 = tpu.vector_load %arg14[%swap3A_362, %swap3A_363] {strides = array<i32>} : memref<256x64xf32, #tpu.memory_space<vmem>>, vector<16xf32>,
      tpu.vector_store %arg14[%swap3A_362, %swap3A_363], %sub3A_361 {strides = array<i32>} : memref<256x64xf32, #tpu.memory_space<vmem>>, vector<16xf32>,
      %mul3A_365 = arith.constant 16 : i32
      %mul3A_366 = arith.muli %scan3A_53, %mul3A_365 : i32
      %add3A_367 = arith.constant 5 : i32
      %add3A_368 = arith.addi %mul3A_366, %add3A_367 : i32
      %slice3A_369 = vector.extract_strided_slice %get3A_58 {offsets = [5], sizes = [1], strides = [1]} : vector<16xi32> to vector<1xi32>
      %squeeze3A_370 = vector.extract %slice3A_369[0] : i32 from vector<1xi32>
      %get3A_371 = arith.index_cast %add3A_368 : i32 to index
      %get3A_372 = arith.constant 0 : index
      %get3A_373 = tpu.vector_load %arg12[%get3A_371, %get3A_372] {strides = array<i32>} : memref<256x64xf32, #tpu.memory_space<vmem>>, vector<16xf32>,
      %get3A_374 = arith.index_cast %squeeze3A_370 : i32 to index
      %get3A_375 = arith.constant 0 : index
      %get3A_376 = tpu.vector_load %arg11[%get3A_374, %get3A_375] {strides = array<i32>} : memref<201x64xf32, #tpu.memory_space<vmem>>, vector<16xf32>,
      %add3A_377 = arith.addf %get3A_373, %get3A_376 : vector<16xf32>
      %get3A_378 = arith.index_cast %add3A_368 : i32 to index
      %get3A_379 = arith.constant 0 : index
      %get3A_380 = tpu.vector_load %arg13[%get3A_378, %get3A_379] {strides = array<i32>} : memref<256x64xf32, #tpu.memory_space<vmem>>, vector<16xf32>,
      %sub3A_381 = arith.subf %add3A_377, %get3A_380 : vector<16xf32>
      %swap3A_382 = arith.index_cast %add3A_368 : i32 to index
      %swap3A_383 = arith.constant 0 : index
      %swap3A_384 = tpu.vector_load %arg14[%swap3A_382, %swap3A_383] {strides = array<i32>} : memref<256x64xf32, #tpu.memory_space<vmem>>, vector<16xf32>,
      tpu.vector_store %arg14[%swap3A_382, %swap3A_383], %sub3A_381 {strides = array<i32>} : memref<256x64xf32, #tpu.memory_space<vmem>>, vector<16xf32>,
      %get3A_385 = arith.index_cast %add3A_368 : i32 to index
      %get3A_386 = arith.constant 16 : index
      %get3A_387 = tpu.vector_load %arg12[%get3A_385, %get3A_386] {strides = array<i32>} : memref<256x64xf32, #tpu.memory_space<vmem>>, vector<16xf32>,
      %get3A_388 = arith.index_cast %squeeze3A_370 : i32 to index
      %get3A_389 = arith.constant 16 : index
      %get3A_390 = tpu.vector_load %arg11[%get3A_388, %get3A_389] {strides = array<i32>} : memref<201x64xf32, #tpu.memory_space<vmem>>, vector<16xf32>,
      %add3A_391 = arith.addf %get3A_387, %get3A_390 : vector<16xf32>
      %get3A_392 = arith.index_cast %add3A_368 : i32 to index
      %get3A_393 = arith.constant 16 : index
      %get3A_394 = tpu.vector_load %arg13[%get3A_392, %get3A_393] {strides = array<i32>} : memref<256x64xf32, #tpu.memory_space<vmem>>, vector<16xf32>,
      %sub3A_395 = arith.subf %add3A_391, %get3A_394 : vector<16xf32>
      %swap3A_396 = arith.index_cast %add3A_368 : i32 to index
      %swap3A_397 = arith.constant 16 : index
      %swap3A_398 = tpu.vector_load %arg14[%swap3A_396, %swap3A_397] {strides = array<i32>} : memref<256x64xf32, #tpu.memory_space<vmem>>, vector<16xf32>,
      tpu.vector_store %arg14[%swap3A_396, %swap3A_397], %sub3A_395 {strides = array<i32>} : memref<256x64xf32, #tpu.memory_space<vmem>>, vector<16xf32>,
      %get3A_399 = arith.index_cast %add3A_368 : i32 to index
      %get3A_400 = arith.constant 32 : index
      %get3A_401 = tpu.vector_load %arg12[%get3A_399, %get3A_400] {strides = array<i32>} : memref<256x64xf32, #tpu.memory_space<vmem>>, vector<16xf32>,
      %get3A_402 = arith.index_cast %squeeze3A_370 : i32 to index
      %get3A_403 = arith.constant 32 : index
      %get3A_404 = tpu.vector_load %arg11[%get3A_402, %get3A_403] {strides = array<i32>} : memref<201x64xf32, #tpu.memory_space<vmem>>, vector<16xf32>,
      %add3A_405 = arith.addf %get3A_401, %get3A_404 : vector<16xf32>
      %get3A_406 = arith.index_cast %add3A_368 : i32 to index
      %get3A_407 = arith.constant 32 : index
      %get3A_408 = tpu.vector_load %arg13[%get3A_406, %get3A_407] {strides = array<i32>} : memref<256x64xf32, #tpu.memory_space<vmem>>, vector<16xf32>,
      %sub3A_409 = arith.subf %add3A_405, %get3A_408 : vector<16xf32>
      %swap3A_410 = arith.index_cast %add3A_368 : i32 to index
      %swap3A_411 = arith.constant 32 : index
      %swap3A_412 = tpu.vector_load %arg14[%swap3A_410, %swap3A_411] {strides = array<i32>} : memref<256x64xf32, #tpu.memory_space<vmem>>, vector<16xf32>,
      tpu.vector_store %arg14[%swap3A_410, %swap3A_411], %sub3A_409 {strides = array<i32>} : memref<256x64xf32, #tpu.memory_space<vmem>>, vector<16xf32>,
      %get3A_413 = arith.index_cast %add3A_368 : i32 to index
      %get3A_414 = arith.constant 48 : index
      %get3A_415 = tpu.vector_load %arg12[%get3A_413, %get3A_414] {strides = array<i32>} : memref<256x64xf32, #tpu.memory_space<vmem>>, vector<16xf32>,
      %get3A_416 = arith.index_cast %squeeze3A_370 : i32 to index
      %get3A_417 = arith.constant 48 : index
      %get3A_418 = tpu.vector_load %arg11[%get3A_416, %get3A_417] {strides = array<i32>} : memref<201x64xf32, #tpu.memory_space<vmem>>, vector<16xf32>,
      %add3A_419 = arith.addf %get3A_415, %get3A_418 : vector<16xf32>
      %get3A_420 = arith.index_cast %add3A_368 : i32 to index
      %get3A_421 = arith.constant 48 : index
      %get3A_422 = tpu.vector_load %arg13[%get3A_420, %get3A_421] {strides = array<i32>} : memref<256x64xf32, #tpu.memory_space<vmem>>, vector<16xf32>,
      %sub3A_423 = arith.subf %add3A_419, %get3A_422 : vector<16xf32>
      %swap3A_424 = arith.index_cast %add3A_368 : i32 to index
      %swap3A_425 = arith.constant 48 : index
      %swap3A_426 = tpu.vector_load %arg14[%swap3A_424, %swap3A_425] {strides = array<i32>} : memref<256x64xf32, #tpu.memory_space<vmem>>, vector<16xf32>,
      tpu.vector_store %arg14[%swap3A_424, %swap3A_425], %sub3A_423 {strides = array<i32>} : memref<256x64xf32, #tpu.memory_space<vmem>>, vector<16xf32>,
      %mul3A_427 = arith.constant 16 : i32
      %mul3A_428 = arith.muli %scan3A_53, %mul3A_427 : i32
      %add3A_429 = arith.constant 6 : i32
      %add3A_430 = arith.addi %mul3A_428, %add3A_429 : i32
      %slice3A_431 = vector.extract_strided_slice %get3A_58 {offsets = [6], sizes = [1], strides = [1]} : vector<16xi32> to vector<1xi32>
      %squeeze3A_432 = vector.extract %slice3A_431[0] : i32 from vector<1xi32>
      %get3A_433 = arith.index_cast %add3A_430 : i32 to index
      %get3A_434 = arith.constant 0 : index
      %get3A_435 = tpu.vector_load %arg12[%get3A_433, %get3A_434] {strides = array<i32>} : memref<256x64xf32, #tpu.memory_space<vmem>>, vector<16xf32>,
      %get3A_436 = arith.index_cast %squeeze3A_432 : i32 to index
      %get3A_437 = arith.constant 0 : index
      %get3A_438 = tpu.vector_load %arg11[%get3A_436, %get3A_437] {strides = array<i32>} : memref<201x64xf32, #tpu.memory_space<vmem>>, vector<16xf32>,
      %add3A_439 = arith.addf %get3A_435, %get3A_438 : vector<16xf32>
      %get3A_440 = arith.index_cast %add3A_430 : i32 to index
      %get3A_441 = arith.constant 0 : index
      %get3A_442 = tpu.vector_load %arg13[%get3A_440, %get3A_441] {strides = array<i32>} : memref<256x64xf32, #tpu.memory_space<vmem>>, vector<16xf32>,
      %sub3A_443 = arith.subf %add3A_439, %get3A_442 : vector<16xf32>
      %swap3A_444 = arith.index_cast %add3A_430 : i32 to index
      %swap3A_445 = arith.constant 0 : index
      %swap3A_446 = tpu.vector_load %arg14[%swap3A_444, %swap3A_445] {strides = array<i32>} : memref<256x64xf32, #tpu.memory_space<vmem>>, vector<16xf32>,
      tpu.vector_store %arg14[%swap3A_444, %swap3A_445], %sub3A_443 {strides = array<i32>} : memref<256x64xf32, #tpu.memory_space<vmem>>, vector<16xf32>,
      %get3A_447 = arith.index_cast %add3A_430 : i32 to index
      %get3A_448 = arith.constant 16 : index
      %get3A_449 = tpu.vector_load %arg12[%get3A_447, %get3A_448] {strides = array<i32>} : memref<256x64xf32, #tpu.memory_space<vmem>>, vector<16xf32>,
      %get3A_450 = arith.index_cast %squeeze3A_432 : i32 to index
      %get3A_451 = arith.constant 16 : index
      %get3A_452 = tpu.vector_load %arg11[%get3A_450, %get3A_451] {strides = array<i32>} : memref<201x64xf32, #tpu.memory_space<vmem>>, vector<16xf32>,
      %add3A_453 = arith.addf %get3A_449, %get3A_452 : vector<16xf32>
      %get3A_454 = arith.index_cast %add3A_430 : i32 to index
      %get3A_455 = arith.constant 16 : index
      %get3A_456 = tpu.vector_load %arg13[%get3A_454, %get3A_455] {strides = array<i32>} : memref<256x64xf32, #tpu.memory_space<vmem>>, vector<16xf32>,
      %sub3A_457 = arith.subf %add3A_453, %get3A_456 : vector<16xf32>
      %swap3A_458 = arith.index_cast %add3A_430 : i32 to index
      %swap3A_459 = arith.constant 16 : index
      %swap3A_460 = tpu.vector_load %arg14[%swap3A_458, %swap3A_459] {strides = array<i32>} : memref<256x64xf32, #tpu.memory_space<vmem>>, vector<16xf32>,
      tpu.vector_store %arg14[%swap3A_458, %swap3A_459], %sub3A_457 {strides = array<i32>} : memref<256x64xf32, #tpu.memory_space<vmem>>, vector<16xf32>,
      %get3A_461 = arith.index_cast %add3A_430 : i32 to index
      %get3A_462 = arith.constant 32 : index
      %get3A_463 = tpu.vector_load %arg12[%get3A_461, %get3A_462] {strides = array<i32>} : memref<256x64xf32, #tpu.memory_space<vmem>>, vector<16xf32>,
      %get3A_464 = arith.index_cast %squeeze3A_432 : i32 to index
      %get3A_465 = arith.constant 32 : index
      %get3A_466 = tpu.vector_load %arg11[%get3A_464, %get3A_465] {strides = array<i32>} : memref<201x64xf32, #tpu.memory_space<vmem>>, vector<16xf32>,
      %add3A_467 = arith.addf %get3A_463, %get3A_466 : vector<16xf32>
      %get3A_468 = arith.index_cast %add3A_430 : i32 to index
      %get3A_469 = arith.constant 32 : index
      %get3A_470 = tpu.vector_load %arg13[%get3A_468, %get3A_469] {strides = array<i32>} : memref<256x64xf32, #tpu.memory_space<vmem>>, vector<16xf32>,
      %sub3A_471 = arith.subf %add3A_467, %get3A_470 : vector<16xf32>
      %swap3A_472 = arith.index_cast %add3A_430 : i32 to index
      %swap3A_473 = arith.constant 32 : index
      %swap3A_474 = tpu.vector_load %arg14[%swap3A_472, %swap3A_473] {strides = array<i32>} : memref<256x64xf32, #tpu.memory_space<vmem>>, vector<16xf32>,
      tpu.vector_store %arg14[%swap3A_472, %swap3A_473], %sub3A_471 {strides = array<i32>} : memref<256x64xf32, #tpu.memory_space<vmem>>, vector<16xf32>,
      %get3A_475 = arith.index_cast %add3A_430 : i32 to index
      %get3A_476 = arith.constant 48 : index
      %get3A_477 = tpu.vector_load %arg12[%get3A_475, %get3A_476] {strides = array<i32>} : memref<256x64xf32, #tpu.memory_space<vmem>>, vector<16xf32>,
      %get3A_478 = arith.index_cast %squeeze3A_432 : i32 to index
      %get3A_479 = arith.constant 48 : index
      %get3A_480 = tpu.vector_load %arg11[%get3A_478, %get3A_479] {strides = array<i32>} : memref<201x64xf32, #tpu.memory_space<vmem>>, vector<16xf32>,
      %add3A_481 = arith.addf %get3A_477, %get3A_480 : vector<16xf32>
      %get3A_482 = arith.index_cast %add3A_430 : i32 to index
      %get3A_483 = arith.constant 48 : index
      %get3A_484 = tpu.vector_load %arg13[%get3A_482, %get3A_483] {strides = array<i32>} : memref<256x64xf32, #tpu.memory_space<vmem>>, vector<16xf32>,
      %sub3A_485 = arith.subf %add3A_481, %get3A_484 : vector<16xf32>
      %swap3A_486 = arith.index_cast %add3A_430 : i32 to index
      %swap3A_487 = arith.constant 48 : index
      %swap3A_488 = tpu.vector_load %arg14[%swap3A_486, %swap3A_487] {strides = array<i32>} : memref<256x64xf32, #tpu.memory_space<vmem>>, vector<16xf32>,
      tpu.vector_store %arg14[%swap3A_486, %swap3A_487], %sub3A_485 {strides = array<i32>} : memref<256x64xf32, #tpu.memory_space<vmem>>, vector<16xf32>,
      %mul3A_489 = arith.constant 16 : i32
      %mul3A_490 = arith.muli %scan3A_53, %mul3A_489 : i32
      %add3A_491 = arith.constant 7 : i32
      %add3A_492 = arith.addi %mul3A_490, %add3A_491 : i32
      %slice3A_493 = vector.extract_strided_slice %get3A_58 {offsets = [7], sizes = [1], strides = [1]} : vector<16xi32> to vector<1xi32>
      %squeeze3A_494 = vector.extract %slice3A_493[0] : i32 from vector<1xi32>
      %get3A_495 = arith.index_cast %add3A_492 : i32 to index
      %get3A_496 = arith.constant 0 : index
      %get3A_497 = tpu.vector_load %arg12[%get3A_495, %get3A_496] {strides = array<i32>} : memref<256x64xf32, #tpu.memory_space<vmem>>, vector<16xf32>,
      %get3A_498 = arith.index_cast %squeeze3A_494 : i32 to index
      %get3A_499 = arith.constant 0 : index
      %get3A_500 = tpu.vector_load %arg11[%get3A_498, %get3A_499] {strides = array<i32>} : memref<201x64xf32, #tpu.memory_space<vmem>>, vector<16xf32>,
      %add3A_501 = arith.addf %get3A_497, %get3A_500 : vector<16xf32>
      %get3A_502 = arith.index_cast %add3A_492 : i32 to index
      %get3A_503 = arith.constant 0 : index
      %get3A_504 = tpu.vector_load %arg13[%get3A_502, %get3A_503] {strides = array<i32>} : memref<256x64xf32, #tpu.memory_space<vmem>>, vector<16xf32>,
      %sub3A_505 = arith.subf %add3A_501, %get3A_504 : vector<16xf32>
      %swap3A_506 = arith.index_cast %add3A_492 : i32 to index
      %swap3A_507 = arith.constant 0 : index
      %swap3A_508 = tpu.vector_load %arg14[%swap3A_506, %swap3A_507] {strides = array<i32>} : memref<256x64xf32, #tpu.memory_space<vmem>>, vector<16xf32>,
      tpu.vector_store %arg14[%swap3A_506, %swap3A_507], %sub3A_505 {strides = array<i32>} : memref<256x64xf32, #tpu.memory_space<vmem>>, vector<16xf32>,
      %get3A_509 = arith.index_cast %add3A_492 : i32 to index
      %get3A_510 = arith.constant 16 : index
      %get3A_511 = tpu.vector_load %arg12[%get3A_509, %get3A_510] {strides = array<i32>} : memref<256x64xf32, #tpu.memory_space<vmem>>, vector<16xf32>,
      %get3A_512 = arith.index_cast %squeeze3A_494 : i32 to index
      %get3A_513 = arith.constant 16 : index
      %get3A_514 = tpu.vector_load %arg11[%get3A_512, %get3A_513] {strides = array<i32>} : memref<201x64xf32, #tpu.memory_space<vmem>>, vector<16xf32>,
      %add3A_515 = arith.addf %get3A_511, %get3A_514 : vector<16xf32>
      %get3A_516 = arith.index_cast %add3A_492 : i32 to index
      %get3A_517 = arith.constant 16 : index
      %get3A_518 = tpu.vector_load %arg13[%get3A_516, %get3A_517] {strides = array<i32>} : memref<256x64xf32, #tpu.memory_space<vmem>>, vector<16xf32>,
      %sub3A_519 = arith.subf %add3A_515, %get3A_518 : vector<16xf32>
      %swap3A_520 = arith.index_cast %add3A_492 : i32 to index
      %swap3A_521 = arith.constant 16 : index
      %swap3A_522 = tpu.vector_load %arg14[%swap3A_520, %swap3A_521] {strides = array<i32>} : memref<256x64xf32, #tpu.memory_space<vmem>>, vector<16xf32>,
      tpu.vector_store %arg14[%swap3A_520, %swap3A_521], %sub3A_519 {strides = array<i32>} : memref<256x64xf32, #tpu.memory_space<vmem>>, vector<16xf32>,
      %get3A_523 = arith.index_cast %add3A_492 : i32 to index
      %get3A_524 = arith.constant 32 : index
      %get3A_525 = tpu.vector_load %arg12[%get3A_523, %get3A_524] {strides = array<i32>} : memref<256x64xf32, #tpu.memory_space<vmem>>, vector<16xf32>,
      %get3A_526 = arith.index_cast %squeeze3A_494 : i32 to index
      %get3A_527 = arith.constant 32 : index
      %get3A_528 = tpu.vector_load %arg11[%get3A_526, %get3A_527] {strides = array<i32>} : memref<201x64xf32, #tpu.memory_space<vmem>>, vector<16xf32>,
      %add3A_529 = arith.addf %get3A_525, %get3A_528 : vector<16xf32>
      %get3A_530 = arith.index_cast %add3A_492 : i32 to index
      %get3A_531 = arith.constant 32 : index
      %get3A_532 = tpu.vector_load %arg13[%get3A_530, %get3A_531] {strides = array<i32>} : memref<256x64xf32, #tpu.memory_space<vmem>>, vector<16xf32>,
      %sub3A_533 = arith.subf %add3A_529, %get3A_532 : vector<16xf32>
      %swap3A_534 = arith.index_cast %add3A_492 : i32 to index
      %swap3A_535 = arith.constant 32 : index
      %swap3A_536 = tpu.vector_load %arg14[%swap3A_534, %swap3A_535] {strides = array<i32>} : memref<256x64xf32, #tpu.memory_space<vmem>>, vector<16xf32>,
      tpu.vector_store %arg14[%swap3A_534, %swap3A_535], %sub3A_533 {strides = array<i32>} : memref<256x64xf32, #tpu.memory_space<vmem>>, vector<16xf32>,
      %get3A_537 = arith.index_cast %add3A_492 : i32 to index
      %get3A_538 = arith.constant 48 : index
      %get3A_539 = tpu.vector_load %arg12[%get3A_537, %get3A_538] {strides = array<i32>} : memref<256x64xf32, #tpu.memory_space<vmem>>, vector<16xf32>,
      %get3A_540 = arith.index_cast %squeeze3A_494 : i32 to index
      %get3A_541 = arith.constant 48 : index
      %get3A_542 = tpu.vector_load %arg11[%get3A_540, %get3A_541] {strides = array<i32>} : memref<201x64xf32, #tpu.memory_space<vmem>>, vector<16xf32>,
      %add3A_543 = arith.addf %get3A_539, %get3A_542 : vector<16xf32>
      %get3A_544 = arith.index_cast %add3A_492 : i32 to index
      %get3A_545 = arith.constant 48 : index
      %get3A_546 = tpu.vector_load %arg13[%get3A_544, %get3A_545] {strides = array<i32>} : memref<256x64xf32, #tpu.memory_space<vmem>>, vector<16xf32>,
      %sub3A_547 = arith.subf %add3A_543, %get3A_546 : vector<16xf32>
      %swap3A_548 = arith.index_cast %add3A_492 : i32 to index
      %swap3A_549 = arith.constant 48 : index
      %swap3A_550 = tpu.vector_load %arg14[%swap3A_548, %swap3A_549] {strides = array<i32>} : memref<256x64xf32, #tpu.memory_space<vmem>>, vector<16xf32>,
      tpu.vector_store %arg14[%swap3A_548, %swap3A_549], %sub3A_547 {strides = array<i32>} : memref<256x64xf32, #tpu.memory_space<vmem>>, vector<16xf32>,
      %mul3A_551 = arith.constant 16 : i32
      %mul3A_552 = arith.muli %scan3A_53, %mul3A_551 : i32
      %add3A_553 = arith.constant 8 : i32
      %add3A_554 = arith.addi %mul3A_552, %add3A_553 : i32
      %slice3A_555 = vector.extract_strided_slice %get3A_58 {offsets = [8], sizes = [1], strides = [1]} : vector<16xi32> to vector<1xi32>
      %squeeze3A_556 = vector.extract %slice3A_555[0] : i32 from vector<1xi32>
      %get3A_557 = arith.index_cast %add3A_554 : i32 to index
      %get3A_558 = arith.constant 0 : index
      %get3A_559 = tpu.vector_load %arg12[%get3A_557, %get3A_558] {strides = array<i32>} : memref<256x64xf32, #tpu.memory_space<vmem>>, vector<16xf32>,
      %get3A_560 = arith.index_cast %squeeze3A_556 : i32 to index
      %get3A_561 = arith.constant 0 : index
      %get3A_562 = tpu.vector_load %arg11[%get3A_560, %get3A_561] {strides = array<i32>} : memref<201x64xf32, #tpu.memory_space<vmem>>, vector<16xf32>,
      %add3A_563 = arith.addf %get3A_559, %get3A_562 : vector<16xf32>
      %get3A_564 = arith.index_cast %add3A_554 : i32 to index
      %get3A_565 = arith.constant 0 : index
      %get3A_566 = tpu.vector_load %arg13[%get3A_564, %get3A_565] {strides = array<i32>} : memref<256x64xf32, #tpu.memory_space<vmem>>, vector<16xf32>,
      %sub3A_567 = arith.subf %add3A_563, %get3A_566 : vector<16xf32>
      %swap3A_568 = arith.index_cast %add3A_554 : i32 to index
      %swap3A_569 = arith.constant 0 : index
      %swap3A_570 = tpu.vector_load %arg14[%swap3A_568, %swap3A_569] {strides = array<i32>} : memref<256x64xf32, #tpu.memory_space<vmem>>, vector<16xf32>,
      tpu.vector_store %arg14[%swap3A_568, %swap3A_569], %sub3A_567 {strides = array<i32>} : memref<256x64xf32, #tpu.memory_space<vmem>>, vector<16xf32>,
      %get3A_571 = arith.index_cast %add3A_554 : i32 to index
      %get3A_572 = arith.constant 16 : index
      %get3A_573 = tpu.vector_load %arg12[%get3A_571, %get3A_572] {strides = array<i32>} : memref<256x64xf32, #tpu.memory_space<vmem>>, vector<16xf32>,
      %get3A_574 = arith.index_cast %squeeze3A_556 : i32 to index
      %get3A_575 = arith.constant 16 : index
      %get3A_576 = tpu.vector_load %arg11[%get3A_574, %get3A_575] {strides = array<i32>} : memref<201x64xf32, #tpu.memory_space<vmem>>, vector<16xf32>,
      %add3A_577 = arith.addf %get3A_573, %get3A_576 : vector<16xf32>
      %get3A_578 = arith.index_cast %add3A_554 : i32 to index
      %get3A_579 = arith.constant 16 : index
      %get3A_580 = tpu.vector_load %arg13[%get3A_578, %get3A_579] {strides = array<i32>} : memref<256x64xf32, #tpu.memory_space<vmem>>, vector<16xf32>,
      %sub3A_581 = arith.subf %add3A_577, %get3A_580 : vector<16xf32>
      %swap3A_582 = arith.index_cast %add3A_554 : i32 to index
      %swap3A_583 = arith.constant 16 : index
      %swap3A_584 = tpu.vector_load %arg14[%swap3A_582, %swap3A_583] {strides = array<i32>} : memref<256x64xf32, #tpu.memory_space<vmem>>, vector<16xf32>,
      tpu.vector_store %arg14[%swap3A_582, %swap3A_583], %sub3A_581 {strides = array<i32>} : memref<256x64xf32, #tpu.memory_space<vmem>>, vector<16xf32>,
      %get3A_585 = arith.index_cast %add3A_554 : i32 to index
      %get3A_586 = arith.constant 32 : index
      %get3A_587 = tpu.vector_load %arg12[%get3A_585, %get3A_586] {strides = array<i32>} : memref<256x64xf32, #tpu.memory_space<vmem>>, vector<16xf32>,
      %get3A_588 = arith.index_cast %squeeze3A_556 : i32 to index
      %get3A_589 = arith.constant 32 : index
      %get3A_590 = tpu.vector_load %arg11[%get3A_588, %get3A_589] {strides = array<i32>} : memref<201x64xf32, #tpu.memory_space<vmem>>, vector<16xf32>,
      %add3A_591 = arith.addf %get3A_587, %get3A_590 : vector<16xf32>
      %get3A_592 = arith.index_cast %add3A_554 : i32 to index
      %get3A_593 = arith.constant 32 : index
      %get3A_594 = tpu.vector_load %arg13[%get3A_592, %get3A_593] {strides = array<i32>} : memref<256x64xf32, #tpu.memory_space<vmem>>, vector<16xf32>,
      %sub3A_595 = arith.subf %add3A_591, %get3A_594 : vector<16xf32>
      %swap3A_596 = arith.index_cast %add3A_554 : i32 to index
      %swap3A_597 = arith.constant 32 : index
      %swap3A_598 = tpu.vector_load %arg14[%swap3A_596, %swap3A_597] {strides = array<i32>} : memref<256x64xf32, #tpu.memory_space<vmem>>, vector<16xf32>,
      tpu.vector_store %arg14[%swap3A_596, %swap3A_597], %sub3A_595 {strides = array<i32>} : memref<256x64xf32, #tpu.memory_space<vmem>>, vector<16xf32>,
      %get3A_599 = arith.index_cast %add3A_554 : i32 to index
      %get3A_600 = arith.constant 48 : index
      %get3A_601 = tpu.vector_load %arg12[%get3A_599, %get3A_600] {strides = array<i32>} : memref<256x64xf32, #tpu.memory_space<vmem>>, vector<16xf32>,
      %get3A_602 = arith.index_cast %squeeze3A_556 : i32 to index
      %get3A_603 = arith.constant 48 : index
      %get3A_604 = tpu.vector_load %arg11[%get3A_602, %get3A_603] {strides = array<i32>} : memref<201x64xf32, #tpu.memory_space<vmem>>, vector<16xf32>,
      %add3A_605 = arith.addf %get3A_601, %get3A_604 : vector<16xf32>
      %get3A_606 = arith.index_cast %add3A_554 : i32 to index
      %get3A_607 = arith.constant 48 : index
      %get3A_608 = tpu.vector_load %arg13[%get3A_606, %get3A_607] {strides = array<i32>} : memref<256x64xf32, #tpu.memory_space<vmem>>, vector<16xf32>,
      %sub3A_609 = arith.subf %add3A_605, %get3A_608 : vector<16xf32>
      %swap3A_610 = arith.index_cast %add3A_554 : i32 to index
      %swap3A_611 = arith.constant 48 : index
      %swap3A_612 = tpu.vector_load %arg14[%swap3A_610, %swap3A_611] {strides = array<i32>} : memref<256x64xf32, #tpu.memory_space<vmem>>, vector<16xf32>,
      tpu.vector_store %arg14[%swap3A_610, %swap3A_611], %sub3A_609 {strides = array<i32>} : memref<256x64xf32, #tpu.memory_space<vmem>>, vector<16xf32>,
      %mul3A_613 = arith.constant 16 : i32
      %mul3A_614 = arith.muli %scan3A_53, %mul3A_613 : i32
      %add3A_615 = arith.constant 9 : i32
      %add3A_616 = arith.addi %mul3A_614, %add3A_615 : i32
      %slice3A_617 = vector.extract_strided_slice %get3A_58 {offsets = [9], sizes = [1], strides = [1]} : vector<16xi32> to vector<1xi32>
      %squeeze3A_618 = vector.extract %slice3A_617[0] : i32 from vector<1xi32>
      %get3A_619 = arith.index_cast %add3A_616 : i32 to index
      %get3A_620 = arith.constant 0 : index
      %get3A_621 = tpu.vector_load %arg12[%get3A_619, %get3A_620] {strides = array<i32>} : memref<256x64xf32, #tpu.memory_space<vmem>>, vector<16xf32>,
      %get3A_622 = arith.index_cast %squeeze3A_618 : i32 to index
      %get3A_623 = arith.constant 0 : index
      %get3A_624 = tpu.vector_load %arg11[%get3A_622, %get3A_623] {strides = array<i32>} : memref<201x64xf32, #tpu.memory_space<vmem>>, vector<16xf32>,
      %add3A_625 = arith.addf %get3A_621, %get3A_624 : vector<16xf32>
      %get3A_626 = arith.index_cast %add3A_616 : i32 to index
      %get3A_627 = arith.constant 0 : index
      %get3A_628 = tpu.vector_load %arg13[%get3A_626, %get3A_627] {strides = array<i32>} : memref<256x64xf32, #tpu.memory_space<vmem>>, vector<16xf32>,
      %sub3A_629 = arith.subf %add3A_625, %get3A_628 : vector<16xf32>
      %swap3A_630 = arith.index_cast %add3A_616 : i32 to index
      %swap3A_631 = arith.constant 0 : index
      %swap3A_632 = tpu.vector_load %arg14[%swap3A_630, %swap3A_631] {strides = array<i32>} : memref<256x64xf32, #tpu.memory_space<vmem>>, vector<16xf32>,
      tpu.vector_store %arg14[%swap3A_630, %swap3A_631], %sub3A_629 {strides = array<i32>} : memref<256x64xf32, #tpu.memory_space<vmem>>, vector<16xf32>,
      %get3A_633 = arith.index_cast %add3A_616 : i32 to index
      %get3A_634 = arith.constant 16 : index
      %get3A_635 = tpu.vector_load %arg12[%get3A_633, %get3A_634] {strides = array<i32>} : memref<256x64xf32, #tpu.memory_space<vmem>>, vector<16xf32>,
      %get3A_636 = arith.index_cast %squeeze3A_618 : i32 to index
      %get3A_637 = arith.constant 16 : index
      %get3A_638 = tpu.vector_load %arg11[%get3A_636, %get3A_637] {strides = array<i32>} : memref<201x64xf32, #tpu.memory_space<vmem>>, vector<16xf32>,
      %add3A_639 = arith.addf %get3A_635, %get3A_638 : vector<16xf32>
      %get3A_640 = arith.index_cast %add3A_616 : i32 to index
      %get3A_641 = arith.constant 16 : index
      %get3A_642 = tpu.vector_load %arg13[%get3A_640, %get3A_641] {strides = array<i32>} : memref<256x64xf32, #tpu.memory_space<vmem>>, vector<16xf32>,
      %sub3A_643 = arith.subf %add3A_639, %get3A_642 : vector<16xf32>
      %swap3A_644 = arith.index_cast %add3A_616 : i32 to index
      %swap3A_645 = arith.constant 16 : index
      %swap3A_646 = tpu.vector_load %arg14[%swap3A_644, %swap3A_645] {strides = array<i32>} : memref<256x64xf32, #tpu.memory_space<vmem>>, vector<16xf32>,
      tpu.vector_store %arg14[%swap3A_644, %swap3A_645], %sub3A_643 {strides = array<i32>} : memref<256x64xf32, #tpu.memory_space<vmem>>, vector<16xf32>,
      %get3A_647 = arith.index_cast %add3A_616 : i32 to index
      %get3A_648 = arith.constant 32 : index
      %get3A_649 = tpu.vector_load %arg12[%get3A_647, %get3A_648] {strides = array<i32>} : memref<256x64xf32, #tpu.memory_space<vmem>>, vector<16xf32>,
      %get3A_650 = arith.index_cast %squeeze3A_618 : i32 to index
      %get3A_651 = arith.constant 32 : index
      %get3A_652 = tpu.vector_load %arg11[%get3A_650, %get3A_651] {strides = array<i32>} : memref<201x64xf32, #tpu.memory_space<vmem>>, vector<16xf32>,
      %add3A_653 = arith.addf %get3A_649, %get3A_652 : vector<16xf32>
      %get3A_654 = arith.index_cast %add3A_616 : i32 to index
      %get3A_655 = arith.constant 32 : index
      %get3A_656 = tpu.vector_load %arg13[%get3A_654, %get3A_655] {strides = array<i32>} : memref<256x64xf32, #tpu.memory_space<vmem>>, vector<16xf32>,
      %sub3A_657 = arith.subf %add3A_653, %get3A_656 : vector<16xf32>
      %swap3A_658 = arith.index_cast %add3A_616 : i32 to index
      %swap3A_659 = arith.constant 32 : index
      %swap3A_660 = tpu.vector_load %arg14[%swap3A_658, %swap3A_659] {strides = array<i32>} : memref<256x64xf32, #tpu.memory_space<vmem>>, vector<16xf32>,
      tpu.vector_store %arg14[%swap3A_658, %swap3A_659], %sub3A_657 {strides = array<i32>} : memref<256x64xf32, #tpu.memory_space<vmem>>, vector<16xf32>,
      %get3A_661 = arith.index_cast %add3A_616 : i32 to index
      %get3A_662 = arith.constant 48 : index
      %get3A_663 = tpu.vector_load %arg12[%get3A_661, %get3A_662] {strides = array<i32>} : memref<256x64xf32, #tpu.memory_space<vmem>>, vector<16xf32>,
      %get3A_664 = arith.index_cast %squeeze3A_618 : i32 to index
      %get3A_665 = arith.constant 48 : index
      %get3A_666 = tpu.vector_load %arg11[%get3A_664, %get3A_665] {strides = array<i32>} : memref<201x64xf32, #tpu.memory_space<vmem>>, vector<16xf32>,
      %add3A_667 = arith.addf %get3A_663, %get3A_666 : vector<16xf32>
      %get3A_668 = arith.index_cast %add3A_616 : i32 to index
      %get3A_669 = arith.constant 48 : index
      %get3A_670 = tpu.vector_load %arg13[%get3A_668, %get3A_669] {strides = array<i32>} : memref<256x64xf32, #tpu.memory_space<vmem>>, vector<16xf32>,
      %sub3A_671 = arith.subf %add3A_667, %get3A_670 : vector<16xf32>
      %swap3A_672 = arith.index_cast %add3A_616 : i32 to index
      %swap3A_673 = arith.constant 48 : index
      %swap3A_674 = tpu.vector_load %arg14[%swap3A_672, %swap3A_673] {strides = array<i32>} : memref<256x64xf32, #tpu.memory_space<vmem>>, vector<16xf32>,
      tpu.vector_store %arg14[%swap3A_672, %swap3A_673], %sub3A_671 {strides = array<i32>} : memref<256x64xf32, #tpu.memory_space<vmem>>, vector<16xf32>,
      %mul3A_675 = arith.constant 16 : i32
      %mul3A_676 = arith.muli %scan3A_53, %mul3A_675 : i32
      %add3A_677 = arith.constant 10 : i32
      %add3A_678 = arith.addi %mul3A_676, %add3A_677 : i32
      %slice3A_679 = vector.extract_strided_slice %get3A_58 {offsets = [10], sizes = [1], strides = [1]} : vector<16xi32> to vector<1xi32>
      %squeeze3A_680 = vector.extract %slice3A_679[0] : i32 from vector<1xi32>
      %get3A_681 = arith.index_cast %add3A_678 : i32 to index
      %get3A_682 = arith.constant 0 : index
      %get3A_683 = tpu.vector_load %arg12[%get3A_681, %get3A_682] {strides = array<i32>} : memref<256x64xf32, #tpu.memory_space<vmem>>, vector<16xf32>,
      %get3A_684 = arith.index_cast %squeeze3A_680 : i32 to index
      %get3A_685 = arith.constant 0 : index
      %get3A_686 = tpu.vector_load %arg11[%get3A_684, %get3A_685] {strides = array<i32>} : memref<201x64xf32, #tpu.memory_space<vmem>>, vector<16xf32>,
      %add3A_687 = arith.addf %get3A_683, %get3A_686 : vector<16xf32>
      %get3A_688 = arith.index_cast %add3A_678 : i32 to index
      %get3A_689 = arith.constant 0 : index
      %get3A_690 = tpu.vector_load %arg13[%get3A_688, %get3A_689] {strides = array<i32>} : memref<256x64xf32, #tpu.memory_space<vmem>>, vector<16xf32>,
      %sub3A_691 = arith.subf %add3A_687, %get3A_690 : vector<16xf32>
      %swap3A_692 = arith.index_cast %add3A_678 : i32 to index
      %swap3A_693 = arith.constant 0 : index
      %swap3A_694 = tpu.vector_load %arg14[%swap3A_692, %swap3A_693] {strides = array<i32>} : memref<256x64xf32, #tpu.memory_space<vmem>>, vector<16xf32>,
      tpu.vector_store %arg14[%swap3A_692, %swap3A_693], %sub3A_691 {strides = array<i32>} : memref<256x64xf32, #tpu.memory_space<vmem>>, vector<16xf32>,
      %get3A_695 = arith.index_cast %add3A_678 : i32 to index
      %get3A_696 = arith.constant 16 : index
      %get3A_697 = tpu.vector_load %arg12[%get3A_695, %get3A_696] {strides = array<i32>} : memref<256x64xf32, #tpu.memory_space<vmem>>, vector<16xf32>,
      %get3A_698 = arith.index_cast %squeeze3A_680 : i32 to index
      %get3A_699 = arith.constant 16 : index
      %get3A_700 = tpu.vector_load %arg11[%get3A_698, %get3A_699] {strides = array<i32>} : memref<201x64xf32, #tpu.memory_space<vmem>>, vector<16xf32>,
      %add3A_701 = arith.addf %get3A_697, %get3A_700 : vector<16xf32>
      %get3A_702 = arith.index_cast %add3A_678 : i32 to index
      %get3A_703 = arith.constant 16 : index
      %get3A_704 = tpu.vector_load %arg13[%get3A_702, %get3A_703] {strides = array<i32>} : memref<256x64xf32, #tpu.memory_space<vmem>>, vector<16xf32>,
      %sub3A_705 = arith.subf %add3A_701, %get3A_704 : vector<16xf32>
      %swap3A_706 = arith.index_cast %add3A_678 : i32 to index
      %swap3A_707 = arith.constant 16 : index
      %swap3A_708 = tpu.vector_load %arg14[%swap3A_706, %swap3A_707] {strides = array<i32>} : memref<256x64xf32, #tpu.memory_space<vmem>>, vector<16xf32>,
      tpu.vector_store %arg14[%swap3A_706, %swap3A_707], %sub3A_705 {strides = array<i32>} : memref<256x64xf32, #tpu.memory_space<vmem>>, vector<16xf32>,
      %get3A_709 = arith.index_cast %add3A_678 : i32 to index
      %get3A_710 = arith.constant 32 : index
      %get3A_711 = tpu.vector_load %arg12[%get3A_709, %get3A_710] {strides = array<i32>} : memref<256x64xf32, #tpu.memory_space<vmem>>, vector<16xf32>,
      %get3A_712 = arith.index_cast %squeeze3A_680 : i32 to index
      %get3A_713 = arith.constant 32 : index
      %get3A_714 = tpu.vector_load %arg11[%get3A_712, %get3A_713] {strides = array<i32>} : memref<201x64xf32, #tpu.memory_space<vmem>>, vector<16xf32>,
      %add3A_715 = arith.addf %get3A_711, %get3A_714 : vector<16xf32>
      %get3A_716 = arith.index_cast %add3A_678 : i32 to index
      %get3A_717 = arith.constant 32 : index
      %get3A_718 = tpu.vector_load %arg13[%get3A_716, %get3A_717] {strides = array<i32>} : memref<256x64xf32, #tpu.memory_space<vmem>>, vector<16xf32>,
      %sub3A_719 = arith.subf %add3A_715, %get3A_718 : vector<16xf32>
      %swap3A_720 = arith.index_cast %add3A_678 : i32 to index
      %swap3A_721 = arith.constant 32 : index
      %swap3A_722 = tpu.vector_load %arg14[%swap3A_720, %swap3A_721] {strides = array<i32>} : memref<256x64xf32, #tpu.memory_space<vmem>>, vector<16xf32>,
      tpu.vector_store %arg14[%swap3A_720, %swap3A_721], %sub3A_719 {strides = array<i32>} : memref<256x64xf32, #tpu.memory_space<vmem>>, vector<16xf32>,
      %get3A_723 = arith.index_cast %add3A_678 : i32 to index
      %get3A_724 = arith.constant 48 : index
      %get3A_725 = tpu.vector_load %arg12[%get3A_723, %get3A_724] {strides = array<i32>} : memref<256x64xf32, #tpu.memory_space<vmem>>, vector<16xf32>,
      %get3A_726 = arith.index_cast %squeeze3A_680 : i32 to index
      %get3A_727 = arith.constant 48 : index
      %get3A_728 = tpu.vector_load %arg11[%get3A_726, %get3A_727] {strides = array<i32>} : memref<201x64xf32, #tpu.memory_space<vmem>>, vector<16xf32>,
      %add3A_729 = arith.addf %get3A_725, %get3A_728 : vector<16xf32>
      %get3A_730 = arith.index_cast %add3A_678 : i32 to index
      %get3A_731 = arith.constant 48 : index
      %get3A_732 = tpu.vector_load %arg13[%get3A_730, %get3A_731] {strides = array<i32>} : memref<256x64xf32, #tpu.memory_space<vmem>>, vector<16xf32>,
      %sub3A_733 = arith.subf %add3A_729, %get3A_732 : vector<16xf32>
      %swap3A_734 = arith.index_cast %add3A_678 : i32 to index
      %swap3A_735 = arith.constant 48 : index
      %swap3A_736 = tpu.vector_load %arg14[%swap3A_734, %swap3A_735] {strides = array<i32>} : memref<256x64xf32, #tpu.memory_space<vmem>>, vector<16xf32>,
      tpu.vector_store %arg14[%swap3A_734, %swap3A_735], %sub3A_733 {strides = array<i32>} : memref<256x64xf32, #tpu.memory_space<vmem>>, vector<16xf32>,
      %mul3A_737 = arith.constant 16 : i32
      %mul3A_738 = arith.muli %scan3A_53, %mul3A_737 : i32
      %add3A_739 = arith.constant 11 : i32
      %add3A_740 = arith.addi %mul3A_738, %add3A_739 : i32
      %slice3A_741 = vector.extract_strided_slice %get3A_58 {offsets = [11], sizes = [1], strides = [1]} : vector<16xi32> to vector<1xi32>
      %squeeze3A_742 = vector.extract %slice3A_741[0] : i32 from vector<1xi32>
      %get3A_743 = arith.index_cast %add3A_740 : i32 to index
      %get3A_744 = arith.constant 0 : index
      %get3A_745 = tpu.vector_load %arg12[%get3A_743, %get3A_744] {strides = array<i32>} : memref<256x64xf32, #tpu.memory_space<vmem>>, vector<16xf32>,
      %get3A_746 = arith.index_cast %squeeze3A_742 : i32 to index
      %get3A_747 = arith.constant 0 : index
      %get3A_748 = tpu.vector_load %arg11[%get3A_746, %get3A_747] {strides = array<i32>} : memref<201x64xf32, #tpu.memory_space<vmem>>, vector<16xf32>,
      %add3A_749 = arith.addf %get3A_745, %get3A_748 : vector<16xf32>
      %get3A_750 = arith.index_cast %add3A_740 : i32 to index
      %get3A_751 = arith.constant 0 : index
      %get3A_752 = tpu.vector_load %arg13[%get3A_750, %get3A_751] {strides = array<i32>} : memref<256x64xf32, #tpu.memory_space<vmem>>, vector<16xf32>,
      %sub3A_753 = arith.subf %add3A_749, %get3A_752 : vector<16xf32>
      %swap3A_754 = arith.index_cast %add3A_740 : i32 to index
      %swap3A_755 = arith.constant 0 : index
      %swap3A_756 = tpu.vector_load %arg14[%swap3A_754, %swap3A_755] {strides = array<i32>} : memref<256x64xf32, #tpu.memory_space<vmem>>, vector<16xf32>,
      tpu.vector_store %arg14[%swap3A_754, %swap3A_755], %sub3A_753 {strides = array<i32>} : memref<256x64xf32, #tpu.memory_space<vmem>>, vector<16xf32>,
      %get3A_757 = arith.index_cast %add3A_740 : i32 to index
      %get3A_758 = arith.constant 16 : index
      %get3A_759 = tpu.vector_load %arg12[%get3A_757, %get3A_758] {strides = array<i32>} : memref<256x64xf32, #tpu.memory_space<vmem>>, vector<16xf32>,
      %get3A_760 = arith.index_cast %squeeze3A_742 : i32 to index
      %get3A_761 = arith.constant 16 : index
      %get3A_762 = tpu.vector_load %arg11[%get3A_760, %get3A_761] {strides = array<i32>} : memref<201x64xf32, #tpu.memory_space<vmem>>, vector<16xf32>,
      %add3A_763 = arith.addf %get3A_759, %get3A_762 : vector<16xf32>
      %get3A_764 = arith.index_cast %add3A_740 : i32 to index
      %get3A_765 = arith.constant 16 : index
      %get3A_766 = tpu.vector_load %arg13[%get3A_764, %get3A_765] {strides = array<i32>} : memref<256x64xf32, #tpu.memory_space<vmem>>, vector<16xf32>,
      %sub3A_767 = arith.subf %add3A_763, %get3A_766 : vector<16xf32>
      %swap3A_768 = arith.index_cast %add3A_740 : i32 to index
      %swap3A_769 = arith.constant 16 : index
      %swap3A_770 = tpu.vector_load %arg14[%swap3A_768, %swap3A_769] {strides = array<i32>} : memref<256x64xf32, #tpu.memory_space<vmem>>, vector<16xf32>,
      tpu.vector_store %arg14[%swap3A_768, %swap3A_769], %sub3A_767 {strides = array<i32>} : memref<256x64xf32, #tpu.memory_space<vmem>>, vector<16xf32>,
      %get3A_771 = arith.index_cast %add3A_740 : i32 to index
      %get3A_772 = arith.constant 32 : index
      %get3A_773 = tpu.vector_load %arg12[%get3A_771, %get3A_772] {strides = array<i32>} : memref<256x64xf32, #tpu.memory_space<vmem>>, vector<16xf32>,
      %get3A_774 = arith.index_cast %squeeze3A_742 : i32 to index
      %get3A_775 = arith.constant 32 : index
      %get3A_776 = tpu.vector_load %arg11[%get3A_774, %get3A_775] {strides = array<i32>} : memref<201x64xf32, #tpu.memory_space<vmem>>, vector<16xf32>,
      %add3A_777 = arith.addf %get3A_773, %get3A_776 : vector<16xf32>
      %get3A_778 = arith.index_cast %add3A_740 : i32 to index
      %get3A_779 = arith.constant 32 : index
      %get3A_780 = tpu.vector_load %arg13[%get3A_778, %get3A_779] {strides = array<i32>} : memref<256x64xf32, #tpu.memory_space<vmem>>, vector<16xf32>,
      %sub3A_781 = arith.subf %add3A_777, %get3A_780 : vector<16xf32>
      %swap3A_782 = arith.index_cast %add3A_740 : i32 to index
      %swap3A_783 = arith.constant 32 : index
      %swap3A_784 = tpu.vector_load %arg14[%swap3A_782, %swap3A_783] {strides = array<i32>} : memref<256x64xf32, #tpu.memory_space<vmem>>, vector<16xf32>,
      tpu.vector_store %arg14[%swap3A_782, %swap3A_783], %sub3A_781 {strides = array<i32>} : memref<256x64xf32, #tpu.memory_space<vmem>>, vector<16xf32>,
      %get3A_785 = arith.index_cast %add3A_740 : i32 to index
      %get3A_786 = arith.constant 48 : index
      %get3A_787 = tpu.vector_load %arg12[%get3A_785, %get3A_786] {strides = array<i32>} : memref<256x64xf32, #tpu.memory_space<vmem>>, vector<16xf32>,
      %get3A_788 = arith.index_cast %squeeze3A_742 : i32 to index
      %get3A_789 = arith.constant 48 : index
      %get3A_790 = tpu.vector_load %arg11[%get3A_788, %get3A_789] {strides = array<i32>} : memref<201x64xf32, #tpu.memory_space<vmem>>, vector<16xf32>,
      %add3A_791 = arith.addf %get3A_787, %get3A_790 : vector<16xf32>
      %get3A_792 = arith.index_cast %add3A_740 : i32 to index
      %get3A_793 = arith.constant 48 : index
      %get3A_794 = tpu.vector_load %arg13[%get3A_792, %get3A_793] {strides = array<i32>} : memref<256x64xf32, #tpu.memory_space<vmem>>, vector<16xf32>,
      %sub3A_795 = arith.subf %add3A_791, %get3A_794 : vector<16xf32>
      %swap3A_796 = arith.index_cast %add3A_740 : i32 to index
      %swap3A_797 = arith.constant 48 : index
      %swap3A_798 = tpu.vector_load %arg14[%swap3A_796, %swap3A_797] {strides = array<i32>} : memref<256x64xf32, #tpu.memory_space<vmem>>, vector<16xf32>,
      tpu.vector_store %arg14[%swap3A_796, %swap3A_797], %sub3A_795 {strides = array<i32>} : memref<256x64xf32, #tpu.memory_space<vmem>>, vector<16xf32>,
      %mul3A_799 = arith.constant 16 : i32
      %mul3A_800 = arith.muli %scan3A_53, %mul3A_799 : i32
      %add3A_801 = arith.constant 12 : i32
      %add3A_802 = arith.addi %mul3A_800, %add3A_801 : i32
      %slice3A_803 = vector.extract_strided_slice %get3A_58 {offsets = [12], sizes = [1], strides = [1]} : vector<16xi32> to vector<1xi32>
      %squeeze3A_804 = vector.extract %slice3A_803[0] : i32 from vector<1xi32>
      %get3A_805 = arith.index_cast %add3A_802 : i32 to index
      %get3A_806 = arith.constant 0 : index
      %get3A_807 = tpu.vector_load %arg12[%get3A_805, %get3A_806] {strides = array<i32>} : memref<256x64xf32, #tpu.memory_space<vmem>>, vector<16xf32>,
      %get3A_808 = arith.index_cast %squeeze3A_804 : i32 to index
      %get3A_809 = arith.constant 0 : index
      %get3A_810 = tpu.vector_load %arg11[%get3A_808, %get3A_809] {strides = array<i32>} : memref<201x64xf32, #tpu.memory_space<vmem>>, vector<16xf32>,
      %add3A_811 = arith.addf %get3A_807, %get3A_810 : vector<16xf32>
      %get3A_812 = arith.index_cast %add3A_802 : i32 to index
      %get3A_813 = arith.constant 0 : index
      %get3A_814 = tpu.vector_load %arg13[%get3A_812, %get3A_813] {strides = array<i32>} : memref<256x64xf32, #tpu.memory_space<vmem>>, vector<16xf32>,
      %sub3A_815 = arith.subf %add3A_811, %get3A_814 : vector<16xf32>
      %swap3A_816 = arith.index_cast %add3A_802 : i32 to index
      %swap3A_817 = arith.constant 0 : index
      %swap3A_818 = tpu.vector_load %arg14[%swap3A_816, %swap3A_817] {strides = array<i32>} : memref<256x64xf32, #tpu.memory_space<vmem>>, vector<16xf32>,
      tpu.vector_store %arg14[%swap3A_816, %swap3A_817], %sub3A_815 {strides = array<i32>} : memref<256x64xf32, #tpu.memory_space<vmem>>, vector<16xf32>,
      %get3A_819 = arith.index_cast %add3A_802 : i32 to index
      %get3A_820 = arith.constant 16 : index
      %get3A_821 = tpu.vector_load %arg12[%get3A_819, %get3A_820] {strides = array<i32>} : memref<256x64xf32, #tpu.memory_space<vmem>>, vector<16xf32>,
      %get3A_822 = arith.index_cast %squeeze3A_804 : i32 to index
      %get3A_823 = arith.constant 16 : index
      %get3A_824 = tpu.vector_load %arg11[%get3A_822, %get3A_823] {strides = array<i32>} : memref<201x64xf32, #tpu.memory_space<vmem>>, vector<16xf32>,
      %add3A_825 = arith.addf %get3A_821, %get3A_824 : vector<16xf32>
      %get3A_826 = arith.index_cast %add3A_802 : i32 to index
      %get3A_827 = arith.constant 16 : index
      %get3A_828 = tpu.vector_load %arg13[%get3A_826, %get3A_827] {strides = array<i32>} : memref<256x64xf32, #tpu.memory_space<vmem>>, vector<16xf32>,
      %sub3A_829 = arith.subf %add3A_825, %get3A_828 : vector<16xf32>
      %swap3A_830 = arith.index_cast %add3A_802 : i32 to index
      %swap3A_831 = arith.constant 16 : index
      %swap3A_832 = tpu.vector_load %arg14[%swap3A_830, %swap3A_831] {strides = array<i32>} : memref<256x64xf32, #tpu.memory_space<vmem>>, vector<16xf32>,
      tpu.vector_store %arg14[%swap3A_830, %swap3A_831], %sub3A_829 {strides = array<i32>} : memref<256x64xf32, #tpu.memory_space<vmem>>, vector<16xf32>,
      %get3A_833 = arith.index_cast %add3A_802 : i32 to index
      %get3A_834 = arith.constant 32 : index
      %get3A_835 = tpu.vector_load %arg12[%get3A_833, %get3A_834] {strides = array<i32>} : memref<256x64xf32, #tpu.memory_space<vmem>>, vector<16xf32>,
      %get3A_836 = arith.index_cast %squeeze3A_804 : i32 to index
      %get3A_837 = arith.constant 32 : index
      %get3A_838 = tpu.vector_load %arg11[%get3A_836, %get3A_837] {strides = array<i32>} : memref<201x64xf32, #tpu.memory_space<vmem>>, vector<16xf32>,
      %add3A_839 = arith.addf %get3A_835, %get3A_838 : vector<16xf32>
      %get3A_840 = arith.index_cast %add3A_802 : i32 to index
      %get3A_841 = arith.constant 32 : index
      %get3A_842 = tpu.vector_load %arg13[%get3A_840, %get3A_841] {strides = array<i32>} : memref<256x64xf32, #tpu.memory_space<vmem>>, vector<16xf32>,
      %sub3A_843 = arith.subf %add3A_839, %get3A_842 : vector<16xf32>
      %swap3A_844 = arith.index_cast %add3A_802 : i32 to index
      %swap3A_845 = arith.constant 32 : index
      %swap3A_846 = tpu.vector_load %arg14[%swap3A_844, %swap3A_845] {strides = array<i32>} : memref<256x64xf32, #tpu.memory_space<vmem>>, vector<16xf32>,
      tpu.vector_store %arg14[%swap3A_844, %swap3A_845], %sub3A_843 {strides = array<i32>} : memref<256x64xf32, #tpu.memory_space<vmem>>, vector<16xf32>,
      %get3A_847 = arith.index_cast %add3A_802 : i32 to index
      %get3A_848 = arith.constant 48 : index
      %get3A_849 = tpu.vector_load %arg12[%get3A_847, %get3A_848] {strides = array<i32>} : memref<256x64xf32, #tpu.memory_space<vmem>>, vector<16xf32>,
      %get3A_850 = arith.index_cast %squeeze3A_804 : i32 to index
      %get3A_851 = arith.constant 48 : index
      %get3A_852 = tpu.vector_load %arg11[%get3A_850, %get3A_851] {strides = array<i32>} : memref<201x64xf32, #tpu.memory_space<vmem>>, vector<16xf32>,
      %add3A_853 = arith.addf %get3A_849, %get3A_852 : vector<16xf32>
      %get3A_854 = arith.index_cast %add3A_802 : i32 to index
      %get3A_855 = arith.constant 48 : index
      %get3A_856 = tpu.vector_load %arg13[%get3A_854, %get3A_855] {strides = array<i32>} : memref<256x64xf32, #tpu.memory_space<vmem>>, vector<16xf32>,
      %sub3A_857 = arith.subf %add3A_853, %get3A_856 : vector<16xf32>
      %swap3A_858 = arith.index_cast %add3A_802 : i32 to index
      %swap3A_859 = arith.constant 48 : index
      %swap3A_860 = tpu.vector_load %arg14[%swap3A_858, %swap3A_859] {strides = array<i32>} : memref<256x64xf32, #tpu.memory_space<vmem>>, vector<16xf32>,
      tpu.vector_store %arg14[%swap3A_858, %swap3A_859], %sub3A_857 {strides = array<i32>} : memref<256x64xf32, #tpu.memory_space<vmem>>, vector<16xf32>,
      %mul3A_861 = arith.constant 16 : i32
      %mul3A_862 = arith.muli %scan3A_53, %mul3A_861 : i32
      %add3A_863 = arith.constant 13 : i32
      %add3A_864 = arith.addi %mul3A_862, %add3A_863 : i32
      %slice3A_865 = vector.extract_strided_slice %get3A_58 {offsets = [13], sizes = [1], strides = [1]} : vector<16xi32> to vector<1xi32>
      %squeeze3A_866 = vector.extract %slice3A_865[0] : i32 from vector<1xi32>
      %get3A_867 = arith.index_cast %add3A_864 : i32 to index
      %get3A_868 = arith.constant 0 : index
      %get3A_869 = tpu.vector_load %arg12[%get3A_867, %get3A_868] {strides = array<i32>} : memref<256x64xf32, #tpu.memory_space<vmem>>, vector<16xf32>,
      %get3A_870 = arith.index_cast %squeeze3A_866 : i32 to index
      %get3A_871 = arith.constant 0 : index
      %get3A_872 = tpu.vector_load %arg11[%get3A_870, %get3A_871] {strides = array<i32>} : memref<201x64xf32, #tpu.memory_space<vmem>>, vector<16xf32>,
      %add3A_873 = arith.addf %get3A_869, %get3A_872 : vector<16xf32>
      %get3A_874 = arith.index_cast %add3A_864 : i32 to index
      %get3A_875 = arith.constant 0 : index
      %get3A_876 = tpu.vector_load %arg13[%get3A_874, %get3A_875] {strides = array<i32>} : memref<256x64xf32, #tpu.memory_space<vmem>>, vector<16xf32>,
      %sub3A_877 = arith.subf %add3A_873, %get3A_876 : vector<16xf32>
      %swap3A_878 = arith.index_cast %add3A_864 : i32 to index
      %swap3A_879 = arith.constant 0 : index
      %swap3A_880 = tpu.vector_load %arg14[%swap3A_878, %swap3A_879] {strides = array<i32>} : memref<256x64xf32, #tpu.memory_space<vmem>>, vector<16xf32>,
      tpu.vector_store %arg14[%swap3A_878, %swap3A_879], %sub3A_877 {strides = array<i32>} : memref<256x64xf32, #tpu.memory_space<vmem>>, vector<16xf32>,
      %get3A_881 = arith.index_cast %add3A_864 : i32 to index
      %get3A_882 = arith.constant 16 : index
      %get3A_883 = tpu.vector_load %arg12[%get3A_881, %get3A_882] {strides = array<i32>} : memref<256x64xf32, #tpu.memory_space<vmem>>, vector<16xf32>,
      %get3A_884 = arith.index_cast %squeeze3A_866 : i32 to index
      %get3A_885 = arith.constant 16 : index
      %get3A_886 = tpu.vector_load %arg11[%get3A_884, %get3A_885] {strides = array<i32>} : memref<201x64xf32, #tpu.memory_space<vmem>>, vector<16xf32>,
      %add3A_887 = arith.addf %get3A_883, %get3A_886 : vector<16xf32>
      %get3A_888 = arith.index_cast %add3A_864 : i32 to index
      %get3A_889 = arith.constant 16 : index
      %get3A_890 = tpu.vector_load %arg13[%get3A_888, %get3A_889] {strides = array<i32>} : memref<256x64xf32, #tpu.memory_space<vmem>>, vector<16xf32>,
      %sub3A_891 = arith.subf %add3A_887, %get3A_890 : vector<16xf32>
      %swap3A_892 = arith.index_cast %add3A_864 : i32 to index
      %swap3A_893 = arith.constant 16 : index
      %swap3A_894 = tpu.vector_load %arg14[%swap3A_892, %swap3A_893] {strides = array<i32>} : memref<256x64xf32, #tpu.memory_space<vmem>>, vector<16xf32>,
      tpu.vector_store %arg14[%swap3A_892, %swap3A_893], %sub3A_891 {strides = array<i32>} : memref<256x64xf32, #tpu.memory_space<vmem>>, vector<16xf32>,
      %get3A_895 = arith.index_cast %add3A_864 : i32 to index
      %get3A_896 = arith.constant 32 : index
      %get3A_897 = tpu.vector_load %arg12[%get3A_895, %get3A_896] {strides = array<i32>} : memref<256x64xf32, #tpu.memory_space<vmem>>, vector<16xf32>,
      %get3A_898 = arith.index_cast %squeeze3A_866 : i32 to index
      %get3A_899 = arith.constant 32 : index
      %get3A_900 = tpu.vector_load %arg11[%get3A_898, %get3A_899] {strides = array<i32>} : memref<201x64xf32, #tpu.memory_space<vmem>>, vector<16xf32>,
      %add3A_901 = arith.addf %get3A_897, %get3A_900 : vector<16xf32>
      %get3A_902 = arith.index_cast %add3A_864 : i32 to index
      %get3A_903 = arith.constant 32 : index
      %get3A_904 = tpu.vector_load %arg13[%get3A_902, %get3A_903] {strides = array<i32>} : memref<256x64xf32, #tpu.memory_space<vmem>>, vector<16xf32>,
      %sub3A_905 = arith.subf %add3A_901, %get3A_904 : vector<16xf32>
      %swap3A_906 = arith.index_cast %add3A_864 : i32 to index
      %swap3A_907 = arith.constant 32 : index
      %swap3A_908 = tpu.vector_load %arg14[%swap3A_906, %swap3A_907] {strides = array<i32>} : memref<256x64xf32, #tpu.memory_space<vmem>>, vector<16xf32>,
      tpu.vector_store %arg14[%swap3A_906, %swap3A_907], %sub3A_905 {strides = array<i32>} : memref<256x64xf32, #tpu.memory_space<vmem>>, vector<16xf32>,
      %get3A_909 = arith.index_cast %add3A_864 : i32 to index
      %get3A_910 = arith.constant 48 : index
      %get3A_911 = tpu.vector_load %arg12[%get3A_909, %get3A_910] {strides = array<i32>} : memref<256x64xf32, #tpu.memory_space<vmem>>, vector<16xf32>,
      %get3A_912 = arith.index_cast %squeeze3A_866 : i32 to index
      %get3A_913 = arith.constant 48 : index
      %get3A_914 = tpu.vector_load %arg11[%get3A_912, %get3A_913] {strides = array<i32>} : memref<201x64xf32, #tpu.memory_space<vmem>>, vector<16xf32>,
      %add3A_915 = arith.addf %get3A_911, %get3A_914 : vector<16xf32>
      %get3A_916 = arith.index_cast %add3A_864 : i32 to index
      %get3A_917 = arith.constant 48 : index
      %get3A_918 = tpu.vector_load %arg13[%get3A_916, %get3A_917] {strides = array<i32>} : memref<256x64xf32, #tpu.memory_space<vmem>>, vector<16xf32>,
      %sub3A_919 = arith.subf %add3A_915, %get3A_918 : vector<16xf32>
      %swap3A_920 = arith.index_cast %add3A_864 : i32 to index
      %swap3A_921 = arith.constant 48 : index
      %swap3A_922 = tpu.vector_load %arg14[%swap3A_920, %swap3A_921] {strides = array<i32>} : memref<256x64xf32, #tpu.memory_space<vmem>>, vector<16xf32>,
      tpu.vector_store %arg14[%swap3A_920, %swap3A_921], %sub3A_919 {strides = array<i32>} : memref<256x64xf32, #tpu.memory_space<vmem>>, vector<16xf32>,
      %mul3A_923 = arith.constant 16 : i32
      %mul3A_924 = arith.muli %scan3A_53, %mul3A_923 : i32
      %add3A_925 = arith.constant 14 : i32
      %add3A_926 = arith.addi %mul3A_924, %add3A_925 : i32
      %slice3A_927 = vector.extract_strided_slice %get3A_58 {offsets = [14], sizes = [1], strides = [1]} : vector<16xi32> to vector<1xi32>
      %squeeze3A_928 = vector.extract %slice3A_927[0] : i32 from vector<1xi32>
      %get3A_929 = arith.index_cast %add3A_926 : i32 to index
      %get3A_930 = arith.constant 0 : index
      %get3A_931 = tpu.vector_load %arg12[%get3A_929, %get3A_930] {strides = array<i32>} : memref<256x64xf32, #tpu.memory_space<vmem>>, vector<16xf32>,
      %get3A_932 = arith.index_cast %squeeze3A_928 : i32 to index
      %get3A_933 = arith.constant 0 : index
      %get3A_934 = tpu.vector_load %arg11[%get3A_932, %get3A_933] {strides = array<i32>} : memref<201x64xf32, #tpu.memory_space<vmem>>, vector<16xf32>,
      %add3A_935 = arith.addf %get3A_931, %get3A_934 : vector<16xf32>
      %get3A_936 = arith.index_cast %add3A_926 : i32 to index
      %get3A_937 = arith.constant 0 : index
      %get3A_938 = tpu.vector_load %arg13[%get3A_936, %get3A_937] {strides = array<i32>} : memref<256x64xf32, #tpu.memory_space<vmem>>, vector<16xf32>,
      %sub3A_939 = arith.subf %add3A_935, %get3A_938 : vector<16xf32>
      %swap3A_940 = arith.index_cast %add3A_926 : i32 to index
      %swap3A_941 = arith.constant 0 : index
      %swap3A_942 = tpu.vector_load %arg14[%swap3A_940, %swap3A_941] {strides = array<i32>} : memref<256x64xf32, #tpu.memory_space<vmem>>, vector<16xf32>,
      tpu.vector_store %arg14[%swap3A_940, %swap3A_941], %sub3A_939 {strides = array<i32>} : memref<256x64xf32, #tpu.memory_space<vmem>>, vector<16xf32>,
      %get3A_943 = arith.index_cast %add3A_926 : i32 to index
      %get3A_944 = arith.constant 16 : index
      %get3A_945 = tpu.vector_load %arg12[%get3A_943, %get3A_944] {strides = array<i32>} : memref<256x64xf32, #tpu.memory_space<vmem>>, vector<16xf32>,
      %get3A_946 = arith.index_cast %squeeze3A_928 : i32 to index
      %get3A_947 = arith.constant 16 : index
      %get3A_948 = tpu.vector_load %arg11[%get3A_946, %get3A_947] {strides = array<i32>} : memref<201x64xf32, #tpu.memory_space<vmem>>, vector<16xf32>,
      %add3A_949 = arith.addf %get3A_945, %get3A_948 : vector<16xf32>
      %get3A_950 = arith.index_cast %add3A_926 : i32 to index
      %get3A_951 = arith.constant 16 : index
      %get3A_952 = tpu.vector_load %arg13[%get3A_950, %get3A_951] {strides = array<i32>} : memref<256x64xf32, #tpu.memory_space<vmem>>, vector<16xf32>,
      %sub3A_953 = arith.subf %add3A_949, %get3A_952 : vector<16xf32>
      %swap3A_954 = arith.index_cast %add3A_926 : i32 to index
      %swap3A_955 = arith.constant 16 : index
      %swap3A_956 = tpu.vector_load %arg14[%swap3A_954, %swap3A_955] {strides = array<i32>} : memref<256x64xf32, #tpu.memory_space<vmem>>, vector<16xf32>,
      tpu.vector_store %arg14[%swap3A_954, %swap3A_955], %sub3A_953 {strides = array<i32>} : memref<256x64xf32, #tpu.memory_space<vmem>>, vector<16xf32>,
      %get3A_957 = arith.index_cast %add3A_926 : i32 to index
      %get3A_958 = arith.constant 32 : index
      %get3A_959 = tpu.vector_load %arg12[%get3A_957, %get3A_958] {strides = array<i32>} : memref<256x64xf32, #tpu.memory_space<vmem>>, vector<16xf32>,
      %get3A_960 = arith.index_cast %squeeze3A_928 : i32 to index
      %get3A_961 = arith.constant 32 : index
      %get3A_962 = tpu.vector_load %arg11[%get3A_960, %get3A_961] {strides = array<i32>} : memref<201x64xf32, #tpu.memory_space<vmem>>, vector<16xf32>,
      %add3A_963 = arith.addf %get3A_959, %get3A_962 : vector<16xf32>
      %get3A_964 = arith.index_cast %add3A_926 : i32 to index
      %get3A_965 = arith.constant 32 : index
      %get3A_966 = tpu.vector_load %arg13[%get3A_964, %get3A_965] {strides = array<i32>} : memref<256x64xf32, #tpu.memory_space<vmem>>, vector<16xf32>,
      %sub3A_967 = arith.subf %add3A_963, %get3A_966 : vector<16xf32>
      %swap3A_968 = arith.index_cast %add3A_926 : i32 to index
      %swap3A_969 = arith.constant 32 : index
      %swap3A_970 = tpu.vector_load %arg14[%swap3A_968, %swap3A_969] {strides = array<i32>} : memref<256x64xf32, #tpu.memory_space<vmem>>, vector<16xf32>,
      tpu.vector_store %arg14[%swap3A_968, %swap3A_969], %sub3A_967 {strides = array<i32>} : memref<256x64xf32, #tpu.memory_space<vmem>>, vector<16xf32>,
      %get3A_971 = arith.index_cast %add3A_926 : i32 to index
      %get3A_972 = arith.constant 48 : index
      %get3A_973 = tpu.vector_load %arg12[%get3A_971, %get3A_972] {strides = array<i32>} : memref<256x64xf32, #tpu.memory_space<vmem>>, vector<16xf32>,
      %get3A_974 = arith.index_cast %squeeze3A_928 : i32 to index
      %get3A_975 = arith.constant 48 : index
      %get3A_976 = tpu.vector_load %arg11[%get3A_974, %get3A_975] {strides = array<i32>} : memref<201x64xf32, #tpu.memory_space<vmem>>, vector<16xf32>,
      %add3A_977 = arith.addf %get3A_973, %get3A_976 : vector<16xf32>
      %get3A_978 = arith.index_cast %add3A_926 : i32 to index
      %get3A_979 = arith.constant 48 : index
      %get3A_980 = tpu.vector_load %arg13[%get3A_978, %get3A_979] {strides = array<i32>} : memref<256x64xf32, #tpu.memory_space<vmem>>, vector<16xf32>,
      %sub3A_981 = arith.subf %add3A_977, %get3A_980 : vector<16xf32>
      %swap3A_982 = arith.index_cast %add3A_926 : i32 to index
      %swap3A_983 = arith.constant 48 : index
      %swap3A_984 = tpu.vector_load %arg14[%swap3A_982, %swap3A_983] {strides = array<i32>} : memref<256x64xf32, #tpu.memory_space<vmem>>, vector<16xf32>,
      tpu.vector_store %arg14[%swap3A_982, %swap3A_983], %sub3A_981 {strides = array<i32>} : memref<256x64xf32, #tpu.memory_space<vmem>>, vector<16xf32>,
      %mul3A_985 = arith.constant 16 : i32
      %mul3A_986 = arith.muli %scan3A_53, %mul3A_985 : i32
      %add3A_987 = arith.constant 15 : i32
      %add3A_988 = arith.addi %mul3A_986, %add3A_987 : i32
      %slice3A_989 = vector.extract_strided_slice %get3A_58 {offsets = [15], sizes = [1], strides = [1]} : vector<16xi32> to vector<1xi32>
      %squeeze3A_990 = vector.extract %slice3A_989[0] : i32 from vector<1xi32>
      %get3A_991 = arith.index_cast %add3A_988 : i32 to index
      %get3A_992 = arith.constant 0 : index
      %get3A_993 = tpu.vector_load %arg12[%get3A_991, %get3A_992] {strides = array<i32>} : memref<256x64xf32, #tpu.memory_space<vmem>>, vector<16xf32>,
      %get3A_994 = arith.index_cast %squeeze3A_990 : i32 to index
      %get3A_995 = arith.constant 0 : index
      %get3A_996 = tpu.vector_load %arg11[%get3A_994, %get3A_995] {strides = array<i32>} : memref<201x64xf32, #tpu.memory_space<vmem>>, vector<16xf32>,
      %add3A_997 = arith.addf %get3A_993, %get3A_996 : vector<16xf32>
      %get3A_998 = arith.index_cast %add3A_988 : i32 to index
      %get3A_999 = arith.constant 0 : index
      %get3A_1000 = tpu.vector_load %arg13[%get3A_998, %get3A_999] {strides = array<i32>} : memref<256x64xf32, #tpu.memory_space<vmem>>, vector<16xf32>,
      %sub3A_1001 = arith.subf %add3A_997, %get3A_1000 : vector<16xf32>
      %swap3A_1002 = arith.index_cast %add3A_988 : i32 to index
      %swap3A_1003 = arith.constant 0 : index
      %swap3A_1004 = tpu.vector_load %arg14[%swap3A_1002, %swap3A_1003] {strides = array<i32>} : memref<256x64xf32, #tpu.memory_space<vmem>>, vector<16xf32>,
      tpu.vector_store %arg14[%swap3A_1002, %swap3A_1003], %sub3A_1001 {strides = array<i32>} : memref<256x64xf32, #tpu.memory_space<vmem>>, vector<16xf32>,
      %get3A_1005 = arith.index_cast %add3A_988 : i32 to index
      %get3A_1006 = arith.constant 16 : index
      %get3A_1007 = tpu.vector_load %arg12[%get3A_1005, %get3A_1006] {strides = array<i32>} : memref<256x64xf32, #tpu.memory_space<vmem>>, vector<16xf32>,
      %get3A_1008 = arith.index_cast %squeeze3A_990 : i32 to index
      %get3A_1009 = arith.constant 16 : index
      %get3A_1010 = tpu.vector_load %arg11[%get3A_1008, %get3A_1009] {strides = array<i32>} : memref<201x64xf32, #tpu.memory_space<vmem>>, vector<16xf32>,
      %add3A_1011 = arith.addf %get3A_1007, %get3A_1010 : vector<16xf32>
      %get3A_1012 = arith.index_cast %add3A_988 : i32 to index
      %get3A_1013 = arith.constant 16 : index
      %get3A_1014 = tpu.vector_load %arg13[%get3A_1012, %get3A_1013] {strides = array<i32>} : memref<256x64xf32, #tpu.memory_space<vmem>>, vector<16xf32>,
      %sub3A_1015 = arith.subf %add3A_1011, %get3A_1014 : vector<16xf32>
      %swap3A_1016 = arith.index_cast %add3A_988 : i32 to index
      %swap3A_1017 = arith.constant 16 : index
      %swap3A_1018 = tpu.vector_load %arg14[%swap3A_1016, %swap3A_1017] {strides = array<i32>} : memref<256x64xf32, #tpu.memory_space<vmem>>, vector<16xf32>,
      tpu.vector_store %arg14[%swap3A_1016, %swap3A_1017], %sub3A_1015 {strides = array<i32>} : memref<256x64xf32, #tpu.memory_space<vmem>>, vector<16xf32>,
      %get3A_1019 = arith.index_cast %add3A_988 : i32 to index
      %get3A_1020 = arith.constant 32 : index
      %get3A_1021 = tpu.vector_load %arg12[%get3A_1019, %get3A_1020] {strides = array<i32>} : memref<256x64xf32, #tpu.memory_space<vmem>>, vector<16xf32>,
      %get3A_1022 = arith.index_cast %squeeze3A_990 : i32 to index
      %get3A_1023 = arith.constant 32 : index
      %get3A_1024 = tpu.vector_load %arg11[%get3A_1022, %get3A_1023] {strides = array<i32>} : memref<201x64xf32, #tpu.memory_space<vmem>>, vector<16xf32>,
      %add3A_1025 = arith.addf %get3A_1021, %get3A_1024 : vector<16xf32>
      %get3A_1026 = arith.index_cast %add3A_988 : i32 to index
      %get3A_1027 = arith.constant 32 : index
      %get3A_1028 = tpu.vector_load %arg13[%get3A_1026, %get3A_1027] {strides = array<i32>} : memref<256x64xf32, #tpu.memory_space<vmem>>, vector<16xf32>,
      %sub3A_1029 = arith.subf %add3A_1025, %get3A_1028 : vector<16xf32>
      %swap3A_1030 = arith.index_cast %add3A_988 : i32 to index
      %swap3A_1031 = arith.constant 32 : index
      %swap3A_1032 = tpu.vector_load %arg14[%swap3A_1030, %swap3A_1031] {strides = array<i32>} : memref<256x64xf32, #tpu.memory_space<vmem>>, vector<16xf32>,
      tpu.vector_store %arg14[%swap3A_1030, %swap3A_1031], %sub3A_1029 {strides = array<i32>} : memref<256x64xf32, #tpu.memory_space<vmem>>, vector<16xf32>,
      %get3A_1033 = arith.index_cast %add3A_988 : i32 to index
      %get3A_1034 = arith.constant 48 : index
      %get3A_1035 = tpu.vector_load %arg12[%get3A_1033, %get3A_1034] {strides = array<i32>} : memref<256x64xf32, #tpu.memory_space<vmem>>, vector<16xf32>,
      %get3A_1036 = arith.index_cast %squeeze3A_990 : i32 to index
      %get3A_1037 = arith.constant 48 : index
      %get3A_1038 = tpu.vector_load %arg11[%get3A_1036, %get3A_1037] {strides = array<i32>} : memref<201x64xf32, #tpu.memory_space<vmem>>, vector<16xf32>,
      %add3A_1039 = arith.addf %get3A_1035, %get3A_1038 : vector<16xf32>
      %get3A_1040 = arith.index_cast %add3A_988 : i32 to index
      %get3A_1041 = arith.constant 48 : index
      %get3A_1042 = tpu.vector_load %arg13[%get3A_1040, %get3A_1041] {strides = array<i32>} : memref<256x64xf32, #tpu.memory_space<vmem>>, vector<16xf32>,
      %sub3A_1043 = arith.subf %add3A_1039, %get3A_1042 : vector<16xf32>
      %swap3A_1044 = arith.index_cast %add3A_988 : i32 to index
      %swap3A_1045 = arith.constant 48 : index
      %swap3A_1046 = tpu.vector_load %arg14[%swap3A_1044, %swap3A_1045] {strides = array<i32>} : memref<256x64xf32, #tpu.memory_space<vmem>>, vector<16xf32>,
      tpu.vector_store %arg14[%swap3A_1044, %swap3A_1045], %sub3A_1043 {strides = array<i32>} : memref<256x64xf32, #tpu.memory_space<vmem>>, vector<16xf32>,
    }
    %scan3A_50 = arith.constant 16 : i32
    %add3A_51 = arith.constant 256 : i32
    %add3A_52 = arith.addi %mul3A_2, %add3A_51 : i32
    "tpu.region"() ({
      %run_scoped3A = tpu.sem_alloc : memref<!tpu.dma_semaphore, #tpu.memory_space<semaphore_mem>>
      %dma_start3A = arith.constant 0 : i32
      %dma_start3A_53 = tpu.memref_slice %arg7[%add3A_52, %dma_start3A] : memref<16384x64xf32, #tpu.memory_space<hbm>> -> memref<256x64xf32, #tpu.memory_space<hbm>>
      %dma_start3A_54 = arith.constant 0 : i32
      %dma_start3A_55 = tpu.memref_slice %arg7[%add3A_52, %dma_start3A_54] : memref<16384x64xf32, #tpu.memory_space<hbm>> -> memref<256x64xf32, #tpu.memory_space<hbm>>
      tpu.enqueue_dma source(%arg14 : memref<256x64xf32, #tpu.memory_space<vmem>>) target(%dma_start3A_55 : memref<256x64xf32, #tpu.memory_space<hbm>>) target_semaphore(%run_scoped3A : memref<!tpu.dma_semaphore, #tpu.memory_space<semaphore_mem>>)
      %dma_wait3A_56 = arith.constant 0 : i32
      %dma_wait3A_57 = tpu.memref_slice %arg7[%add3A_52, %dma_wait3A_56] : memref<16384x64xf32, #tpu.memory_space<hbm>> -> memref<256x64xf32, #tpu.memory_space<hbm>>
      %dma_wait3A_58 = arith.constant 0 : i32
      %dma_wait3A_59 = tpu.memref_slice %arg7[%add3A_52, %dma_wait3A_58] : memref<16384x64xf32, #tpu.memory_space<hbm>> -> memref<256x64xf32, #tpu.memory_space<hbm>>
      tpu.wait_dma2 semaphore(%run_scoped3A : memref<!tpu.dma_semaphore, #tpu.memory_space<semaphore_mem>>) src(%arg14 : memref<256x64xf32, #tpu.memory_space<vmem>>) dst(%dma_wait3A_59 : memref<256x64xf32, #tpu.memory_space<hbm>>)
      tpu.yield
    }) : () -> ()
    return
  }
}

</mosaic_0001>

<sc_bundles>
// kernel: _run.3.cloned.1.call-start
scs
__scs_entry_jumppad:
0x0: {  	(pc) =	sbr.rel $0x88, $3  }
0x1: {  	(tag) =	ssettag $0x0;
	lr =	simm.s32 $0x1  }
0x2: {  	[smem:$0x3F9C] =	sst lr;
	_ =	strace $0xD0000000  }
0x3: {  	_ = 	snop  }
0x4: {  	_ = 	snop  }
0x5: {  	_ = 	snop  }
0x6: {  	_ = 	snop  }
0x7: {  	_ = 	snop  }
__scs_overlays_trampoline_lowered:
0x8: {  	[smem:$0x3FAB] =	sst s0  }
0x9: {  	[smem:$0x3FAC] =	sst s1  }
0xa: {  	[smem:$0x3FAD] =	sst s2  }
0xb: {  	[smem:$0x3FAE] =	sst s3  }
0xc: {  	[smem:$0x3FAF] =	sst s4  }
0xd: {  	[smem:$0x3FB0] =	sst s5  }
0xe: {  	[smem:$0x3FB1] =	sst s6  }
0xf: {  	[smem:$0x3FB2] =	sst s7  }
0x10: {  	[smem:$0x3FB3] =	sst s8  }
0x11: {  	[smem:$0x3FB4] =	sst s9;
	s0 =	simm.s32 @!p0 $0x0  }
0x12: {  	s1 =	sld [smem:$0x3F9A];
	s0 =	simm.s32 @p0 $0x1  }
0x13: {  	[smem:$0x3FB5] =	sst s0;
	s0 =	simm.s32 @!p1 $0x0  }
0x14: {  	s2 =	sld [smem:$0x3F99];
	s0 =	simm.s32 @p1 $0x1  }
0x15: {  	[smem:$0x3FB6] =	sst s0;
	s0 =	simm.s32 @!p2 $0x0  }
0x16: {  	s3 =	sld [smem:$0x3FDB];
	s0 =	simm.s32 @p2 $0x1  }
0x17: {  	s4 =	simm.s32 $0x1BF5;
	[smem:$0x3FB8] =	sst s0  }
0x18: {  	s0 =	sld [smem:$0x3F9B];
	_ =	swait.ge [sflag:s4], $0x0  }
0x19: {  	s7 =	sld [smem:$0x3F9C]  }
0x1a: {  	s8 =	sadd.s32 $0xFFFFE003, lr  }
0x1b: {  	s9 =	sadd.s32 $0xFFFFFEF7, lr;
	s5 =	simm.s32 $0xFFFFFFFF;
	p2 =	slt.u32 s8, $0xFFFFF086  }
0x1c: {  	p1 =	slt.u32 s9, $0xF7A;
	s5 =	simm.s32 @!p2 $0x0  }
0x1d: {  	s5 =	simm.s32 @p1 $0x1;
	p0 =	seq.s32 s7, s2  }
0x1e: {  	s7 =	smul.u32 @!p0 $0xF7A, s2;
	p2 =	seq.s32 @!p0 s5, $0x0  }
0x1f: {  	s9 =	smul.u32 $0xF7A, s1;
	s8 =	simm.s32 @!p0 $0x1BF5;
	p2 =	por !p2, p0  }
0x20: {  	[sflag:s8] =	ssyncset.s32 @!p0 $0xFFFFF086;
	s6 =	sadd.s32 @!p0 s3, s7;
	s7 =	simm.s32 @!p0 $0x108  }
0x21: {  	s3 =	sadd.s32 s3, s9;
	s6 =	sadd.s32 @!p0 $0x88, s6;
	s7 =	simm.s32 @p2 $0x1082  }
0x22: {  	[simem:s7], [sflag:s8] =	dma.local @!p0 [hbm:s6], $0xF7A  }
0x23: {  	s9 =	sor.u32 $0xD0000000, s2;
	s6 =	simm.s32 $0x108;
	_ =	swait.ge @!p0 [sflag:s8], $0x0  }
0x24: {  	s3 =	sadd.s32 $0x88, s3;
	s6 =	simm.s32 @!p1 $0x1082;
	[sflag:s4] =	ssyncset.s32 $0xFFFFF086  }
0x25: {  	[simem:s6], [sflag:s4] =	dma.local [hbm:s3], $0xF7A  }
0x26: {  	[smem:$0x3F9C] =	sst s1;
	(tag) =	ssettag s2;
	_ =	strace s9  }
0x27: {  	s1 =	sld [smem:$0x3FAC]  }
0x28: {  	s2 =	sld [smem:$0x3FAD]  }
0x29: {  	s4 =	sld [smem:$0x3FAF]  }
0x2a: {  	p0 =	seq.s32 s5, $0x0;
	s5 =	sld [smem:$0x3FB0]  }
0x2b: {  	s6 =	sld [smem:$0x3FB1]  }
0x2c: {  	s7 =	sld [smem:$0x3FB2]  }
0x2d: {  	s3 =	simm.s32 $0x108;
	s8 =	sld [smem:$0x3FB3]  }
0x2e: {  	s3 =	simm.s32 @!p0 $0x1082;
	s9 =	sld [smem:$0x3FB4]  }
0x2f: {  	lr =	sadd.s32 s0, s3;
	s0 =	sld [smem:$0x3FAB]  }
0x30: {  	s3 =	sld [smem:$0x3FAE]  }
0x31: {  	[smem:$0x3FB7] =	sst s10  }
0x32: {  	s10 =	sld [smem:$0x3FB5];
	_ =	sdelay $0x3  }
0x33: {  	p0 =	seq.s32 s10, $0x1;
	s10 =	sld [smem:$0x3FB7];
	_ =	sdelay $0x3  }
0x34: {  	[smem:$0x3FB7] =	sst s10  }
0x35: {  	s10 =	sld [smem:$0x3FB6];
	_ =	sdelay $0x3  }
0x36: {  	p1 =	seq.s32 s10, $0x1;
	s10 =	sld [smem:$0x3FB7];
	_ =	sdelay $0x3  }
0x37: {  	[smem:$0x3FB7] =	sst s10  }
0x38: {  	s10 =	sld [smem:$0x3FB8]  }
0x39: {  	_ = 	snop;
	(pc) =	sbr.ind lr, $3  }
0x3a: {  	_ = 	snop  }
0x3b: {  	_ = 	snop  }
0x3c: {  	p2 =	seq.s32 s10, $0x1;
	s10 =	sld [smem:$0x3FB7]  }
0x3d: {  	_ =	shalt  }
0x3e: {  	_ =	shalt  }
0x3f: {  	_ =	shalt  }
0x40: {  	_ =	shalt  }
0x41: {  	_ =	shalt  }
0x42: {  	_ =	shalt  }
0x43: {  	_ =	shalt  }
0x44: {  	_ =	shalt  }
0x45: {  	_ =	shalt  }
0x46: {  	_ =	shalt  }
0x47: {  	_ =	shalt  }
0x48: {  	_ =	shalt  }
0x49: {  	_ =	shalt  }
0x4a: {  	_ =	shalt  }
0x4b: {  	_ =	shalt  }
0x4c: {  	_ =	shalt  }
0x4d: {  	_ =	shalt  }
0x4e: {  	_ =	shalt  }
0x4f: {  	_ =	shalt  }
0x50: {  	_ =	shalt  }
0x51: {  	_ =	shalt  }
0x52: {  	_ =	shalt  }
0x53: {  	_ =	shalt  }
0x54: {  	_ =	shalt  }
0x55: {  	_ =	shalt  }
0x56: {  	_ =	shalt  }
0x57: {  	_ =	shalt  }
0x58: {  	_ =	shalt  }
0x59: {  	_ =	shalt  }
0x5a: {  	_ =	shalt  }
0x5b: {  	_ =	shalt  }
0x5c: {  	_ =	shalt  }
0x5d: {  	_ =	shalt  }
0x5e: {  	_ =	shalt  }
0x5f: {  	_ =	shalt  }
0x60: {  	_ =	shalt  }
0x61: {  	_ =	shalt  }
0x62: {  	_ =	shalt  }
0x63: {  	_ =	shalt  }
0x64: {  	_ =	shalt  }
0x65: {  	_ =	shalt  }
0x66: {  	_ =	shalt  }
0x67: {  	_ =	shalt  }
0x68: {  	_ =	shalt  }
0x69: {  	_ =	shalt  }
0x6a: {  	_ =	shalt  }
0x6b: {  	_ =	shalt  }
0x6c: {  	_ =	shalt  }
0x6d: {  	_ =	shalt  }
0x6e: {  	_ =	shalt  }
0x6f: {  	_ =	shalt  }
0x70: {  	_ =	shalt  }
0x71: {  	_ =	shalt  }
0x72: {  	_ =	shalt  }
0x73: {  	_ =	shalt  }
0x74: {  	_ =	shalt  }
0x75: {  	_ =	shalt  }
0x76: {  	_ =	shalt  }
0x77: {  	_ =	shalt  }
0x78: {  	_ =	shalt  }
0x79: {  	_ =	shalt  }
0x7a: {  	_ =	shalt  }
0x7b: {  	_ =	shalt  }
0x7c: {  	_ =	shalt  }
0x7d: {  	_ =	shalt  }
0x7e: {  	_ =	shalt  }
0x7f: {  	_ =	shalt  }
0x80: {  	_ =	shalt  }
0x81: {  	_ =	shalt  }
0x82: {  	_ =	shalt  }
0x83: {  	_ =	shalt  }
0x84: {  	_ =	shalt  }
0x85: {  	_ =	shalt  }
0x86: {  	_ =	shalt  }
0x87: {  	_ =	shalt  }
.Lfunc_end0:
.L_simem_size_0:
called_computation_lowered:
.L_overlay_start_0:
0x88: {  	s2 =	sld [smem:$0x3FD9]  }
0x89: {  	s3 =	sld [smem:$0x3FFE];
	_ =	sdelay $0x1  }
0x8a: {  	s1 =	srdreg.scid  }
0x8b: {  	s0 =	sand.u32 $0x1, s1  }
0x8c: {  	s17 =	sshll.u32 s0, $0xA;
	s2 =	sadd.s32 s3, s2  }
0x8d: {  	s2 =	sadd.s32 s2, s17  }
0x8e: {  	[smem:$0x3FC3] =	sst s2  }
0x8f: {  	_ = 	snop  }
0x90: {  	s2 =	sld [smem:$0x3FC9]  }
0x91: {  	s18 =	sld [smem:$0x3FC8]  }
0x92: {  	s4 =	sld [smem:$0x3FC7]  }
0x93: {  	s5 =	sld [smem:$0x3FD0];
	(tm) =	ssettm $0x1  }
0x94: {  	s6 =	sld [smem:$0x3FFB];
	_ =	sdelay $0x3  }
0x95: {  	_ =	strace s6  }
0x96: {  	s6 =	sld [smem:$0x3FFC];
	_ =	sdelay $0x3  }
0x97: {  	_ =	strace s6  }
0x98: {  	s6 =	sld [smem:$0x3FFD];
	_ =	sdelay $0x3  }
0x99: {  	_ =	strace s6  }
0x9a: {  	_ =	strace $0x8FFFFFFF  }
0x9b: {  	s19 =	sld [smem:$0x3FDB];
	_ =	sdelay $0x1  }
0x9c: {  	s7 =	simm.s32 $_scs_section_size  }
0x9d: {  	s8 =	simm.s32 $_size__tile_overlayer_lowered;
	s9 =	simm.s32 $_tile_overlayer_lowered  }
0x9e: {  	s22 =	simm.s32 $0x1BFF;
	s21 =	sshll.u32 s9, $0x1;
	s6 =	sadd.s32 s7, s19  }
0x9f: {  	s10 =	simm.s32 $0x0;
	s20 =	sshll.u32 s8, $0x1;
	s8 =	sadd.s32 s21, s6  }
0xa0: {  	[timem:s10], [sflag:s22] =	dma.local [hbm:s8], s20  }
0xa1: {  	_ =	swait.ge [sflag:s22], s20  }
0xa2: {  	s7 =	ssub.s32 $0x0, s20;
	[sflag:s22] =	ssyncset.done $0x0  }
0xa3: {  	[sflag:s22] =	ssyncadd.s32 s7;
	_ =	sdelay $0x1  }
0xa4: {  	s23 =	simm.s32 $0x1B8B  }
0xa5: {  	_ =	swait.ge [sflag:s23], $0x1  }
0xa6: {  	[sflag:s23] =	ssyncset.done $0x0  }
0xa7: {  	s25 =	simm.s32 $0x1B8E;
	s24 =	sld [smem:$0x3FFE];
	[sflag:s23] =	ssyncadd.s32 $0xFFFFFFFF  }
0xa8: {  	s26 =	simm.s32 $execute0_lowered;
	[smem:$0x3FD2] =	sst s25  }
0xa9: {  	s8 =	sshll.u32 s26, $0x1;
	_ =	strace $0x80000046;
	[dreg:$0x1] =	wrdreg $0xFFFFFFFF  }
0xaa: {  	s28 =	simm.s32 $_size_execute0_lowered;
	s6 =	sadd.s32 s6, s8;
	[dreg:$0x0] =	wrdreg $0x0  }
0xab: {  	s8 =	sshll.u32 s28, $0x1;
	[dreg:$0x2] =	wrdreg s6  }
0xac: {  	[dreg:$0x3] =	wrdreg s8  }
0xad: {  	[dreg:$0x4] =	wrdreg $0xC0  }
0xae: {  	_ =	task [dreg:s10], $0x5FFFF  }
0xaf: {  	[dreg:$0x1] =	wrdreg $0xFFFFFFFF  }
0xb0: {  	[dreg:$0x0] =	wrdreg $0x60  }
0xb1: {  	[dreg:$0x2] =	wrdreg s24  }
0xb2: {  	[dreg:$0x3] =	wrdreg s5  }
0xb3: {  	[dreg:$0x4] =	wrdreg s2  }
0xb4: {  	[dreg:$0x5] =	wrdreg s18  }
0xb5: {  	[dreg:$0x6] =	wrdreg s4  }
0xb6: {  	[dreg:$0x7] =	wrdreg $0x9  }
0xb7: {  	_ =	task.clear_ibuf [dreg:s10], $0x8FFFF;
	_ =	strace $0x90000046  }
0xb8: {  	s29 =	simm.s32 $0x9;
	_ =	strace $0x80000048  }
0xb9: {  	_ =	swait.ge [sflag:s29], $0x1  }
0xba: {  	[sflag:s29] =	ssyncadd.s32 $0xFFFFFFFF  }
0xbb: {  	_ =	strace $0x90000048  }
0xbc: {  	_ =	sfence  }
0xbd: {  	s30 =	sld [smem:$0x0];
	_ =	sdelay $0x2  }
0xbe: {  	s31 =	sshll.u32 s1, $0xD;
	s1 =	sshrl.u32 s1, $0x2  }
0xbf: {  	s3 =	sand.u32 $0x4000, s31;
	s1 =	sadd.s32 s1, s30  }
0xc0: {  	s0 =	sor.u32 s3, s0;
	s1 =	sshll.u32 s1, $0x11  }
0xc1: {  	s0 =	sor.u32 s1, s0  }
0xc2: {  	s0 =	sadd.s32 $0x8F2B, s0  }
0xc3: {  	[sflag:s0] =	ssyncadd.remote.s32 $0x1  }
0xc4: {  	_ =	sfence.sel $0xFFFF  }
0xc5: {  	[dreg:$0x0] =	wrdreg $0xFFFFFFFF;
	(pc) =	sbr.abs _section_cstart, $3  }
0xc6: {  	[dreg:$0x1] =	wrdreg $0xFFFFFFFF  }
0xc7: {  	_ =	task.clear_ibuf [dreg:s10], $0x2FFFF;
	_ =	strace $0x9FFFFFFF  }
0xc8: {  	(tm) =	ssettm $0x7FFFFFFF  }
0xc9: {  	_ =	shalt  }
tec
execute0_lowered:
.L_overlay_start_1:
0x0: {  	(tag) =	ssettag $0x1  }
0x1: {  	s0 =	rddreg [dreg:$0x0]  }
0x2: {  	s1 =	rddreg [dreg:$0x2]  }
0x3: {  	s2 =	rddreg [dreg:$0x3];
	s4 =	srdreg.scid  }
0x4: {  	s3 =	rddreg [dreg:$0x4];
	s5 =	stileid.u32;
	s4 =	sand.u32 $0x1, s4  }
0x5: {  	s11 =	simm.s32 $0x0;
	s5 =	sshll.u32 s5, $0xA;
	s6 =	sshll.u32 s4, $0x9  }
0x6: {  	[smem:$0x7FF] =	sst s11;
	s5 =	sor.u32 s6, s5  }
0x7: {  	_ =	strace $0x80000047;
	s7 =	sshll.u32 s5, $0x4;
	s5 =	sshrl.u32 s5, $0x3  }
0x8: {  	s26 =	ssub.s32 $0x2, s4;
	s4 =	sadd.s32 $0x400, s0;
	s1 =	sadd.s32 s1, s5  }
0x9: {  	s8 =	sshrl.u32 s26, $0x1;
	s28 =	sadd.s32 s2, s5;
	[dreg:$0x16] =	wrdreg s1  }
0xa: {  	s6 =	ssub.s32 s26, s8;
	s29 =	sadd.s32 s3, s5;
	[dreg:$0x17] =	wrdreg s28  }
0xb: {  	s0 =	sadd.s32 s7, s0;
	s31 =	smax.u32 s6, $0x1;
	[dreg:$0x18] =	wrdreg s29  }
0xc: {  	s30 =	sadd.s32 $0xF42A00, s0;
	[dreg:$0x1b] =	wrdreg s31  }
0xd: {  	s0 =	sadd.s32 $0xF43A00, s0;
	[dreg:$0x19] =	wrdreg s30  }
0xe: {  	s2 =	simm.s32 $0x2;
	s1 =	simm.s32 $0x0;
	[dreg:$0x1a] =	wrdreg s0  }
.LBB2_1:
0xf: {  	[dreg:$0x1c] =	wrdreg s1  }
0x10: {  	s0 =	rddreg [dreg:$0x16]  }
0x11: {  	[tilespmem:s11], [sflag:$0x2] =	stream.linear.gather [hbm4b:s0+s11], $0x200, $0x38;
	[tilespmem:$0x1EE00] =	vst v63  }
0x12: {  	_ =	swait.ge [sflag:s2], $0x200  }
0x13: {  	[sflag:s2] =	ssyncset.done $0x0  }
0x14: {  	s21 =	simm.s32 $0x200;
	s22 =	rddreg [dreg:$0x17];
	[sflag:s2] =	ssyncadd.s32 $0xFFFFFE00  }
0x15: {  	[tilespmem:s21], [sflag:$0x2] =	stream.linear.gather [hbm4b:s22+s11], $0x200, $0x38;
	[tilespmem:$0x1EE00] =	vst v63  }
0x16: {  	_ =	swait.ge [sflag:s2], $0x200  }
0x17: {  	[sflag:s2] =	ssyncset.done $0x0  }
0x18: {  	s3 =	simm.s32 $0x400;
	s23 =	rddreg [dreg:$0x18];
	[sflag:s2] =	ssyncadd.s32 $0xFFFFFE00  }
0x19: {  	[tilespmem:s3], [sflag:$0x2] =	stream.linear.gather [hbm4b:s23+s11], $0x200, $0x38;
	[tilespmem:$0x1EE00] =	vst v63  }
0x1a: {  	_ =	swait.ge [sflag:s2], $0x200  }
0x1b: {  	[sflag:s2] =	ssyncset.done $0x0  }
0x1c: {  	[sflag:s2] =	ssyncadd.s32 $0xFFFFFE00  }
0x1d: {  	s25 =	simm.s32 $0x600;
	s24 =	rddreg [dreg:$0x1]  }
0x1e: {  	[tilespmem:s25], [sflag:$0x2] =	stream.linear.gather [hbm4b:s24+s11], $0x6480, $0x38;
	[tilespmem:$0x1EE00] =	vst v63  }
0x1f: {  	_ =	swait.ge [sflag:s2], $0x6480  }
0x20: {  	[sflag:s2] =	ssyncset.done $0x0  }
0x21: {  	[sflag:s2] =	ssyncadd.s32 $0xFFFF9B80  }
0x22: {  	v0 =	vld [tilespmem:s11+$0x0]  }
0x23: {  	v2 =	vld [tilespmem:s21+$0x0];
	_ =	sdelay $0x3  }
0x24: {  	v1 =	vshll.u32 v0, $0x4  }
0x25: {  	v63 =	vshll.u32 v2, $0x4;
	(v2sf) =	vpush v1, $0x0  }
0x26: {  	(v2sf) =	vpush v63, $0x0  }
0x27: {  	(v2sf) =	vpush v1, $0x1;
	_ =	sdelay $0x2  }
0x28: {  	(v2sf) =	vpush v63, $0x1;
	_ =	sdelay $0x1  }
0x29: {  	(v2sf) =	vpush v1, $0x2;
	_ =	sdelay $0x1  }
0x2a: {  	(v2sf) =	vpush v63, $0x2;
	_ =	sdelay $0x1  }
0x2b: {  	s18 =	simm.s32 $0x2000;
	(v2sf) =	vpush v1, $0x3  }
0x2c: {  	s17 =	simm.s32 $0x0;
	s26 =	simm.s32 $0xEE00;
	s5 =	simm.s32 $0x6E00  }
0x2d: {  	s7 =	simm.s32 $0x7000;
	s1 =	simm.s32 $0xF300;
	s8 =	simm.s32 $0x6F80  }
0x2e: {  	s28 =	simm.s32 $0xEF80;
	s12 =	simm.s32 $0xEE80;
	s14 =	simm.s32 $0x6F00  }
0x2f: {  	s19 =	simm.s32 $0xEF00;
	s30 =	simm.s32 $0xF400;
	s6 =	spop (v2sf);
	(v2sf) =	vpush v63, $0x3  }
0x30: {  	s0 =	simm.s32 $0x7100;
	s6 =	sand.u32 $0x1FFFFFF0, s6;
	s9 =	spop (v2sf)  }
0x31: {  	s3 =	simm.s32 $0x7080;
	(v2sf) =	vpush v1, $0x4;
	s6 =	sadd.s32 s4, s6;
	s31 =	spop (v2sf)  }
0x32: {  	(v2sf) =	vpush v63, $0x4;
	[tilespmem:s5], [sflag:$0x1] =	stream.linear.gather [hbm4b:s6+s11], $0x80, $0x38;
	[tilespmem:$0x1EE00] =	vst v63  }
0x33: {  	s23 =	simm.s32 $0xF000;
	s29 =	sand.u32 $0x1FFFFFF0, s9;
	s9 =	sand.u32 $0x1FFFFFF0, s31  }
0x34: {  	s6 =	sadd.s32 s4, s29;
	s10 =	spop (v2sf);
	(v2sf) =	vpush v1, $0x5;
	s9 =	sadd.s32 s4, s9  }
0x35: {  	(v2sf) =	vpush v63, $0x5;
	[tilespmem:s26], [sflag:$0x1] =	stream.linear.gather [hbm4b:s6+s11], $0x80, $0x38;
	[tilespmem:$0x1EE00] =	vst v63  }
0x36: {  	s10 =	sand.u32 $0x1FFFFFF0, s10;
	s13 =	spop (v2sf);
	s6 =	simm.s32 $0x6E80  }
0x37: {  	[tilespmem:s6], [sflag:$0x1] =	stream.linear.gather [hbm4b:s9+s11], $0x80, $0x38;
	[tilespmem:$0x1EE00] =	vst v63  }
0x38: {  	s15 =	spop (v2sf);
	s9 =	sadd.s32 s4, s10;
	s6 =	sand.u32 $0x1FFFFFF0, s13  }
0x39: {  	(v2sf) =	vpush v1, $0x6;
	[tilespmem:s12], [sflag:$0x1] =	stream.linear.gather [hbm4b:s9+s11], $0x80, $0x38;
	[tilespmem:$0x1EE00] =	vst v63  }
0x3a: {  	s16 =	spop (v2sf);
	s6 =	sadd.s32 s4, s6;
	s9 =	sand.u32 $0x1FFFFFF0, s15  }
0x3b: {  	(v2sf) =	vpush v63, $0x6;
	[tilespmem:s14], [sflag:$0x1] =	stream.linear.gather [hbm4b:s6+s11], $0x80, $0x38;
	[tilespmem:$0x1EE00] =	vst v63  }
0x3c: {  	s2 =	simm.s32 $0x7280;
	s21 =	sand.u32 $0x1FFFFFF0, s16;
	s20 =	sadd.s32 s4, s9  }
0x3d: {  	[tilespmem:s19], [sflag:$0x1] =	stream.linear.gather [hbm4b:s20+s11], $0x80, $0x38;
	[tilespmem:$0x1EE00] =	vst v63  }
0x3e: {  	s29 =	simm.s32 $0xF080;
	s9 =	sadd.s32 s4, s21;
	s22 =	spop (v2sf)  }
0x3f: {  	(v2sf) =	vpush v1, $0x7;
	[tilespmem:s8], [sflag:$0x1] =	stream.linear.gather [hbm4b:s9+s11], $0x80, $0x38;
	[tilespmem:$0x1EE00] =	vst v63  }
0x40: {  	s13 =	simm.s32 $0x7480;
	s6 =	sand.u32 $0x1FFFFFF0, s22;
	s24 =	spop (v2sf)  }
0x41: {  	(v2sf) =	vpush v63, $0x7;
	s6 =	sadd.s32 s4, s6;
	s9 =	sand.u32 $0x1FFFFFF0, s24;
	s25 =	spop (v2sf)  }
0x42: {  	(v2sf) =	vpush v1, $0x8;
	[tilespmem:s28], [sflag:$0x1] =	stream.linear.gather [hbm4b:s6+s11], $0x80, $0x38;
	[tilespmem:$0x1EE00] =	vst v63  }
0x43: {  	s20 =	simm.s32 $0xF100;
	s26 =	sadd.s32 s4, s9;
	s31 =	spop (v2sf)  }
0x44: {  	s28 =	sand.u32 $0x1FFFFFF0, s25;
	(v2sf) =	vpush v63, $0x8;
	s9 =	simm.s32 $0xF480;
	s10 =	spop (v2sf)  }
0x45: {  	(v2sf) =	vpush v1, $0x9;
	[tilespmem:s7], [sflag:$0x1] =	stream.linear.gather [hbm4b:s26+s11], $0x80, $0x38;
	[tilespmem:$0x1EE00] =	vst v63  }
0x46: {  	s6 =	sadd.s32 s4, s28;
	s7 =	sand.u32 $0x1FFFFFF0, s31;
	s8 =	sand.u32 $0x1FFFFFF0, s10  }
0x47: {  	(v2sf) =	vpush v63, $0x9;
	[tilespmem:s23], [sflag:$0x1] =	stream.linear.gather [hbm4b:s6+s11], $0x80, $0x38;
	[tilespmem:$0x1EE00] =	vst v63  }
0x48: {  	s12 =	spop (v2sf);
	s26 =	simm.s32 $0xF180;
	s7 =	sadd.s32 s4, s7;
	(v2sf) =	vpush v1, $0xA  }
0x49: {  	[tilespmem:s3], [sflag:$0x1] =	stream.linear.gather [hbm4b:s7+s11], $0x80, $0x38;
	[tilespmem:$0x1EE00] =	vst v63  }
0x4a: {  	s14 =	sadd.s32 s4, s8;
	s15 =	sand.u32 $0x1FFFFFF0, s12;
	s16 =	spop (v2sf);
	(v2sf) =	vpush v63, $0xA  }
0x4b: {  	[tilespmem:s29], [sflag:$0x1] =	stream.linear.gather [hbm4b:s14+s11], $0x80, $0x38;
	[tilespmem:$0x1EE00] =	vst v63  }
0x4c: {  	s10 =	simm.s32 $0xF280;
	s19 =	sadd.s32 s4, s15;
	s5 =	sand.u32 $0x1FFFFFF0, s16  }
0x4d: {  	[tilespmem:s0], [sflag:$0x1] =	stream.linear.gather [hbm4b:s19+s11], $0x80, $0x38;
	[tilespmem:$0x1EE00] =	vst v63  }
0x4e: {  	s23 =	simm.s32 $0x7180;
	s5 =	sadd.s32 s4, s5;
	s21 =	spop (v2sf)  }
0x4f: {  	[tilespmem:s20], [sflag:$0x1] =	stream.linear.gather [hbm4b:s5+s11], $0x80, $0x38;
	[tilespmem:$0x1EE00] =	vst v63  }
0x50: {  	s3 =	simm.s32 $0xF380;
	(v2sf) =	vpush v1, $0xB;
	s7 =	sand.u32 $0x1FFFFFF0, s21;
	s22 =	spop (v2sf)  }
0x51: {  	s29 =	simm.s32 $0x7200;
	s24 =	sadd.s32 s4, s7;
	s28 =	spop (v2sf)  }
0x52: {  	(v2sf) =	vpush v63, $0xB;
	[tilespmem:s23], [sflag:$0x1] =	stream.linear.gather [hbm4b:s24+s11], $0x80, $0x38;
	[tilespmem:$0x1EE00] =	vst v63  }
0x53: {  	s14 =	simm.s32 $0x7300;
	s25 =	sand.u32 $0x1FFFFFF0, s22;
	s31 =	spop (v2sf)  }
0x54: {  	s7 =	sadd.s32 s4, s25;
	s6 =	sand.u32 $0x1FFFFFF0, s28;
	s0 =	spop (v2sf)  }
0x55: {  	[tilespmem:s26], [sflag:$0x1] =	stream.linear.gather [hbm4b:s7+s11], $0x80, $0x38;
	[tilespmem:$0x1EE00] =	vst v63  }
0x56: {  	(v2sf) =	vpush v1, $0xC;
	s25 =	simm.s32 $0x7380;
	s6 =	sadd.s32 s4, s6;
	s12 =	spop (v2sf)  }
0x57: {  	s7 =	sand.u32 $0x1FFFFFF0, s31;
	s8 =	sand.u32 $0x1FFFFFF0, s0;
	s15 =	spop (v2sf)  }
0x58: {  	(v2sf) =	vpush v63, $0xC;
	[tilespmem:s29], [sflag:$0x1] =	stream.linear.gather [hbm4b:s6+s11], $0x80, $0x38;
	[tilespmem:$0x1EE00] =	vst v63  }
0x59: {  	s7 =	sadd.s32 s4, s7;
	s6 =	simm.s32 $0xF200;
	s16 =	spop (v2sf)  }
0x5a: {  	[tilespmem:s6], [sflag:$0x1] =	stream.linear.gather [hbm4b:s7+s11], $0x80, $0x38;
	[tilespmem:$0x1EE00] =	vst v63  }
0x5b: {  	s20 =	sand.u32 $0x1FFFFFF0, s16;
	s7 =	sadd.s32 s4, s8;
	s6 =	sand.u32 $0x1FFFFFF0, s12  }
0x5c: {  	[tilespmem:s2], [sflag:$0x1] =	stream.linear.gather [hbm4b:s7+s11], $0x80, $0x38;
	[tilespmem:$0x1EE00] =	vst v63  }
0x5d: {  	s22 =	sadd.s32 s4, s20;
	s6 =	sadd.s32 s4, s6;
	s7 =	sand.u32 $0x1FFFFFF0, s15  }
0x5e: {  	[tilespmem:s10], [sflag:$0x1] =	stream.linear.gather [hbm4b:s6+s11], $0x80, $0x38;
	[tilespmem:$0x1EE00] =	vst v63  }
0x5f: {  	s2 =	simm.s32 $0x10;
	s19 =	sadd.s32 s4, s7;
	s21 =	spop (v2sf)  }
0x60: {  	[tilespmem:s14], [sflag:$0x1] =	stream.linear.gather [hbm4b:s19+s11], $0x80, $0x38;
	[tilespmem:$0x1EE00] =	vst v63  }
0x61: {  	s23 =	sand.u32 $0x1FFFFFF0, s21;
	s24 =	spop (v2sf);
	s21 =	simm.s32 $0x210  }
0x62: {  	(v2sf) =	vpush v1, $0xD;
	[tilespmem:s1], [sflag:$0x1] =	stream.linear.gather [hbm4b:s22+s11], $0x80, $0x38;
	[tilespmem:$0x1EE00] =	vst v63  }
0x63: {  	(v2sf) =	vpush v63, $0xD;
	s26 =	sadd.s32 s4, s23;
	s28 =	sand.u32 $0x1FFFFFF0, s24;
	s23 =	simm.s32 $0x7400  }
0x64: {  	(v2sf) =	vpush v1, $0xE;
	[tilespmem:s25], [sflag:$0x1] =	stream.linear.gather [hbm4b:s26+s11], $0x80, $0x38;
	[tilespmem:$0x1EE00] =	vst v63  }
0x65: {  	s22 =	simm.s32 $0x7500;
	s29 =	sadd.s32 s4, s28;
	(v2sf) =	vpush v63, $0xE;
	s31 =	spop (v2sf)  }
0x66: {  	(v2sf) =	vpush v1, $0xF;
	[tilespmem:s3], [sflag:$0x1] =	stream.linear.gather [hbm4b:s29+s11], $0x80, $0x38;
	[tilespmem:$0x1EE00] =	vst v63  }
0x67: {  	s1 =	simm.s32 $0xF500;
	s5 =	spop (v2sf);
	(v2sf) =	vpush v63, $0xF;
	s3 =	sand.u32 $0x1FFFFFF0, s31  }
.LBB2_2:
0x68: {  	_ =	sdelay $0x4  }
0x69: {  	s3 =	sadd.s32 s4, s3;
	s5 =	sand.u32 $0x1FFFFFF0, s5  }
0x6a: {  	[tilespmem:s23], [sflag:$0x1] =	stream.linear.gather [hbm4b:s3+s11], $0x80, $0x38;
	[tilespmem:$0x1EE00] =	vst v63  }
0x6b: {  	s20 =	sadd.s32 s4, s5  }
0x6c: {  	[tilespmem:s30], [sflag:$0x1] =	stream.linear.gather [hbm4b:s20+s11], $0x80, $0x38;
	[tilespmem:$0x1EE00] =	vst v63  }
0x6d: {  	s6 =	spop (v2sf)  }
0x6e: {  	s23 =	sand.u32 $0x1FFFFFF0, s6;
	s24 =	spop (v2sf)  }
0x6f: {  	s0 =	sadd.s32 s4, s23;
	s25 =	sand.u32 $0x1FFFFFF0, s24;
	s26 =	spop (v2sf)  }
0x70: {  	[tilespmem:s13], [sflag:$0x1] =	stream.linear.gather [hbm4b:s0+s11], $0x80, $0x38;
	[tilespmem:$0x1EE00] =	vst v63  }
0x71: {  	s28 =	sadd.s32 s4, s25;
	s29 =	sand.u32 $0x1FFFFFF0, s26;
	s31 =	spop (v2sf)  }
0x72: {  	[tilespmem:s9], [sflag:$0x1] =	stream.linear.gather [hbm4b:s28+s11], $0x80, $0x38;
	[tilespmem:$0x1EE00] =	vst v63  }
0x73: {  	s3 =	sadd.s32 s4, s29;
	s6 =	sand.u32 $0x1FFFFFF0, s31;
	s7 =	spop (v2sf)  }
0x74: {  	[tilespmem:s22], [sflag:$0x1] =	stream.linear.gather [hbm4b:s3+s11], $0x80, $0x38;
	[tilespmem:$0x1EE00] =	vst v63  }
0x75: {  	s8 =	sadd.s32 s4, s6;
	s9 =	sand.u32 $0x1FFFFFF0, s7;
	s10 =	spop (v2sf)  }
0x76: {  	[tilespmem:s1], [sflag:$0x1] =	stream.linear.gather [hbm4b:s8+s11], $0x80, $0x38;
	[tilespmem:$0x1EE00] =	vst v63  }
0x77: {  	s12 =	sadd.s32 $0x7580, s17;
	s13 =	sadd.s32 s4, s9;
	s14 =	sand.u32 $0x1FFFFFF0, s10  }
0x78: {  	[tilespmem:s12], [sflag:$0x1] =	stream.linear.gather [hbm4b:s13+s11], $0x80, $0x38;
	[tilespmem:$0x1EE00] =	vst v63  }
0x79: {  	s15 =	sadd.s32 $0xF580, s17;
	s16 =	sadd.s32 s4, s14  }
0x7a: {  	[tilespmem:s15], [sflag:$0x1] =	stream.linear.gather [hbm4b:s16+s11], $0x80, $0x38;
	[tilespmem:$0x1EE00] =	vst v63  }
0x7b: {  	v0 =	vld [tilespmem:s2+$0x0]  }
0x7c: {  	v2 =	vld [tilespmem:s21+$0x0];
	_ =	sdelay $0x3  }
0x7d: {  	v1 =	vshll.u32 v0, $0x4  }
0x7e: {  	s17 =	smov.u32 s18;
	v63 =	vshll.u32 v2, $0x4;
	(v2sf) =	vpush v1, $0x0  }
0x7f: {  	s17 =	sshra.s32 s17, $0x2;
	(v2sf) =	vpush v63, $0x0  }
0x80: {  	p0 =	sne.s32 s18, $0x1E000;
	s18 =	sadd.s32 $0x2000, s18;
	s19 =	sadd.s32 $0x7280, s17;
	(v2sf) =	vpush v1, $0x1  }
0x81: {  	s5 =	sadd.s32 $0xF480, s17;
	[dreg:$0xa] =	wrdreg s19;
	s20 =	sadd.s32 $0xF300, s17  }
0x82: {  	s30 =	sadd.s32 $0xF400, s17;
	[dreg:$0x6] =	wrdreg s20;
	s23 =	sadd.s32 $0xF280, s17;
	(v2sf) =	vpush v63, $0x1  }
0x83: {  	s20 =	simm.s32 $0x0;
	s24 =	sadd.s32 $0x7300, s17;
	[dreg:$0xe] =	wrdreg s23  }
0x84: {  	s25 =	sadd.s32 $0xEE00, s17;
	s0 =	sadd.s32 $0x7080, s17;
	[dreg:$0xc] =	wrdreg s24;
	(v2sf) =	vpush v1, $0x2  }
0x85: {  	s26 =	sadd.s32 $0xF200, s17;
	s23 =	sadd.s32 $0x7400, s17;
	[dreg:$0x14] =	wrdreg s0  }
0x86: {  	s24 =	sadd.s32 $0x6E80, s17;
	s0 =	sadd.s32 $0x6E00, s17;
	[dreg:$0x10] =	wrdreg s26;
	(v2sf) =	vpush v63, $0x2  }
0x87: {  	s31 =	sadd.s32 $0xF180, s17;
	s29 =	sadd.s32 $0x7200, s17;
	s28 =	sadd.s32 $0xEE80, s17  }
0x88: {  	s7 =	sadd.s32 $0x7100, s17;
	s6 =	sadd.s32 $0xF100, s17;
	[dreg:$0x12] =	wrdreg s29;
	(v2sf) =	vpush v1, $0x3  }
0x89: {  	s9 =	sadd.s32 $0x7000, s17;
	s10 =	sadd.s32 $0xF000, s17;
	s22 =	sadd.s32 $0xF380, s17;
	(v2sf) =	vpush v63, $0x3  }
0x8a: {  	s14 =	sadd.s32 $0xEF80, s17;
	s3 =	sadd.s32 $0x6F00, s17;
	[dreg:$0x8] =	wrdreg s22  }
0x8b: {  	s22 =	sadd.s32 $0x7500, s17;
	s8 =	sadd.s32 $0xF080, s17;
	s1 =	sadd.s32 $0xF500, s17;
	(v2sf) =	vpush v1, $0x4  }
0x8c: {  	s13 =	sadd.s32 $0x7480, s17;
	s16 =	sadd.s32 $0x6F80, s17;
	s11 =	sadd.s32 $0xEF00, s17  }
0x8d: {  	s15 =	sadd.s32 $0x7180, s17;
	s2 =	sadd.s32 $0x10, s2;
	s29 =	spop (v2sf)  }
0x8e: {  	s21 =	sadd.s32 $0x10, s21;
	s12 =	sand.u32 $0x1FFFFFF0, s29;
	s26 =	spop (v2sf)  }
0x8f: {  	(v2sf) =	vpush v63, $0x4;
	s12 =	sadd.s32 s4, s12;
	s26 =	sand.u32 $0x1FFFFFF0, s26;
	s19 =	spop (v2sf)  }
0x90: {  	[tilespmem:s0], [sflag:$0x1] =	stream.linear.gather [hbm4b:s12+s20], $0x80, $0x38;
	[tilespmem:$0x1EE00] =	vst v63  }
0x91: {  	(v2sf) =	vpush v1, $0x5;
	s12 =	sadd.s32 s4, s26;
	s19 =	sand.u32 $0x1FFFFFF0, s19;
	s26 =	spop (v2sf)  }
0x92: {  	[tilespmem:s25], [sflag:$0x1] =	stream.linear.gather [hbm4b:s12+s20], $0x80, $0x38;
	[tilespmem:$0x1EE00] =	vst v63  }
0x93: {  	(v2sf) =	vpush v63, $0x5;
	s12 =	sadd.s32 s4, s19;
	s25 =	sand.u32 $0x1FFFFFF0, s26;
	s26 =	spop (v2sf)  }
0x94: {  	(v2sf) =	vpush v1, $0x6;
	[tilespmem:s24], [sflag:$0x1] =	stream.linear.gather [hbm4b:s12+s20], $0x80, $0x38;
	[tilespmem:$0x1EE00] =	vst v63  }
0x95: {  	s24 =	sadd.s32 s4, s25;
	s25 =	sand.u32 $0x1FFFFFF0, s26;
	s26 =	spop (v2sf)  }
0x96: {  	(v2sf) =	vpush v63, $0x6;
	[tilespmem:s28], [sflag:$0x1] =	stream.linear.gather [hbm4b:s24+s20], $0x80, $0x38;
	[tilespmem:$0x1EE00] =	vst v63  }
0x97: {  	s29 =	sadd.s32 $0x7380, s17;
	s19 =	sand.u32 $0x1FFFFFF0, s26;
	s24 =	spop (v2sf)  }
0x98: {  	s12 =	sadd.s32 s4, s25;
	(v2sf) =	vpush v1, $0x7;
	s25 =	sadd.s32 s4, s19;
	s28 =	spop (v2sf)  }
0x99: {  	[tilespmem:s3], [sflag:$0x1] =	stream.linear.gather [hbm4b:s12+s20], $0x80, $0x38;
	[tilespmem:$0x1EE00] =	vst v63  }
0x9a: {  	s26 =	sand.u32 $0x1FFFFFF0, s24;
	(v2sf) =	vpush v63, $0x7;
	s19 =	sand.u32 $0x1FFFFFF0, s28;
	s24 =	spop (v2sf)  }
0x9b: {  	[tilespmem:s11], [sflag:$0x1] =	stream.linear.gather [hbm4b:s25+s20], $0x80, $0x38;
	[tilespmem:$0x1EE00] =	vst v63  }
0x9c: {  	(v2sf) =	vpush v1, $0x8;
	s11 =	sadd.s32 s4, s26;
	s25 =	sadd.s32 s4, s19;
	s26 =	sand.u32 $0x1FFFFFF0, s24  }
0x9d: {  	[tilespmem:s16], [sflag:$0x1] =	stream.linear.gather [hbm4b:s11+s20], $0x80, $0x38;
	[tilespmem:$0x1EE00] =	vst v63  }
0x9e: {  	s3 =	sadd.s32 s4, s26;
	s11 =	simm.s32 $0x0;
	s28 =	spop (v2sf)  }
0x9f: {  	[tilespmem:s14], [sflag:$0x1] =	stream.linear.gather [hbm4b:s25+s20], $0x80, $0x38;
	[tilespmem:$0x1EE00] =	vst v63  }
0xa0: {  	(v2sf) =	vpush v63, $0x8;
	s12 =	sand.u32 $0x1FFFFFF0, s28;
	s14 =	spop (v2sf);
	s28 =	rddreg [dreg:$0x14]  }
0xa1: {  	(v2sf) =	vpush v1, $0x9;
	[tilespmem:s9], [sflag:$0x1] =	stream.linear.gather [hbm4b:s3+s20], $0x80, $0x38;
	[tilespmem:$0x1EE00] =	vst v63  }
0xa2: {  	s16 =	sadd.s32 s4, s12;
	s19 =	sand.u32 $0x1FFFFFF0, s14;
	s20 =	spop (v2sf)  }
0xa3: {  	s24 =	sadd.s32 s4, s19;
	s25 =	sand.u32 $0x1FFFFFF0, s20;
	s26 =	spop (v2sf)  }
0xa4: {  	[tilespmem:s10], [sflag:$0x1] =	stream.linear.gather [hbm4b:s16+s11], $0x80, $0x38;
	[tilespmem:$0x1EE00] =	vst v63  }
0xa5: {  	(v2sf) =	vpush v63, $0x9;
	s3 =	sadd.s32 s4, s25;
	s9 =	sand.u32 $0x1FFFFFF0, s26;
	s10 =	spop (v2sf)  }
0xa6: {  	[tilespmem:s28], [sflag:$0x1] =	stream.linear.gather [hbm4b:s24+s11], $0x80, $0x38;
	[tilespmem:$0x1EE00] =	vst v63  }
0xa7: {  	(v2sf) =	vpush v1, $0xA;
	s12 =	sadd.s32 s4, s9;
	s9 =	smov.u32 s5;
	s16 =	spop (v2sf)  }
0xa8: {  	[tilespmem:s8], [sflag:$0x1] =	stream.linear.gather [hbm4b:s3+s11], $0x80, $0x38;
	[tilespmem:$0x1EE00] =	vst v63  }
0xa9: {  	(v2sf) =	vpush v63, $0xA;
	s14 =	sand.u32 $0x1FFFFFF0, s10;
	s20 =	sand.u32 $0x1FFFFFF0, s16;
	s24 =	spop (v2sf)  }
0xaa: {  	[tilespmem:s7], [sflag:$0x1] =	stream.linear.gather [hbm4b:s12+s11], $0x80, $0x38;
	[tilespmem:$0x1EE00] =	vst v63  }
0xab: {  	s19 =	sadd.s32 s4, s14;
	s25 =	sadd.s32 s4, s20;
	s28 =	spop (v2sf)  }
0xac: {  	[tilespmem:s6], [sflag:$0x1] =	stream.linear.gather [hbm4b:s19+s11], $0x80, $0x38;
	[tilespmem:$0x1EE00] =	vst v63  }
0xad: {  	(v2sf) =	vpush v1, $0xB;
	s26 =	sand.u32 $0x1FFFFFF0, s24;
	s24 =	rddreg [dreg:$0x10];
	s7 =	sand.u32 $0x1FFFFFF0, s28  }
0xae: {  	[tilespmem:s15], [sflag:$0x1] =	stream.linear.gather [hbm4b:s25+s11], $0x80, $0x38;
	[tilespmem:$0x1EE00] =	vst v63  }
0xaf: {  	(v2sf) =	vpush v63, $0xB;
	s5 =	sadd.s32 s4, s26;
	s10 =	sadd.s32 s4, s7;
	s8 =	spop (v2sf)  }
0xb0: {  	(v2sf) =	vpush v1, $0xC;
	s15 =	rddreg [dreg:$0x12];
	s12 =	sand.u32 $0x1FFFFFF0, s8;
	s14 =	spop (v2sf)  }
0xb1: {  	[tilespmem:s31], [sflag:$0x1] =	stream.linear.gather [hbm4b:s5+s11], $0x80, $0x38;
	[tilespmem:$0x1EE00] =	vst v63  }
0xb2: {  	(v2sf) =	vpush v63, $0xC;
	s8 =	rddreg [dreg:$0xe];
	s16 =	sadd.s32 s4, s12;
	s19 =	sand.u32 $0x1FFFFFF0, s14  }
0xb3: {  	[tilespmem:s15], [sflag:$0x1] =	stream.linear.gather [hbm4b:s10+s11], $0x80, $0x38;
	[tilespmem:$0x1EE00] =	vst v63  }
0xb4: {  	s31 =	rddreg [dreg:$0xa];
	s20 =	spop (v2sf);
	s25 =	sadd.s32 s4, s19  }
0xb5: {  	[tilespmem:s24], [sflag:$0x1] =	stream.linear.gather [hbm4b:s16+s11], $0x80, $0x38;
	[tilespmem:$0x1EE00] =	vst v63  }
0xb6: {  	s26 =	sand.u32 $0x1FFFFFF0, s20;
	s28 =	spop (v2sf);
	s15 =	rddreg [dreg:$0xc]  }
0xb7: {  	[tilespmem:s31], [sflag:$0x1] =	stream.linear.gather [hbm4b:s25+s11], $0x80, $0x38;
	[tilespmem:$0x1EE00] =	vst v63  }
0xb8: {  	s3 =	sadd.s32 s4, s26;
	s5 =	sand.u32 $0x1FFFFFF0, s28;
	s7 =	spop (v2sf)  }
0xb9: {  	[tilespmem:s8], [sflag:$0x1] =	stream.linear.gather [hbm4b:s3+s11], $0x80, $0x38;
	[tilespmem:$0x1EE00] =	vst v63  }
0xba: {  	s10 =	sadd.s32 s4, s5;
	s24 =	rddreg [dreg:$0x6];
	s12 =	sand.u32 $0x1FFFFFF0, s7  }
0xbb: {  	[tilespmem:s15], [sflag:$0x1] =	stream.linear.gather [hbm4b:s10+s11], $0x80, $0x38;
	[tilespmem:$0x1EE00] =	vst v63  }
0xbc: {  	s14 =	spop (v2sf);
	s16 =	sadd.s32 s4, s12;
	s31 =	rddreg [dreg:$0x8]  }
0xbd: {  	(v2sf) =	vpush v1, $0xD;
	[tilespmem:s24], [sflag:$0x1] =	stream.linear.gather [hbm4b:s16+s11], $0x80, $0x38;
	[tilespmem:$0x1EE00] =	vst v63  }
.Ltmp0:
0xbe: {  	(v2sf) =	vpush v63, $0xD;
	s19 =	sand.u32 $0x1FFFFFF0, s14;
	s20 =	spop (v2sf);
	(pc) =	sbr.rel @p0 .LBB2_2-.Ltmp0, $4  }
0xbf: {  	(v2sf) =	vpush v1, $0xE;
	s25 =	sadd.s32 s4, s19;
	s26 =	sand.u32 $0x1FFFFFF0, s20;
	s28 =	spop (v2sf)  }
0xc0: {  	(v2sf) =	vpush v63, $0xE;
	[tilespmem:s29], [sflag:$0x1] =	stream.linear.gather [hbm4b:s25+s11], $0x80, $0x38;
	[tilespmem:$0x1EE00] =	vst v63  }
0xc1: {  	(v2sf) =	vpush v1, $0xF;
	s3 =	sand.u32 $0x1FFFFFF0, s28;
	s5 =	spop (v2sf);
	s29 =	sadd.s32 s4, s26  }
0xc2: {  	(v2sf) =	vpush v63, $0xF;
	[tilespmem:s31], [sflag:$0x1] =	stream.linear.gather [hbm4b:s29+s11], $0x80, $0x38;
	[tilespmem:$0x1EE00] =	vst v63  }
0xc3: {  	_ =	sdelay $0x4  }
0xc4: {  	s0 =	sadd.s32 s4, s3;
	s2 =	sand.u32 $0x1FFFFFF0, s5  }
0xc5: {  	[tilespmem:s23], [sflag:$0x1] =	stream.linear.gather [hbm4b:s0+s11], $0x80, $0x38;
	[tilespmem:$0x1EE00] =	vst v63  }
0xc6: {  	s6 =	sadd.s32 s4, s2  }
0xc7: {  	[tilespmem:s30], [sflag:$0x1] =	stream.linear.gather [hbm4b:s6+s11], $0x80, $0x38;
	[tilespmem:$0x1EE00] =	vst v63  }
0xc8: {  	s5 =	spop (v2sf)  }
0xc9: {  	s7 =	sand.u32 $0x1FFFFFF0, s5;
	s8 =	spop (v2sf)  }
0xca: {  	s10 =	sadd.s32 s4, s7;
	s12 =	sand.u32 $0x1FFFFFF0, s8;
	s14 =	spop (v2sf)  }
0xcb: {  	[tilespmem:s13], [sflag:$0x1] =	stream.linear.gather [hbm4b:s10+s11], $0x80, $0x38;
	[tilespmem:$0x1EE00] =	vst v63  }
0xcc: {  	s15 =	sadd.s32 s4, s12;
	s16 =	sand.u32 $0x1FFFFFF0, s14;
	s18 =	spop (v2sf)  }
0xcd: {  	[tilespmem:s9], [sflag:$0x1] =	stream.linear.gather [hbm4b:s15+s11], $0x80, $0x38;
	[tilespmem:$0x1EE00] =	vst v63  }
0xce: {  	s19 =	sadd.s32 s4, s16;
	s20 =	sand.u32 $0x1FFFFFF0, s18;
	s21 =	spop (v2sf)  }
0xcf: {  	[tilespmem:s22], [sflag:$0x1] =	stream.linear.gather [hbm4b:s19+s11], $0x80, $0x38;
	[tilespmem:$0x1EE00] =	vst v63  }
0xd0: {  	s23 =	sand.u32 $0x1FFFFFF0, s21;
	s24 =	spop (v2sf);
	s22 =	sadd.s32 s4, s20  }
0xd1: {  	[tilespmem:s1], [sflag:$0x1] =	stream.linear.gather [hbm4b:s22+s11], $0x80, $0x38;
	[tilespmem:$0x1EE00] =	vst v63  }
0xd2: {  	s25 =	sadd.s32 $0x7580, s17;
	s26 =	sadd.s32 s4, s23;
	s28 =	sand.u32 $0x1FFFFFF0, s24  }
0xd3: {  	[tilespmem:s25], [sflag:$0x1] =	stream.linear.gather [hbm4b:s26+s11], $0x80, $0x38;
	[tilespmem:$0x1EE00] =	vst v63  }
0xd4: {  	s29 =	sadd.s32 $0xF580, s17;
	s31 =	simm.s32 $0x1;
	s30 =	sadd.s32 s4, s28  }
0xd5: {  	[tilespmem:s29], [sflag:$0x1] =	stream.linear.gather [hbm4b:s30+s11], $0x80, $0x38;
	[tilespmem:$0x1EE00] =	vst v63  }
0xd6: {  	_ =	swait.ge [sflag:s31], $0x8000  }
0xd7: {  	[sflag:s31] =	ssyncset.done $0x0  }
0xd8: {  	[sflag:s31] =	ssyncadd.s32 $0xFFFF8000  }
0xd9: {  	_ =	swait.ge [sflag:s31], $0x8000  }
0xda: {  	[sflag:s31] =	ssyncset.done $0x0  }
0xdb: {  	s18 =	simm.s32 $0x400;
	[sflag:s31] =	ssyncadd.s32 $0xFFFF8000  }
0xdc: {  	s17 =	simm.s32 $0x0;
	s19 =	simm.s32 $0x2000;
	v0 =	vld [tilespmem:s18+$0x0]  }
.LBB2_4:
0xdd: {  	p0 =	sne.s32 s19, $0x1E000;
	_ =	sdelay $0x3  }
0xde: {  	v0 =	vshll.u32 v0, $0x9  }
0xdf: {  	v0 =	vshra.s32 v0, $0x2  }
0xe0: {  	(v2sf) =	vpush v0, $0x0  }
0xe1: {  	(v2sf) =	vpush v0, $0x1  }
0xe2: {  	(v2sf) =	vpush v0, $0x2  }
0xe3: {  	(v2sf) =	vpush v0, $0x3  }
0xe4: {  	(v2sf) =	vpush v0, $0x4  }
0xe5: {  	(v2sf) =	vpush v0, $0x5  }
0xe6: {  	(v2sf) =	vpush v0, $0x6  }
0xe7: {  	(v2sf) =	vpush v0, $0x7  }
0xe8: {  	(v2sf) =	vpush v0, $0x8  }
0xe9: {  	(v2sf) =	vpush v0, $0x9  }
0xea: {  	(v2sf) =	vpush v0, $0xA  }
0xeb: {  	(v2sf) =	vpush v0, $0xB  }
0xec: {  	(v2sf) =	vpush v0, $0xC  }
0xed: {  	(v2sf) =	vpush v0, $0xD  }
0xee: {  	s20 =	sshra.s32 s17, $0x2;
	s17 =	smov.u32 s19;
	(v2sf) =	vpush v0, $0xE  }
0xef: {  	v1 =	vld [tilespmem:s20+$0x6E00];
	s9 =	spop (v2sf);
	(v2sf) =	vpush v0, $0xF  }
0xf0: {  	v0 =	vld [tilespmem:s9+$0x600];
	s5 =	spop (v2sf)  }
0xf1: {  	s12 =	spop (v2sf)  }
0xf2: {  	v2 =	vld [tilespmem:s20+$0xEE00];
	s1 =	spop (v2sf)  }
0xf3: {  	s2 =	spop (v2sf)  }
0xf4: {  	s0 =	spop (v2sf)  }
0xf5: {  	v0 =	vadd.f32 v0, v1;
	s31 =	spop (v2sf)  }
0xf6: {  	s30 =	spop (v2sf)  }
0xf7: {  	v0 =	vsub.f32 v0, v2;
	s29 =	spop (v2sf)  }
0xf8: {  	s8 =	spop (v2sf)  }
0xf9: {  	[tilespmem:s20+$0x16E00] =	vst v0;
	v0 =	vld [tilespmem:s20+$0x6E10];
	s7 =	spop (v2sf)  }
0xfa: {  	v1 =	vld [tilespmem:s9+$0x610];
	s6 =	spop (v2sf)  }
0xfb: {  	s3 =	spop (v2sf)  }
0xfc: {  	v2 =	vld [tilespmem:s20+$0xEE10];
	s23 =	spop (v2sf)  }
0xfd: {  	s22 =	spop (v2sf)  }
0xfe: {  	s21 =	spop (v2sf)  }
0xff: {  	v0 =	vadd.f32 v1, v0;
	_ =	sdelay $0x1  }
0x100: {  	v0 =	vsub.f32 v0, v2;
	_ =	sdelay $0x1  }
0x101: {  	[tilespmem:s20+$0x16E10] =	vst v0;
	v0 =	vld [tilespmem:s20+$0x6E20]  }
0x102: {  	v1 =	vld [tilespmem:s9+$0x620];
	_ =	sdelay $0x1  }
0x103: {  	v2 =	vld [tilespmem:s20+$0xEE20];
	_ =	sdelay $0x2  }
0x104: {  	v0 =	vadd.f32 v1, v0;
	_ =	sdelay $0x1  }
0x105: {  	v0 =	vsub.f32 v0, v2;
	_ =	sdelay $0x1  }
0x106: {  	[tilespmem:s20+$0x16E20] =	vst v0;
	v0 =	vld [tilespmem:s20+$0x6E30]  }
0x107: {  	v1 =	vld [tilespmem:s9+$0x630];
	_ =	sdelay $0x1  }
0x108: {  	v2 =	vld [tilespmem:s20+$0xEE30];
	_ =	sdelay $0x2  }
0x109: {  	v0 =	vadd.f32 v1, v0;
	_ =	sdelay $0x1  }
0x10a: {  	v0 =	vsub.f32 v0, v2;
	_ =	sdelay $0x1  }
0x10b: {  	[tilespmem:s20+$0x16E30] =	vst v0;
	v0 =	vld [tilespmem:s20+$0x6E80]  }
0x10c: {  	v1 =	vld [tilespmem:s5+$0x600];
	_ =	sdelay $0x1  }
0x10d: {  	v2 =	vld [tilespmem:s20+$0xEE80];
	_ =	sdelay $0x2  }
0x10e: {  	v0 =	vadd.f32 v1, v0;
	_ =	sdelay $0x1  }
0x10f: {  	v0 =	vsub.f32 v0, v2;
	_ =	sdelay $0x1  }
0x110: {  	[tilespmem:s20+$0x16E80] =	vst v0;
	v0 =	vld [tilespmem:s20+$0x6E90]  }
0x111: {  	v1 =	vld [tilespmem:s5+$0x610];
	_ =	sdelay $0x1  }
0x112: {  	v2 =	vld [tilespmem:s20+$0xEE90];
	_ =	sdelay $0x2  }
0x113: {  	v0 =	vadd.f32 v1, v0;
	_ =	sdelay $0x1  }
0x114: {  	v0 =	vsub.f32 v0, v2;
	_ =	sdelay $0x1  }
0x115: {  	[tilespmem:s20+$0x16E90] =	vst v0;
	v0 =	vld [tilespmem:s20+$0x6EA0]  }
0x116: {  	v1 =	vld [tilespmem:s5+$0x620];
	_ =	sdelay $0x1  }
0x117: {  	v2 =	vld [tilespmem:s20+$0xEEA0];
	_ =	sdelay $0x2  }
0x118: {  	v0 =	vadd.f32 v1, v0;
	_ =	sdelay $0x1  }
0x119: {  	v0 =	vsub.f32 v0, v2;
	_ =	sdelay $0x1  }
0x11a: {  	[tilespmem:s20+$0x16EA0] =	vst v0;
	v0 =	vld [tilespmem:s20+$0x6EB0]  }
0x11b: {  	v1 =	vld [tilespmem:s5+$0x630];
	_ =	sdelay $0x1  }
0x11c: {  	v2 =	vld [tilespmem:s20+$0xEEB0];
	_ =	sdelay $0x2  }
0x11d: {  	v0 =	vadd.f32 v1, v0;
	_ =	sdelay $0x1  }
0x11e: {  	v0 =	vsub.f32 v0, v2;
	_ =	sdelay $0x1  }
0x11f: {  	[tilespmem:s20+$0x16EB0] =	vst v0;
	v0 =	vld [tilespmem:s20+$0x6F00]  }
0x120: {  	v1 =	vld [tilespmem:s12+$0x600];
	_ =	sdelay $0x1  }
0x121: {  	v2 =	vld [tilespmem:s20+$0xEF00];
	_ =	sdelay $0x2  }
0x122: {  	v0 =	vadd.f32 v1, v0;
	_ =	sdelay $0x1  }
0x123: {  	v0 =	vsub.f32 v0, v2;
	_ =	sdelay $0x1  }
0x124: {  	[tilespmem:s20+$0x16F00] =	vst v0;
	v0 =	vld [tilespmem:s20+$0x6F10]  }
0x125: {  	v1 =	vld [tilespmem:s12+$0x610];
	_ =	sdelay $0x1  }
0x126: {  	v2 =	vld [tilespmem:s20+$0xEF10];
	_ =	sdelay $0x2  }
0x127: {  	v0 =	vadd.f32 v1, v0;
	_ =	sdelay $0x1  }
0x128: {  	v0 =	vsub.f32 v0, v2;
	_ =	sdelay $0x1  }
0x129: {  	[tilespmem:s20+$0x16F10] =	vst v0;
	v0 =	vld [tilespmem:s20+$0x6F20]  }
0x12a: {  	v1 =	vld [tilespmem:s12+$0x620];
	_ =	sdelay $0x1  }
0x12b: {  	v2 =	vld [tilespmem:s20+$0xEF20];
	_ =	sdelay $0x2  }
0x12c: {  	v0 =	vadd.f32 v1, v0;
	_ =	sdelay $0x1  }
0x12d: {  	v0 =	vsub.f32 v0, v2;
	_ =	sdelay $0x1  }
0x12e: {  	[tilespmem:s20+$0x16F20] =	vst v0;
	v0 =	vld [tilespmem:s20+$0x6F30]  }
0x12f: {  	v1 =	vld [tilespmem:s12+$0x630];
	_ =	sdelay $0x1  }
0x130: {  	v2 =	vld [tilespmem:s20+$0xEF30];
	_ =	sdelay $0x2  }
0x131: {  	v0 =	vadd.f32 v1, v0;
	_ =	sdelay $0x1  }
0x132: {  	v0 =	vsub.f32 v0, v2;
	_ =	sdelay $0x1  }
0x133: {  	[tilespmem:s20+$0x16F30] =	vst v0;
	v0 =	vld [tilespmem:s20+$0x6F80]  }
0x134: {  	v1 =	vld [tilespmem:s1+$0x600];
	_ =	sdelay $0x1  }
0x135: {  	v2 =	vld [tilespmem:s20+$0xEF80];
	_ =	sdelay $0x2  }
0x136: {  	v0 =	vadd.f32 v1, v0;
	_ =	sdelay $0x1  }
0x137: {  	v0 =	vsub.f32 v0, v2;
	_ =	sdelay $0x1  }
0x138: {  	[tilespmem:s20+$0x16F80] =	vst v0;
	v0 =	vld [tilespmem:s20+$0x6F90]  }
0x139: {  	v1 =	vld [tilespmem:s1+$0x610];
	_ =	sdelay $0x1  }
0x13a: {  	v2 =	vld [tilespmem:s20+$0xEF90];
	_ =	sdelay $0x2  }
0x13b: {  	v0 =	vadd.f32 v1, v0;
	_ =	sdelay $0x1  }
0x13c: {  	v0 =	vsub.f32 v0, v2;
	_ =	sdelay $0x1  }
0x13d: {  	[tilespmem:s20+$0x16F90] =	vst v0;
	v0 =	vld [tilespmem:s20+$0x6FA0]  }
0x13e: {  	v1 =	vld [tilespmem:s1+$0x620];
	_ =	sdelay $0x1  }
0x13f: {  	v2 =	vld [tilespmem:s20+$0xEFA0];
	_ =	sdelay $0x2  }
0x140: {  	v0 =	vadd.f32 v1, v0;
	_ =	sdelay $0x1  }
0x141: {  	v0 =	vsub.f32 v0, v2;
	_ =	sdelay $0x1  }
0x142: {  	[tilespmem:s20+$0x16FA0] =	vst v0;
	v0 =	vld [tilespmem:s20+$0x6FB0]  }
0x143: {  	v1 =	vld [tilespmem:s1+$0x630];
	_ =	sdelay $0x1  }
0x144: {  	v2 =	vld [tilespmem:s20+$0xEFB0];
	_ =	sdelay $0x2  }
0x145: {  	v0 =	vadd.f32 v1, v0;
	_ =	sdelay $0x1  }
0x146: {  	v0 =	vsub.f32 v0, v2;
	_ =	sdelay $0x1  }
0x147: {  	[tilespmem:s20+$0x16FB0] =	vst v0;
	v0 =	vld [tilespmem:s20+$0x7000]  }
0x148: {  	v1 =	vld [tilespmem:s2+$0x600];
	_ =	sdelay $0x1  }
0x149: {  	v2 =	vld [tilespmem:s20+$0xF000];
	_ =	sdelay $0x2  }
0x14a: {  	v0 =	vadd.f32 v1, v0;
	_ =	sdelay $0x1  }
0x14b: {  	v0 =	vsub.f32 v0, v2;
	_ =	sdelay $0x1  }
0x14c: {  	[tilespmem:s20+$0x17000] =	vst v0;
	v0 =	vld [tilespmem:s20+$0x7010]  }
0x14d: {  	v1 =	vld [tilespmem:s2+$0x610];
	_ =	sdelay $0x1  }
0x14e: {  	v2 =	vld [tilespmem:s20+$0xF010];
	_ =	sdelay $0x2  }
0x14f: {  	v0 =	vadd.f32 v1, v0;
	_ =	sdelay $0x1  }
0x150: {  	v0 =	vsub.f32 v0, v2;
	_ =	sdelay $0x1  }
0x151: {  	[tilespmem:s20+$0x17010] =	vst v0;
	v0 =	vld [tilespmem:s20+$0x7020]  }
0x152: {  	v1 =	vld [tilespmem:s2+$0x620];
	_ =	sdelay $0x1  }
0x153: {  	v2 =	vld [tilespmem:s20+$0xF020];
	_ =	sdelay $0x2  }
0x154: {  	v0 =	vadd.f32 v1, v0;
	_ =	sdelay $0x1  }
0x155: {  	v0 =	vsub.f32 v0, v2;
	_ =	sdelay $0x1  }
0x156: {  	[tilespmem:s20+$0x17020] =	vst v0;
	v0 =	vld [tilespmem:s20+$0x7030]  }
0x157: {  	v1 =	vld [tilespmem:s2+$0x630];
	_ =	sdelay $0x1  }
0x158: {  	v2 =	vld [tilespmem:s20+$0xF030];
	_ =	sdelay $0x2  }
0x159: {  	v0 =	vadd.f32 v1, v0;
	_ =	sdelay $0x1  }
0x15a: {  	v0 =	vsub.f32 v0, v2;
	_ =	sdelay $0x1  }
0x15b: {  	[tilespmem:s20+$0x17030] =	vst v0;
	v0 =	vld [tilespmem:s20+$0x7080]  }
0x15c: {  	v1 =	vld [tilespmem:s0+$0x600];
	_ =	sdelay $0x1  }
0x15d: {  	v2 =	vld [tilespmem:s20+$0xF080];
	_ =	sdelay $0x2  }
0x15e: {  	v0 =	vadd.f32 v1, v0;
	_ =	sdelay $0x1  }
0x15f: {  	v0 =	vsub.f32 v0, v2;
	_ =	sdelay $0x1  }
0x160: {  	[tilespmem:s20+$0x17080] =	vst v0;
	v0 =	vld [tilespmem:s20+$0x7090]  }
0x161: {  	v1 =	vld [tilespmem:s0+$0x610];
	_ =	sdelay $0x1  }
0x162: {  	v2 =	vld [tilespmem:s20+$0xF090];
	_ =	sdelay $0x2  }
0x163: {  	v0 =	vadd.f32 v1, v0;
	_ =	sdelay $0x1  }
0x164: {  	v0 =	vsub.f32 v0, v2;
	_ =	sdelay $0x1  }
0x165: {  	[tilespmem:s20+$0x17090] =	vst v0;
	v0 =	vld [tilespmem:s20+$0x70A0]  }
0x166: {  	v1 =	vld [tilespmem:s0+$0x620];
	_ =	sdelay $0x1  }
0x167: {  	v2 =	vld [tilespmem:s20+$0xF0A0];
	_ =	sdelay $0x2  }
0x168: {  	v0 =	vadd.f32 v1, v0;
	_ =	sdelay $0x1  }
0x169: {  	v0 =	vsub.f32 v0, v2;
	_ =	sdelay $0x1  }
0x16a: {  	[tilespmem:s20+$0x170A0] =	vst v0;
	v0 =	vld [tilespmem:s20+$0x70B0]  }
0x16b: {  	v1 =	vld [tilespmem:s0+$0x630];
	_ =	sdelay $0x1  }
0x16c: {  	v2 =	vld [tilespmem:s20+$0xF0B0];
	_ =	sdelay $0x2  }
0x16d: {  	v0 =	vadd.f32 v1, v0;
	_ =	sdelay $0x1  }
0x16e: {  	v0 =	vsub.f32 v0, v2;
	_ =	sdelay $0x1  }
0x16f: {  	[tilespmem:s20+$0x170B0] =	vst v0;
	v0 =	vld [tilespmem:s20+$0x7100]  }
0x170: {  	v1 =	vld [tilespmem:s31+$0x600];
	_ =	sdelay $0x1  }
0x171: {  	v2 =	vld [tilespmem:s20+$0xF100];
	_ =	sdelay $0x2  }
0x172: {  	v0 =	vadd.f32 v1, v0;
	_ =	sdelay $0x1  }
0x173: {  	v0 =	vsub.f32 v0, v2;
	_ =	sdelay $0x1  }
0x174: {  	[tilespmem:s20+$0x17100] =	vst v0;
	v0 =	vld [tilespmem:s20+$0x7110]  }
0x175: {  	v1 =	vld [tilespmem:s31+$0x610];
	_ =	sdelay $0x1  }
0x176: {  	v2 =	vld [tilespmem:s20+$0xF110];
	_ =	sdelay $0x2  }
0x177: {  	v0 =	vadd.f32 v1, v0;
	_ =	sdelay $0x1  }
0x178: {  	v0 =	vsub.f32 v0, v2;
	_ =	sdelay $0x1  }
0x179: {  	[tilespmem:s20+$0x17110] =	vst v0;
	v0 =	vld [tilespmem:s20+$0x7120]  }
0x17a: {  	v1 =	vld [tilespmem:s31+$0x620];
	_ =	sdelay $0x1  }
0x17b: {  	v2 =	vld [tilespmem:s20+$0xF120];
	_ =	sdelay $0x2  }
0x17c: {  	v0 =	vadd.f32 v1, v0;
	_ =	sdelay $0x1  }
0x17d: {  	v0 =	vsub.f32 v0, v2;
	_ =	sdelay $0x1  }
0x17e: {  	[tilespmem:s20+$0x17120] =	vst v0;
	v0 =	vld [tilespmem:s20+$0x7130]  }
0x17f: {  	v1 =	vld [tilespmem:s31+$0x630];
	_ =	sdelay $0x1  }
0x180: {  	v2 =	vld [tilespmem:s20+$0xF130];
	_ =	sdelay $0x2  }
0x181: {  	v0 =	vadd.f32 v1, v0;
	_ =	sdelay $0x1  }
0x182: {  	v0 =	vsub.f32 v0, v2;
	_ =	sdelay $0x1  }
0x183: {  	[tilespmem:s20+$0x17130] =	vst v0;
	v0 =	vld [tilespmem:s20+$0x7180]  }
0x184: {  	v1 =	vld [tilespmem:s30+$0x600];
	_ =	sdelay $0x1  }
0x185: {  	v2 =	vld [tilespmem:s20+$0xF180];
	_ =	sdelay $0x2  }
0x186: {  	v0 =	vadd.f32 v1, v0;
	_ =	sdelay $0x1  }
0x187: {  	v0 =	vsub.f32 v0, v2;
	_ =	sdelay $0x1  }
0x188: {  	[tilespmem:s20+$0x17180] =	vst v0;
	v0 =	vld [tilespmem:s20+$0x7190]  }
0x189: {  	v1 =	vld [tilespmem:s30+$0x610];
	_ =	sdelay $0x1  }
0x18a: {  	v2 =	vld [tilespmem:s20+$0xF190];
	_ =	sdelay $0x2  }
0x18b: {  	v0 =	vadd.f32 v1, v0;
	_ =	sdelay $0x1  }
0x18c: {  	v0 =	vsub.f32 v0, v2;
	_ =	sdelay $0x1  }
0x18d: {  	[tilespmem:s20+$0x17190] =	vst v0;
	v0 =	vld [tilespmem:s20+$0x71A0]  }
0x18e: {  	v1 =	vld [tilespmem:s30+$0x620];
	_ =	sdelay $0x1  }
0x18f: {  	v2 =	vld [tilespmem:s20+$0xF1A0];
	_ =	sdelay $0x2  }
0x190: {  	v0 =	vadd.f32 v1, v0;
	_ =	sdelay $0x1  }
0x191: {  	v0 =	vsub.f32 v0, v2;
	_ =	sdelay $0x1  }
0x192: {  	[tilespmem:s20+$0x171A0] =	vst v0;
	v0 =	vld [tilespmem:s20+$0x71B0]  }
0x193: {  	v1 =	vld [tilespmem:s30+$0x630];
	_ =	sdelay $0x1  }
0x194: {  	v2 =	vld [tilespmem:s20+$0xF1B0];
	_ =	sdelay $0x2  }
0x195: {  	v0 =	vadd.f32 v1, v0;
	_ =	sdelay $0x1  }
0x196: {  	v0 =	vsub.f32 v0, v2;
	_ =	sdelay $0x1  }
0x197: {  	[tilespmem:s20+$0x171B0] =	vst v0;
	v0 =	vld [tilespmem:s20+$0x7200]  }
0x198: {  	v1 =	vld [tilespmem:s29+$0x600];
	_ =	sdelay $0x1  }
0x199: {  	v2 =	vld [tilespmem:s20+$0xF200];
	_ =	sdelay $0x2  }
0x19a: {  	v0 =	vadd.f32 v1, v0;
	_ =	sdelay $0x1  }
0x19b: {  	v0 =	vsub.f32 v0, v2;
	_ =	sdelay $0x1  }
0x19c: {  	[tilespmem:s20+$0x17200] =	vst v0;
	v0 =	vld [tilespmem:s20+$0x7210]  }
0x19d: {  	v1 =	vld [tilespmem:s29+$0x610];
	_ =	sdelay $0x1  }
0x19e: {  	v2 =	vld [tilespmem:s20+$0xF210];
	_ =	sdelay $0x2  }
0x19f: {  	v0 =	vadd.f32 v1, v0;
	_ =	sdelay $0x1  }
0x1a0: {  	v0 =	vsub.f32 v0, v2;
	_ =	sdelay $0x1  }
0x1a1: {  	[tilespmem:s20+$0x17210] =	vst v0;
	v0 =	vld [tilespmem:s20+$0x7220]  }
0x1a2: {  	v1 =	vld [tilespmem:s29+$0x620];
	_ =	sdelay $0x1  }
0x1a3: {  	v2 =	vld [tilespmem:s20+$0xF220];
	_ =	sdelay $0x2  }
0x1a4: {  	v0 =	vadd.f32 v1, v0;
	_ =	sdelay $0x1  }
0x1a5: {  	v0 =	vsub.f32 v0, v2;
	_ =	sdelay $0x1  }
0x1a6: {  	[tilespmem:s20+$0x17220] =	vst v0;
	v0 =	vld [tilespmem:s20+$0x7230]  }
0x1a7: {  	v1 =	vld [tilespmem:s29+$0x630];
	_ =	sdelay $0x1  }
0x1a8: {  	v2 =	vld [tilespmem:s20+$0xF230];
	_ =	sdelay $0x2  }
0x1a9: {  	v0 =	vadd.f32 v1, v0;
	_ =	sdelay $0x1  }
0x1aa: {  	v0 =	vsub.f32 v0, v2;
	_ =	sdelay $0x1  }
0x1ab: {  	[tilespmem:s20+$0x17230] =	vst v0;
	v0 =	vld [tilespmem:s20+$0x7280]  }
0x1ac: {  	v1 =	vld [tilespmem:s8+$0x600];
	_ =	sdelay $0x1  }
0x1ad: {  	v2 =	vld [tilespmem:s20+$0xF280];
	_ =	sdelay $0x2  }
0x1ae: {  	v0 =	vadd.f32 v1, v0;
	_ =	sdelay $0x1  }
0x1af: {  	v0 =	vsub.f32 v0, v2;
	_ =	sdelay $0x1  }
0x1b0: {  	[tilespmem:s20+$0x17280] =	vst v0;
	v0 =	vld [tilespmem:s20+$0x7290]  }
0x1b1: {  	v1 =	vld [tilespmem:s8+$0x610];
	_ =	sdelay $0x1  }
0x1b2: {  	v2 =	vld [tilespmem:s20+$0xF290];
	_ =	sdelay $0x2  }
0x1b3: {  	v0 =	vadd.f32 v1, v0;
	_ =	sdelay $0x1  }
0x1b4: {  	v0 =	vsub.f32 v0, v2;
	_ =	sdelay $0x1  }
0x1b5: {  	[tilespmem:s20+$0x17290] =	vst v0;
	v0 =	vld [tilespmem:s20+$0x72A0]  }
0x1b6: {  	v1 =	vld [tilespmem:s8+$0x620];
	_ =	sdelay $0x1  }
0x1b7: {  	v2 =	vld [tilespmem:s20+$0xF2A0];
	_ =	sdelay $0x2  }
0x1b8: {  	v0 =	vadd.f32 v1, v0;
	_ =	sdelay $0x1  }
0x1b9: {  	v0 =	vsub.f32 v0, v2;
	_ =	sdelay $0x1  }
0x1ba: {  	[tilespmem:s20+$0x172A0] =	vst v0;
	v0 =	vld [tilespmem:s20+$0x72B0]  }
0x1bb: {  	v1 =	vld [tilespmem:s8+$0x630];
	_ =	sdelay $0x1  }
0x1bc: {  	v2 =	vld [tilespmem:s20+$0xF2B0];
	_ =	sdelay $0x2  }
0x1bd: {  	v0 =	vadd.f32 v1, v0;
	_ =	sdelay $0x1  }
0x1be: {  	v0 =	vsub.f32 v0, v2;
	_ =	sdelay $0x1  }
0x1bf: {  	[tilespmem:s20+$0x172B0] =	vst v0;
	v0 =	vld [tilespmem:s20+$0x7300]  }
0x1c0: {  	v1 =	vld [tilespmem:s7+$0x600];
	_ =	sdelay $0x1  }
0x1c1: {  	v2 =	vld [tilespmem:s20+$0xF300];
	_ =	sdelay $0x2  }
0x1c2: {  	v0 =	vadd.f32 v1, v0;
	_ =	sdelay $0x1  }
0x1c3: {  	v0 =	vsub.f32 v0, v2;
	_ =	sdelay $0x1  }
0x1c4: {  	[tilespmem:s20+$0x17300] =	vst v0;
	v0 =	vld [tilespmem:s20+$0x7310]  }
0x1c5: {  	v1 =	vld [tilespmem:s7+$0x610];
	_ =	sdelay $0x1  }
0x1c6: {  	v2 =	vld [tilespmem:s20+$0xF310];
	_ =	sdelay $0x2  }
0x1c7: {  	v0 =	vadd.f32 v1, v0;
	_ =	sdelay $0x1  }
0x1c8: {  	v0 =	vsub.f32 v0, v2;
	_ =	sdelay $0x1  }
0x1c9: {  	[tilespmem:s20+$0x17310] =	vst v0;
	v0 =	vld [tilespmem:s20+$0x7320]  }
0x1ca: {  	v1 =	vld [tilespmem:s7+$0x620];
	_ =	sdelay $0x1  }
0x1cb: {  	v2 =	vld [tilespmem:s20+$0xF320];
	_ =	sdelay $0x2  }
0x1cc: {  	v0 =	vadd.f32 v1, v0;
	_ =	sdelay $0x1  }
0x1cd: {  	v0 =	vsub.f32 v0, v2;
	_ =	sdelay $0x1  }
0x1ce: {  	[tilespmem:s20+$0x17320] =	vst v0;
	v0 =	vld [tilespmem:s20+$0x7330]  }
0x1cf: {  	v1 =	vld [tilespmem:s7+$0x630];
	_ =	sdelay $0x1  }
0x1d0: {  	v2 =	vld [tilespmem:s20+$0xF330];
	_ =	sdelay $0x2  }
0x1d1: {  	v0 =	vadd.f32 v1, v0;
	_ =	sdelay $0x1  }
0x1d2: {  	v0 =	vsub.f32 v0, v2;
	_ =	sdelay $0x1  }
0x1d3: {  	[tilespmem:s20+$0x17330] =	vst v0;
	v0 =	vld [tilespmem:s20+$0x7380]  }
0x1d4: {  	v1 =	vld [tilespmem:s6+$0x600];
	_ =	sdelay $0x1  }
0x1d5: {  	v2 =	vld [tilespmem:s20+$0xF380];
	_ =	sdelay $0x2  }
0x1d6: {  	v0 =	vadd.f32 v1, v0;
	_ =	sdelay $0x1  }
0x1d7: {  	v0 =	vsub.f32 v0, v2;
	_ =	sdelay $0x1  }
0x1d8: {  	[tilespmem:s20+$0x17380] =	vst v0;
	v0 =	vld [tilespmem:s20+$0x7390]  }
0x1d9: {  	v1 =	vld [tilespmem:s6+$0x610];
	_ =	sdelay $0x1  }
0x1da: {  	v2 =	vld [tilespmem:s20+$0xF390];
	_ =	sdelay $0x2  }
0x1db: {  	v0 =	vadd.f32 v1, v0;
	_ =	sdelay $0x1  }
0x1dc: {  	v0 =	vsub.f32 v0, v2;
	_ =	sdelay $0x1  }
0x1dd: {  	[tilespmem:s20+$0x17390] =	vst v0;
	v0 =	vld [tilespmem:s20+$0x73A0]  }
0x1de: {  	v1 =	vld [tilespmem:s6+$0x620];
	_ =	sdelay $0x1  }
0x1df: {  	v2 =	vld [tilespmem:s20+$0xF3A0];
	_ =	sdelay $0x2  }
0x1e0: {  	v0 =	vadd.f32 v1, v0;
	_ =	sdelay $0x1  }
0x1e1: {  	v0 =	vsub.f32 v0, v2;
	_ =	sdelay $0x1  }
0x1e2: {  	[tilespmem:s20+$0x173A0] =	vst v0;
	v0 =	vld [tilespmem:s20+$0x73B0]  }
0x1e3: {  	v1 =	vld [tilespmem:s6+$0x630];
	_ =	sdelay $0x1  }
0x1e4: {  	v2 =	vld [tilespmem:s20+$0xF3B0];
	_ =	sdelay $0x2  }
0x1e5: {  	v0 =	vadd.f32 v1, v0;
	_ =	sdelay $0x1  }
0x1e6: {  	v0 =	vsub.f32 v0, v2;
	_ =	sdelay $0x1  }
0x1e7: {  	[tilespmem:s20+$0x173B0] =	vst v0;
	v0 =	vld [tilespmem:s20+$0x7400]  }
0x1e8: {  	v1 =	vld [tilespmem:s3+$0x600];
	_ =	sdelay $0x1  }
0x1e9: {  	v2 =	vld [tilespmem:s20+$0xF400];
	_ =	sdelay $0x2  }
0x1ea: {  	v0 =	vadd.f32 v1, v0;
	_ =	sdelay $0x1  }
0x1eb: {  	v0 =	vsub.f32 v0, v2;
	_ =	sdelay $0x1  }
0x1ec: {  	[tilespmem:s20+$0x17400] =	vst v0;
	v0 =	vld [tilespmem:s20+$0x7410]  }
0x1ed: {  	v1 =	vld [tilespmem:s3+$0x610];
	_ =	sdelay $0x1  }
0x1ee: {  	v2 =	vld [tilespmem:s20+$0xF410];
	_ =	sdelay $0x2  }
0x1ef: {  	v0 =	vadd.f32 v1, v0;
	_ =	sdelay $0x1  }
0x1f0: {  	v0 =	vsub.f32 v0, v2;
	_ =	sdelay $0x1  }
0x1f1: {  	[tilespmem:s20+$0x17410] =	vst v0;
	v0 =	vld [tilespmem:s20+$0x7420]  }
0x1f2: {  	v1 =	vld [tilespmem:s3+$0x620];
	_ =	sdelay $0x1  }
0x1f3: {  	v2 =	vld [tilespmem:s20+$0xF420];
	_ =	sdelay $0x2  }
0x1f4: {  	v0 =	vadd.f32 v1, v0;
	_ =	sdelay $0x1  }
0x1f5: {  	v0 =	vsub.f32 v0, v2;
	_ =	sdelay $0x1  }
0x1f6: {  	[tilespmem:s20+$0x17420] =	vst v0;
	v0 =	vld [tilespmem:s20+$0x7430]  }
0x1f7: {  	v1 =	vld [tilespmem:s3+$0x630];
	_ =	sdelay $0x1  }
0x1f8: {  	v2 =	vld [tilespmem:s20+$0xF430];
	_ =	sdelay $0x2  }
0x1f9: {  	v0 =	vadd.f32 v1, v0;
	_ =	sdelay $0x1  }
0x1fa: {  	v0 =	vsub.f32 v0, v2;
	_ =	sdelay $0x1  }
0x1fb: {  	[tilespmem:s20+$0x17430] =	vst v0;
	v0 =	vld [tilespmem:s20+$0x7480]  }
0x1fc: {  	v1 =	vld [tilespmem:s23+$0x600];
	_ =	sdelay $0x1  }
0x1fd: {  	v2 =	vld [tilespmem:s20+$0xF480];
	_ =	sdelay $0x2  }
0x1fe: {  	v0 =	vadd.f32 v1, v0;
	_ =	sdelay $0x1  }
0x1ff: {  	v0 =	vsub.f32 v0, v2;
	_ =	sdelay $0x1  }
0x200: {  	[tilespmem:s20+$0x17480] =	vst v0;
	v0 =	vld [tilespmem:s20+$0x7490]  }
0x201: {  	v1 =	vld [tilespmem:s23+$0x610];
	_ =	sdelay $0x1  }
0x202: {  	v2 =	vld [tilespmem:s20+$0xF490];
	_ =	sdelay $0x2  }
0x203: {  	v0 =	vadd.f32 v1, v0;
	_ =	sdelay $0x1  }
0x204: {  	v0 =	vsub.f32 v0, v2;
	_ =	sdelay $0x1  }
0x205: {  	[tilespmem:s20+$0x17490] =	vst v0;
	v0 =	vld [tilespmem:s20+$0x74A0]  }
0x206: {  	v1 =	vld [tilespmem:s23+$0x620];
	_ =	sdelay $0x1  }
0x207: {  	v2 =	vld [tilespmem:s20+$0xF4A0];
	_ =	sdelay $0x2  }
0x208: {  	v0 =	vadd.f32 v1, v0;
	_ =	sdelay $0x1  }
0x209: {  	v0 =	vsub.f32 v0, v2;
	_ =	sdelay $0x1  }
0x20a: {  	[tilespmem:s20+$0x174A0] =	vst v0;
	v0 =	vld [tilespmem:s20+$0x74B0]  }
0x20b: {  	v1 =	vld [tilespmem:s23+$0x630];
	_ =	sdelay $0x1  }
0x20c: {  	v2 =	vld [tilespmem:s20+$0xF4B0];
	_ =	sdelay $0x2  }
0x20d: {  	v0 =	vadd.f32 v1, v0;
	_ =	sdelay $0x1  }
0x20e: {  	v0 =	vsub.f32 v0, v2;
	_ =	sdelay $0x1  }
0x20f: {  	[tilespmem:s20+$0x174B0] =	vst v0;
	v0 =	vld [tilespmem:s20+$0x7500]  }
0x210: {  	v1 =	vld [tilespmem:s22+$0x600];
	_ =	sdelay $0x1  }
0x211: {  	v2 =	vld [tilespmem:s20+$0xF500];
	_ =	sdelay $0x2  }
0x212: {  	v0 =	vadd.f32 v1, v0;
	_ =	sdelay $0x1  }
0x213: {  	v0 =	vsub.f32 v0, v2;
	_ =	sdelay $0x1  }
0x214: {  	[tilespmem:s20+$0x17500] =	vst v0;
	v0 =	vld [tilespmem:s20+$0x7510]  }
0x215: {  	v1 =	vld [tilespmem:s22+$0x610];
	_ =	sdelay $0x1  }
0x216: {  	v2 =	vld [tilespmem:s20+$0xF510];
	_ =	sdelay $0x2  }
0x217: {  	v0 =	vadd.f32 v1, v0;
	_ =	sdelay $0x1  }
0x218: {  	v0 =	vsub.f32 v0, v2;
	_ =	sdelay $0x1  }
0x219: {  	[tilespmem:s20+$0x17510] =	vst v0;
	v0 =	vld [tilespmem:s20+$0x7520]  }
0x21a: {  	v1 =	vld [tilespmem:s22+$0x620];
	_ =	sdelay $0x1  }
0x21b: {  	v2 =	vld [tilespmem:s20+$0xF520];
	_ =	sdelay $0x2  }
0x21c: {  	v0 =	vadd.f32 v1, v0;
	_ =	sdelay $0x1  }
0x21d: {  	v0 =	vsub.f32 v0, v2;
	_ =	sdelay $0x1  }
0x21e: {  	[tilespmem:s20+$0x17520] =	vst v0;
	v0 =	vld [tilespmem:s20+$0x7530]  }
0x21f: {  	v1 =	vld [tilespmem:s22+$0x630];
	_ =	sdelay $0x1  }
0x220: {  	v2 =	vld [tilespmem:s20+$0xF530];
	_ =	sdelay $0x2  }
0x221: {  	v0 =	vadd.f32 v1, v0;
	_ =	sdelay $0x1  }
0x222: {  	v0 =	vsub.f32 v0, v2;
	_ =	sdelay $0x1  }
0x223: {  	[tilespmem:s20+$0x17530] =	vst v0;
	v0 =	vld [tilespmem:s20+$0x7580]  }
0x224: {  	v1 =	vld [tilespmem:s21+$0x600];
	_ =	sdelay $0x1  }
0x225: {  	v2 =	vld [tilespmem:s20+$0xF580];
	_ =	sdelay $0x2  }
0x226: {  	v0 =	vadd.f32 v1, v0;
	_ =	sdelay $0x1  }
0x227: {  	v0 =	vsub.f32 v0, v2;
	_ =	sdelay $0x1  }
0x228: {  	[tilespmem:s20+$0x17580] =	vst v0;
	v0 =	vld [tilespmem:s20+$0x7590]  }
0x229: {  	v1 =	vld [tilespmem:s21+$0x610];
	_ =	sdelay $0x1  }
0x22a: {  	v2 =	vld [tilespmem:s20+$0xF590];
	_ =	sdelay $0x2  }
0x22b: {  	v0 =	vadd.f32 v1, v0;
	_ =	sdelay $0x1  }
0x22c: {  	v0 =	vsub.f32 v0, v2;
	_ =	sdelay $0x1  }
0x22d: {  	[tilespmem:s20+$0x17590] =	vst v0;
	v0 =	vld [tilespmem:s20+$0x75A0]  }
0x22e: {  	v1 =	vld [tilespmem:s21+$0x620];
	_ =	sdelay $0x1  }
0x22f: {  	v2 =	vld [tilespmem:s20+$0xF5A0];
	_ =	sdelay $0x2  }
0x230: {  	v0 =	vadd.f32 v1, v0;
	_ =	sdelay $0x1  }
0x231: {  	v0 =	vsub.f32 v0, v2;
	_ =	sdelay $0x1  }
0x232: {  	[tilespmem:s20+$0x175A0] =	vst v0;
	v0 =	vld [tilespmem:s20+$0x75B0]  }
0x233: {  	v1 =	vld [tilespmem:s21+$0x630];
	_ =	sdelay $0x1  }
0x234: {  	v2 =	vld [tilespmem:s20+$0xF5B0];
	_ =	sdelay $0x2  }
0x235: {  	v0 =	vadd.f32 v1, v0  }
.Ltmp1:
0x236: {  	(pc) =	sbr.rel @p0 .LBB2_4-.Ltmp1, $3  }
0x237: {  	v0 =	vsub.f32 v0, v2;
	_ =	sdelay $0x1  }
0x238: {  	s18 =	sadd.s32 $0x10, s18;
	[tilespmem:s20+$0x175B0] =	vst v0  }
0x239: {  	s19 =	sadd.s32 $0x2000, s19;
	v0 =	vld [tilespmem:s18+$0x0]  }
0x23a: {  	_ =	sdelay $0x3  }
0x23b: {  	v0 =	vshll.u32 v0, $0x9  }
0x23c: {  	v0 =	vshra.s32 v0, $0x2  }
0x23d: {  	(v2sf) =	vpush v0, $0x0;
	_ =	sdelay $0xd  }
0x23e: {  	s17 =	sshra.s32 s17, $0x2  }
0x23f: {  	v1 =	vld [tilespmem:s17+$0x6E00];
	s0 =	spop (v2sf)  }
0x240: {  	v2 =	vld [tilespmem:s0+$0x600];
	_ =	sdelay $0x1  }
0x241: {  	v3 =	vld [tilespmem:s17+$0xEE00];
	_ =	sdelay $0x2  }
0x242: {  	v1 =	vadd.f32 v2, v1;
	_ =	sdelay $0x1  }
0x243: {  	v1 =	vsub.f32 v1, v3;
	_ =	sdelay $0x1  }
0x244: {  	v44 =	vld [tilespmem:s17+$0x6E10];
	[tilespmem:s17+$0x16E00] =	vst v1  }
0x245: {  	v45 =	vld [tilespmem:s0+$0x610];
	_ =	sdelay $0x1  }
0x246: {  	v46 =	vld [tilespmem:s17+$0xEE10];
	_ =	sdelay $0x2  }
0x247: {  	v1 =	vadd.f32 v45, v44;
	_ =	sdelay $0x1  }
0x248: {  	v1 =	vsub.f32 v1, v46;
	_ =	sdelay $0x1  }
0x249: {  	v47 =	vld [tilespmem:s17+$0x6E20];
	[tilespmem:s17+$0x16E10] =	vst v1  }
0x24a: {  	v48 =	vld [tilespmem:s0+$0x620];
	_ =	sdelay $0x1  }
0x24b: {  	v49 =	vld [tilespmem:s17+$0xEE20];
	_ =	sdelay $0x1  }
0x24c: {  	(v2sf) =	vpush v0, $0x1  }
0x24d: {  	v1 =	vadd.f32 v48, v47;
	_ =	sdelay $0x1  }
0x24e: {  	v1 =	vsub.f32 v1, v49;
	_ =	sdelay $0x1  }
0x24f: {  	v50 =	vld [tilespmem:s17+$0x6E30];
	[tilespmem:s17+$0x16E20] =	vst v1  }
0x250: {  	v51 =	vld [tilespmem:s0+$0x630];
	_ =	sdelay $0x1  }
0x251: {  	v52 =	vld [tilespmem:s17+$0xEE30];
	_ =	sdelay $0x2  }
0x252: {  	v1 =	vadd.f32 v51, v50;
	_ =	sdelay $0x1  }
0x253: {  	v1 =	vsub.f32 v1, v52;
	_ =	sdelay $0x1  }
0x254: {  	v53 =	vld [tilespmem:s17+$0x6E80];
	s6 =	spop (v2sf);
	[tilespmem:s17+$0x16E30] =	vst v1  }
0x255: {  	v54 =	vld [tilespmem:s6+$0x600];
	_ =	sdelay $0x1  }
0x256: {  	v55 =	vld [tilespmem:s17+$0xEE80];
	_ =	sdelay $0x2  }
0x257: {  	v1 =	vadd.f32 v54, v53;
	_ =	sdelay $0x1  }
0x258: {  	v1 =	vsub.f32 v1, v55;
	_ =	sdelay $0x1  }
0x259: {  	v56 =	vld [tilespmem:s17+$0x6E90];
	[tilespmem:s17+$0x16E80] =	vst v1  }
0x25a: {  	v57 =	vld [tilespmem:s6+$0x610];
	_ =	sdelay $0x1  }
0x25b: {  	v58 =	vld [tilespmem:s17+$0xEE90];
	_ =	sdelay $0x2  }
0x25c: {  	v1 =	vadd.f32 v57, v56;
	_ =	sdelay $0x1  }
0x25d: {  	v1 =	vsub.f32 v1, v58;
	_ =	sdelay $0x1  }
0x25e: {  	v59 =	vld [tilespmem:s17+$0x6EA0];
	[tilespmem:s17+$0x16E90] =	vst v1  }
0x25f: {  	v60 =	vld [tilespmem:s6+$0x620];
	_ =	sdelay $0x1  }
0x260: {  	v61 =	vld [tilespmem:s17+$0xEEA0];
	_ =	sdelay $0x1  }
0x261: {  	(v2sf) =	vpush v0, $0x2  }
0x262: {  	v1 =	vadd.f32 v60, v59;
	_ =	sdelay $0x1  }
0x263: {  	v1 =	vsub.f32 v1, v61;
	_ =	sdelay $0x1  }
0x264: {  	v62 =	vld [tilespmem:s17+$0x6EB0];
	[tilespmem:s17+$0x16EA0] =	vst v1  }
0x265: {  	v63 =	vld [tilespmem:s6+$0x630];
	_ =	sdelay $0x1  }
0x266: {  	v6 =	vld [tilespmem:s17+$0xEEB0];
	_ =	sdelay $0x2  }
0x267: {  	v1 =	vadd.f32 v63, v62;
	_ =	sdelay $0x1  }
0x268: {  	v1 =	vsub.f32 v1, v6;
	_ =	sdelay $0x1  }
0x269: {  	v7 =	vld [tilespmem:s17+$0x6F00];
	s7 =	spop (v2sf);
	[tilespmem:s17+$0x16EB0] =	vst v1  }
0x26a: {  	v8 =	vld [tilespmem:s7+$0x600];
	_ =	sdelay $0x1  }
0x26b: {  	v9 =	vld [tilespmem:s17+$0xEF00];
	_ =	sdelay $0x2  }
0x26c: {  	v1 =	vadd.f32 v8, v7;
	_ =	sdelay $0x1  }
0x26d: {  	v1 =	vsub.f32 v1, v9;
	_ =	sdelay $0x1  }
0x26e: {  	v10 =	vld [tilespmem:s17+$0x6F10];
	[tilespmem:s17+$0x16F00] =	vst v1  }
0x26f: {  	v11 =	vld [tilespmem:s7+$0x610];
	_ =	sdelay $0x1  }
0x270: {  	v12 =	vld [tilespmem:s17+$0xEF10];
	_ =	sdelay $0x2  }
0x271: {  	v1 =	vadd.f32 v11, v10;
	_ =	sdelay $0x1  }
0x272: {  	v1 =	vsub.f32 v1, v12;
	_ =	sdelay $0x1  }
0x273: {  	v13 =	vld [tilespmem:s17+$0x6F20];
	[tilespmem:s17+$0x16F10] =	vst v1  }
0x274: {  	v14 =	vld [tilespmem:s7+$0x620];
	_ =	sdelay $0x1  }
0x275: {  	v15 =	vld [tilespmem:s17+$0xEF20];
	_ =	sdelay $0x1  }
0x276: {  	(v2sf) =	vpush v0, $0x3  }
0x277: {  	v1 =	vadd.f32 v14, v13;
	_ =	sdelay $0x1  }
0x278: {  	v1 =	vsub.f32 v1, v15;
	_ =	sdelay $0x1  }
0x279: {  	v16 =	vld [tilespmem:s17+$0x6F30];
	[tilespmem:s17+$0x16F20] =	vst v1  }
0x27a: {  	v17 =	vld [tilespmem:s7+$0x630];
	_ =	sdelay $0x1  }
0x27b: {  	v18 =	vld [tilespmem:s17+$0xEF30];
	_ =	sdelay $0x2  }
0x27c: {  	v1 =	vadd.f32 v17, v16;
	_ =	sdelay $0x1  }
0x27d: {  	v1 =	vsub.f32 v1, v18;
	_ =	sdelay $0x1  }
0x27e: {  	v19 =	vld [tilespmem:s17+$0x6F80];
	s8 =	spop (v2sf);
	[tilespmem:s17+$0x16F30] =	vst v1  }
0x27f: {  	v20 =	vld [tilespmem:s8+$0x600];
	_ =	sdelay $0x1  }
0x280: {  	v21 =	vld [tilespmem:s17+$0xEF80];
	_ =	sdelay $0x2  }
0x281: {  	v1 =	vadd.f32 v20, v19;
	_ =	sdelay $0x1  }
0x282: {  	v1 =	vsub.f32 v1, v21;
	_ =	sdelay $0x1  }
0x283: {  	v22 =	vld [tilespmem:s17+$0x6F90];
	[tilespmem:s17+$0x16F80] =	vst v1  }
0x284: {  	v23 =	vld [tilespmem:s8+$0x610];
	_ =	sdelay $0x1  }
0x285: {  	v24 =	vld [tilespmem:s17+$0xEF90];
	_ =	sdelay $0x2  }
0x286: {  	v1 =	vadd.f32 v23, v22;
	_ =	sdelay $0x1  }
0x287: {  	v1 =	vsub.f32 v1, v24;
	_ =	sdelay $0x1  }
0x288: {  	v25 =	vld [tilespmem:s17+$0x6FA0];
	[tilespmem:s17+$0x16F90] =	vst v1  }
0x289: {  	v26 =	vld [tilespmem:s8+$0x620];
	_ =	sdelay $0x1  }
0x28a: {  	v27 =	vld [tilespmem:s17+$0xEFA0];
	_ =	sdelay $0x1  }
0x28b: {  	(v2sf) =	vpush v0, $0x4  }
0x28c: {  	v1 =	vadd.f32 v26, v25;
	_ =	sdelay $0x1  }
0x28d: {  	v1 =	vsub.f32 v1, v27;
	_ =	sdelay $0x1  }
0x28e: {  	v28 =	vld [tilespmem:s17+$0x6FB0];
	[tilespmem:s17+$0x16FA0] =	vst v1  }
0x28f: {  	v29 =	vld [tilespmem:s8+$0x630];
	_ =	sdelay $0x1  }
0x290: {  	v30 =	vld [tilespmem:s17+$0xEFB0];
	_ =	sdelay $0x2  }
0x291: {  	v1 =	vadd.f32 v29, v28;
	_ =	sdelay $0x1  }
0x292: {  	v1 =	vsub.f32 v1, v30;
	_ =	sdelay $0x1  }
0x293: {  	v31 =	vld [tilespmem:s17+$0x7000];
	s9 =	spop (v2sf);
	[tilespmem:s17+$0x16FB0] =	vst v1  }
0x294: {  	v32 =	vld [tilespmem:s9+$0x600];
	_ =	sdelay $0x1  }
0x295: {  	v33 =	vld [tilespmem:s17+$0xF000];
	_ =	sdelay $0x2  }
0x296: {  	v1 =	vadd.f32 v32, v31;
	_ =	sdelay $0x1  }
0x297: {  	v1 =	vsub.f32 v1, v33;
	_ =	sdelay $0x1  }
0x298: {  	v34 =	vld [tilespmem:s17+$0x7010];
	[tilespmem:s17+$0x17000] =	vst v1  }
0x299: {  	v35 =	vld [tilespmem:s9+$0x610];
	_ =	sdelay $0x1  }
0x29a: {  	v36 =	vld [tilespmem:s17+$0xF010];
	_ =	sdelay $0x2  }
0x29b: {  	v1 =	vadd.f32 v35, v34;
	_ =	sdelay $0x1  }
0x29c: {  	v1 =	vsub.f32 v1, v36;
	_ =	sdelay $0x1  }
0x29d: {  	v37 =	vld [tilespmem:s17+$0x7020];
	[tilespmem:s17+$0x17010] =	vst v1  }
0x29e: {  	v38 =	vld [tilespmem:s9+$0x620];
	_ =	sdelay $0x1  }
0x29f: {  	v39 =	vld [tilespmem:s17+$0xF020];
	_ =	sdelay $0x1  }
0x2a0: {  	(v2sf) =	vpush v0, $0x5  }
0x2a1: {  	v1 =	vadd.f32 v38, v37;
	_ =	sdelay $0x1  }
0x2a2: {  	v1 =	vsub.f32 v1, v39;
	_ =	sdelay $0x1  }
0x2a3: {  	v40 =	vld [tilespmem:s17+$0x7030];
	[tilespmem:s17+$0x17020] =	vst v1  }
0x2a4: {  	v41 =	vld [tilespmem:s9+$0x630];
	_ =	sdelay $0x1  }
0x2a5: {  	v42 =	vld [tilespmem:s17+$0xF030];
	_ =	sdelay $0x2  }
0x2a6: {  	v1 =	vadd.f32 v41, v40;
	_ =	sdelay $0x1  }
0x2a7: {  	v1 =	vsub.f32 v1, v42;
	_ =	sdelay $0x1  }
0x2a8: {  	v43 =	vld [tilespmem:s17+$0x7080];
	s10 =	spop (v2sf);
	[tilespmem:s17+$0x17030] =	vst v1  }
0x2a9: {  	v44 =	vld [tilespmem:s10+$0x600];
	_ =	sdelay $0x1  }
0x2aa: {  	v45 =	vld [tilespmem:s17+$0xF080];
	_ =	sdelay $0x2  }
0x2ab: {  	v1 =	vadd.f32 v44, v43;
	_ =	sdelay $0x1  }
0x2ac: {  	v1 =	vsub.f32 v1, v45;
	_ =	sdelay $0x1  }
0x2ad: {  	v46 =	vld [tilespmem:s17+$0x7090];
	[tilespmem:s17+$0x17080] =	vst v1  }
0x2ae: {  	v47 =	vld [tilespmem:s10+$0x610];
	_ =	sdelay $0x1  }
0x2af: {  	v48 =	vld [tilespmem:s17+$0xF090];
	_ =	sdelay $0x2  }
0x2b0: {  	v1 =	vadd.f32 v47, v46;
	_ =	sdelay $0x1  }
0x2b1: {  	v1 =	vsub.f32 v1, v48;
	_ =	sdelay $0x1  }
0x2b2: {  	v49 =	vld [tilespmem:s17+$0x70A0];
	[tilespmem:s17+$0x17090] =	vst v1  }
0x2b3: {  	v50 =	vld [tilespmem:s10+$0x620];
	_ =	sdelay $0x1  }
0x2b4: {  	v51 =	vld [tilespmem:s17+$0xF0A0];
	_ =	sdelay $0x1  }
0x2b5: {  	(v2sf) =	vpush v0, $0x6  }
0x2b6: {  	v1 =	vadd.f32 v50, v49;
	_ =	sdelay $0x1  }
0x2b7: {  	v1 =	vsub.f32 v1, v51;
	_ =	sdelay $0x1  }
0x2b8: {  	v52 =	vld [tilespmem:s17+$0x70B0];
	[tilespmem:s17+$0x170A0] =	vst v1  }
0x2b9: {  	v53 =	vld [tilespmem:s10+$0x630];
	_ =	sdelay $0x1  }
0x2ba: {  	v54 =	vld [tilespmem:s17+$0xF0B0];
	_ =	sdelay $0x2  }
0x2bb: {  	v1 =	vadd.f32 v53, v52;
	_ =	sdelay $0x1  }
0x2bc: {  	v1 =	vsub.f32 v1, v54;
	_ =	sdelay $0x1  }
0x2bd: {  	s12 =	spop (v2sf);
	v55 =	vld [tilespmem:s17+$0x7100];
	[tilespmem:s17+$0x170B0] =	vst v1  }
0x2be: {  	v56 =	vld [tilespmem:s12+$0x600];
	_ =	sdelay $0x1  }
0x2bf: {  	v57 =	vld [tilespmem:s17+$0xF100];
	_ =	sdelay $0x2  }
0x2c0: {  	v1 =	vadd.f32 v56, v55;
	_ =	sdelay $0x1  }
0x2c1: {  	v1 =	vsub.f32 v1, v57;
	_ =	sdelay $0x1  }
0x2c2: {  	v58 =	vld [tilespmem:s17+$0x7110];
	[tilespmem:s17+$0x17100] =	vst v1  }
0x2c3: {  	v59 =	vld [tilespmem:s12+$0x610];
	_ =	sdelay $0x1  }
0x2c4: {  	v60 =	vld [tilespmem:s17+$0xF110];
	_ =	sdelay $0x2  }
0x2c5: {  	v1 =	vadd.f32 v59, v58;
	_ =	sdelay $0x1  }
0x2c6: {  	v1 =	vsub.f32 v1, v60;
	_ =	sdelay $0x1  }
0x2c7: {  	v61 =	vld [tilespmem:s17+$0x7120];
	[tilespmem:s17+$0x17110] =	vst v1  }
0x2c8: {  	v62 =	vld [tilespmem:s12+$0x620];
	_ =	sdelay $0x1  }
0x2c9: {  	v63 =	vld [tilespmem:s17+$0xF120];
	_ =	sdelay $0x1  }
0x2ca: {  	(v2sf) =	vpush v0, $0x7  }
0x2cb: {  	v1 =	vadd.f32 v62, v61;
	_ =	sdelay $0x1  }
0x2cc: {  	v1 =	vsub.f32 v1, v63;
	_ =	sdelay $0x1  }
0x2cd: {  	v6 =	vld [tilespmem:s17+$0x7130];
	[tilespmem:s17+$0x17120] =	vst v1  }
0x2ce: {  	v7 =	vld [tilespmem:s12+$0x630];
	_ =	sdelay $0x1  }
0x2cf: {  	v8 =	vld [tilespmem:s17+$0xF130];
	_ =	sdelay $0x2  }
0x2d0: {  	v1 =	vadd.f32 v7, v6;
	_ =	sdelay $0x1  }
0x2d1: {  	v1 =	vsub.f32 v1, v8;
	_ =	sdelay $0x1  }
0x2d2: {  	s13 =	spop (v2sf);
	v9 =	vld [tilespmem:s17+$0x7180];
	[tilespmem:s17+$0x17130] =	vst v1  }
0x2d3: {  	v10 =	vld [tilespmem:s13+$0x600];
	_ =	sdelay $0x1  }
0x2d4: {  	v11 =	vld [tilespmem:s17+$0xF180];
	_ =	sdelay $0x2  }
0x2d5: {  	v1 =	vadd.f32 v10, v9;
	_ =	sdelay $0x1  }
0x2d6: {  	v1 =	vsub.f32 v1, v11;
	_ =	sdelay $0x1  }
0x2d7: {  	v12 =	vld [tilespmem:s17+$0x7190];
	[tilespmem:s17+$0x17180] =	vst v1  }
0x2d8: {  	v13 =	vld [tilespmem:s13+$0x610];
	_ =	sdelay $0x1  }
0x2d9: {  	v14 =	vld [tilespmem:s17+$0xF190];
	_ =	sdelay $0x2  }
0x2da: {  	v1 =	vadd.f32 v13, v12;
	_ =	sdelay $0x1  }
0x2db: {  	v1 =	vsub.f32 v1, v14;
	_ =	sdelay $0x1  }
0x2dc: {  	v15 =	vld [tilespmem:s17+$0x71A0];
	[tilespmem:s17+$0x17190] =	vst v1  }
0x2dd: {  	v16 =	vld [tilespmem:s13+$0x620];
	_ =	sdelay $0x1  }
0x2de: {  	v17 =	vld [tilespmem:s17+$0xF1A0];
	_ =	sdelay $0x1  }
0x2df: {  	(v2sf) =	vpush v0, $0x8  }
0x2e0: {  	v1 =	vadd.f32 v16, v15;
	_ =	sdelay $0x1  }
0x2e1: {  	v1 =	vsub.f32 v1, v17;
	_ =	sdelay $0x1  }
0x2e2: {  	v18 =	vld [tilespmem:s17+$0x71B0];
	[tilespmem:s17+$0x171A0] =	vst v1  }
0x2e3: {  	v19 =	vld [tilespmem:s13+$0x630];
	_ =	sdelay $0x1  }
0x2e4: {  	v20 =	vld [tilespmem:s17+$0xF1B0];
	_ =	sdelay $0x2  }
0x2e5: {  	v1 =	vadd.f32 v19, v18;
	_ =	sdelay $0x1  }
0x2e6: {  	v1 =	vsub.f32 v1, v20;
	_ =	sdelay $0x1  }
0x2e7: {  	s14 =	spop (v2sf);
	v21 =	vld [tilespmem:s17+$0x7200];
	[tilespmem:s17+$0x171B0] =	vst v1  }
0x2e8: {  	v22 =	vld [tilespmem:s14+$0x600];
	_ =	sdelay $0x1  }
0x2e9: {  	v23 =	vld [tilespmem:s17+$0xF200];
	_ =	sdelay $0x2  }
0x2ea: {  	v1 =	vadd.f32 v22, v21;
	_ =	sdelay $0x1  }
0x2eb: {  	v1 =	vsub.f32 v1, v23;
	_ =	sdelay $0x1  }
0x2ec: {  	v24 =	vld [tilespmem:s17+$0x7210];
	[tilespmem:s17+$0x17200] =	vst v1  }
0x2ed: {  	v25 =	vld [tilespmem:s14+$0x610];
	_ =	sdelay $0x1  }
0x2ee: {  	v26 =	vld [tilespmem:s17+$0xF210];
	_ =	sdelay $0x2  }
0x2ef: {  	v1 =	vadd.f32 v25, v24;
	_ =	sdelay $0x1  }
0x2f0: {  	v1 =	vsub.f32 v1, v26;
	_ =	sdelay $0x1  }
0x2f1: {  	v27 =	vld [tilespmem:s17+$0x7220];
	[tilespmem:s17+$0x17210] =	vst v1  }
0x2f2: {  	v28 =	vld [tilespmem:s14+$0x620];
	_ =	sdelay $0x1  }
0x2f3: {  	v29 =	vld [tilespmem:s17+$0xF220];
	_ =	sdelay $0x1  }
0x2f4: {  	(v2sf) =	vpush v0, $0x9  }
0x2f5: {  	v1 =	vadd.f32 v28, v27;
	_ =	sdelay $0x1  }
0x2f6: {  	v1 =	vsub.f32 v1, v29;
	_ =	sdelay $0x1  }
0x2f7: {  	v30 =	vld [tilespmem:s17+$0x7230];
	[tilespmem:s17+$0x17220] =	vst v1  }
0x2f8: {  	v31 =	vld [tilespmem:s14+$0x630];
	_ =	sdelay $0x1  }
0x2f9: {  	v32 =	vld [tilespmem:s17+$0xF230];
	_ =	sdelay $0x2  }
0x2fa: {  	v1 =	vadd.f32 v31, v30;
	_ =	sdelay $0x1  }
0x2fb: {  	v1 =	vsub.f32 v1, v32;
	_ =	sdelay $0x1  }
0x2fc: {  	s15 =	spop (v2sf);
	v33 =	vld [tilespmem:s17+$0x7280];
	[tilespmem:s17+$0x17230] =	vst v1  }
0x2fd: {  	v34 =	vld [tilespmem:s15+$0x600];
	_ =	sdelay $0x1  }
0x2fe: {  	v35 =	vld [tilespmem:s17+$0xF280];
	_ =	sdelay $0x2  }
0x2ff: {  	v1 =	vadd.f32 v34, v33;
	_ =	sdelay $0x1  }
0x300: {  	v1 =	vsub.f32 v1, v35;
	_ =	sdelay $0x1  }
0x301: {  	v36 =	vld [tilespmem:s17+$0x7290];
	[tilespmem:s17+$0x17280] =	vst v1  }
0x302: {  	v37 =	vld [tilespmem:s15+$0x610];
	_ =	sdelay $0x1  }
0x303: {  	v38 =	vld [tilespmem:s17+$0xF290];
	_ =	sdelay $0x2  }
0x304: {  	v1 =	vadd.f32 v37, v36;
	_ =	sdelay $0x1  }
0x305: {  	v1 =	vsub.f32 v1, v38;
	_ =	sdelay $0x1  }
0x306: {  	v39 =	vld [tilespmem:s17+$0x72A0];
	[tilespmem:s17+$0x17290] =	vst v1  }
0x307: {  	v40 =	vld [tilespmem:s15+$0x620];
	_ =	sdelay $0x1  }
0x308: {  	v41 =	vld [tilespmem:s17+$0xF2A0];
	_ =	sdelay $0x1  }
0x309: {  	(v2sf) =	vpush v0, $0xA  }
0x30a: {  	v1 =	vadd.f32 v40, v39;
	_ =	sdelay $0x1  }
0x30b: {  	v1 =	vsub.f32 v1, v41;
	_ =	sdelay $0x1  }
0x30c: {  	v42 =	vld [tilespmem:s17+$0x72B0];
	[tilespmem:s17+$0x172A0] =	vst v1  }
0x30d: {  	v43 =	vld [tilespmem:s15+$0x630];
	_ =	sdelay $0x1  }
0x30e: {  	v44 =	vld [tilespmem:s17+$0xF2B0];
	_ =	sdelay $0x2  }
0x30f: {  	v1 =	vadd.f32 v43, v42;
	_ =	sdelay $0x1  }
0x310: {  	v1 =	vsub.f32 v1, v44;
	_ =	sdelay $0x1  }
0x311: {  	s16 =	spop (v2sf);
	v45 =	vld [tilespmem:s17+$0x7300];
	[tilespmem:s17+$0x172B0] =	vst v1  }
0x312: {  	v46 =	vld [tilespmem:s16+$0x600];
	_ =	sdelay $0x1  }
0x313: {  	v47 =	vld [tilespmem:s17+$0xF300];
	_ =	sdelay $0x2  }
0x314: {  	v1 =	vadd.f32 v46, v45;
	_ =	sdelay $0x1  }
0x315: {  	v1 =	vsub.f32 v1, v47;
	_ =	sdelay $0x1  }
0x316: {  	v48 =	vld [tilespmem:s17+$0x7310];
	[tilespmem:s17+$0x17300] =	vst v1  }
0x317: {  	v49 =	vld [tilespmem:s16+$0x610];
	_ =	sdelay $0x1  }
0x318: {  	v50 =	vld [tilespmem:s17+$0xF310];
	_ =	sdelay $0x2  }
0x319: {  	v1 =	vadd.f32 v49, v48;
	_ =	sdelay $0x1  }
0x31a: {  	v1 =	vsub.f32 v1, v50;
	_ =	sdelay $0x1  }
0x31b: {  	v51 =	vld [tilespmem:s17+$0x7320];
	[tilespmem:s17+$0x17310] =	vst v1  }
0x31c: {  	v52 =	vld [tilespmem:s16+$0x620];
	_ =	sdelay $0x1  }
0x31d: {  	v53 =	vld [tilespmem:s17+$0xF320];
	_ =	sdelay $0x1  }
0x31e: {  	(v2sf) =	vpush v0, $0xB  }
0x31f: {  	v1 =	vadd.f32 v52, v51;
	_ =	sdelay $0x1  }
0x320: {  	v1 =	vsub.f32 v1, v53;
	_ =	sdelay $0x1  }
0x321: {  	v54 =	vld [tilespmem:s17+$0x7330];
	[tilespmem:s17+$0x17320] =	vst v1  }
0x322: {  	v55 =	vld [tilespmem:s16+$0x630];
	_ =	sdelay $0x1  }
0x323: {  	v56 =	vld [tilespmem:s17+$0xF330];
	_ =	sdelay $0x2  }
0x324: {  	v1 =	vadd.f32 v55, v54;
	_ =	sdelay $0x1  }
0x325: {  	v1 =	vsub.f32 v1, v56;
	_ =	sdelay $0x1  }
0x326: {  	s18 =	spop (v2sf);
	v57 =	vld [tilespmem:s17+$0x7380];
	[tilespmem:s17+$0x17330] =	vst v1  }
0x327: {  	v58 =	vld [tilespmem:s18+$0x600];
	_ =	sdelay $0x1  }
0x328: {  	v59 =	vld [tilespmem:s17+$0xF380];
	_ =	sdelay $0x2  }
0x329: {  	v1 =	vadd.f32 v58, v57;
	_ =	sdelay $0x1  }
0x32a: {  	v1 =	vsub.f32 v1, v59;
	_ =	sdelay $0x1  }
0x32b: {  	v60 =	vld [tilespmem:s17+$0x7390];
	[tilespmem:s17+$0x17380] =	vst v1  }
0x32c: {  	v61 =	vld [tilespmem:s18+$0x610];
	_ =	sdelay $0x1  }
0x32d: {  	v62 =	vld [tilespmem:s17+$0xF390];
	_ =	sdelay $0x2  }
0x32e: {  	v1 =	vadd.f32 v61, v60;
	_ =	sdelay $0x1  }
0x32f: {  	v1 =	vsub.f32 v1, v62;
	_ =	sdelay $0x1  }
0x330: {  	v63 =	vld [tilespmem:s17+$0x73A0];
	[tilespmem:s17+$0x17390] =	vst v1  }
0x331: {  	v6 =	vld [tilespmem:s18+$0x620];
	_ =	sdelay $0x1  }
0x332: {  	v7 =	vld [tilespmem:s17+$0xF3A0];
	_ =	sdelay $0x1  }
0x333: {  	(v2sf) =	vpush v0, $0xC  }
0x334: {  	v1 =	vadd.f32 v6, v63;
	_ =	sdelay $0x1  }
0x335: {  	v1 =	vsub.f32 v1, v7;
	_ =	sdelay $0x1  }
0x336: {  	v8 =	vld [tilespmem:s17+$0x73B0];
	[tilespmem:s17+$0x173A0] =	vst v1  }
0x337: {  	v9 =	vld [tilespmem:s18+$0x630];
	_ =	sdelay $0x1  }
0x338: {  	v10 =	vld [tilespmem:s17+$0xF3B0];
	_ =	sdelay $0x2  }
0x339: {  	v1 =	vadd.f32 v9, v8;
	_ =	sdelay $0x1  }
0x33a: {  	v1 =	vsub.f32 v1, v10;
	_ =	sdelay $0x1  }
0x33b: {  	s19 =	spop (v2sf);
	v11 =	vld [tilespmem:s17+$0x7400];
	[tilespmem:s17+$0x173B0] =	vst v1  }
0x33c: {  	v12 =	vld [tilespmem:s19+$0x600];
	_ =	sdelay $0x1  }
0x33d: {  	v13 =	vld [tilespmem:s17+$0xF400];
	_ =	sdelay $0x2  }
0x33e: {  	v1 =	vadd.f32 v12, v11;
	_ =	sdelay $0x1  }
0x33f: {  	v1 =	vsub.f32 v1, v13;
	_ =	sdelay $0x1  }
0x340: {  	v14 =	vld [tilespmem:s17+$0x7410];
	[tilespmem:s17+$0x17400] =	vst v1  }
0x341: {  	v15 =	vld [tilespmem:s19+$0x610];
	_ =	sdelay $0x1  }
0x342: {  	v16 =	vld [tilespmem:s17+$0xF410];
	_ =	sdelay $0x2  }
0x343: {  	v1 =	vadd.f32 v15, v14;
	_ =	sdelay $0x1  }
0x344: {  	v1 =	vsub.f32 v1, v16;
	_ =	sdelay $0x1  }
0x345: {  	v17 =	vld [tilespmem:s17+$0x7420];
	[tilespmem:s17+$0x17410] =	vst v1  }
0x346: {  	v18 =	vld [tilespmem:s19+$0x620];
	_ =	sdelay $0x1  }
0x347: {  	v19 =	vld [tilespmem:s17+$0xF420];
	_ =	sdelay $0x1  }
0x348: {  	(v2sf) =	vpush v0, $0xD  }
0x349: {  	v1 =	vadd.f32 v18, v17;
	_ =	sdelay $0x1  }
0x34a: {  	v1 =	vsub.f32 v1, v19;
	_ =	sdelay $0x1  }
0x34b: {  	v20 =	vld [tilespmem:s17+$0x7430];
	[tilespmem:s17+$0x17420] =	vst v1  }
0x34c: {  	v21 =	vld [tilespmem:s19+$0x630];
	_ =	sdelay $0x1  }
0x34d: {  	v22 =	vld [tilespmem:s17+$0xF430];
	_ =	sdelay $0x2  }
0x34e: {  	v1 =	vadd.f32 v21, v20;
	_ =	sdelay $0x1  }
0x34f: {  	v1 =	vsub.f32 v1, v22;
	_ =	sdelay $0x1  }
0x350: {  	s20 =	spop (v2sf);
	v23 =	vld [tilespmem:s17+$0x7480];
	[tilespmem:s17+$0x17430] =	vst v1  }
0x351: {  	v24 =	vld [tilespmem:s20+$0x600];
	_ =	sdelay $0x1  }
0x352: {  	v25 =	vld [tilespmem:s17+$0xF480];
	_ =	sdelay $0x2  }
0x353: {  	v1 =	vadd.f32 v24, v23;
	_ =	sdelay $0x1  }
0x354: {  	v1 =	vsub.f32 v1, v25;
	_ =	sdelay $0x1  }
0x355: {  	v26 =	vld [tilespmem:s17+$0x7490];
	[tilespmem:s17+$0x17480] =	vst v1  }
0x356: {  	v27 =	vld [tilespmem:s20+$0x610];
	_ =	sdelay $0x1  }
0x357: {  	v28 =	vld [tilespmem:s17+$0xF490];
	_ =	sdelay $0x2  }
0x358: {  	v1 =	vadd.f32 v27, v26;
	_ =	sdelay $0x1  }
0x359: {  	v1 =	vsub.f32 v1, v28;
	_ =	sdelay $0x1  }
0x35a: {  	v29 =	vld [tilespmem:s17+$0x74A0];
	[tilespmem:s17+$0x17490] =	vst v1  }
0x35b: {  	v30 =	vld [tilespmem:s20+$0x620];
	_ =	sdelay $0x1  }
0x35c: {  	v31 =	vld [tilespmem:s17+$0xF4A0];
	_ =	sdelay $0x1  }
0x35d: {  	(v2sf) =	vpush v0, $0xE  }
0x35e: {  	v1 =	vadd.f32 v30, v29;
	_ =	sdelay $0x1  }
0x35f: {  	v1 =	vsub.f32 v1, v31;
	_ =	sdelay $0x1  }
0x360: {  	v32 =	vld [tilespmem:s17+$0x74B0];
	[tilespmem:s17+$0x174A0] =	vst v1  }
0x361: {  	v33 =	vld [tilespmem:s20+$0x630];
	_ =	sdelay $0x1  }
0x362: {  	v34 =	vld [tilespmem:s17+$0xF4B0];
	_ =	sdelay $0x2  }
0x363: {  	v1 =	vadd.f32 v33, v32;
	_ =	sdelay $0x1  }
0x364: {  	v1 =	vsub.f32 v1, v34;
	_ =	sdelay $0x1  }
0x365: {  	s21 =	spop (v2sf);
	v35 =	vld [tilespmem:s17+$0x7500];
	[tilespmem:s17+$0x174B0] =	vst v1  }
0x366: {  	v36 =	vld [tilespmem:s21+$0x600];
	_ =	sdelay $0x1  }
0x367: {  	v37 =	vld [tilespmem:s17+$0xF500];
	_ =	sdelay $0x2  }
0x368: {  	v1 =	vadd.f32 v36, v35;
	_ =	sdelay $0x1  }
0x369: {  	v1 =	vsub.f32 v1, v37;
	_ =	sdelay $0x1  }
0x36a: {  	v38 =	vld [tilespmem:s17+$0x7510];
	[tilespmem:s17+$0x17500] =	vst v1  }
0x36b: {  	v39 =	vld [tilespmem:s21+$0x610];
	_ =	sdelay $0x1  }
0x36c: {  	v40 =	vld [tilespmem:s17+$0xF510];
	_ =	sdelay $0x2  }
0x36d: {  	v1 =	vadd.f32 v39, v38;
	_ =	sdelay $0x1  }
0x36e: {  	v1 =	vsub.f32 v1, v40;
	_ =	sdelay $0x1  }
0x36f: {  	v41 =	vld [tilespmem:s17+$0x7520];
	[tilespmem:s17+$0x17510] =	vst v1  }
0x370: {  	v42 =	vld [tilespmem:s21+$0x620];
	_ =	sdelay $0x1  }
0x371: {  	v43 =	vld [tilespmem:s17+$0xF520];
	_ =	sdelay $0x1  }
0x372: {  	(v2sf) =	vpush v0, $0xF  }
0x373: {  	v44 =	vadd.f32 v42, v41;
	_ =	sdelay $0x1  }
0x374: {  	v0 =	vsub.f32 v44, v43;
	_ =	sdelay $0x1  }
0x375: {  	v45 =	vld [tilespmem:s17+$0x7530];
	[tilespmem:s17+$0x17520] =	vst v0  }
0x376: {  	v46 =	vld [tilespmem:s21+$0x630];
	_ =	sdelay $0x1  }
0x377: {  	v47 =	vld [tilespmem:s17+$0xF530];
	_ =	sdelay $0x2  }
0x378: {  	v0 =	vadd.f32 v46, v45;
	_ =	sdelay $0x1  }
0x379: {  	v0 =	vsub.f32 v0, v47;
	_ =	sdelay $0x1  }
0x37a: {  	s22 =	spop (v2sf);
	v48 =	vld [tilespmem:s17+$0x7580];
	[tilespmem:s17+$0x17530] =	vst v0  }
0x37b: {  	v49 =	vld [tilespmem:s22+$0x600];
	_ =	sdelay $0x1  }
0x37c: {  	v50 =	vld [tilespmem:s17+$0xF580];
	_ =	sdelay $0x2  }
0x37d: {  	v0 =	vadd.f32 v49, v48;
	_ =	sdelay $0x1  }
0x37e: {  	v0 =	vsub.f32 v0, v50;
	_ =	sdelay $0x1  }
0x37f: {  	v51 =	vld [tilespmem:s17+$0x7590];
	[tilespmem:s17+$0x17580] =	vst v0  }
0x380: {  	v52 =	vld [tilespmem:s22+$0x610];
	_ =	sdelay $0x1  }
0x381: {  	v53 =	vld [tilespmem:s17+$0xF590];
	_ =	sdelay $0x2  }
0x382: {  	v0 =	vadd.f32 v52, v51;
	_ =	sdelay $0x1  }
0x383: {  	v0 =	vsub.f32 v0, v53;
	_ =	sdelay $0x1  }
0x384: {  	v54 =	vld [tilespmem:s17+$0x75A0];
	[tilespmem:s17+$0x17590] =	vst v0  }
0x385: {  	v55 =	vld [tilespmem:s22+$0x620];
	_ =	sdelay $0x1  }
0x386: {  	v56 =	vld [tilespmem:s17+$0xF5A0];
	_ =	sdelay $0x2  }
0x387: {  	v0 =	vadd.f32 v55, v54;
	_ =	sdelay $0x1  }
0x388: {  	v0 =	vsub.f32 v0, v56;
	_ =	sdelay $0x1  }
0x389: {  	v57 =	vld [tilespmem:s17+$0x75B0];
	[tilespmem:s17+$0x175A0] =	vst v0  }
0x38a: {  	v58 =	vld [tilespmem:s22+$0x630];
	_ =	sdelay $0x1  }
0x38b: {  	v59 =	vld [tilespmem:s17+$0xF5B0];
	_ =	sdelay $0x2  }
0x38c: {  	v0 =	vadd.f32 v58, v57;
	_ =	sdelay $0x1  }
0x38d: {  	v0 =	vsub.f32 v0, v59  }
0x38e: {  	s23 =	simm.s32 $0x0  }
0x38f: {  	s1 =	rddreg [dreg:$0x19];
	s2 =	simm.s32 $0x16E00;
	s24 =	simm.s32 $0x2;
	[tilespmem:s17+$0x175B0] =	vst v0  }
0x390: {  	[hbm4b:s1+s23] =	stream.linear.scatter [tilespmem:s2], [sflag:$0x2], $0x8000, $0x38;
	[tilespmem:$0x1EE00] =	vst v63  }
0x391: {  	_ =	swait.ge [sflag:s24], $0x8000  }
0x392: {  	[sflag:s24] =	ssyncset.done $0x0  }
0x393: {  	s25 =	simm.s32 $0x100;
	[sflag:s24] =	ssyncadd.s32 $0xFFFF8000  }
0x394: {  	s26 =	simm.s32 $0x300;
	v60 =	vld [tilespmem:s25+$0x0]  }
0x395: {  	v61 =	vld [tilespmem:s26+$0x0];
	_ =	sdelay $0x3  }
0x396: {  	v62 =	vshll.u32 v60, $0x4  }
0x397: {  	v63 =	vshll.u32 v61, $0x4;
	(v2sf) =	vpush v62, $0x0  }
0x398: {  	(v2sf) =	vpush v63, $0x0  }
0x399: {  	(v2sf) =	vpush v62, $0x1;
	_ =	sdelay $0x2  }
0x39a: {  	(v2sf) =	vpush v63, $0x1;
	_ =	sdelay $0x1  }
0x39b: {  	(v2sf) =	vpush v62, $0x2;
	_ =	sdelay $0x1  }
0x39c: {  	(v2sf) =	vpush v63, $0x2;
	_ =	sdelay $0x1  }
0x39d: {  	s28 =	simm.s32 $0xEE00;
	(v2sf) =	vpush v62, $0x3  }
0x39e: {  	s3 =	simm.s32 $0x7080;
	s5 =	simm.s32 $0x6E00;
	s29 =	simm.s32 $0xEF80  }
0x39f: {  	s0 =	simm.s32 $0x7100;
	s7 =	simm.s32 $0x7000;
	s8 =	simm.s32 $0x6F80;
	(v2sf) =	vpush v63, $0x3  }
0x3a0: {  	s13 =	simm.s32 $0xEE80;
	s15 =	simm.s32 $0x6F00;
	s18 =	simm.s32 $0x2000  }
0x3a1: {  	s20 =	simm.s32 $0xEF00;
	s17 =	simm.s32 $0x0;
	s6 =	spop (v2sf)  }
0x3a2: {  	s2 =	simm.s32 $0x7280;
	s6 =	sand.u32 $0x1FFFFFF0, s6;
	s9 =	spop (v2sf)  }
0x3a3: {  	s1 =	simm.s32 $0xF300;
	(v2sf) =	vpush v62, $0x4;
	s6 =	sadd.s32 s4, s6;
	s31 =	spop (v2sf)  }
0x3a4: {  	(v2sf) =	vpush v63, $0x4;
	[tilespmem:s5], [sflag:$0x1] =	stream.linear.gather [hbm4b:s6+s11], $0x80, $0x38;
	[tilespmem:$0x1EE00] =	vst v63  }
0x3a5: {  	s24 =	simm.s32 $0xF000;
	s30 =	sand.u32 $0x1FFFFFF0, s9;
	s9 =	sand.u32 $0x1FFFFFF0, s31  }
0x3a6: {  	s6 =	sadd.s32 s4, s30;
	s10 =	spop (v2sf);
	s9 =	sadd.s32 s4, s9  }
0x3a7: {  	[tilespmem:s28], [sflag:$0x1] =	stream.linear.gather [hbm4b:s6+s11], $0x80, $0x38;
	[tilespmem:$0x1EE00] =	vst v63  }
0x3a8: {  	(v2sf) =	vpush v62, $0x5;
	s12 =	sand.u32 $0x1FFFFFF0, s10;
	s14 =	spop (v2sf);
	s6 =	simm.s32 $0x6E80  }
0x3a9: {  	(v2sf) =	vpush v63, $0x5;
	[tilespmem:s6], [sflag:$0x1] =	stream.linear.gather [hbm4b:s9+s11], $0x80, $0x38;
	[tilespmem:$0x1EE00] =	vst v63  }
0x3aa: {  	s16 =	spop (v2sf);
	s9 =	sadd.s32 s4, s12;
	s6 =	sand.u32 $0x1FFFFFF0, s14  }
0x3ab: {  	(v2sf) =	vpush v62, $0x6;
	[tilespmem:s13], [sflag:$0x1] =	stream.linear.gather [hbm4b:s9+s11], $0x80, $0x38;
	[tilespmem:$0x1EE00] =	vst v63  }
0x3ac: {  	s19 =	spop (v2sf);
	s6 =	sadd.s32 s4, s6;
	s9 =	sand.u32 $0x1FFFFFF0, s16  }
0x3ad: {  	(v2sf) =	vpush v63, $0x6;
	[tilespmem:s15], [sflag:$0x1] =	stream.linear.gather [hbm4b:s6+s11], $0x80, $0x38;
	[tilespmem:$0x1EE00] =	vst v63  }
0x3ae: {  	s22 =	sand.u32 $0x1FFFFFF0, s19;
	s23 =	spop (v2sf);
	s21 =	sadd.s32 s4, s9  }
0x3af: {  	(v2sf) =	vpush v62, $0x7;
	[tilespmem:s20], [sflag:$0x1] =	stream.linear.gather [hbm4b:s21+s11], $0x80, $0x38;
	[tilespmem:$0x1EE00] =	vst v63  }
0x3b0: {  	s30 =	simm.s32 $0xF080;
	s12 =	simm.s32 $0xF400;
	s9 =	sadd.s32 s4, s22  }
0x3b1: {  	[tilespmem:s8], [sflag:$0x1] =	stream.linear.gather [hbm4b:s9+s11], $0x80, $0x38;
	[tilespmem:$0x1EE00] =	vst v63  }
0x3b2: {  	s13 =	simm.s32 $0x7480;
	s6 =	sand.u32 $0x1FFFFFF0, s23;
	s25 =	spop (v2sf)  }
0x3b3: {  	(v2sf) =	vpush v63, $0x7;
	s6 =	sadd.s32 s4, s6;
	s9 =	sand.u32 $0x1FFFFFF0, s25;
	s26 =	spop (v2sf)  }
0x3b4: {  	[tilespmem:s29], [sflag:$0x1] =	stream.linear.gather [hbm4b:s6+s11], $0x80, $0x38;
	[tilespmem:$0x1EE00] =	vst v63  }
0x3b5: {  	s21 =	simm.s32 $0xF100;
	(v2sf) =	vpush v62, $0x8;
	s28 =	sadd.s32 s4, s9;
	s29 =	sand.u32 $0x1FFFFFF0, s26  }
0x3b6: {  	(v2sf) =	vpush v63, $0x8;
	[tilespmem:s7], [sflag:$0x1] =	stream.linear.gather [hbm4b:s28+s11], $0x80, $0x38;
	[tilespmem:$0x1EE00] =	vst v63  }
0x3b7: {  	s31 =	spop (v2sf);
	s9 =	simm.s32 $0xF480;
	s6 =	sadd.s32 s4, s29  }
0x3b8: {  	(v2sf) =	vpush v62, $0x9;
	s7 =	sand.u32 $0x1FFFFFF0, s31;
	s10 =	spop (v2sf);
	s28 =	simm.s32 $0xF180  }
0x3b9: {  	(v2sf) =	vpush v63, $0x9;
	[tilespmem:s24], [sflag:$0x1] =	stream.linear.gather [hbm4b:s6+s11], $0x80, $0x38;
	[tilespmem:$0x1EE00] =	vst v63  }
0x3ba: {  	s7 =	sadd.s32 s4, s7;
	s8 =	sand.u32 $0x1FFFFFF0, s10;
	s14 =	spop (v2sf)  }
0x3bb: {  	(v2sf) =	vpush v62, $0xA;
	[tilespmem:s3], [sflag:$0x1] =	stream.linear.gather [hbm4b:s7+s11], $0x80, $0x38;
	[tilespmem:$0x1EE00] =	vst v63  }
0x3bc: {  	s15 =	sadd.s32 s4, s8;
	s16 =	sand.u32 $0x1FFFFFF0, s14;
	s19 =	spop (v2sf);
	(v2sf) =	vpush v63, $0xA  }
0x3bd: {  	[tilespmem:s30], [sflag:$0x1] =	stream.linear.gather [hbm4b:s15+s11], $0x80, $0x38;
	[tilespmem:$0x1EE00] =	vst v63  }
0x3be: {  	s20 =	sadd.s32 s4, s16;
	s5 =	sand.u32 $0x1FFFFFF0, s19;
	s22 =	spop (v2sf)  }
0x3bf: {  	[tilespmem:s0], [sflag:$0x1] =	stream.linear.gather [hbm4b:s20+s11], $0x80, $0x38;
	[tilespmem:$0x1EE00] =	vst v63  }
0x3c0: {  	s10 =	simm.s32 $0xF280;
	(v2sf) =	vpush v62, $0xB;
	s5 =	sadd.s32 s4, s5;
	s7 =	sand.u32 $0x1FFFFFF0, s22  }
0x3c1: {  	[tilespmem:s21], [sflag:$0x1] =	stream.linear.gather [hbm4b:s5+s11], $0x80, $0x38;
	[tilespmem:$0x1EE00] =	vst v63  }
0x3c2: {  	s24 =	simm.s32 $0x7180;
	s23 =	spop (v2sf);
	s25 =	sadd.s32 s4, s7  }
0x3c3: {  	[tilespmem:s24], [sflag:$0x1] =	stream.linear.gather [hbm4b:s25+s11], $0x80, $0x38;
	[tilespmem:$0x1EE00] =	vst v63  }
0x3c4: {  	s3 =	simm.s32 $0xF380;
	(v2sf) =	vpush v63, $0xB;
	s26 =	sand.u32 $0x1FFFFFF0, s23;
	s29 =	spop (v2sf)  }
0x3c5: {  	s7 =	sadd.s32 s4, s26;
	s30 =	simm.s32 $0x7200;
	s31 =	spop (v2sf)  }
0x3c6: {  	[tilespmem:s28], [sflag:$0x1] =	stream.linear.gather [hbm4b:s7+s11], $0x80, $0x38;
	[tilespmem:$0x1EE00] =	vst v63  }
0x3c7: {  	s15 =	simm.s32 $0x7300;
	s6 =	sand.u32 $0x1FFFFFF0, s29;
	s0 =	spop (v2sf)  }
0x3c8: {  	(v2sf) =	vpush v62, $0xC;
	s6 =	sadd.s32 s4, s6;
	s7 =	sand.u32 $0x1FFFFFF0, s31;
	s14 =	spop (v2sf)  }
0x3c9: {  	[tilespmem:s30], [sflag:$0x1] =	stream.linear.gather [hbm4b:s6+s11], $0x80, $0x38;
	[tilespmem:$0x1EE00] =	vst v63  }
0x3ca: {  	s26 =	simm.s32 $0x7380;
	(v2sf) =	vpush v63, $0xC;
	s7 =	sadd.s32 s4, s7;
	s16 =	spop (v2sf)  }
0x3cb: {  	s8 =	sand.u32 $0x1FFFFFF0, s0;
	s6 =	simm.s32 $0xF200;
	s19 =	spop (v2sf)  }
0x3cc: {  	[tilespmem:s6], [sflag:$0x1] =	stream.linear.gather [hbm4b:s7+s11], $0x80, $0x38;
	[tilespmem:$0x1EE00] =	vst v63  }
0x3cd: {  	s7 =	sadd.s32 s4, s8;
	s6 =	sand.u32 $0x1FFFFFF0, s14;
	s21 =	sand.u32 $0x1FFFFFF0, s19  }
0x3ce: {  	[tilespmem:s2], [sflag:$0x1] =	stream.linear.gather [hbm4b:s7+s11], $0x80, $0x38;
	[tilespmem:$0x1EE00] =	vst v63  }
0x3cf: {  	s22 =	spop (v2sf);
	s6 =	sadd.s32 s4, s6;
	s7 =	sand.u32 $0x1FFFFFF0, s16  }
0x3d0: {  	[tilespmem:s10], [sflag:$0x1] =	stream.linear.gather [hbm4b:s6+s11], $0x80, $0x38;
	[tilespmem:$0x1EE00] =	vst v63  }
0x3d1: {  	s23 =	sadd.s32 s4, s21;
	s24 =	sand.u32 $0x1FFFFFF0, s22;
	s20 =	sadd.s32 s4, s7  }
0x3d2: {  	[tilespmem:s15], [sflag:$0x1] =	stream.linear.gather [hbm4b:s20+s11], $0x80, $0x38;
	[tilespmem:$0x1EE00] =	vst v63  }
0x3d3: {  	s25 =	spop (v2sf);
	s21 =	simm.s32 $0x310;
	s22 =	simm.s32 $0x7500  }
0x3d4: {  	(v2sf) =	vpush v62, $0xD;
	[tilespmem:s1], [sflag:$0x1] =	stream.linear.gather [hbm4b:s23+s11], $0x80, $0x38;
	[tilespmem:$0x1EE00] =	vst v63  }
0x3d5: {  	(v2sf) =	vpush v63, $0xD;
	s28 =	sadd.s32 s4, s24;
	s29 =	sand.u32 $0x1FFFFFF0, s25;
	s2 =	simm.s32 $0x110  }
0x3d6: {  	(v2sf) =	vpush v62, $0xE;
	[tilespmem:s26], [sflag:$0x1] =	stream.linear.gather [hbm4b:s28+s11], $0x80, $0x38;
	[tilespmem:$0x1EE00] =	vst v63  }
0x3d7: {  	s30 =	sadd.s32 s4, s29;
	(v2sf) =	vpush v63, $0xE;
	s23 =	simm.s32 $0x7400;
	s31 =	spop (v2sf)  }
0x3d8: {  	(v2sf) =	vpush v62, $0xF;
	[tilespmem:s3], [sflag:$0x1] =	stream.linear.gather [hbm4b:s30+s11], $0x80, $0x38;
	[tilespmem:$0x1EE00] =	vst v63  }
0x3d9: {  	(v2sf) =	vpush v63, $0xF;
	s1 =	simm.s32 $0xF500;
	s5 =	spop (v2sf);
	s3 =	sand.u32 $0x1FFFFFF0, s31  }
.LBB2_6:
0x3da: {  	_ =	sdelay $0x4  }
0x3db: {  	s3 =	sadd.s32 s4, s3;
	s5 =	sand.u32 $0x1FFFFFF0, s5  }
0x3dc: {  	[tilespmem:s23], [sflag:$0x1] =	stream.linear.gather [hbm4b:s3+s11], $0x80, $0x38;
	[tilespmem:$0x1EE00] =	vst v63  }
0x3dd: {  	s16 =	sadd.s32 s4, s5  }
0x3de: {  	[tilespmem:s12], [sflag:$0x1] =	stream.linear.gather [hbm4b:s16+s11], $0x80, $0x38;
	[tilespmem:$0x1EE00] =	vst v63  }
0x3df: {  	s6 =	spop (v2sf)  }
0x3e0: {  	s19 =	sand.u32 $0x1FFFFFF0, s6;
	s20 =	spop (v2sf)  }
0x3e1: {  	s0 =	sadd.s32 s4, s19;
	s23 =	sand.u32 $0x1FFFFFF0, s20;
	s24 =	spop (v2sf)  }
0x3e2: {  	[tilespmem:s13], [sflag:$0x1] =	stream.linear.gather [hbm4b:s0+s11], $0x80, $0x38;
	[tilespmem:$0x1EE00] =	vst v63  }
0x3e3: {  	s25 =	sadd.s32 s4, s23;
	s26 =	sand.u32 $0x1FFFFFF0, s24;
	s28 =	spop (v2sf)  }
0x3e4: {  	[tilespmem:s9], [sflag:$0x1] =	stream.linear.gather [hbm4b:s25+s11], $0x80, $0x38;
	[tilespmem:$0x1EE00] =	vst v63  }
0x3e5: {  	s29 =	sadd.s32 s4, s26;
	s30 =	sand.u32 $0x1FFFFFF0, s28;
	s31 =	spop (v2sf)  }
0x3e6: {  	[tilespmem:s22], [sflag:$0x1] =	stream.linear.gather [hbm4b:s29+s11], $0x80, $0x38;
	[tilespmem:$0x1EE00] =	vst v63  }
0x3e7: {  	s6 =	sadd.s32 s4, s30;
	s7 =	sand.u32 $0x1FFFFFF0, s31;
	s8 =	spop (v2sf)  }
0x3e8: {  	[tilespmem:s1], [sflag:$0x1] =	stream.linear.gather [hbm4b:s6+s11], $0x80, $0x38;
	[tilespmem:$0x1EE00] =	vst v63  }
0x3e9: {  	s9 =	sadd.s32 $0x7580, s17;
	s10 =	sadd.s32 s4, s7;
	s12 =	sand.u32 $0x1FFFFFF0, s8  }
0x3ea: {  	[tilespmem:s9], [sflag:$0x1] =	stream.linear.gather [hbm4b:s10+s11], $0x80, $0x38;
	[tilespmem:$0x1EE00] =	vst v63  }
0x3eb: {  	s13 =	sadd.s32 $0xF580, s17;
	s14 =	sadd.s32 s4, s12  }
0x3ec: {  	[tilespmem:s13], [sflag:$0x1] =	stream.linear.gather [hbm4b:s14+s11], $0x80, $0x38;
	[tilespmem:$0x1EE00] =	vst v63  }
0x3ed: {  	v0 =	vld [tilespmem:s2+$0x0]  }
0x3ee: {  	v2 =	vld [tilespmem:s21+$0x0];
	_ =	sdelay $0x3  }
0x3ef: {  	v1 =	vshll.u32 v0, $0x4  }
0x3f0: {  	s15 =	smov.u32 s18;
	v63 =	vshll.u32 v2, $0x4;
	(v2sf) =	vpush v1, $0x0  }
0x3f1: {  	p0 =	sne.s32 s18, $0x1E000;
	s17 =	sshra.s32 s15, $0x2;
	(v2sf) =	vpush v63, $0x0  }
0x3f2: {  	s18 =	sadd.s32 $0x2000, s18;
	s30 =	simm.s32 $0x0;
	s26 =	sadd.s32 $0xEE00, s17;
	(v2sf) =	vpush v1, $0x1  }
0x3f3: {  	s0 =	sadd.s32 $0x7080, s17;
	s16 =	sadd.s32 $0x7280, s17;
	s19 =	sadd.s32 $0xF300, s17  }
0x3f4: {  	s3 =	sadd.s32 $0xF400, s17;
	s24 =	sadd.s32 $0x6F00, s17;
	s28 =	sadd.s32 $0xEE80, s17;
	(v2sf) =	vpush v63, $0x1  }
0x3f5: {  	s8 =	sadd.s32 $0xF080, s17;
	s7 =	sadd.s32 $0x7100, s17;
	[dreg:$0x15] =	wrdreg s0  }
0x3f6: {  	s20 =	sadd.s32 $0xF380, s17;
	s5 =	sadd.s32 $0xF480, s17;
	[dreg:$0xb] =	wrdreg s16;
	(v2sf) =	vpush v1, $0x2  }
0x3f7: {  	s23 =	sadd.s32 $0x7300, s17;
	s15 =	sadd.s32 $0x7180, s17;
	[dreg:$0x7] =	wrdreg s19  }
0x3f8: {  	s25 =	sadd.s32 $0xF200, s17;
	s31 =	sadd.s32 $0xF180, s17;
	[dreg:$0x9] =	wrdreg s20;
	(v2sf) =	vpush v63, $0x2  }
0x3f9: {  	s0 =	sadd.s32 $0x6E00, s17;
	s16 =	sadd.s32 $0x6F80, s17;
	[dreg:$0xd] =	wrdreg s23  }
0x3fa: {  	s22 =	sadd.s32 $0xF280, s17;
	[dreg:$0x11] =	wrdreg s25;
	s23 =	sadd.s32 $0x7400, s17;
	(v2sf) =	vpush v1, $0x3  }
0x3fb: {  	s12 =	sadd.s32 $0x6E80, s17;
	s29 =	sadd.s32 $0x7200, s17;
	[dreg:$0xf] =	wrdreg s22  }
0x3fc: {  	[dreg:$0x13] =	wrdreg s29;
	s22 =	sadd.s32 $0x7500, s17;
	s6 =	sadd.s32 $0xF100, s17;
	(v2sf) =	vpush v63, $0x3  }
0x3fd: {  	s1 =	sadd.s32 $0xF500, s17;
	s9 =	sadd.s32 $0x7000, s17;
	s10 =	sadd.s32 $0xF000, s17  }
0x3fe: {  	s14 =	sadd.s32 $0xEF80, s17;
	s13 =	sadd.s32 $0x7480, s17;
	s11 =	sadd.s32 $0xEF00, s17;
	(v2sf) =	vpush v1, $0x4  }
0x3ff: {  	s2 =	sadd.s32 $0x10, s2;
	s21 =	sadd.s32 $0x10, s21;
	s29 =	spop (v2sf)  }
0x400: {  	s25 =	sand.u32 $0x1FFFFFF0, s29;
	s29 =	sadd.s32 $0x7380, s17;
	s19 =	spop (v2sf);
	(v2sf) =	vpush v63, $0x4  }
0x401: {  	s25 =	sadd.s32 s4, s25;
	s19 =	sand.u32 $0x1FFFFFF0, s19;
	s20 =	spop (v2sf)  }
0x402: {  	[tilespmem:s0], [sflag:$0x1] =	stream.linear.gather [hbm4b:s25+s30], $0x80, $0x38;
	[tilespmem:$0x1EE00] =	vst v63  }
0x403: {  	(v2sf) =	vpush v1, $0x5;
	s19 =	sadd.s32 s4, s19;
	s20 =	sand.u32 $0x1FFFFFF0, s20;
	s25 =	spop (v2sf)  }
0x404: {  	(v2sf) =	vpush v63, $0x5;
	[tilespmem:s26], [sflag:$0x1] =	stream.linear.gather [hbm4b:s19+s30], $0x80, $0x38;
	[tilespmem:$0x1EE00] =	vst v63  }
0x405: {  	s25 =	sand.u32 $0x1FFFFFF0, s25;
	s19 =	sadd.s32 s4, s20;
	s26 =	spop (v2sf)  }
0x406: {  	(v2sf) =	vpush v1, $0x6;
	[tilespmem:s12], [sflag:$0x1] =	stream.linear.gather [hbm4b:s19+s30], $0x80, $0x38;
	[tilespmem:$0x1EE00] =	vst v63  }
0x407: {  	s20 =	spop (v2sf);
	s12 =	sadd.s32 s4, s25;
	s19 =	sand.u32 $0x1FFFFFF0, s26  }
0x408: {  	(v2sf) =	vpush v63, $0x6;
	[tilespmem:s28], [sflag:$0x1] =	stream.linear.gather [hbm4b:s12+s30], $0x80, $0x38;
	[tilespmem:$0x1EE00] =	vst v63  }
0x409: {  	s26 =	sand.u32 $0x1FFFFFF0, s20;
	s25 =	sadd.s32 s4, s19;
	s28 =	spop (v2sf)  }
0x40a: {  	(v2sf) =	vpush v1, $0x7;
	[tilespmem:s24], [sflag:$0x1] =	stream.linear.gather [hbm4b:s25+s30], $0x80, $0x38;
	[tilespmem:$0x1EE00] =	vst v63  }
0x40b: {  	s12 =	sadd.s32 s4, s26;
	s20 =	sand.u32 $0x1FFFFFF0, s28;
	s24 =	spop (v2sf)  }
0x40c: {  	[tilespmem:s11], [sflag:$0x1] =	stream.linear.gather [hbm4b:s12+s30], $0x80, $0x38;
	[tilespmem:$0x1EE00] =	vst v63  }
0x40d: {  	s25 =	sadd.s32 s4, s20;
	s26 =	sand.u32 $0x1FFFFFF0, s24;
	s28 =	spop (v2sf)  }
0x40e: {  	(v2sf) =	vpush v63, $0x7;
	[tilespmem:s16], [sflag:$0x1] =	stream.linear.gather [hbm4b:s25+s30], $0x80, $0x38;
	[tilespmem:$0x1EE00] =	vst v63  }
0x40f: {  	s19 =	sadd.s32 s4, s26;
	s20 =	sand.u32 $0x1FFFFFF0, s28;
	s24 =	spop (v2sf)  }
0x410: {  	(v2sf) =	vpush v1, $0x8;
	[tilespmem:s14], [sflag:$0x1] =	stream.linear.gather [hbm4b:s19+s30], $0x80, $0x38;
	[tilespmem:$0x1EE00] =	vst v63  }
0x411: {  	s12 =	smov.u32 s3;
	s11 =	simm.s32 $0x0;
	s26 =	sand.u32 $0x1FFFFFF0, s24  }
0x412: {  	s25 =	sadd.s32 s4, s20;
	(v2sf) =	vpush v63, $0x8;
	s28 =	spop (v2sf);
	s14 =	sadd.s32 s4, s26  }
0x413: {  	(v2sf) =	vpush v1, $0x9;
	s16 =	sand.u32 $0x1FFFFFF0, s28;
	s19 =	spop (v2sf);
	s26 =	rddreg [dreg:$0x15]  }
0x414: {  	[tilespmem:s9], [sflag:$0x1] =	stream.linear.gather [hbm4b:s25+s30], $0x80, $0x38;
	[tilespmem:$0x1EE00] =	vst v63  }
0x415: {  	s20 =	sadd.s32 s4, s16;
	s24 =	sand.u32 $0x1FFFFFF0, s19;
	s25 =	spop (v2sf)  }
0x416: {  	[tilespmem:s10], [sflag:$0x1] =	stream.linear.gather [hbm4b:s14+s30], $0x80, $0x38;
	[tilespmem:$0x1EE00] =	vst v63  }
0x417: {  	(v2sf) =	vpush v63, $0x9;
	s28 =	sadd.s32 s4, s24;
	s30 =	sand.u32 $0x1FFFFFF0, s25;
	s3 =	spop (v2sf)  }
0x418: {  	[tilespmem:s26], [sflag:$0x1] =	stream.linear.gather [hbm4b:s20+s11], $0x80, $0x38;
	[tilespmem:$0x1EE00] =	vst v63  }
0x419: {  	(v2sf) =	vpush v1, $0xA;
	s9 =	sadd.s32 s4, s30;
	s10 =	sand.u32 $0x1FFFFFF0, s3;
	s14 =	spop (v2sf)  }
0x41a: {  	[tilespmem:s8], [sflag:$0x1] =	stream.linear.gather [hbm4b:s28+s11], $0x80, $0x38;
	[tilespmem:$0x1EE00] =	vst v63  }
0x41b: {  	(v2sf) =	vpush v63, $0xA;
	s16 =	sadd.s32 s4, s10;
	s10 =	rddreg [dreg:$0x13];
	s19 =	sand.u32 $0x1FFFFFF0, s14  }
0x41c: {  	[tilespmem:s7], [sflag:$0x1] =	stream.linear.gather [hbm4b:s9+s11], $0x80, $0x38;
	[tilespmem:$0x1EE00] =	vst v63  }
0x41d: {  	s20 =	spop (v2sf);
	s24 =	sadd.s32 s4, s19;
	s19 =	rddreg [dreg:$0x11]  }
0x41e: {  	[tilespmem:s6], [sflag:$0x1] =	stream.linear.gather [hbm4b:s16+s11], $0x80, $0x38;
	[tilespmem:$0x1EE00] =	vst v63  }
0x41f: {  	(v2sf) =	vpush v1, $0xB;
	s9 =	smov.u32 s5;
	s25 =	sand.u32 $0x1FFFFFF0, s20;
	s26 =	spop (v2sf)  }
0x420: {  	[tilespmem:s15], [sflag:$0x1] =	stream.linear.gather [hbm4b:s24+s11], $0x80, $0x38;
	[tilespmem:$0x1EE00] =	vst v63  }
0x421: {  	(v2sf) =	vpush v63, $0xB;
	s28 =	sadd.s32 s4, s25;
	s30 =	sand.u32 $0x1FFFFFF0, s26;
	s3 =	spop (v2sf)  }
0x422: {  	(v2sf) =	vpush v1, $0xC;
	s26 =	rddreg [dreg:$0xb];
	s7 =	sand.u32 $0x1FFFFFF0, s3;
	s8 =	spop (v2sf)  }
0x423: {  	[tilespmem:s31], [sflag:$0x1] =	stream.linear.gather [hbm4b:s28+s11], $0x80, $0x38;
	[tilespmem:$0x1EE00] =	vst v63  }
0x424: {  	s5 =	sadd.s32 s4, s30;
	(v2sf) =	vpush v63, $0xC;
	s14 =	sadd.s32 s4, s7;
	s15 =	sand.u32 $0x1FFFFFF0, s8  }
0x425: {  	[tilespmem:s10], [sflag:$0x1] =	stream.linear.gather [hbm4b:s5+s11], $0x80, $0x38;
	[tilespmem:$0x1EE00] =	vst v63  }
0x426: {  	s16 =	spop (v2sf);
	s7 =	rddreg [dreg:$0xf];
	s20 =	sadd.s32 s4, s15  }
0x427: {  	[tilespmem:s19], [sflag:$0x1] =	stream.linear.gather [hbm4b:s14+s11], $0x80, $0x38;
	[tilespmem:$0x1EE00] =	vst v63  }
0x428: {  	s24 =	sand.u32 $0x1FFFFFF0, s16;
	s15 =	rddreg [dreg:$0xd];
	s25 =	spop (v2sf)  }
0x429: {  	[tilespmem:s26], [sflag:$0x1] =	stream.linear.gather [hbm4b:s20+s11], $0x80, $0x38;
	[tilespmem:$0x1EE00] =	vst v63  }
0x42a: {  	s28 =	sadd.s32 s4, s24;
	s30 =	sand.u32 $0x1FFFFFF0, s25;
	s31 =	spop (v2sf)  }
0x42b: {  	[tilespmem:s7], [sflag:$0x1] =	stream.linear.gather [hbm4b:s28+s11], $0x80, $0x38;
	[tilespmem:$0x1EE00] =	vst v63  }
0x42c: {  	s24 =	rddreg [dreg:$0x7];
	s8 =	sadd.s32 s4, s30;
	s10 =	sand.u32 $0x1FFFFFF0, s31  }
0x42d: {  	[tilespmem:s15], [sflag:$0x1] =	stream.linear.gather [hbm4b:s8+s11], $0x80, $0x38;
	[tilespmem:$0x1EE00] =	vst v63  }
0x42e: {  	s31 =	rddreg [dreg:$0x9];
	s16 =	sadd.s32 s4, s10;
	s14 =	spop (v2sf)  }
0x42f: {  	(v2sf) =	vpush v1, $0xD;
	[tilespmem:s24], [sflag:$0x1] =	stream.linear.gather [hbm4b:s16+s11], $0x80, $0x38;
	[tilespmem:$0x1EE00] =	vst v63  }
.Ltmp2:
0x430: {  	(v2sf) =	vpush v63, $0xD;
	s19 =	sand.u32 $0x1FFFFFF0, s14;
	s20 =	spop (v2sf);
	(pc) =	sbr.rel @p0 .LBB2_6-.Ltmp2, $4  }
0x431: {  	(v2sf) =	vpush v1, $0xE;
	s25 =	sadd.s32 s4, s19;
	s26 =	sand.u32 $0x1FFFFFF0, s20;
	s28 =	spop (v2sf)  }
0x432: {  	(v2sf) =	vpush v63, $0xE;
	[tilespmem:s29], [sflag:$0x1] =	stream.linear.gather [hbm4b:s25+s11], $0x80, $0x38;
	[tilespmem:$0x1EE00] =	vst v63  }
0x433: {  	(v2sf) =	vpush v1, $0xF;
	s30 =	sadd.s32 s4, s26;
	s3 =	sand.u32 $0x1FFFFFF0, s28;
	s5 =	spop (v2sf)  }
0x434: {  	(v2sf) =	vpush v63, $0xF;
	[tilespmem:s31], [sflag:$0x1] =	stream.linear.gather [hbm4b:s30+s11], $0x80, $0x38;
	[tilespmem:$0x1EE00] =	vst v63  }
0x435: {  	_ =	sdelay $0x4  }
0x436: {  	s0 =	sadd.s32 s4, s3;
	s2 =	sand.u32 $0x1FFFFFF0, s5  }
0x437: {  	[tilespmem:s23], [sflag:$0x1] =	stream.linear.gather [hbm4b:s0+s11], $0x80, $0x38;
	[tilespmem:$0x1EE00] =	vst v63  }
0x438: {  	s6 =	sadd.s32 s4, s2  }
0x439: {  	[tilespmem:s12], [sflag:$0x1] =	stream.linear.gather [hbm4b:s6+s11], $0x80, $0x38;
	[tilespmem:$0x1EE00] =	vst v63  }
0x43a: {  	s5 =	spop (v2sf)  }
0x43b: {  	s7 =	sand.u32 $0x1FFFFFF0, s5;
	s8 =	spop (v2sf)  }
0x43c: {  	s10 =	sadd.s32 s4, s7;
	s12 =	sand.u32 $0x1FFFFFF0, s8;
	s14 =	spop (v2sf)  }
0x43d: {  	[tilespmem:s13], [sflag:$0x1] =	stream.linear.gather [hbm4b:s10+s11], $0x80, $0x38;
	[tilespmem:$0x1EE00] =	vst v63  }
0x43e: {  	s15 =	sadd.s32 s4, s12;
	s16 =	sand.u32 $0x1FFFFFF0, s14;
	s18 =	spop (v2sf)  }
0x43f: {  	[tilespmem:s9], [sflag:$0x1] =	stream.linear.gather [hbm4b:s15+s11], $0x80, $0x38;
	[tilespmem:$0x1EE00] =	vst v63  }
0x440: {  	s19 =	sadd.s32 s4, s16;
	s20 =	sand.u32 $0x1FFFFFF0, s18;
	s21 =	spop (v2sf)  }
0x441: {  	[tilespmem:s22], [sflag:$0x1] =	stream.linear.gather [hbm4b:s19+s11], $0x80, $0x38;
	[tilespmem:$0x1EE00] =	vst v63  }
0x442: {  	s23 =	sand.u32 $0x1FFFFFF0, s21;
	s24 =	spop (v2sf);
	s22 =	sadd.s32 s4, s20  }
0x443: {  	[tilespmem:s1], [sflag:$0x1] =	stream.linear.gather [hbm4b:s22+s11], $0x80, $0x38;
	[tilespmem:$0x1EE00] =	vst v63  }
0x444: {  	s25 =	sadd.s32 $0x7580, s17;
	s26 =	sadd.s32 s4, s23;
	s28 =	sand.u32 $0x1FFFFFF0, s24  }
0x445: {  	[tilespmem:s25], [sflag:$0x1] =	stream.linear.gather [hbm4b:s26+s11], $0x80, $0x38;
	[tilespmem:$0x1EE00] =	vst v63  }
0x446: {  	s29 =	sadd.s32 $0xF580, s17;
	s31 =	simm.s32 $0x1;
	s30 =	sadd.s32 s4, s28  }
0x447: {  	[tilespmem:s29], [sflag:$0x1] =	stream.linear.gather [hbm4b:s30+s11], $0x80, $0x38;
	[tilespmem:$0x1EE00] =	vst v63  }
0x448: {  	_ =	swait.ge [sflag:s31], $0x8000  }
0x449: {  	[sflag:s31] =	ssyncset.done $0x0  }
0x44a: {  	[sflag:s31] =	ssyncadd.s32 $0xFFFF8000  }
0x44b: {  	_ =	swait.ge [sflag:s31], $0x8000  }
0x44c: {  	s17 =	simm.s32 $0x0;
	s18 =	simm.s32 $0x7200;
	[sflag:s31] =	ssyncset.done $0x0  }
0x44d: {  	s19 =	simm.s32 $0xF200;
	s20 =	simm.s32 $0x17200;
	[sflag:s31] =	ssyncadd.s32 $0xFFFF8000  }
.LBB2_8:
0x44e: {  	s0 =	sand.u32 $0xF0, s17  }
0x44f: {  	v0 =	vld [tilespmem:s0+$0x500];
	_ =	sdelay $0x4  }
0x450: {  	v0 =	vshll.u32 v0, $0x9  }
0x451: {  	v0 =	vshra.s32 v0, $0x2  }
0x452: {  	(v2sf) =	vpush v0, $0x0;
	_ =	sdelay $0xe  }
0x453: {  	v1 =	vld [tilespmem:s18+$0xFFFFFC00];
	s10 =	spop (v2sf)  }
0x454: {  	v2 =	vld [tilespmem:s10+$0x600];
	_ =	sdelay $0x1  }
0x455: {  	v3 =	vld [tilespmem:s19+$0xFFFFFC00];
	_ =	sdelay $0x2  }
0x456: {  	v1 =	vadd.f32 v2, v1;
	_ =	sdelay $0x1  }
0x457: {  	v1 =	vsub.f32 v1, v3;
	_ =	sdelay $0x1  }
0x458: {  	[tilespmem:s20+$0xFFFFFC00] =	vst v1  }
0x459: {  	v1 =	vld [tilespmem:s18+$0xFFFFFC10]  }
0x45a: {  	v53 =	vld [tilespmem:s10+$0x610];
	_ =	sdelay $0x1  }
0x45b: {  	v54 =	vld [tilespmem:s19+$0xFFFFFC10];
	_ =	sdelay $0x2  }
0x45c: {  	v1 =	vadd.f32 v53, v1;
	_ =	sdelay $0x1  }
0x45d: {  	v1 =	vsub.f32 v1, v54;
	_ =	sdelay $0x1  }
0x45e: {  	[tilespmem:s20+$0xFFFFFC10] =	vst v1  }
0x45f: {  	v1 =	vld [tilespmem:s18+$0xFFFFFC20]  }
0x460: {  	v55 =	vld [tilespmem:s10+$0x620];
	_ =	sdelay $0x1  }
0x461: {  	v56 =	vld [tilespmem:s19+$0xFFFFFC20];
	_ =	sdelay $0x2  }
0x462: {  	v1 =	vadd.f32 v55, v1  }
0x463: {  	(v2sf) =	vpush v0, $0x1  }
0x464: {  	v1 =	vsub.f32 v1, v56;
	_ =	sdelay $0x1  }
0x465: {  	[tilespmem:s20+$0xFFFFFC20] =	vst v1  }
0x466: {  	v1 =	vld [tilespmem:s18+$0xFFFFFC30]  }
0x467: {  	v57 =	vld [tilespmem:s10+$0x630];
	_ =	sdelay $0x1  }
0x468: {  	v58 =	vld [tilespmem:s19+$0xFFFFFC30];
	_ =	sdelay $0x2  }
0x469: {  	v1 =	vadd.f32 v57, v1;
	_ =	sdelay $0x1  }
0x46a: {  	v1 =	vsub.f32 v1, v58;
	_ =	sdelay $0x1  }
0x46b: {  	[tilespmem:s20+$0xFFFFFC30] =	vst v1  }
0x46c: {  	s12 =	spop (v2sf);
	v1 =	vld [tilespmem:s18+$0xFFFFFC80]  }
0x46d: {  	v59 =	vld [tilespmem:s12+$0x600];
	_ =	sdelay $0x1  }
0x46e: {  	v60 =	vld [tilespmem:s19+$0xFFFFFC80];
	_ =	sdelay $0x2  }
0x46f: {  	v1 =	vadd.f32 v59, v1;
	_ =	sdelay $0x1  }
0x470: {  	v1 =	vsub.f32 v1, v60;
	_ =	sdelay $0x1  }
0x471: {  	[tilespmem:s20+$0xFFFFFC80] =	vst v1  }
0x472: {  	v1 =	vld [tilespmem:s18+$0xFFFFFC90]  }
0x473: {  	v61 =	vld [tilespmem:s12+$0x610];
	_ =	sdelay $0x1  }
0x474: {  	v62 =	vld [tilespmem:s19+$0xFFFFFC90];
	_ =	sdelay $0x2  }
0x475: {  	v1 =	vadd.f32 v61, v1;
	_ =	sdelay $0x1  }
0x476: {  	v1 =	vsub.f32 v1, v62;
	_ =	sdelay $0x1  }
0x477: {  	[tilespmem:s20+$0xFFFFFC90] =	vst v1  }
0x478: {  	v1 =	vld [tilespmem:s18+$0xFFFFFCA0]  }
0x479: {  	v63 =	vld [tilespmem:s12+$0x620];
	_ =	sdelay $0x1  }
0x47a: {  	v6 =	vld [tilespmem:s19+$0xFFFFFCA0];
	_ =	sdelay $0x2  }
0x47b: {  	v1 =	vadd.f32 v63, v1  }
0x47c: {  	(v2sf) =	vpush v0, $0x2  }
0x47d: {  	v1 =	vsub.f32 v1, v6;
	_ =	sdelay $0x1  }
0x47e: {  	[tilespmem:s20+$0xFFFFFCA0] =	vst v1  }
0x47f: {  	v1 =	vld [tilespmem:s18+$0xFFFFFCB0]  }
0x480: {  	v7 =	vld [tilespmem:s12+$0x630];
	_ =	sdelay $0x1  }
0x481: {  	v8 =	vld [tilespmem:s19+$0xFFFFFCB0];
	_ =	sdelay $0x2  }
0x482: {  	v1 =	vadd.f32 v7, v1;
	_ =	sdelay $0x1  }
0x483: {  	v1 =	vsub.f32 v1, v8;
	_ =	sdelay $0x1  }
0x484: {  	[tilespmem:s20+$0xFFFFFCB0] =	vst v1  }
0x485: {  	s13 =	spop (v2sf);
	v1 =	vld [tilespmem:s18+$0xFFFFFD00]  }
0x486: {  	v9 =	vld [tilespmem:s13+$0x600];
	_ =	sdelay $0x1  }
0x487: {  	v10 =	vld [tilespmem:s19+$0xFFFFFD00];
	_ =	sdelay $0x2  }
0x488: {  	v1 =	vadd.f32 v9, v1;
	_ =	sdelay $0x1  }
0x489: {  	v1 =	vsub.f32 v1, v10;
	_ =	sdelay $0x1  }
0x48a: {  	[tilespmem:s20+$0xFFFFFD00] =	vst v1  }
0x48b: {  	v1 =	vld [tilespmem:s18+$0xFFFFFD10]  }
0x48c: {  	v11 =	vld [tilespmem:s13+$0x610];
	_ =	sdelay $0x1  }
0x48d: {  	v12 =	vld [tilespmem:s19+$0xFFFFFD10];
	_ =	sdelay $0x2  }
0x48e: {  	v1 =	vadd.f32 v11, v1;
	_ =	sdelay $0x1  }
0x48f: {  	v1 =	vsub.f32 v1, v12;
	_ =	sdelay $0x1  }
0x490: {  	[tilespmem:s20+$0xFFFFFD10] =	vst v1  }
0x491: {  	v1 =	vld [tilespmem:s18+$0xFFFFFD20]  }
0x492: {  	v13 =	vld [tilespmem:s13+$0x620];
	_ =	sdelay $0x1  }
0x493: {  	v14 =	vld [tilespmem:s19+$0xFFFFFD20];
	_ =	sdelay $0x2  }
0x494: {  	v1 =	vadd.f32 v13, v1  }
0x495: {  	(v2sf) =	vpush v0, $0x3  }
0x496: {  	v1 =	vsub.f32 v1, v14;
	_ =	sdelay $0x1  }
0x497: {  	[tilespmem:s20+$0xFFFFFD20] =	vst v1  }
0x498: {  	v1 =	vld [tilespmem:s18+$0xFFFFFD30]  }
0x499: {  	v15 =	vld [tilespmem:s13+$0x630];
	_ =	sdelay $0x1  }
0x49a: {  	v16 =	vld [tilespmem:s19+$0xFFFFFD30];
	_ =	sdelay $0x2  }
0x49b: {  	v1 =	vadd.f32 v15, v1;
	_ =	sdelay $0x1  }
0x49c: {  	v1 =	vsub.f32 v1, v16;
	_ =	sdelay $0x1  }
0x49d: {  	[tilespmem:s20+$0xFFFFFD30] =	vst v1  }
0x49e: {  	s14 =	spop (v2sf);
	v1 =	vld [tilespmem:s18+$0xFFFFFD80]  }
0x49f: {  	v17 =	vld [tilespmem:s14+$0x600];
	_ =	sdelay $0x1  }
0x4a0: {  	v18 =	vld [tilespmem:s19+$0xFFFFFD80];
	_ =	sdelay $0x2  }
0x4a1: {  	v1 =	vadd.f32 v17, v1;
	_ =	sdelay $0x1  }
0x4a2: {  	v1 =	vsub.f32 v1, v18;
	_ =	sdelay $0x1  }
0x4a3: {  	[tilespmem:s20+$0xFFFFFD80] =	vst v1  }
0x4a4: {  	v1 =	vld [tilespmem:s18+$0xFFFFFD90]  }
0x4a5: {  	v19 =	vld [tilespmem:s14+$0x610];
	_ =	sdelay $0x1  }
0x4a6: {  	v20 =	vld [tilespmem:s19+$0xFFFFFD90];
	_ =	sdelay $0x2  }
0x4a7: {  	v1 =	vadd.f32 v19, v1;
	_ =	sdelay $0x1  }
0x4a8: {  	v1 =	vsub.f32 v1, v20;
	_ =	sdelay $0x1  }
0x4a9: {  	[tilespmem:s20+$0xFFFFFD90] =	vst v1  }
0x4aa: {  	v1 =	vld [tilespmem:s18+$0xFFFFFDA0]  }
0x4ab: {  	v21 =	vld [tilespmem:s14+$0x620];
	_ =	sdelay $0x1  }
0x4ac: {  	v22 =	vld [tilespmem:s19+$0xFFFFFDA0];
	_ =	sdelay $0x2  }
0x4ad: {  	v1 =	vadd.f32 v21, v1  }
0x4ae: {  	(v2sf) =	vpush v0, $0x4  }
0x4af: {  	v1 =	vsub.f32 v1, v22;
	_ =	sdelay $0x1  }
0x4b0: {  	[tilespmem:s20+$0xFFFFFDA0] =	vst v1  }
0x4b1: {  	v1 =	vld [tilespmem:s18+$0xFFFFFDB0]  }
0x4b2: {  	v23 =	vld [tilespmem:s14+$0x630];
	_ =	sdelay $0x1  }
0x4b3: {  	v24 =	vld [tilespmem:s19+$0xFFFFFDB0];
	_ =	sdelay $0x2  }
0x4b4: {  	v1 =	vadd.f32 v23, v1;
	_ =	sdelay $0x1  }
0x4b5: {  	v1 =	vsub.f32 v1, v24;
	_ =	sdelay $0x1  }
0x4b6: {  	[tilespmem:s20+$0xFFFFFDB0] =	vst v1  }
0x4b7: {  	s15 =	spop (v2sf);
	v1 =	vld [tilespmem:s18+$0xFFFFFE00]  }
0x4b8: {  	v25 =	vld [tilespmem:s15+$0x600];
	_ =	sdelay $0x1  }
0x4b9: {  	v26 =	vld [tilespmem:s19+$0xFFFFFE00];
	_ =	sdelay $0x2  }
0x4ba: {  	v1 =	vadd.f32 v25, v1;
	_ =	sdelay $0x1  }
0x4bb: {  	v1 =	vsub.f32 v1, v26;
	_ =	sdelay $0x1  }
0x4bc: {  	[tilespmem:s20+$0xFFFFFE00] =	vst v1  }
0x4bd: {  	v1 =	vld [tilespmem:s18+$0xFFFFFE10]  }
0x4be: {  	v27 =	vld [tilespmem:s15+$0x610];
	_ =	sdelay $0x1  }
0x4bf: {  	v28 =	vld [tilespmem:s19+$0xFFFFFE10];
	_ =	sdelay $0x2  }
0x4c0: {  	v1 =	vadd.f32 v27, v1;
	_ =	sdelay $0x1  }
0x4c1: {  	v1 =	vsub.f32 v1, v28;
	_ =	sdelay $0x1  }
0x4c2: {  	[tilespmem:s20+$0xFFFFFE10] =	vst v1  }
0x4c3: {  	v1 =	vld [tilespmem:s18+$0xFFFFFE20]  }
0x4c4: {  	v29 =	vld [tilespmem:s15+$0x620];
	_ =	sdelay $0x1  }
0x4c5: {  	v30 =	vld [tilespmem:s19+$0xFFFFFE20];
	_ =	sdelay $0x2  }
0x4c6: {  	v1 =	vadd.f32 v29, v1  }
0x4c7: {  	(v2sf) =	vpush v0, $0x5  }
0x4c8: {  	v1 =	vsub.f32 v1, v30;
	_ =	sdelay $0x1  }
0x4c9: {  	[tilespmem:s20+$0xFFFFFE20] =	vst v1  }
0x4ca: {  	v1 =	vld [tilespmem:s18+$0xFFFFFE30]  }
0x4cb: {  	v31 =	vld [tilespmem:s15+$0x630];
	_ =	sdelay $0x1  }
0x4cc: {  	v32 =	vld [tilespmem:s19+$0xFFFFFE30];
	_ =	sdelay $0x2  }
0x4cd: {  	v1 =	vadd.f32 v31, v1;
	_ =	sdelay $0x1  }
0x4ce: {  	v1 =	vsub.f32 v1, v32;
	_ =	sdelay $0x1  }
0x4cf: {  	[tilespmem:s20+$0xFFFFFE30] =	vst v1  }
0x4d0: {  	s16 =	spop (v2sf);
	v1 =	vld [tilespmem:s18+$0xFFFFFE80]  }
0x4d1: {  	v33 =	vld [tilespmem:s16+$0x600];
	_ =	sdelay $0x1  }
0x4d2: {  	v34 =	vld [tilespmem:s19+$0xFFFFFE80];
	_ =	sdelay $0x2  }
0x4d3: {  	v1 =	vadd.f32 v33, v1;
	_ =	sdelay $0x1  }
0x4d4: {  	v1 =	vsub.f32 v1, v34;
	_ =	sdelay $0x1  }
0x4d5: {  	[tilespmem:s20+$0xFFFFFE80] =	vst v1  }
0x4d6: {  	v1 =	vld [tilespmem:s18+$0xFFFFFE90]  }
0x4d7: {  	v35 =	vld [tilespmem:s16+$0x610];
	_ =	sdelay $0x1  }
0x4d8: {  	v36 =	vld [tilespmem:s19+$0xFFFFFE90];
	_ =	sdelay $0x2  }
0x4d9: {  	v1 =	vadd.f32 v35, v1;
	_ =	sdelay $0x1  }
0x4da: {  	v1 =	vsub.f32 v1, v36;
	_ =	sdelay $0x1  }
0x4db: {  	[tilespmem:s20+$0xFFFFFE90] =	vst v1  }
0x4dc: {  	v1 =	vld [tilespmem:s18+$0xFFFFFEA0]  }
0x4dd: {  	v37 =	vld [tilespmem:s16+$0x620];
	_ =	sdelay $0x1  }
0x4de: {  	v38 =	vld [tilespmem:s19+$0xFFFFFEA0];
	_ =	sdelay $0x2  }
0x4df: {  	v1 =	vadd.f32 v37, v1  }
0x4e0: {  	(v2sf) =	vpush v0, $0x6  }
0x4e1: {  	v1 =	vsub.f32 v1, v38;
	_ =	sdelay $0x1  }
0x4e2: {  	[tilespmem:s20+$0xFFFFFEA0] =	vst v1  }
0x4e3: {  	v1 =	vld [tilespmem:s18+$0xFFFFFEB0]  }
0x4e4: {  	v39 =	vld [tilespmem:s16+$0x630];
	_ =	sdelay $0x1  }
0x4e5: {  	v40 =	vld [tilespmem:s19+$0xFFFFFEB0];
	_ =	sdelay $0x2  }
0x4e6: {  	v1 =	vadd.f32 v39, v1;
	_ =	sdelay $0x1  }
0x4e7: {  	v1 =	vsub.f32 v1, v40;
	_ =	sdelay $0x1  }
0x4e8: {  	[tilespmem:s20+$0xFFFFFEB0] =	vst v1  }
0x4e9: {  	s21 =	spop (v2sf);
	v1 =	vld [tilespmem:s18+$0xFFFFFF00]  }
0x4ea: {  	v41 =	vld [tilespmem:s21+$0x600];
	_ =	sdelay $0x1  }
0x4eb: {  	v42 =	vld [tilespmem:s19+$0xFFFFFF00];
	_ =	sdelay $0x2  }
0x4ec: {  	v1 =	vadd.f32 v41, v1;
	_ =	sdelay $0x1  }
0x4ed: {  	v1 =	vsub.f32 v1, v42;
	_ =	sdelay $0x1  }
0x4ee: {  	[tilespmem:s20+$0xFFFFFF00] =	vst v1  }
0x4ef: {  	v1 =	vld [tilespmem:s18+$0xFFFFFF10]  }
0x4f0: {  	v43 =	vld [tilespmem:s21+$0x610];
	_ =	sdelay $0x1  }
0x4f1: {  	v44 =	vld [tilespmem:s19+$0xFFFFFF10];
	_ =	sdelay $0x2  }
0x4f2: {  	v1 =	vadd.f32 v43, v1;
	_ =	sdelay $0x1  }
0x4f3: {  	v1 =	vsub.f32 v1, v44;
	_ =	sdelay $0x1  }
0x4f4: {  	[tilespmem:s20+$0xFFFFFF10] =	vst v1  }
0x4f5: {  	v1 =	vld [tilespmem:s18+$0xFFFFFF20]  }
0x4f6: {  	v45 =	vld [tilespmem:s21+$0x620];
	_ =	sdelay $0x1  }
0x4f7: {  	v46 =	vld [tilespmem:s19+$0xFFFFFF20];
	_ =	sdelay $0x2  }
0x4f8: {  	v1 =	vadd.f32 v45, v1  }
0x4f9: {  	(v2sf) =	vpush v0, $0x7  }
0x4fa: {  	v1 =	vsub.f32 v1, v46;
	_ =	sdelay $0x1  }
0x4fb: {  	[tilespmem:s20+$0xFFFFFF20] =	vst v1  }
0x4fc: {  	v1 =	vld [tilespmem:s18+$0xFFFFFF30]  }
0x4fd: {  	v47 =	vld [tilespmem:s21+$0x630];
	_ =	sdelay $0x1  }
0x4fe: {  	v48 =	vld [tilespmem:s19+$0xFFFFFF30];
	_ =	sdelay $0x2  }
0x4ff: {  	v1 =	vadd.f32 v47, v1;
	_ =	sdelay $0x1  }
0x500: {  	v1 =	vsub.f32 v1, v48;
	_ =	sdelay $0x1  }
0x501: {  	[tilespmem:s20+$0xFFFFFF30] =	vst v1  }
0x502: {  	s22 =	spop (v2sf);
	v1 =	vld [tilespmem:s18+$0xFFFFFF80]  }
0x503: {  	v49 =	vld [tilespmem:s22+$0x600];
	_ =	sdelay $0x1  }
0x504: {  	v50 =	vld [tilespmem:s19+$0xFFFFFF80];
	_ =	sdelay $0x2  }
0x505: {  	v1 =	vadd.f32 v49, v1;
	_ =	sdelay $0x1  }
0x506: {  	v1 =	vsub.f32 v1, v50;
	_ =	sdelay $0x1  }
0x507: {  	[tilespmem:s20+$0xFFFFFF80] =	vst v1  }
0x508: {  	v1 =	vld [tilespmem:s18+$0xFFFFFF90]  }
0x509: {  	v51 =	vld [tilespmem:s22+$0x610];
	_ =	sdelay $0x1  }
0x50a: {  	v52 =	vld [tilespmem:s19+$0xFFFFFF90];
	_ =	sdelay $0x2  }
0x50b: {  	v1 =	vadd.f32 v51, v1;
	_ =	sdelay $0x1  }
0x50c: {  	v1 =	vsub.f32 v1, v52;
	_ =	sdelay $0x1  }
0x50d: {  	[tilespmem:s20+$0xFFFFFF90] =	vst v1  }
0x50e: {  	v1 =	vld [tilespmem:s18+$0xFFFFFFA0]  }
0x50f: {  	v53 =	vld [tilespmem:s22+$0x620];
	_ =	sdelay $0x1  }
0x510: {  	v54 =	vld [tilespmem:s19+$0xFFFFFFA0];
	_ =	sdelay $0x2  }
0x511: {  	v1 =	vadd.f32 v53, v1  }
0x512: {  	(v2sf) =	vpush v0, $0x8  }
0x513: {  	v1 =	vsub.f32 v1, v54;
	_ =	sdelay $0x1  }
0x514: {  	[tilespmem:s20+$0xFFFFFFA0] =	vst v1  }
0x515: {  	v1 =	vld [tilespmem:s18+$0xFFFFFFB0]  }
0x516: {  	v55 =	vld [tilespmem:s22+$0x630];
	_ =	sdelay $0x1  }
0x517: {  	v56 =	vld [tilespmem:s19+$0xFFFFFFB0];
	_ =	sdelay $0x2  }
0x518: {  	v1 =	vadd.f32 v55, v1;
	_ =	sdelay $0x1  }
0x519: {  	v1 =	vsub.f32 v1, v56;
	_ =	sdelay $0x1  }
0x51a: {  	[tilespmem:s20+$0xFFFFFFB0] =	vst v1  }
0x51b: {  	s23 =	spop (v2sf);
	v1 =	vld [tilespmem:s18+$0x0]  }
0x51c: {  	v57 =	vld [tilespmem:s23+$0x600];
	_ =	sdelay $0x1  }
0x51d: {  	v58 =	vld [tilespmem:s19+$0x0];
	_ =	sdelay $0x2  }
0x51e: {  	v1 =	vadd.f32 v57, v1;
	_ =	sdelay $0x1  }
0x51f: {  	v1 =	vsub.f32 v1, v58;
	_ =	sdelay $0x1  }
0x520: {  	[tilespmem:s20+$0x0] =	vst v1  }
0x521: {  	v1 =	vld [tilespmem:s18+$0x10]  }
0x522: {  	v59 =	vld [tilespmem:s23+$0x610];
	_ =	sdelay $0x1  }
0x523: {  	v60 =	vld [tilespmem:s19+$0x10];
	_ =	sdelay $0x2  }
0x524: {  	v1 =	vadd.f32 v59, v1;
	_ =	sdelay $0x1  }
0x525: {  	v1 =	vsub.f32 v1, v60;
	_ =	sdelay $0x1  }
0x526: {  	[tilespmem:s20+$0x10] =	vst v1  }
0x527: {  	v1 =	vld [tilespmem:s18+$0x20]  }
0x528: {  	v61 =	vld [tilespmem:s23+$0x620];
	_ =	sdelay $0x1  }
0x529: {  	v62 =	vld [tilespmem:s19+$0x20];
	_ =	sdelay $0x2  }
0x52a: {  	v1 =	vadd.f32 v61, v1  }
0x52b: {  	(v2sf) =	vpush v0, $0x9  }
0x52c: {  	v1 =	vsub.f32 v1, v62;
	_ =	sdelay $0x1  }
0x52d: {  	[tilespmem:s20+$0x20] =	vst v1  }
0x52e: {  	v1 =	vld [tilespmem:s18+$0x30]  }
0x52f: {  	v63 =	vld [tilespmem:s23+$0x630];
	_ =	sdelay $0x1  }
0x530: {  	v6 =	vld [tilespmem:s19+$0x30];
	_ =	sdelay $0x2  }
0x531: {  	v1 =	vadd.f32 v63, v1;
	_ =	sdelay $0x1  }
0x532: {  	v1 =	vsub.f32 v1, v6;
	_ =	sdelay $0x1  }
0x533: {  	[tilespmem:s20+$0x30] =	vst v1  }
0x534: {  	s24 =	spop (v2sf);
	v1 =	vld [tilespmem:s18+$0x80]  }
0x535: {  	v7 =	vld [tilespmem:s24+$0x600];
	_ =	sdelay $0x1  }
0x536: {  	v8 =	vld [tilespmem:s19+$0x80];
	_ =	sdelay $0x2  }
0x537: {  	v1 =	vadd.f32 v7, v1;
	_ =	sdelay $0x1  }
0x538: {  	v1 =	vsub.f32 v1, v8;
	_ =	sdelay $0x1  }
0x539: {  	[tilespmem:s20+$0x80] =	vst v1  }
0x53a: {  	v1 =	vld [tilespmem:s18+$0x90]  }
0x53b: {  	v9 =	vld [tilespmem:s24+$0x610];
	_ =	sdelay $0x1  }
0x53c: {  	v10 =	vld [tilespmem:s19+$0x90];
	_ =	sdelay $0x2  }
0x53d: {  	v1 =	vadd.f32 v9, v1;
	_ =	sdelay $0x1  }
0x53e: {  	v1 =	vsub.f32 v1, v10;
	_ =	sdelay $0x1  }
0x53f: {  	[tilespmem:s20+$0x90] =	vst v1  }
0x540: {  	v1 =	vld [tilespmem:s18+$0xA0]  }
0x541: {  	v11 =	vld [tilespmem:s24+$0x620];
	_ =	sdelay $0x1  }
0x542: {  	v12 =	vld [tilespmem:s19+$0xA0];
	_ =	sdelay $0x2  }
0x543: {  	v1 =	vadd.f32 v11, v1  }
0x544: {  	(v2sf) =	vpush v0, $0xA  }
0x545: {  	v1 =	vsub.f32 v1, v12;
	_ =	sdelay $0x1  }
0x546: {  	[tilespmem:s20+$0xA0] =	vst v1  }
0x547: {  	v1 =	vld [tilespmem:s18+$0xB0]  }
0x548: {  	v13 =	vld [tilespmem:s24+$0x630];
	_ =	sdelay $0x1  }
0x549: {  	v14 =	vld [tilespmem:s19+$0xB0];
	_ =	sdelay $0x2  }
0x54a: {  	v1 =	vadd.f32 v13, v1;
	_ =	sdelay $0x1  }
0x54b: {  	v1 =	vsub.f32 v1, v14;
	_ =	sdelay $0x1  }
0x54c: {  	[tilespmem:s20+$0xB0] =	vst v1  }
0x54d: {  	s25 =	spop (v2sf);
	v1 =	vld [tilespmem:s18+$0x100]  }
0x54e: {  	v15 =	vld [tilespmem:s25+$0x600];
	_ =	sdelay $0x1  }
0x54f: {  	v16 =	vld [tilespmem:s19+$0x100];
	_ =	sdelay $0x2  }
0x550: {  	v1 =	vadd.f32 v15, v1;
	_ =	sdelay $0x1  }
0x551: {  	v1 =	vsub.f32 v1, v16;
	_ =	sdelay $0x1  }
0x552: {  	[tilespmem:s20+$0x100] =	vst v1  }
0x553: {  	v1 =	vld [tilespmem:s18+$0x110]  }
0x554: {  	v17 =	vld [tilespmem:s25+$0x610];
	_ =	sdelay $0x1  }
0x555: {  	v18 =	vld [tilespmem:s19+$0x110];
	_ =	sdelay $0x2  }
0x556: {  	v1 =	vadd.f32 v17, v1;
	_ =	sdelay $0x1  }
0x557: {  	v1 =	vsub.f32 v1, v18;
	_ =	sdelay $0x1  }
0x558: {  	[tilespmem:s20+$0x110] =	vst v1  }
0x559: {  	v1 =	vld [tilespmem:s18+$0x120]  }
0x55a: {  	v19 =	vld [tilespmem:s25+$0x620];
	_ =	sdelay $0x1  }
0x55b: {  	v20 =	vld [tilespmem:s19+$0x120];
	_ =	sdelay $0x2  }
0x55c: {  	v1 =	vadd.f32 v19, v1  }
0x55d: {  	(v2sf) =	vpush v0, $0xB  }
0x55e: {  	v1 =	vsub.f32 v1, v20;
	_ =	sdelay $0x1  }
0x55f: {  	[tilespmem:s20+$0x120] =	vst v1  }
0x560: {  	v1 =	vld [tilespmem:s18+$0x130]  }
0x561: {  	v21 =	vld [tilespmem:s25+$0x630];
	_ =	sdelay $0x1  }
0x562: {  	v22 =	vld [tilespmem:s19+$0x130];
	_ =	sdelay $0x2  }
0x563: {  	v1 =	vadd.f32 v21, v1;
	_ =	sdelay $0x1  }
0x564: {  	v1 =	vsub.f32 v1, v22;
	_ =	sdelay $0x1  }
0x565: {  	[tilespmem:s20+$0x130] =	vst v1  }
0x566: {  	s26 =	spop (v2sf);
	v1 =	vld [tilespmem:s18+$0x180]  }
0x567: {  	v23 =	vld [tilespmem:s26+$0x600];
	_ =	sdelay $0x1  }
0x568: {  	v24 =	vld [tilespmem:s19+$0x180];
	_ =	sdelay $0x2  }
0x569: {  	v1 =	vadd.f32 v23, v1;
	_ =	sdelay $0x1  }
0x56a: {  	v1 =	vsub.f32 v1, v24;
	_ =	sdelay $0x1  }
0x56b: {  	[tilespmem:s20+$0x180] =	vst v1  }
0x56c: {  	v1 =	vld [tilespmem:s18+$0x190]  }
0x56d: {  	v25 =	vld [tilespmem:s26+$0x610];
	_ =	sdelay $0x1  }
0x56e: {  	v26 =	vld [tilespmem:s19+$0x190];
	_ =	sdelay $0x2  }
0x56f: {  	v1 =	vadd.f32 v25, v1;
	_ =	sdelay $0x1  }
0x570: {  	v1 =	vsub.f32 v1, v26;
	_ =	sdelay $0x1  }
0x571: {  	[tilespmem:s20+$0x190] =	vst v1  }
0x572: {  	v1 =	vld [tilespmem:s18+$0x1A0]  }
0x573: {  	v27 =	vld [tilespmem:s26+$0x620];
	_ =	sdelay $0x1  }
0x574: {  	v28 =	vld [tilespmem:s19+$0x1A0];
	_ =	sdelay $0x2  }
0x575: {  	v1 =	vadd.f32 v27, v1  }
0x576: {  	(v2sf) =	vpush v0, $0xC  }
0x577: {  	v1 =	vsub.f32 v1, v28;
	_ =	sdelay $0x1  }
0x578: {  	[tilespmem:s20+$0x1A0] =	vst v1  }
0x579: {  	v1 =	vld [tilespmem:s18+$0x1B0]  }
0x57a: {  	v29 =	vld [tilespmem:s26+$0x630];
	_ =	sdelay $0x1  }
0x57b: {  	v30 =	vld [tilespmem:s19+$0x1B0];
	_ =	sdelay $0x2  }
0x57c: {  	v1 =	vadd.f32 v29, v1;
	_ =	sdelay $0x1  }
0x57d: {  	v1 =	vsub.f32 v1, v30;
	_ =	sdelay $0x1  }
0x57e: {  	[tilespmem:s20+$0x1B0] =	vst v1  }
0x57f: {  	s28 =	spop (v2sf);
	v1 =	vld [tilespmem:s18+$0x200]  }
0x580: {  	v31 =	vld [tilespmem:s28+$0x600];
	_ =	sdelay $0x1  }
0x581: {  	v32 =	vld [tilespmem:s19+$0x200];
	_ =	sdelay $0x2  }
0x582: {  	v1 =	vadd.f32 v31, v1;
	_ =	sdelay $0x1  }
0x583: {  	v1 =	vsub.f32 v1, v32;
	_ =	sdelay $0x1  }
0x584: {  	[tilespmem:s20+$0x200] =	vst v1  }
0x585: {  	v1 =	vld [tilespmem:s18+$0x210]  }
0x586: {  	v33 =	vld [tilespmem:s28+$0x610];
	_ =	sdelay $0x1  }
0x587: {  	v34 =	vld [tilespmem:s19+$0x210];
	_ =	sdelay $0x2  }
0x588: {  	v1 =	vadd.f32 v33, v1;
	_ =	sdelay $0x1  }
0x589: {  	v1 =	vsub.f32 v1, v34;
	_ =	sdelay $0x1  }
0x58a: {  	[tilespmem:s20+$0x210] =	vst v1  }
0x58b: {  	v1 =	vld [tilespmem:s18+$0x220]  }
0x58c: {  	v35 =	vld [tilespmem:s28+$0x620];
	_ =	sdelay $0x1  }
0x58d: {  	v36 =	vld [tilespmem:s19+$0x220];
	_ =	sdelay $0x2  }
0x58e: {  	v1 =	vadd.f32 v35, v1  }
0x58f: {  	(v2sf) =	vpush v0, $0xD  }
0x590: {  	v1 =	vsub.f32 v1, v36;
	_ =	sdelay $0x1  }
0x591: {  	[tilespmem:s20+$0x220] =	vst v1  }
0x592: {  	v1 =	vld [tilespmem:s18+$0x230]  }
0x593: {  	v37 =	vld [tilespmem:s28+$0x630];
	_ =	sdelay $0x1  }
0x594: {  	v38 =	vld [tilespmem:s19+$0x230];
	_ =	sdelay $0x2  }
0x595: {  	v1 =	vadd.f32 v37, v1;
	_ =	sdelay $0x1  }
0x596: {  	v1 =	vsub.f32 v1, v38;
	_ =	sdelay $0x1  }
0x597: {  	[tilespmem:s20+$0x230] =	vst v1  }
0x598: {  	s29 =	spop (v2sf);
	v1 =	vld [tilespmem:s18+$0x280]  }
0x599: {  	v39 =	vld [tilespmem:s29+$0x600];
	_ =	sdelay $0x1  }
0x59a: {  	v40 =	vld [tilespmem:s19+$0x280];
	_ =	sdelay $0x2  }
0x59b: {  	v1 =	vadd.f32 v39, v1;
	_ =	sdelay $0x1  }
0x59c: {  	v1 =	vsub.f32 v1, v40;
	_ =	sdelay $0x1  }
0x59d: {  	[tilespmem:s20+$0x280] =	vst v1  }
0x59e: {  	v1 =	vld [tilespmem:s18+$0x290]  }
0x59f: {  	v41 =	vld [tilespmem:s29+$0x610];
	_ =	sdelay $0x1  }
0x5a0: {  	v42 =	vld [tilespmem:s19+$0x290];
	_ =	sdelay $0x2  }
0x5a1: {  	v1 =	vadd.f32 v41, v1;
	_ =	sdelay $0x1  }
0x5a2: {  	v1 =	vsub.f32 v1, v42;
	_ =	sdelay $0x1  }
0x5a3: {  	[tilespmem:s20+$0x290] =	vst v1  }
0x5a4: {  	v1 =	vld [tilespmem:s18+$0x2A0]  }
0x5a5: {  	v43 =	vld [tilespmem:s29+$0x620];
	_ =	sdelay $0x1  }
0x5a6: {  	v44 =	vld [tilespmem:s19+$0x2A0];
	_ =	sdelay $0x2  }
0x5a7: {  	v1 =	vadd.f32 v43, v1  }
0x5a8: {  	(v2sf) =	vpush v0, $0xE  }
0x5a9: {  	v1 =	vsub.f32 v1, v44;
	_ =	sdelay $0x1  }
0x5aa: {  	[tilespmem:s20+$0x2A0] =	vst v1  }
0x5ab: {  	v1 =	vld [tilespmem:s18+$0x2B0]  }
0x5ac: {  	v45 =	vld [tilespmem:s29+$0x630];
	_ =	sdelay $0x1  }
0x5ad: {  	v46 =	vld [tilespmem:s19+$0x2B0];
	_ =	sdelay $0x2  }
0x5ae: {  	v1 =	vadd.f32 v45, v1;
	_ =	sdelay $0x1  }
0x5af: {  	v1 =	vsub.f32 v1, v46;
	_ =	sdelay $0x1  }
0x5b0: {  	[tilespmem:s20+$0x2B0] =	vst v1  }
0x5b1: {  	s30 =	spop (v2sf);
	v1 =	vld [tilespmem:s18+$0x300]  }
0x5b2: {  	v47 =	vld [tilespmem:s30+$0x600];
	_ =	sdelay $0x1  }
0x5b3: {  	v48 =	vld [tilespmem:s19+$0x300];
	_ =	sdelay $0x2  }
0x5b4: {  	v1 =	vadd.f32 v47, v1;
	_ =	sdelay $0x1  }
0x5b5: {  	v1 =	vsub.f32 v1, v48;
	_ =	sdelay $0x1  }
0x5b6: {  	[tilespmem:s20+$0x300] =	vst v1  }
0x5b7: {  	v1 =	vld [tilespmem:s18+$0x310]  }
0x5b8: {  	v49 =	vld [tilespmem:s30+$0x610];
	_ =	sdelay $0x1  }
0x5b9: {  	v50 =	vld [tilespmem:s19+$0x310];
	_ =	sdelay $0x2  }
0x5ba: {  	v1 =	vadd.f32 v49, v1;
	_ =	sdelay $0x1  }
0x5bb: {  	v1 =	vsub.f32 v1, v50;
	_ =	sdelay $0x1  }
0x5bc: {  	[tilespmem:s20+$0x310] =	vst v1  }
0x5bd: {  	v1 =	vld [tilespmem:s18+$0x320]  }
0x5be: {  	v51 =	vld [tilespmem:s30+$0x620];
	_ =	sdelay $0x1  }
0x5bf: {  	v52 =	vld [tilespmem:s19+$0x320];
	_ =	sdelay $0x2  }
0x5c0: {  	v1 =	vadd.f32 v51, v1  }
0x5c1: {  	(v2sf) =	vpush v0, $0xF  }
0x5c2: {  	v53 =	vsub.f32 v1, v52;
	_ =	sdelay $0x1  }
0x5c3: {  	[tilespmem:s20+$0x320] =	vst v53  }
0x5c4: {  	v0 =	vld [tilespmem:s18+$0x330]  }
0x5c5: {  	v54 =	vld [tilespmem:s30+$0x630];
	_ =	sdelay $0x1  }
0x5c6: {  	v55 =	vld [tilespmem:s19+$0x330];
	_ =	sdelay $0x2  }
0x5c7: {  	v0 =	vadd.f32 v54, v0;
	_ =	sdelay $0x1  }
0x5c8: {  	v0 =	vsub.f32 v0, v55;
	_ =	sdelay $0x1  }
0x5c9: {  	[tilespmem:s20+$0x330] =	vst v0  }
0x5ca: {  	s31 =	spop (v2sf);
	v0 =	vld [tilespmem:s18+$0x380]  }
0x5cb: {  	v56 =	vld [tilespmem:s31+$0x600];
	_ =	sdelay $0x1  }
0x5cc: {  	v57 =	vld [tilespmem:s19+$0x380];
	_ =	sdelay $0x2  }
0x5cd: {  	v0 =	vadd.f32 v56, v0;
	_ =	sdelay $0x1  }
0x5ce: {  	v0 =	vsub.f32 v0, v57;
	_ =	sdelay $0x1  }
0x5cf: {  	[tilespmem:s20+$0x380] =	vst v0  }
0x5d0: {  	v0 =	vld [tilespmem:s18+$0x390]  }
0x5d1: {  	v58 =	vld [tilespmem:s31+$0x610];
	_ =	sdelay $0x1  }
0x5d2: {  	v59 =	vld [tilespmem:s19+$0x390];
	_ =	sdelay $0x2  }
0x5d3: {  	v0 =	vadd.f32 v58, v0;
	_ =	sdelay $0x1  }
0x5d4: {  	v0 =	vsub.f32 v0, v59;
	_ =	sdelay $0x1  }
0x5d5: {  	[tilespmem:s20+$0x390] =	vst v0  }
0x5d6: {  	v0 =	vld [tilespmem:s18+$0x3A0]  }
0x5d7: {  	v60 =	vld [tilespmem:s31+$0x620];
	_ =	sdelay $0x1  }
0x5d8: {  	v61 =	vld [tilespmem:s19+$0x3A0];
	_ =	sdelay $0x2  }
0x5d9: {  	v0 =	vadd.f32 v60, v0;
	_ =	sdelay $0x1  }
0x5da: {  	v0 =	vsub.f32 v0, v61;
	_ =	sdelay $0x1  }
0x5db: {  	[tilespmem:s20+$0x3A0] =	vst v0  }
0x5dc: {  	v0 =	vld [tilespmem:s18+$0x3B0]  }
0x5dd: {  	v62 =	vld [tilespmem:s31+$0x630];
	_ =	sdelay $0x1  }
0x5de: {  	v63 =	vld [tilespmem:s19+$0x3B0];
	_ =	sdelay $0x1  }
0x5df: {  	p0 =	sne.s32 s17, $0xF0  }
.Ltmp3:
0x5e0: {  	v0 =	vadd.f32 v62, v0;
	(pc) =	sbr.rel @p0 .LBB2_8-.Ltmp3, $4  }
0x5e1: {  	_ = 	snop  }
0x5e2: {  	v0 =	vsub.f32 v0, v63  }
0x5e3: {  	s17 =	sadd.s32 $0x10, s17  }
0x5e4: {  	s18 =	sadd.s32 $0x800, s18;
	s19 =	sadd.s32 $0x800, s19;
	[tilespmem:s20+$0x3B0] =	vst v0;
	s20 =	sadd.s32 $0x800, s20  }
0x5e5: {  	s0 =	rddreg [dreg:$0x1a];
	s1 =	simm.s32 $0x16E00;
	s2 =	simm.s32 $0x2  }
0x5e6: {  	[hbm4b:s0+s11] =	stream.linear.scatter [tilespmem:s1], [sflag:$0x2], $0x8000, $0x38;
	[tilespmem:$0x1EE00] =	vst v63  }
0x5e7: {  	_ =	swait.ge [sflag:s2], $0x8000  }
0x5e8: {  	s30 =	rddreg [dreg:$0x1c]  }
0x5e9: {  	s31 =	rddreg [dreg:$0x1b];
	s1 =	sadd.s32 $0x1, s30  }
0x5ea: {  	p0 =	sne.s32 s1, s31  }
.Ltmp4:
0x5eb: {  	_ = 	snop;
	(pc) =	sbr.rel @p0 .LBB2_1-.Ltmp4, $3  }
0x5ec: {  	_ =	sdelay $0x1  }
0x5ed: {  	[sflag:s2] =	ssyncset.done $0x0  }
0x5ee: {  	[sflag:s2] =	ssyncadd.s32 $0xFFFF8000  }
0x5ef: {  	_ =	sfence.sel $0x180000  }
0x5f0: {  	[bflag:$0x0] =	sbarrier.arrive $0xFFFF  }
0x5f1: {  	_ =	strace $0x90000047  }
0x5f2: {  	s0 =	stileid.u32;
	[bflag:$0x2] =	sbarrier.arrive $0xFFFF  }
0x5f3: {  	p0 =	sne.s32 s0, $0x0;
	s0 =	rddreg [dreg:$0x5]  }
0x5f4: {  	s0 =	sadd.s32 @!p0 $0x100000, s0  }
0x5f5: {  	[sflag:s0] =	ssyncadd.tile.s32 @!p0 $0x1;
	_ =	shalt  }
.Lfunc_end2:
_tile_overlayer_lowered:
.L_overlay_start_2:
0x5f6: {  	(tag) =	ssettag $0x2  }
0x5f7: {  	s0 =	rddreg [dreg:$0x0];
	s2 =	stileid.u32  }
0x5f8: {  	s1 =	rddreg [dreg:$0x1];
	p0 =	sne.s32 s2, $0x0  }
0x5f9: {  	s3 =	rddreg [dreg:$0x2];
	[bflag:$0x3] =	sbarrier.arrive $0xFFFF;
	s2 =	simm.s32 @!p0 $0x1C02  }
0x5fa: {  	[timem:s3], [sflag:s2] =	dma.local @!p0 [hbm:s0], s1  }
0x5fb: {  	s0 =	simm.s32 @!p0 $0x2  }
0x5fc: {  	_ =	swait.ge @!p0 [sflag:s0], s1  }
0x5fd: {  	s1 =	ssub.s32 @!p0 $0x0, s1;
	[sflag:s0] =	ssyncset.done @!p0 $0x0  }
0x5fe: {  	[sflag:s0] =	ssyncadd.s32 @!p0 s1  }
0x5ff: {  	[bflag:$0x3] =	sbarrier.arrive $0xFFFF  }
0x600: {  	_ =	shalt  }

</sc_bundles>
